<compile_context>
chip_gen: v7x
topology: tpu7x:2x2x1
jax: 0.10.2.dev20260603
libtpu: 0.0.44.dev20260713+nightly
codegen_flags: <defaults>
</compile_context>

<pallas_src>
import functools

import jax
import jax.numpy as jnp
from jax import lax
from jax.experimental import pallas as pl
from jax.experimental.pallas import tpu as pltpu
from jax.experimental.pallas import tpu_sc as plsc

_NC = 2
_NS = 16
_NW = _NC * _NS
_L = 16

_POSE_W = 16


def _pose_table_body(rv_ref, tv_ref, out_ref):
    rx = rv_ref[0, :]
    ry = rv_ref[1, :]
    rz = rv_ref[2, :]
    theta = jnp.sqrt(rx * rx + ry * ry + rz * rz)
    safe = jnp.where(theta < 1e-8, jnp.float32(1.0), theta)
    inv = 1.0 / safe
    kx = rx * inv
    ky = ry * inv
    kz = rz * inv
    s = jnp.sin(safe)
    c = jnp.cos(safe)
    one_c = 1.0 - c
    kk = kx * kx + ky * ky + kz * kz
    r00 = 1.0 + one_c * (kx * kx - kk)
    r11 = 1.0 + one_c * (ky * ky - kk)
    r22 = 1.0 + one_c * (kz * kz - kk)
    xy = one_c * kx * ky
    xz = one_c * kx * kz
    yz = one_c * ky * kz
    skx = s * kx
    sky = s * ky
    skz = s * kz
    r01 = xy - skz
    r10 = xy + skz
    r02 = xz + sky
    r20 = xz - sky
    r12 = yz - skx
    r21 = yz + skx
    cols = [r00, r01, r02, r10, r11, r12, r20, r21, r22,
            tv_ref[0, :], tv_ref[1, :], tv_ref[2, :]]
    zero = jnp.zeros_like(rx)
    cols += [zero, zero, zero, zero]
    out_ref[...] = jnp.stack(cols, axis=0).T


def _build_pose_table(rv_t, tv_t, n_pad, block):
    grid = n_pad // block
    return pl.pallas_call(
        _pose_table_body,
        grid=(grid,),
        in_specs=[
            pl.BlockSpec((3, block), lambda i: (0, i)),
            pl.BlockSpec((3, block), lambda i: (0, i)),
        ],
        out_specs=pl.BlockSpec((block, _POSE_W), lambda i: (i, 0)),
        out_shape=jax.ShapeDtypeStruct((n_pad, _POSE_W), jnp.float32),
    )(rv_t, tv_t)


def _make_apply(m_points, chunk):
    assert m_points % chunk == 0 and chunk % 8 == 0
    n_chunks = m_points // chunk
    iters = (n_chunks + _NW - 1) // _NW
    n_quad = (iters + 3) // 4
    n_grp = chunk // _L
    sub_offs = [(o, min(128, chunk - o)) for o in range(0, chunk, 128)]
    mesh = plsc.VectorSubcoreMesh(core_axis_name="c", subcore_axis_name="s")

    assert chunk % 128 == 0

    tiles = chunk // 128

    @functools.partial(
        pl.kernel,
        out_type=jax.ShapeDtypeStruct((m_points // 128, 4, 128), jnp.float32),
        mesh=mesh,
        compiler_params=pltpu.CompilerParams(
            needs_layout_passes=False, use_tc_tiling_on_sc=False),
        scratch_types=[
            pltpu.VMEM((4, chunk), jnp.int32),
            pltpu.VMEM((4, chunk, _POSE_W), jnp.float32),
            pltpu.VMEM((4, tiles, 4, 128), jnp.float32),
            pltpu.VMEM((4, tiles, 4, 128), jnp.float32),
            [pltpu.SemaphoreType.DMA] * 4,
            [pltpu.SemaphoreType.DMA] * 4,
            [pltpu.SemaphoreType.DMA] * 4,
        ],
    )
    def apply(idx_hbm, pts_hbm, poses_hbm, out_hbm,
              idx_v, poses_v, pts_v, out_v, isem, gsem, osem):
        wid = lax.axis_index("s") * _NC + lax.axis_index("c")
        lanes = lax.iota(jnp.int32, _L)
        col = [jnp.full((_L,), j, jnp.int32) for j in range(12)]

        def fire_idx(cid, b):
            pltpu.async_copy(idx_hbm.at[pl.ds(cid * chunk, chunk)],
                             idx_v.at[b], isem[b])

        def drain_idx(b):
            pltpu.make_async_copy(idx_hbm.at[pl.ds(0, chunk)], idx_v.at[b],
                                  isem[b]).wait()

        def fire_in(cid, b):
            base = cid * chunk
            for o, sz in sub_offs:
                pltpu.async_copy(
                    poses_hbm.at[idx_v.at[b].at[pl.ds(o, sz)]],
                    poses_v.at[b].at[pl.ds(o, sz)],
                    gsem[b],
                )
            pltpu.async_copy(pts_hbm.at[pl.ds(cid * tiles, tiles)],
                             pts_v.at[b], gsem[b])

        def drain_in(b):
            for o, sz in sub_offs:
                pltpu.make_async_copy(
                    poses_hbm.at[pl.ds(0, sz)],
                    poses_v.at[b].at[pl.ds(o, sz)],
                    gsem[b],
                ).wait()
            pltpu.make_async_copy(pts_hbm.at[pl.ds(0, tiles)],
                                  pts_v.at[b], gsem[b]).wait()

        def fire_out(cid, b):
            pltpu.async_copy(out_v.at[b],
                             out_hbm.at[pl.ds(cid * tiles, tiles)],
                             osem[b])

        def drain_out(b):
            pltpu.make_async_copy(out_v.at[b],
                                  out_hbm.at[pl.ds(0, tiles)],
                                  osem[b]).wait()

        def compute(b):
            pv = poses_v.at[b]
            xv = pts_v.at[b]
            ov = out_v.at[b]

            def grp_body(g, _):
                rows = g * _L + lanes
                t = g >> 3
                s = pl.ds((g & 7) * _L, _L)
                p = [plsc.load_gather(pv, [rows, col[j]]) for j in range(12)]
                x = xv[t, 0, s]
                y = xv[t, 1, s]
                z = xv[t, 2, s]
                ov[t, 0, s] = p[0] * x + p[1] * y + p[2] * z + p[9]
                ov[t, 1, s] = p[3] * x + p[4] * y + p[5] * z + p[10]
                ov[t, 2, s] = p[6] * x + p[7] * y + p[8] * z + p[11]
                return 0

            lax.fori_loop(0, n_grp, grp_body, 0, unroll=False)

        def process(cid, b):
            @pl.when(cid < n_chunks)
            def _():
                @pl.when(cid + 3 * _NW < n_chunks)
                def _():
                    fire_idx(cid + 3 * _NW, (b + 3) % 4)

                @pl.when(cid + 2 * _NW < n_chunks)
                def _():
                    drain_idx((b + 2) % 4)
                    fire_in(cid + 2 * _NW, (b + 2) % 4)

                drain_in(b)

                @pl.when(cid >= 4 * _NW)
                def _():
                    drain_out(b)

                compute(b)
                fire_out(cid, b)

        fire_idx(wid, 0)
        fire_idx(wid + _NW, 1)
        drain_idx(0)
        fire_in(wid, 0)
        drain_idx(1)
        fire_in(wid + _NW, 1)

        @pl.when(wid + 2 * _NW < n_chunks)
        def _():
            fire_idx(wid + 2 * _NW, 2)

        def quad_body(p, _):
            c_a = wid + (4 * p) * _NW
            process(c_a, 0)
            process(c_a + _NW, 1)
            process(c_a + 2 * _NW, 2)
            process(c_a + 3 * _NW, 3)
            return 0

        lax.fori_loop(0, n_quad, quad_body, 0, unroll=False)
        drain_out(0)
        drain_out(1)
        drain_out(2)
        drain_out(3)

    return apply


def kernel(frame_indices, pts_3d, rvecs, tvecs):
    n = rvecs.shape[0]
    m = pts_3d.shape[0]
    block = 4096
    n_pad = ((n + block - 1) // block) * block
    rv_t = jnp.pad(rvecs, ((0, n_pad - n), (0, 0))).T
    tv_t = jnp.pad(tvecs, ((0, n_pad - n), (0, 0))).T
    poses = _build_pose_table(rv_t, tv_t, n_pad, block)

    pts4 = jnp.pad(pts_3d, ((0, 0), (0, 1)))
    pts_t = pts4.reshape(m // 128, 128, 4).transpose(0, 2, 1)

    chunk = 640
    apply = _make_apply(m, chunk)
    out4 = apply(frame_indices.astype(jnp.int32), pts_t, poses)
    out = out4.transpose(0, 2, 1)
    return out.reshape(m, 4)[:, :3]

# --- scband reference (transcript-rebuilt; emitter-appended) ---
"""Pipeline reference for scband-board-poses-34102040330636 (READ-ONLY COPY).

The authoritative reference and input builder live on the scoring server;
editing this copy changes nothing except your own understanding.
"""

import jax, jax.numpy as jnp
import numpy as np

N_FRAMES = 100000
M_POINTS = 2000000


def rodrigues_to_matrix(rvec):
    # rvec: (B, 3) -> (B, 3, 3)
    theta = jnp.linalg.norm(rvec, axis=1, keepdims=True)
    safe_theta = jnp.where(theta < 1e-08, jnp.ones_like(theta), theta)
    k = rvec / safe_theta
    zero = jnp.zeros((rvec.shape[0],), dtype=rvec.dtype)
    K = jnp.stack([zero, -k[:, 2], k[:, 1],
                   k[:, 2], zero, -k[:, 0],
                   -k[:, 1], k[:, 0], zero], axis=1).reshape(-1, 3, 3)
    sin_t = jnp.sin(safe_theta)[..., None]
    cos_t = jnp.cos(safe_theta)[..., None]
    I = jnp.eye(3, dtype=rvec.dtype)[None]
    R = I + sin_t * K + (1.0 - cos_t) * (K @ K)
    return R


def setup_inputs(seed: int = 0) -> dict:
    key = jax.random.key(seed)
    k1, k2, k3, k4 = jax.random.split(key, 4)
    frame_indices = jax.random.randint(k1, (M_POINTS,), 0, N_FRAMES, dtype=jnp.int64 if jax.config.jax_enable_x64 else jnp.int32)
    pts_3d = jax.random.normal(k2, (M_POINTS, 3), dtype=jnp.float32)
    # learned per-frame pose parameters (the nn.Parameters of BoardPoses)
    rvecs = jax.random.normal(k3, (N_FRAMES, 3), dtype=jnp.float32) * 0.5
    tvecs = jax.random.normal(k4, (N_FRAMES, 3), dtype=jnp.float32)
    return {"frame_indices": frame_indices, "pts_3d": pts_3d, "rvecs": rvecs, "tvecs": tvecs}


def reference(frame_indices, pts_3d, rvecs, tvecs):
    rv = jnp.take(rvecs, frame_indices, axis=0)
    tv = jnp.take(tvecs, frame_indices, axis=0)
    R = rodrigues_to_matrix(rv)
    return jnp.squeeze(R @ pts_3d[..., None], axis=-1) + tv

if __name__ == "__main__":
    import jax
    _d = setup_inputs()
    print(jax.jit(kernel)(*tuple(_d.values())))

</pallas_src>

<mosaic_0001>
#map = affine_map<(d0, d1) -> (0)>
#map1 = affine_map<(d0, d1) -> (0, 0, 0)>
#map2 = affine_map<(d0, d1) -> (0, 0)>
module attributes {stable_mosaic.version = 14 : i64} {
  func.func @apply(%arg0: i32, %arg1: i32, %arg2: memref<2000000xi32, #tpu.memory_space<hbm>>, %arg3: memref<15625x4x128xf32, #tpu.memory_space<hbm>>, %arg4: memref<102400x16xf32, #tpu.memory_space<hbm>>, %arg5: memref<15625x4x128xf32, #tpu.memory_space<hbm>>, %arg6: memref<4x640xi32, #tpu.memory_space<vmem>>, %arg7: memref<4x640x16xf32, #tpu.memory_space<vmem>>, %arg8: memref<4x5x4x128xf32, #tpu.memory_space<vmem>>, %arg9: memref<4x5x4x128xf32, #tpu.memory_space<vmem>>, %arg10: memref<!tpu.dma_semaphore, #tpu.memory_space<semaphore_mem>>, %arg11: memref<!tpu.dma_semaphore, #tpu.memory_space<semaphore_mem>>, %arg12: memref<!tpu.dma_semaphore, #tpu.memory_space<semaphore_mem>>, %arg13: memref<!tpu.dma_semaphore, #tpu.memory_space<semaphore_mem>>, %arg14: memref<!tpu.dma_semaphore, #tpu.memory_space<semaphore_mem>>, %arg15: memref<!tpu.dma_semaphore, #tpu.memory_space<semaphore_mem>>, %arg16: memref<!tpu.dma_semaphore, #tpu.memory_space<semaphore_mem>>, %arg17: memref<!tpu.dma_semaphore, #tpu.memory_space<semaphore_mem>>, %arg18: memref<!tpu.dma_semaphore, #tpu.memory_space<semaphore_mem>>, %arg19: memref<!tpu.dma_semaphore, #tpu.memory_space<semaphore_mem>>, %arg20: memref<!tpu.dma_semaphore, #tpu.memory_space<semaphore_mem>>, %arg21: memref<!tpu.dma_semaphore, #tpu.memory_space<semaphore_mem>>) attributes {dimension_semantics = [#tpu.dimension_semantics<core_parallel>, #tpu.dimension_semantics<subcore_parallel>], iteration_bounds = array<i64: 2, 16>, scalar_prefetch = 0 : i64, scratch_operands = 16 : i64, tpu.core_type = #tpu.core_type<sc_vector_subcore>, window_params = [{transform_indices = #map}, {transform_indices = #map1}, {transform_indices = #map2}, {transform_indices = #map1}]} {
    %mul3A = arith.constant 2 : i32
    %mul3A_0 = arith.muli %arg1, %mul3A : i32
    %add3A = arith.addi %mul3A_0, %arg0 : i32
    %iota3A = tpu.iota {dimensions = array<i32: 0>} : vector<16xi32>
    %broadcast_in_dim3A = arith.constant 0 : i32
    %broadcast_in_dim3A_1 = vector.broadcast %broadcast_in_dim3A : i32 to vector<16xi32>
    %broadcast_in_dim3A_2 = arith.constant 1 : i32
    %broadcast_in_dim3A_3 = vector.broadcast %broadcast_in_dim3A_2 : i32 to vector<16xi32>
    %broadcast_in_dim3A_4 = arith.constant 2 : i32
    %broadcast_in_dim3A_5 = vector.broadcast %broadcast_in_dim3A_4 : i32 to vector<16xi32>
    %broadcast_in_dim3A_6 = arith.constant 3 : i32
    %broadcast_in_dim3A_7 = vector.broadcast %broadcast_in_dim3A_6 : i32 to vector<16xi32>
    %broadcast_in_dim3A_8 = arith.constant 4 : i32
    %broadcast_in_dim3A_9 = vector.broadcast %broadcast_in_dim3A_8 : i32 to vector<16xi32>
    %broadcast_in_dim3A_10 = arith.constant 5 : i32
    %broadcast_in_dim3A_11 = vector.broadcast %broadcast_in_dim3A_10 : i32 to vector<16xi32>
    %broadcast_in_dim3A_12 = arith.constant 6 : i32
    %broadcast_in_dim3A_13 = vector.broadcast %broadcast_in_dim3A_12 : i32 to vector<16xi32>
    %broadcast_in_dim3A_14 = arith.constant 7 : i32
    %broadcast_in_dim3A_15 = vector.broadcast %broadcast_in_dim3A_14 : i32 to vector<16xi32>
    %broadcast_in_dim3A_16 = arith.constant 8 : i32
    %broadcast_in_dim3A_17 = vector.broadcast %broadcast_in_dim3A_16 : i32 to vector<16xi32>
    %broadcast_in_dim3A_18 = arith.constant 9 : i32
    %broadcast_in_dim3A_19 = vector.broadcast %broadcast_in_dim3A_18 : i32 to vector<16xi32>
    %broadcast_in_dim3A_20 = arith.constant 10 : i32
    %broadcast_in_dim3A_21 = vector.broadcast %broadcast_in_dim3A_20 : i32 to vector<16xi32>
    %broadcast_in_dim3A_22 = arith.constant 11 : i32
    %broadcast_in_dim3A_23 = vector.broadcast %broadcast_in_dim3A_22 : i32 to vector<16xi32>
    %mul3A_24 = arith.constant 640 : i32
    %mul3A_25 = arith.muli %add3A, %mul3A_24 : i32
    %dma_start3A = arith.constant 0 : i32
    %dma_start3A_26 = arith.constant 0 : i32
    %dma_start3A_27 = tpu.memref_slice %arg6[%dma_start3A, %dma_start3A_26] : memref<4x640xi32, #tpu.memory_space<vmem>> -> memref<1x640xi32, #tpu.memory_space<vmem>>
    %dma_start3A_28 = tpu.memref_squeeze %dma_start3A_27 : memref<1x640xi32, #tpu.memory_space<vmem>> -> memref<640xi32, #tpu.memory_space<vmem>>
    %dma_start3A_29 = tpu.memref_slice %arg2[%mul3A_25] : memref<2000000xi32, #tpu.memory_space<hbm>> -> memref<640xi32, #tpu.memory_space<hbm>>
    %dma_start3A_30 = arith.constant 0 : i32
    %dma_start3A_31 = tpu.memref_slice %arg6[%dma_start3A, %dma_start3A_30] : memref<4x640xi32, #tpu.memory_space<vmem>> -> memref<1x640xi32, #tpu.memory_space<vmem>>
    %dma_start3A_32 = tpu.memref_squeeze %dma_start3A_31 : memref<1x640xi32, #tpu.memory_space<vmem>> -> memref<640xi32, #tpu.memory_space<vmem>>
    %dma_start3A_33 = tpu.memref_slice %arg2[%mul3A_25] : memref<2000000xi32, #tpu.memory_space<hbm>> -> memref<640xi32, #tpu.memory_space<hbm>>
    tpu.enqueue_dma source(%dma_start3A_33 : memref<640xi32, #tpu.memory_space<hbm>>) target(%dma_start3A_32 : memref<640xi32, #tpu.memory_space<vmem>>) target_semaphore(%arg10 : memref<!tpu.dma_semaphore, #tpu.memory_space<semaphore_mem>>)
    %add3A_34 = arith.constant 32 : i32
    %add3A_35 = arith.addi %add3A, %add3A_34 : i32
    %mul3A_36 = arith.constant 640 : i32
    %mul3A_37 = arith.muli %add3A_35, %mul3A_36 : i32
    %dma_start3A_38 = arith.constant 1 : i32
    %dma_start3A_39 = arith.constant 0 : i32
    %dma_start3A_40 = tpu.memref_slice %arg6[%dma_start3A_38, %dma_start3A_39] : memref<4x640xi32, #tpu.memory_space<vmem>> -> memref<1x640xi32, #tpu.memory_space<vmem>>
    %dma_start3A_41 = tpu.memref_squeeze %dma_start3A_40 : memref<1x640xi32, #tpu.memory_space<vmem>> -> memref<640xi32, #tpu.memory_space<vmem>>
    %dma_start3A_42 = tpu.memref_slice %arg2[%mul3A_37] : memref<2000000xi32, #tpu.memory_space<hbm>> -> memref<640xi32, #tpu.memory_space<hbm>>
    %dma_start3A_43 = arith.constant 0 : i32
    %dma_start3A_44 = tpu.memref_slice %arg6[%dma_start3A_38, %dma_start3A_43] : memref<4x640xi32, #tpu.memory_space<vmem>> -> memref<1x640xi32, #tpu.memory_space<vmem>>
    %dma_start3A_45 = tpu.memref_squeeze %dma_start3A_44 : memref<1x640xi32, #tpu.memory_space<vmem>> -> memref<640xi32, #tpu.memory_space<vmem>>
    %dma_start3A_46 = tpu.memref_slice %arg2[%mul3A_37] : memref<2000000xi32, #tpu.memory_space<hbm>> -> memref<640xi32, #tpu.memory_space<hbm>>
    tpu.enqueue_dma source(%dma_start3A_46 : memref<640xi32, #tpu.memory_space<hbm>>) target(%dma_start3A_45 : memref<640xi32, #tpu.memory_space<vmem>>) target_semaphore(%arg11 : memref<!tpu.dma_semaphore, #tpu.memory_space<semaphore_mem>>)
    %dma_wait3A = arith.constant 0 : i32
    %dma_wait3A_47 = arith.constant 0 : i32
    %dma_wait3A_48 = tpu.memref_slice %arg6[%dma_wait3A, %dma_wait3A_47] : memref<4x640xi32, #tpu.memory_space<vmem>> -> memref<1x640xi32, #tpu.memory_space<vmem>>
    %dma_wait3A_49 = tpu.memref_squeeze %dma_wait3A_48 : memref<1x640xi32, #tpu.memory_space<vmem>> -> memref<640xi32, #tpu.memory_space<vmem>>
    %dma_wait3A_50 = arith.constant 0 : i32
    %dma_wait3A_51 = tpu.memref_slice %arg2[%dma_wait3A_50] : memref<2000000xi32, #tpu.memory_space<hbm>> -> memref<640xi32, #tpu.memory_space<hbm>>
    %dma_wait3A_52 = arith.constant 0 : i32
    %dma_wait3A_53 = tpu.memref_slice %arg6[%dma_wait3A, %dma_wait3A_52] : memref<4x640xi32, #tpu.memory_space<vmem>> -> memref<1x640xi32, #tpu.memory_space<vmem>>
    %dma_wait3A_54 = tpu.memref_squeeze %dma_wait3A_53 : memref<1x640xi32, #tpu.memory_space<vmem>> -> memref<640xi32, #tpu.memory_space<vmem>>
    %dma_wait3A_55 = arith.constant 0 : i32
    %dma_wait3A_56 = tpu.memref_slice %arg2[%dma_wait3A_55] : memref<2000000xi32, #tpu.memory_space<hbm>> -> memref<640xi32, #tpu.memory_space<hbm>>
    tpu.wait_dma2 semaphore(%arg10 : memref<!tpu.dma_semaphore, #tpu.memory_space<semaphore_mem>>) src(%dma_wait3A_56 : memref<640xi32, #tpu.memory_space<hbm>>) dst(%dma_wait3A_54 : memref<640xi32, #tpu.memory_space<vmem>>)
    %mul3A_57 = arith.constant 640 : i32
    %mul3A_58 = arith.muli %add3A, %mul3A_57 : i32
    %dma_start3A_59 = arith.constant 0 : i32
    %dma_start3A_60 = arith.constant 0 : i32
    %dma_start3A_61 = arith.constant 0 : i32
    %dma_start3A_62 = arith.constant 0 : i32
    %dma_start3A_63 = tpu.memref_slice %arg7[%dma_start3A_60, %dma_start3A_61, %dma_start3A_62] : memref<4x640x16xf32, #tpu.memory_space<vmem>> -> memref<1x640x16xf32, #tpu.memory_space<vmem>>
    %dma_start3A_64 = tpu.memref_squeeze %dma_start3A_63 : memref<1x640x16xf32, #tpu.memory_space<vmem>> -> memref<640x16xf32, #tpu.memory_space<vmem>>
    %dma_start3A_65 = arith.constant 0 : i32
    %dma_start3A_66 = arith.constant 0 : i32
    %dma_start3A_67 = tpu.memref_slice %dma_start3A_64[%dma_start3A_65, %dma_start3A_66] : memref<640x16xf32, #tpu.memory_space<vmem>> -> memref<128x16xf32, #tpu.memory_space<vmem>>
    %dma_start3A_68 = arith.constant 0 : i32
    %dma_start3A_69 = tpu.memref_slice %arg6[%dma_start3A_59, %dma_start3A_68] : memref<4x640xi32, #tpu.memory_space<vmem>> -> memref<1x640xi32, #tpu.memory_space<vmem>>
    %dma_start3A_70 = tpu.memref_squeeze %dma_start3A_69 : memref<1x640xi32, #tpu.memory_space<vmem>> -> memref<640xi32, #tpu.memory_space<vmem>>
    %dma_start3A_71 = arith.constant 0 : i32
    %dma_start3A_72 = tpu.memref_slice %dma_start3A_70[%dma_start3A_71] : memref<640xi32, #tpu.memory_space<vmem>> -> memref<128xi32, #tpu.memory_space<vmem>>
    %dma_start3A_73 = arith.constant 0 : i32
    %dma_start3A_74 = arith.constant 0 : i32
    %dma_start3A_75 = tpu.memref_slice %arg4[%dma_start3A_73, %dma_start3A_74] : memref<102400x16xf32, #tpu.memory_space<hbm>> -> memref<102400x16xf32, #tpu.memory_space<hbm>>
    tpu.enqueue_indirect_dma source(%dma_start3A_75 : memref<102400x16xf32, #tpu.memory_space<hbm>>) target(%dma_start3A_67 : memref<128x16xf32, #tpu.memory_space<vmem>>) offsets(%dma_start3A_72 : memref<128xi32, #tpu.memory_space<vmem>>) semaphore(%arg14 : memref<!tpu.dma_semaphore, #tpu.memory_space<semaphore_mem>>)
    %dma_start3A_76 = arith.constant 0 : i32
    %dma_start3A_77 = arith.constant 0 : i32
    %dma_start3A_78 = arith.constant 0 : i32
    %dma_start3A_79 = arith.constant 0 : i32
    %dma_start3A_80 = tpu.memref_slice %arg7[%dma_start3A_77, %dma_start3A_78, %dma_start3A_79] : memref<4x640x16xf32, #tpu.memory_space<vmem>> -> memref<1x640x16xf32, #tpu.memory_space<vmem>>
    %dma_start3A_81 = tpu.memref_squeeze %dma_start3A_80 : memref<1x640x16xf32, #tpu.memory_space<vmem>> -> memref<640x16xf32, #tpu.memory_space<vmem>>
    %dma_start3A_82 = arith.constant 128 : i32
    %dma_start3A_83 = arith.constant 0 : i32
    %dma_start3A_84 = tpu.memref_slice %dma_start3A_81[%dma_start3A_82, %dma_start3A_83] : memref<640x16xf32, #tpu.memory_space<vmem>> -> memref<128x16xf32, #tpu.memory_space<vmem>>
    %dma_start3A_85 = arith.constant 0 : i32
    %dma_start3A_86 = tpu.memref_slice %arg6[%dma_start3A_76, %dma_start3A_85] : memref<4x640xi32, #tpu.memory_space<vmem>> -> memref<1x640xi32, #tpu.memory_space<vmem>>
    %dma_start3A_87 = tpu.memref_squeeze %dma_start3A_86 : memref<1x640xi32, #tpu.memory_space<vmem>> -> memref<640xi32, #tpu.memory_space<vmem>>
    %dma_start3A_88 = arith.constant 128 : i32
    %dma_start3A_89 = tpu.memref_slice %dma_start3A_87[%dma_start3A_88] : memref<640xi32, #tpu.memory_space<vmem>> -> memref<128xi32, #tpu.memory_space<vmem>>
    %dma_start3A_90 = arith.constant 0 : i32
    %dma_start3A_91 = arith.constant 0 : i32
    %dma_start3A_92 = tpu.memref_slice %arg4[%dma_start3A_90, %dma_start3A_91] : memref<102400x16xf32, #tpu.memory_space<hbm>> -> memref<102400x16xf32, #tpu.memory_space<hbm>>
    tpu.enqueue_indirect_dma source(%dma_start3A_92 : memref<102400x16xf32, #tpu.memory_space<hbm>>) target(%dma_start3A_84 : memref<128x16xf32, #tpu.memory_space<vmem>>) offsets(%dma_start3A_89 : memref<128xi32, #tpu.memory_space<vmem>>) semaphore(%arg14 : memref<!tpu.dma_semaphore, #tpu.memory_space<semaphore_mem>>)
    %dma_start3A_93 = arith.constant 0 : i32
    %dma_start3A_94 = arith.constant 0 : i32
    %dma_start3A_95 = arith.constant 0 : i32
    %dma_start3A_96 = arith.constant 0 : i32
    %dma_start3A_97 = tpu.memref_slice %arg7[%dma_start3A_94, %dma_start3A_95, %dma_start3A_96] : memref<4x640x16xf32, #tpu.memory_space<vmem>> -> memref<1x640x16xf32, #tpu.memory_space<vmem>>
    %dma_start3A_98 = tpu.memref_squeeze %dma_start3A_97 : memref<1x640x16xf32, #tpu.memory_space<vmem>> -> memref<640x16xf32, #tpu.memory_space<vmem>>
    %dma_start3A_99 = arith.constant 256 : i32
    %dma_start3A_100 = arith.constant 0 : i32
    %dma_start3A_101 = tpu.memref_slice %dma_start3A_98[%dma_start3A_99, %dma_start3A_100] : memref<640x16xf32, #tpu.memory_space<vmem>> -> memref<128x16xf32, #tpu.memory_space<vmem>>
    %dma_start3A_102 = arith.constant 0 : i32
    %dma_start3A_103 = tpu.memref_slice %arg6[%dma_start3A_93, %dma_start3A_102] : memref<4x640xi32, #tpu.memory_space<vmem>> -> memref<1x640xi32, #tpu.memory_space<vmem>>
    %dma_start3A_104 = tpu.memref_squeeze %dma_start3A_103 : memref<1x640xi32, #tpu.memory_space<vmem>> -> memref<640xi32, #tpu.memory_space<vmem>>
    %dma_start3A_105 = arith.constant 256 : i32
    %dma_start3A_106 = tpu.memref_slice %dma_start3A_104[%dma_start3A_105] : memref<640xi32, #tpu.memory_space<vmem>> -> memref<128xi32, #tpu.memory_space<vmem>>
    %dma_start3A_107 = arith.constant 0 : i32
    %dma_start3A_108 = arith.constant 0 : i32
    %dma_start3A_109 = tpu.memref_slice %arg4[%dma_start3A_107, %dma_start3A_108] : memref<102400x16xf32, #tpu.memory_space<hbm>> -> memref<102400x16xf32, #tpu.memory_space<hbm>>
    tpu.enqueue_indirect_dma source(%dma_start3A_109 : memref<102400x16xf32, #tpu.memory_space<hbm>>) target(%dma_start3A_101 : memref<128x16xf32, #tpu.memory_space<vmem>>) offsets(%dma_start3A_106 : memref<128xi32, #tpu.memory_space<vmem>>) semaphore(%arg14 : memref<!tpu.dma_semaphore, #tpu.memory_space<semaphore_mem>>)
    %dma_start3A_110 = arith.constant 0 : i32
    %dma_start3A_111 = arith.constant 0 : i32
    %dma_start3A_112 = arith.constant 0 : i32
    %dma_start3A_113 = arith.constant 0 : i32
    %dma_start3A_114 = tpu.memref_slice %arg7[%dma_start3A_111, %dma_start3A_112, %dma_start3A_113] : memref<4x640x16xf32, #tpu.memory_space<vmem>> -> memref<1x640x16xf32, #tpu.memory_space<vmem>>
    %dma_start3A_115 = tpu.memref_squeeze %dma_start3A_114 : memref<1x640x16xf32, #tpu.memory_space<vmem>> -> memref<640x16xf32, #tpu.memory_space<vmem>>
    %dma_start3A_116 = arith.constant 384 : i32
    %dma_start3A_117 = arith.constant 0 : i32
    %dma_start3A_118 = tpu.memref_slice %dma_start3A_115[%dma_start3A_116, %dma_start3A_117] : memref<640x16xf32, #tpu.memory_space<vmem>> -> memref<128x16xf32, #tpu.memory_space<vmem>>
    %dma_start3A_119 = arith.constant 0 : i32
    %dma_start3A_120 = tpu.memref_slice %arg6[%dma_start3A_110, %dma_start3A_119] : memref<4x640xi32, #tpu.memory_space<vmem>> -> memref<1x640xi32, #tpu.memory_space<vmem>>
    %dma_start3A_121 = tpu.memref_squeeze %dma_start3A_120 : memref<1x640xi32, #tpu.memory_space<vmem>> -> memref<640xi32, #tpu.memory_space<vmem>>
    %dma_start3A_122 = arith.constant 384 : i32
    %dma_start3A_123 = tpu.memref_slice %dma_start3A_121[%dma_start3A_122] : memref<640xi32, #tpu.memory_space<vmem>> -> memref<128xi32, #tpu.memory_space<vmem>>
    %dma_start3A_124 = arith.constant 0 : i32
    %dma_start3A_125 = arith.constant 0 : i32
    %dma_start3A_126 = tpu.memref_slice %arg4[%dma_start3A_124, %dma_start3A_125] : memref<102400x16xf32, #tpu.memory_space<hbm>> -> memref<102400x16xf32, #tpu.memory_space<hbm>>
    tpu.enqueue_indirect_dma source(%dma_start3A_126 : memref<102400x16xf32, #tpu.memory_space<hbm>>) target(%dma_start3A_118 : memref<128x16xf32, #tpu.memory_space<vmem>>) offsets(%dma_start3A_123 : memref<128xi32, #tpu.memory_space<vmem>>) semaphore(%arg14 : memref<!tpu.dma_semaphore, #tpu.memory_space<semaphore_mem>>)
    %dma_start3A_127 = arith.constant 0 : i32
    %dma_start3A_128 = arith.constant 0 : i32
    %dma_start3A_129 = arith.constant 0 : i32
    %dma_start3A_130 = arith.constant 0 : i32
    %dma_start3A_131 = tpu.memref_slice %arg7[%dma_start3A_128, %dma_start3A_129, %dma_start3A_130] : memref<4x640x16xf32, #tpu.memory_space<vmem>> -> memref<1x640x16xf32, #tpu.memory_space<vmem>>
    %dma_start3A_132 = tpu.memref_squeeze %dma_start3A_131 : memref<1x640x16xf32, #tpu.memory_space<vmem>> -> memref<640x16xf32, #tpu.memory_space<vmem>>
    %dma_start3A_133 = arith.constant 512 : i32
    %dma_start3A_134 = arith.constant 0 : i32
    %dma_start3A_135 = tpu.memref_slice %dma_start3A_132[%dma_start3A_133, %dma_start3A_134] : memref<640x16xf32, #tpu.memory_space<vmem>> -> memref<128x16xf32, #tpu.memory_space<vmem>>
    %dma_start3A_136 = arith.constant 0 : i32
    %dma_start3A_137 = tpu.memref_slice %arg6[%dma_start3A_127, %dma_start3A_136] : memref<4x640xi32, #tpu.memory_space<vmem>> -> memref<1x640xi32, #tpu.memory_space<vmem>>
    %dma_start3A_138 = tpu.memref_squeeze %dma_start3A_137 : memref<1x640xi32, #tpu.memory_space<vmem>> -> memref<640xi32, #tpu.memory_space<vmem>>
    %dma_start3A_139 = arith.constant 512 : i32
    %dma_start3A_140 = tpu.memref_slice %dma_start3A_138[%dma_start3A_139] : memref<640xi32, #tpu.memory_space<vmem>> -> memref<128xi32, #tpu.memory_space<vmem>>
    %dma_start3A_141 = arith.constant 0 : i32
    %dma_start3A_142 = arith.constant 0 : i32
    %dma_start3A_143 = tpu.memref_slice %arg4[%dma_start3A_141, %dma_start3A_142] : memref<102400x16xf32, #tpu.memory_space<hbm>> -> memref<102400x16xf32, #tpu.memory_space<hbm>>
    tpu.enqueue_indirect_dma source(%dma_start3A_143 : memref<102400x16xf32, #tpu.memory_space<hbm>>) target(%dma_start3A_135 : memref<128x16xf32, #tpu.memory_space<vmem>>) offsets(%dma_start3A_140 : memref<128xi32, #tpu.memory_space<vmem>>) semaphore(%arg14 : memref<!tpu.dma_semaphore, #tpu.memory_space<semaphore_mem>>)
    %mul3A_144 = arith.constant 5 : i32
    %mul3A_145 = arith.muli %add3A, %mul3A_144 : i32
    %dma_start3A_146 = arith.constant 0 : i32
    %dma_start3A_147 = arith.constant 0 : i32
    %dma_start3A_148 = arith.constant 0 : i32
    %dma_start3A_149 = arith.constant 0 : i32
    %dma_start3A_150 = tpu.memref_slice %arg8[%dma_start3A_146, %dma_start3A_147, %dma_start3A_148, %dma_start3A_149] : memref<4x5x4x128xf32, #tpu.memory_space<vmem>> -> memref<1x5x4x128xf32, #tpu.memory_space<vmem>>
    %dma_start3A_151 = tpu.memref_squeeze %dma_start3A_150 : memref<1x5x4x128xf32, #tpu.memory_space<vmem>> -> memref<5x4x128xf32, #tpu.memory_space<vmem>>
    %dma_start3A_152 = arith.constant 0 : i32
    %dma_start3A_153 = arith.constant 0 : i32
    %dma_start3A_154 = tpu.memref_slice %arg3[%mul3A_145, %dma_start3A_152, %dma_start3A_153] : memref<15625x4x128xf32, #tpu.memory_space<hbm>> -> memref<5x4x128xf32, #tpu.memory_space<hbm>>
    %dma_start3A_155 = arith.constant 0 : i32
    %dma_start3A_156 = arith.constant 0 : i32
    %dma_start3A_157 = arith.constant 0 : i32
    %dma_start3A_158 = tpu.memref_slice %arg8[%dma_start3A_146, %dma_start3A_155, %dma_start3A_156, %dma_start3A_157] : memref<4x5x4x128xf32, #tpu.memory_space<vmem>> -> memref<1x5x4x128xf32, #tpu.memory_space<vmem>>
    %dma_start3A_159 = tpu.memref_squeeze %dma_start3A_158 : memref<1x5x4x128xf32, #tpu.memory_space<vmem>> -> memref<5x4x128xf32, #tpu.memory_space<vmem>>
    %dma_start3A_160 = arith.constant 0 : i32
    %dma_start3A_161 = arith.constant 0 : i32
    %dma_start3A_162 = tpu.memref_slice %arg3[%mul3A_145, %dma_start3A_160, %dma_start3A_161] : memref<15625x4x128xf32, #tpu.memory_space<hbm>> -> memref<5x4x128xf32, #tpu.memory_space<hbm>>
    tpu.enqueue_dma source(%dma_start3A_162 : memref<5x4x128xf32, #tpu.memory_space<hbm>>) target(%dma_start3A_159 : memref<5x4x128xf32, #tpu.memory_space<vmem>>) target_semaphore(%arg14 : memref<!tpu.dma_semaphore, #tpu.memory_space<semaphore_mem>>)
    %dma_wait3A_163 = arith.constant 1 : i32
    %dma_wait3A_164 = arith.constant 0 : i32
    %dma_wait3A_165 = tpu.memref_slice %arg6[%dma_wait3A_163, %dma_wait3A_164] : memref<4x640xi32, #tpu.memory_space<vmem>> -> memref<1x640xi32, #tpu.memory_space<vmem>>
    %dma_wait3A_166 = tpu.memref_squeeze %dma_wait3A_165 : memref<1x640xi32, #tpu.memory_space<vmem>> -> memref<640xi32, #tpu.memory_space<vmem>>
    %dma_wait3A_167 = arith.constant 0 : i32
    %dma_wait3A_168 = tpu.memref_slice %arg2[%dma_wait3A_167] : memref<2000000xi32, #tpu.memory_space<hbm>> -> memref<640xi32, #tpu.memory_space<hbm>>
    %dma_wait3A_169 = arith.constant 0 : i32
    %dma_wait3A_170 = tpu.memref_slice %arg6[%dma_wait3A_163, %dma_wait3A_169] : memref<4x640xi32, #tpu.memory_space<vmem>> -> memref<1x640xi32, #tpu.memory_space<vmem>>
    %dma_wait3A_171 = tpu.memref_squeeze %dma_wait3A_170 : memref<1x640xi32, #tpu.memory_space<vmem>> -> memref<640xi32, #tpu.memory_space<vmem>>
    %dma_wait3A_172 = arith.constant 0 : i32
    %dma_wait3A_173 = tpu.memref_slice %arg2[%dma_wait3A_172] : memref<2000000xi32, #tpu.memory_space<hbm>> -> memref<640xi32, #tpu.memory_space<hbm>>
    tpu.wait_dma2 semaphore(%arg11 : memref<!tpu.dma_semaphore, #tpu.memory_space<semaphore_mem>>) src(%dma_wait3A_173 : memref<640xi32, #tpu.memory_space<hbm>>) dst(%dma_wait3A_171 : memref<640xi32, #tpu.memory_space<vmem>>)
    %add3A_174 = arith.constant 32 : i32
    %add3A_175 = arith.addi %add3A, %add3A_174 : i32
    %mul3A_176 = arith.constant 640 : i32
    %mul3A_177 = arith.muli %add3A_175, %mul3A_176 : i32
    %dma_start3A_178 = arith.constant 1 : i32
    %dma_start3A_179 = arith.constant 1 : i32
    %dma_start3A_180 = arith.constant 0 : i32
    %dma_start3A_181 = arith.constant 0 : i32
    %dma_start3A_182 = tpu.memref_slice %arg7[%dma_start3A_179, %dma_start3A_180, %dma_start3A_181] : memref<4x640x16xf32, #tpu.memory_space<vmem>> -> memref<1x640x16xf32, #tpu.memory_space<vmem>>
    %dma_start3A_183 = tpu.memref_squeeze %dma_start3A_182 : memref<1x640x16xf32, #tpu.memory_space<vmem>> -> memref<640x16xf32, #tpu.memory_space<vmem>>
    %dma_start3A_184 = arith.constant 0 : i32
    %dma_start3A_185 = arith.constant 0 : i32
    %dma_start3A_186 = tpu.memref_slice %dma_start3A_183[%dma_start3A_184, %dma_start3A_185] : memref<640x16xf32, #tpu.memory_space<vmem>> -> memref<128x16xf32, #tpu.memory_space<vmem>>
    %dma_start3A_187 = arith.constant 0 : i32
    %dma_start3A_188 = tpu.memref_slice %arg6[%dma_start3A_178, %dma_start3A_187] : memref<4x640xi32, #tpu.memory_space<vmem>> -> memref<1x640xi32, #tpu.memory_space<vmem>>
    %dma_start3A_189 = tpu.memref_squeeze %dma_start3A_188 : memref<1x640xi32, #tpu.memory_space<vmem>> -> memref<640xi32, #tpu.memory_space<vmem>>
    %dma_start3A_190 = arith.constant 0 : i32
    %dma_start3A_191 = tpu.memref_slice %dma_start3A_189[%dma_start3A_190] : memref<640xi32, #tpu.memory_space<vmem>> -> memref<128xi32, #tpu.memory_space<vmem>>
    %dma_start3A_192 = arith.constant 0 : i32
    %dma_start3A_193 = arith.constant 0 : i32
    %dma_start3A_194 = tpu.memref_slice %arg4[%dma_start3A_192, %dma_start3A_193] : memref<102400x16xf32, #tpu.memory_space<hbm>> -> memref<102400x16xf32, #tpu.memory_space<hbm>>
    tpu.enqueue_indirect_dma source(%dma_start3A_194 : memref<102400x16xf32, #tpu.memory_space<hbm>>) target(%dma_start3A_186 : memref<128x16xf32, #tpu.memory_space<vmem>>) offsets(%dma_start3A_191 : memref<128xi32, #tpu.memory_space<vmem>>) semaphore(%arg15 : memref<!tpu.dma_semaphore, #tpu.memory_space<semaphore_mem>>)
    %dma_start3A_195 = arith.constant 1 : i32
    %dma_start3A_196 = arith.constant 1 : i32
    %dma_start3A_197 = arith.constant 0 : i32
    %dma_start3A_198 = arith.constant 0 : i32
    %dma_start3A_199 = tpu.memref_slice %arg7[%dma_start3A_196, %dma_start3A_197, %dma_start3A_198] : memref<4x640x16xf32, #tpu.memory_space<vmem>> -> memref<1x640x16xf32, #tpu.memory_space<vmem>>
    %dma_start3A_200 = tpu.memref_squeeze %dma_start3A_199 : memref<1x640x16xf32, #tpu.memory_space<vmem>> -> memref<640x16xf32, #tpu.memory_space<vmem>>
    %dma_start3A_201 = arith.constant 128 : i32
    %dma_start3A_202 = arith.constant 0 : i32
    %dma_start3A_203 = tpu.memref_slice %dma_start3A_200[%dma_start3A_201, %dma_start3A_202] : memref<640x16xf32, #tpu.memory_space<vmem>> -> memref<128x16xf32, #tpu.memory_space<vmem>>
    %dma_start3A_204 = arith.constant 0 : i32
    %dma_start3A_205 = tpu.memref_slice %arg6[%dma_start3A_195, %dma_start3A_204] : memref<4x640xi32, #tpu.memory_space<vmem>> -> memref<1x640xi32, #tpu.memory_space<vmem>>
    %dma_start3A_206 = tpu.memref_squeeze %dma_start3A_205 : memref<1x640xi32, #tpu.memory_space<vmem>> -> memref<640xi32, #tpu.memory_space<vmem>>
    %dma_start3A_207 = arith.constant 128 : i32
    %dma_start3A_208 = tpu.memref_slice %dma_start3A_206[%dma_start3A_207] : memref<640xi32, #tpu.memory_space<vmem>> -> memref<128xi32, #tpu.memory_space<vmem>>
    %dma_start3A_209 = arith.constant 0 : i32
    %dma_start3A_210 = arith.constant 0 : i32
    %dma_start3A_211 = tpu.memref_slice %arg4[%dma_start3A_209, %dma_start3A_210] : memref<102400x16xf32, #tpu.memory_space<hbm>> -> memref<102400x16xf32, #tpu.memory_space<hbm>>
    tpu.enqueue_indirect_dma source(%dma_start3A_211 : memref<102400x16xf32, #tpu.memory_space<hbm>>) target(%dma_start3A_203 : memref<128x16xf32, #tpu.memory_space<vmem>>) offsets(%dma_start3A_208 : memref<128xi32, #tpu.memory_space<vmem>>) semaphore(%arg15 : memref<!tpu.dma_semaphore, #tpu.memory_space<semaphore_mem>>)
    %dma_start3A_212 = arith.constant 1 : i32
    %dma_start3A_213 = arith.constant 1 : i32
    %dma_start3A_214 = arith.constant 0 : i32
    %dma_start3A_215 = arith.constant 0 : i32
    %dma_start3A_216 = tpu.memref_slice %arg7[%dma_start3A_213, %dma_start3A_214, %dma_start3A_215] : memref<4x640x16xf32, #tpu.memory_space<vmem>> -> memref<1x640x16xf32, #tpu.memory_space<vmem>>
    %dma_start3A_217 = tpu.memref_squeeze %dma_start3A_216 : memref<1x640x16xf32, #tpu.memory_space<vmem>> -> memref<640x16xf32, #tpu.memory_space<vmem>>
    %dma_start3A_218 = arith.constant 256 : i32
    %dma_start3A_219 = arith.constant 0 : i32
    %dma_start3A_220 = tpu.memref_slice %dma_start3A_217[%dma_start3A_218, %dma_start3A_219] : memref<640x16xf32, #tpu.memory_space<vmem>> -> memref<128x16xf32, #tpu.memory_space<vmem>>
    %dma_start3A_221 = arith.constant 0 : i32
    %dma_start3A_222 = tpu.memref_slice %arg6[%dma_start3A_212, %dma_start3A_221] : memref<4x640xi32, #tpu.memory_space<vmem>> -> memref<1x640xi32, #tpu.memory_space<vmem>>
    %dma_start3A_223 = tpu.memref_squeeze %dma_start3A_222 : memref<1x640xi32, #tpu.memory_space<vmem>> -> memref<640xi32, #tpu.memory_space<vmem>>
    %dma_start3A_224 = arith.constant 256 : i32
    %dma_start3A_225 = tpu.memref_slice %dma_start3A_223[%dma_start3A_224] : memref<640xi32, #tpu.memory_space<vmem>> -> memref<128xi32, #tpu.memory_space<vmem>>
    %dma_start3A_226 = arith.constant 0 : i32
    %dma_start3A_227 = arith.constant 0 : i32
    %dma_start3A_228 = tpu.memref_slice %arg4[%dma_start3A_226, %dma_start3A_227] : memref<102400x16xf32, #tpu.memory_space<hbm>> -> memref<102400x16xf32, #tpu.memory_space<hbm>>
    tpu.enqueue_indirect_dma source(%dma_start3A_228 : memref<102400x16xf32, #tpu.memory_space<hbm>>) target(%dma_start3A_220 : memref<128x16xf32, #tpu.memory_space<vmem>>) offsets(%dma_start3A_225 : memref<128xi32, #tpu.memory_space<vmem>>) semaphore(%arg15 : memref<!tpu.dma_semaphore, #tpu.memory_space<semaphore_mem>>)
    %dma_start3A_229 = arith.constant 1 : i32
    %dma_start3A_230 = arith.constant 1 : i32
    %dma_start3A_231 = arith.constant 0 : i32
    %dma_start3A_232 = arith.constant 0 : i32
    %dma_start3A_233 = tpu.memref_slice %arg7[%dma_start3A_230, %dma_start3A_231, %dma_start3A_232] : memref<4x640x16xf32, #tpu.memory_space<vmem>> -> memref<1x640x16xf32, #tpu.memory_space<vmem>>
    %dma_start3A_234 = tpu.memref_squeeze %dma_start3A_233 : memref<1x640x16xf32, #tpu.memory_space<vmem>> -> memref<640x16xf32, #tpu.memory_space<vmem>>
    %dma_start3A_235 = arith.constant 384 : i32
    %dma_start3A_236 = arith.constant 0 : i32
    %dma_start3A_237 = tpu.memref_slice %dma_start3A_234[%dma_start3A_235, %dma_start3A_236] : memref<640x16xf32, #tpu.memory_space<vmem>> -> memref<128x16xf32, #tpu.memory_space<vmem>>
    %dma_start3A_238 = arith.constant 0 : i32
    %dma_start3A_239 = tpu.memref_slice %arg6[%dma_start3A_229, %dma_start3A_238] : memref<4x640xi32, #tpu.memory_space<vmem>> -> memref<1x640xi32, #tpu.memory_space<vmem>>
    %dma_start3A_240 = tpu.memref_squeeze %dma_start3A_239 : memref<1x640xi32, #tpu.memory_space<vmem>> -> memref<640xi32, #tpu.memory_space<vmem>>
    %dma_start3A_241 = arith.constant 384 : i32
    %dma_start3A_242 = tpu.memref_slice %dma_start3A_240[%dma_start3A_241] : memref<640xi32, #tpu.memory_space<vmem>> -> memref<128xi32, #tpu.memory_space<vmem>>
    %dma_start3A_243 = arith.constant 0 : i32
    %dma_start3A_244 = arith.constant 0 : i32
    %dma_start3A_245 = tpu.memref_slice %arg4[%dma_start3A_243, %dma_start3A_244] : memref<102400x16xf32, #tpu.memory_space<hbm>> -> memref<102400x16xf32, #tpu.memory_space<hbm>>
    tpu.enqueue_indirect_dma source(%dma_start3A_245 : memref<102400x16xf32, #tpu.memory_space<hbm>>) target(%dma_start3A_237 : memref<128x16xf32, #tpu.memory_space<vmem>>) offsets(%dma_start3A_242 : memref<128xi32, #tpu.memory_space<vmem>>) semaphore(%arg15 : memref<!tpu.dma_semaphore, #tpu.memory_space<semaphore_mem>>)
    %dma_start3A_246 = arith.constant 1 : i32
    %dma_start3A_247 = arith.constant 1 : i32
    %dma_start3A_248 = arith.constant 0 : i32
    %dma_start3A_249 = arith.constant 0 : i32
    %dma_start3A_250 = tpu.memref_slice %arg7[%dma_start3A_247, %dma_start3A_248, %dma_start3A_249] : memref<4x640x16xf32, #tpu.memory_space<vmem>> -> memref<1x640x16xf32, #tpu.memory_space<vmem>>
    %dma_start3A_251 = tpu.memref_squeeze %dma_start3A_250 : memref<1x640x16xf32, #tpu.memory_space<vmem>> -> memref<640x16xf32, #tpu.memory_space<vmem>>
    %dma_start3A_252 = arith.constant 512 : i32
    %dma_start3A_253 = arith.constant 0 : i32
    %dma_start3A_254 = tpu.memref_slice %dma_start3A_251[%dma_start3A_252, %dma_start3A_253] : memref<640x16xf32, #tpu.memory_space<vmem>> -> memref<128x16xf32, #tpu.memory_space<vmem>>
    %dma_start3A_255 = arith.constant 0 : i32
    %dma_start3A_256 = tpu.memref_slice %arg6[%dma_start3A_246, %dma_start3A_255] : memref<4x640xi32, #tpu.memory_space<vmem>> -> memref<1x640xi32, #tpu.memory_space<vmem>>
    %dma_start3A_257 = tpu.memref_squeeze %dma_start3A_256 : memref<1x640xi32, #tpu.memory_space<vmem>> -> memref<640xi32, #tpu.memory_space<vmem>>
    %dma_start3A_258 = arith.constant 512 : i32
    %dma_start3A_259 = tpu.memref_slice %dma_start3A_257[%dma_start3A_258] : memref<640xi32, #tpu.memory_space<vmem>> -> memref<128xi32, #tpu.memory_space<vmem>>
    %dma_start3A_260 = arith.constant 0 : i32
    %dma_start3A_261 = arith.constant 0 : i32
    %dma_start3A_262 = tpu.memref_slice %arg4[%dma_start3A_260, %dma_start3A_261] : memref<102400x16xf32, #tpu.memory_space<hbm>> -> memref<102400x16xf32, #tpu.memory_space<hbm>>
    tpu.enqueue_indirect_dma source(%dma_start3A_262 : memref<102400x16xf32, #tpu.memory_space<hbm>>) target(%dma_start3A_254 : memref<128x16xf32, #tpu.memory_space<vmem>>) offsets(%dma_start3A_259 : memref<128xi32, #tpu.memory_space<vmem>>) semaphore(%arg15 : memref<!tpu.dma_semaphore, #tpu.memory_space<semaphore_mem>>)
    %mul3A_263 = arith.constant 5 : i32
    %mul3A_264 = arith.muli %add3A_175, %mul3A_263 : i32
    %dma_start3A_265 = arith.constant 1 : i32
    %dma_start3A_266 = arith.constant 0 : i32
    %dma_start3A_267 = arith.constant 0 : i32
    %dma_start3A_268 = arith.constant 0 : i32
    %dma_start3A_269 = tpu.memref_slice %arg8[%dma_start3A_265, %dma_start3A_266, %dma_start3A_267, %dma_start3A_268] : memref<4x5x4x128xf32, #tpu.memory_space<vmem>> -> memref<1x5x4x128xf32, #tpu.memory_space<vmem>>
    %dma_start3A_270 = tpu.memref_squeeze %dma_start3A_269 : memref<1x5x4x128xf32, #tpu.memory_space<vmem>> -> memref<5x4x128xf32, #tpu.memory_space<vmem>>
    %dma_start3A_271 = arith.constant 0 : i32
    %dma_start3A_272 = arith.constant 0 : i32
    %dma_start3A_273 = tpu.memref_slice %arg3[%mul3A_264, %dma_start3A_271, %dma_start3A_272] : memref<15625x4x128xf32, #tpu.memory_space<hbm>> -> memref<5x4x128xf32, #tpu.memory_space<hbm>>
    %dma_start3A_274 = arith.constant 0 : i32
    %dma_start3A_275 = arith.constant 0 : i32
    %dma_start3A_276 = arith.constant 0 : i32
    %dma_start3A_277 = tpu.memref_slice %arg8[%dma_start3A_265, %dma_start3A_274, %dma_start3A_275, %dma_start3A_276] : memref<4x5x4x128xf32, #tpu.memory_space<vmem>> -> memref<1x5x4x128xf32, #tpu.memory_space<vmem>>
    %dma_start3A_278 = tpu.memref_squeeze %dma_start3A_277 : memref<1x5x4x128xf32, #tpu.memory_space<vmem>> -> memref<5x4x128xf32, #tpu.memory_space<vmem>>
    %dma_start3A_279 = arith.constant 0 : i32
    %dma_start3A_280 = arith.constant 0 : i32
    %dma_start3A_281 = tpu.memref_slice %arg3[%mul3A_264, %dma_start3A_279, %dma_start3A_280] : memref<15625x4x128xf32, #tpu.memory_space<hbm>> -> memref<5x4x128xf32, #tpu.memory_space<hbm>>
    tpu.enqueue_dma source(%dma_start3A_281 : memref<5x4x128xf32, #tpu.memory_space<hbm>>) target(%dma_start3A_278 : memref<5x4x128xf32, #tpu.memory_space<vmem>>) target_semaphore(%arg15 : memref<!tpu.dma_semaphore, #tpu.memory_space<semaphore_mem>>)
    %add3A_282 = arith.constant 64 : i32
    %add3A_283 = arith.addi %add3A, %add3A_282 : i32
    %lt3A = arith.constant 3125 : i32
    %lt3A_284 = arith.cmpi slt, %add3A_283, %lt3A : i32
    %convert_element_type3A = arith.extui %lt3A_284 : i1 to i32
    %cond3A = arith.constant 0 : i32
    %cond3A_285 = arith.cmpi ne, %convert_element_type3A, %cond3A : i32
    scf.if %cond3A_285 {
      %add3A_368 = arith.constant 64 : i32
      %add3A_369 = arith.addi %add3A, %add3A_368 : i32
      %mul3A_370 = arith.constant 640 : i32
      %mul3A_371 = arith.muli %add3A_369, %mul3A_370 : i32
      %dma_start3A_372 = arith.constant 2 : i32
      %dma_start3A_373 = arith.constant 0 : i32
      %dma_start3A_374 = tpu.memref_slice %arg6[%dma_start3A_372, %dma_start3A_373] : memref<4x640xi32, #tpu.memory_space<vmem>> -> memref<1x640xi32, #tpu.memory_space<vmem>>
      %dma_start3A_375 = tpu.memref_squeeze %dma_start3A_374 : memref<1x640xi32, #tpu.memory_space<vmem>> -> memref<640xi32, #tpu.memory_space<vmem>>
      %dma_start3A_376 = tpu.memref_slice %arg2[%mul3A_371] : memref<2000000xi32, #tpu.memory_space<hbm>> -> memref<640xi32, #tpu.memory_space<hbm>>
      %dma_start3A_377 = arith.constant 0 : i32
      %dma_start3A_378 = tpu.memref_slice %arg6[%dma_start3A_372, %dma_start3A_377] : memref<4x640xi32, #tpu.memory_space<vmem>> -> memref<1x640xi32, #tpu.memory_space<vmem>>
      %dma_start3A_379 = tpu.memref_squeeze %dma_start3A_378 : memref<1x640xi32, #tpu.memory_space<vmem>> -> memref<640xi32, #tpu.memory_space<vmem>>
      %dma_start3A_380 = tpu.memref_slice %arg2[%mul3A_371] : memref<2000000xi32, #tpu.memory_space<hbm>> -> memref<640xi32, #tpu.memory_space<hbm>>
      tpu.enqueue_dma source(%dma_start3A_380 : memref<640xi32, #tpu.memory_space<hbm>>) target(%dma_start3A_379 : memref<640xi32, #tpu.memory_space<vmem>>) target_semaphore(%arg12 : memref<!tpu.dma_semaphore, #tpu.memory_space<semaphore_mem>>)
    } else {
    }
    %scan3A = arith.constant 0 : i32
    %scan3A_286 = arith.constant 0 : i32
    %scan3A_287 = arith.constant 25 : i32
    %scan3A_288 = arith.addi %scan3A_286, %scan3A_287 : i32
    %scan3A_289 = arith.constant 1 : i32
    %scan3A_290 = scf.for %scan3A_368 = %scan3A_286 to %scan3A_288 step %scan3A_289 iter_args(%scan3A_369 = %scan3A) -> (i32)  : i32 {
      %mul3A_370 = arith.constant 4 : i32
      %mul3A_371 = arith.muli %mul3A_370, %scan3A_368 : i32
      %mul3A_372 = arith.constant 32 : i32
      %mul3A_373 = arith.muli %mul3A_371, %mul3A_372 : i32
      %add3A_374 = arith.addi %add3A, %mul3A_373 : i32
      %lt3A_375 = arith.constant 3125 : i32
      %lt3A_376 = arith.cmpi slt, %add3A_374, %lt3A_375 : i32
      %convert_element_type3A_377 = arith.extui %lt3A_376 : i1 to i32
      %cond3A_378 = arith.constant 0 : i32
      %cond3A_379 = arith.cmpi ne, %convert_element_type3A_377, %cond3A_378 : i32
      scf.if %cond3A_379 {
        %add3A_402 = arith.constant 96 : i32
        %add3A_403 = arith.addi %add3A_374, %add3A_402 : i32
        %lt3A_404 = arith.constant 3125 : i32
        %lt3A_405 = arith.cmpi slt, %add3A_403, %lt3A_404 : i32
        %convert_element_type3A_406 = arith.extui %lt3A_405 : i1 to i32
        %cond3A_407 = arith.constant 0 : i32
        %cond3A_408 = arith.cmpi ne, %convert_element_type3A_406, %cond3A_407 : i32
        scf.if %cond3A_408 {
          %add3A_573 = arith.constant 96 : i32
          %add3A_574 = arith.addi %add3A_374, %add3A_573 : i32
          %mul3A_575 = arith.constant 640 : i32
          %mul3A_576 = arith.muli %add3A_574, %mul3A_575 : i32
          %dma_start3A_577 = arith.constant 3 : i32
          %dma_start3A_578 = arith.constant 0 : i32
          %dma_start3A_579 = tpu.memref_slice %arg6[%dma_start3A_577, %dma_start3A_578] : memref<4x640xi32, #tpu.memory_space<vmem>> -> memref<1x640xi32, #tpu.memory_space<vmem>>
          %dma_start3A_580 = tpu.memref_squeeze %dma_start3A_579 : memref<1x640xi32, #tpu.memory_space<vmem>> -> memref<640xi32, #tpu.memory_space<vmem>>
          %dma_start3A_581 = tpu.memref_slice %arg2[%mul3A_576] : memref<2000000xi32, #tpu.memory_space<hbm>> -> memref<640xi32, #tpu.memory_space<hbm>>
          %dma_start3A_582 = arith.constant 0 : i32
          %dma_start3A_583 = tpu.memref_slice %arg6[%dma_start3A_577, %dma_start3A_582] : memref<4x640xi32, #tpu.memory_space<vmem>> -> memref<1x640xi32, #tpu.memory_space<vmem>>
          %dma_start3A_584 = tpu.memref_squeeze %dma_start3A_583 : memref<1x640xi32, #tpu.memory_space<vmem>> -> memref<640xi32, #tpu.memory_space<vmem>>
          %dma_start3A_585 = tpu.memref_slice %arg2[%mul3A_576] : memref<2000000xi32, #tpu.memory_space<hbm>> -> memref<640xi32, #tpu.memory_space<hbm>>
          tpu.enqueue_dma source(%dma_start3A_585 : memref<640xi32, #tpu.memory_space<hbm>>) target(%dma_start3A_584 : memref<640xi32, #tpu.memory_space<vmem>>) target_semaphore(%arg13 : memref<!tpu.dma_semaphore, #tpu.memory_space<semaphore_mem>>)
        } else {
        }
        %add3A_409 = arith.constant 64 : i32
        %add3A_410 = arith.addi %add3A_374, %add3A_409 : i32
        %lt3A_411 = arith.constant 3125 : i32
        %lt3A_412 = arith.cmpi slt, %add3A_410, %lt3A_411 : i32
        %convert_element_type3A_413 = arith.extui %lt3A_412 : i1 to i32
        %cond3A_414 = arith.constant 0 : i32
        %cond3A_415 = arith.cmpi ne, %convert_element_type3A_413, %cond3A_414 : i32
        scf.if %cond3A_415 {
          %dma_wait3A_573 = arith.constant 2 : i32
          %dma_wait3A_574 = arith.constant 0 : i32
          %dma_wait3A_575 = tpu.memref_slice %arg6[%dma_wait3A_573, %dma_wait3A_574] : memref<4x640xi32, #tpu.memory_space<vmem>> -> memref<1x640xi32, #tpu.memory_space<vmem>>
          %dma_wait3A_576 = tpu.memref_squeeze %dma_wait3A_575 : memref<1x640xi32, #tpu.memory_space<vmem>> -> memref<640xi32, #tpu.memory_space<vmem>>
          %dma_wait3A_577 = arith.constant 0 : i32
          %dma_wait3A_578 = tpu.memref_slice %arg2[%dma_wait3A_577] : memref<2000000xi32, #tpu.memory_space<hbm>> -> memref<640xi32, #tpu.memory_space<hbm>>
          %dma_wait3A_579 = arith.constant 0 : i32
          %dma_wait3A_580 = tpu.memref_slice %arg6[%dma_wait3A_573, %dma_wait3A_579] : memref<4x640xi32, #tpu.memory_space<vmem>> -> memref<1x640xi32, #tpu.memory_space<vmem>>
          %dma_wait3A_581 = tpu.memref_squeeze %dma_wait3A_580 : memref<1x640xi32, #tpu.memory_space<vmem>> -> memref<640xi32, #tpu.memory_space<vmem>>
          %dma_wait3A_582 = arith.constant 0 : i32
          %dma_wait3A_583 = tpu.memref_slice %arg2[%dma_wait3A_582] : memref<2000000xi32, #tpu.memory_space<hbm>> -> memref<640xi32, #tpu.memory_space<hbm>>
          tpu.wait_dma2 semaphore(%arg12 : memref<!tpu.dma_semaphore, #tpu.memory_space<semaphore_mem>>) src(%dma_wait3A_583 : memref<640xi32, #tpu.memory_space<hbm>>) dst(%dma_wait3A_581 : memref<640xi32, #tpu.memory_space<vmem>>)
          %add3A_584 = arith.constant 64 : i32
          %add3A_585 = arith.addi %add3A_374, %add3A_584 : i32
          %mul3A_586 = arith.constant 640 : i32
          %mul3A_587 = arith.muli %add3A_585, %mul3A_586 : i32
          %dma_start3A_588 = arith.constant 2 : i32
          %dma_start3A_589 = arith.constant 2 : i32
          %dma_start3A_590 = arith.constant 0 : i32
          %dma_start3A_591 = arith.constant 0 : i32
          %dma_start3A_592 = tpu.memref_slice %arg7[%dma_start3A_589, %dma_start3A_590, %dma_start3A_591] : memref<4x640x16xf32, #tpu.memory_space<vmem>> -> memref<1x640x16xf32, #tpu.memory_space<vmem>>
          %dma_start3A_593 = tpu.memref_squeeze %dma_start3A_592 : memref<1x640x16xf32, #tpu.memory_space<vmem>> -> memref<640x16xf32, #tpu.memory_space<vmem>>
          %dma_start3A_594 = arith.constant 0 : i32
          %dma_start3A_595 = arith.constant 0 : i32
          %dma_start3A_596 = tpu.memref_slice %dma_start3A_593[%dma_start3A_594, %dma_start3A_595] : memref<640x16xf32, #tpu.memory_space<vmem>> -> memref<128x16xf32, #tpu.memory_space<vmem>>
          %dma_start3A_597 = arith.constant 0 : i32
          %dma_start3A_598 = tpu.memref_slice %arg6[%dma_start3A_588, %dma_start3A_597] : memref<4x640xi32, #tpu.memory_space<vmem>> -> memref<1x640xi32, #tpu.memory_space<vmem>>
          %dma_start3A_599 = tpu.memref_squeeze %dma_start3A_598 : memref<1x640xi32, #tpu.memory_space<vmem>> -> memref<640xi32, #tpu.memory_space<vmem>>
          %dma_start3A_600 = arith.constant 0 : i32
          %dma_start3A_601 = tpu.memref_slice %dma_start3A_599[%dma_start3A_600] : memref<640xi32, #tpu.memory_space<vmem>> -> memref<128xi32, #tpu.memory_space<vmem>>
          %dma_start3A_602 = arith.constant 0 : i32
          %dma_start3A_603 = arith.constant 0 : i32
          %dma_start3A_604 = tpu.memref_slice %arg4[%dma_start3A_602, %dma_start3A_603] : memref<102400x16xf32, #tpu.memory_space<hbm>> -> memref<102400x16xf32, #tpu.memory_space<hbm>>
          tpu.enqueue_indirect_dma source(%dma_start3A_604 : memref<102400x16xf32, #tpu.memory_space<hbm>>) target(%dma_start3A_596 : memref<128x16xf32, #tpu.memory_space<vmem>>) offsets(%dma_start3A_601 : memref<128xi32, #tpu.memory_space<vmem>>) semaphore(%arg16 : memref<!tpu.dma_semaphore, #tpu.memory_space<semaphore_mem>>)
          %dma_start3A_605 = arith.constant 2 : i32
          %dma_start3A_606 = arith.constant 2 : i32
          %dma_start3A_607 = arith.constant 0 : i32
          %dma_start3A_608 = arith.constant 0 : i32
          %dma_start3A_609 = tpu.memref_slice %arg7[%dma_start3A_606, %dma_start3A_607, %dma_start3A_608] : memref<4x640x16xf32, #tpu.memory_space<vmem>> -> memref<1x640x16xf32, #tpu.memory_space<vmem>>
          %dma_start3A_610 = tpu.memref_squeeze %dma_start3A_609 : memref<1x640x16xf32, #tpu.memory_space<vmem>> -> memref<640x16xf32, #tpu.memory_space<vmem>>
          %dma_start3A_611 = arith.constant 128 : i32
          %dma_start3A_612 = arith.constant 0 : i32
          %dma_start3A_613 = tpu.memref_slice %dma_start3A_610[%dma_start3A_611, %dma_start3A_612] : memref<640x16xf32, #tpu.memory_space<vmem>> -> memref<128x16xf32, #tpu.memory_space<vmem>>
          %dma_start3A_614 = arith.constant 0 : i32
          %dma_start3A_615 = tpu.memref_slice %arg6[%dma_start3A_605, %dma_start3A_614] : memref<4x640xi32, #tpu.memory_space<vmem>> -> memref<1x640xi32, #tpu.memory_space<vmem>>
          %dma_start3A_616 = tpu.memref_squeeze %dma_start3A_615 : memref<1x640xi32, #tpu.memory_space<vmem>> -> memref<640xi32, #tpu.memory_space<vmem>>
          %dma_start3A_617 = arith.constant 128 : i32
          %dma_start3A_618 = tpu.memref_slice %dma_start3A_616[%dma_start3A_617] : memref<640xi32, #tpu.memory_space<vmem>> -> memref<128xi32, #tpu.memory_space<vmem>>
          %dma_start3A_619 = arith.constant 0 : i32
          %dma_start3A_620 = arith.constant 0 : i32
          %dma_start3A_621 = tpu.memref_slice %arg4[%dma_start3A_619, %dma_start3A_620] : memref<102400x16xf32, #tpu.memory_space<hbm>> -> memref<102400x16xf32, #tpu.memory_space<hbm>>
          tpu.enqueue_indirect_dma source(%dma_start3A_621 : memref<102400x16xf32, #tpu.memory_space<hbm>>) target(%dma_start3A_613 : memref<128x16xf32, #tpu.memory_space<vmem>>) offsets(%dma_start3A_618 : memref<128xi32, #tpu.memory_space<vmem>>) semaphore(%arg16 : memref<!tpu.dma_semaphore, #tpu.memory_space<semaphore_mem>>)
          %dma_start3A_622 = arith.constant 2 : i32
          %dma_start3A_623 = arith.constant 2 : i32
          %dma_start3A_624 = arith.constant 0 : i32
          %dma_start3A_625 = arith.constant 0 : i32
          %dma_start3A_626 = tpu.memref_slice %arg7[%dma_start3A_623, %dma_start3A_624, %dma_start3A_625] : memref<4x640x16xf32, #tpu.memory_space<vmem>> -> memref<1x640x16xf32, #tpu.memory_space<vmem>>
          %dma_start3A_627 = tpu.memref_squeeze %dma_start3A_626 : memref<1x640x16xf32, #tpu.memory_space<vmem>> -> memref<640x16xf32, #tpu.memory_space<vmem>>
          %dma_start3A_628 = arith.constant 256 : i32
          %dma_start3A_629 = arith.constant 0 : i32
          %dma_start3A_630 = tpu.memref_slice %dma_start3A_627[%dma_start3A_628, %dma_start3A_629] : memref<640x16xf32, #tpu.memory_space<vmem>> -> memref<128x16xf32, #tpu.memory_space<vmem>>
          %dma_start3A_631 = arith.constant 0 : i32
          %dma_start3A_632 = tpu.memref_slice %arg6[%dma_start3A_622, %dma_start3A_631] : memref<4x640xi32, #tpu.memory_space<vmem>> -> memref<1x640xi32, #tpu.memory_space<vmem>>
          %dma_start3A_633 = tpu.memref_squeeze %dma_start3A_632 : memref<1x640xi32, #tpu.memory_space<vmem>> -> memref<640xi32, #tpu.memory_space<vmem>>
          %dma_start3A_634 = arith.constant 256 : i32
          %dma_start3A_635 = tpu.memref_slice %dma_start3A_633[%dma_start3A_634] : memref<640xi32, #tpu.memory_space<vmem>> -> memref<128xi32, #tpu.memory_space<vmem>>
          %dma_start3A_636 = arith.constant 0 : i32
          %dma_start3A_637 = arith.constant 0 : i32
          %dma_start3A_638 = tpu.memref_slice %arg4[%dma_start3A_636, %dma_start3A_637] : memref<102400x16xf32, #tpu.memory_space<hbm>> -> memref<102400x16xf32, #tpu.memory_space<hbm>>
          tpu.enqueue_indirect_dma source(%dma_start3A_638 : memref<102400x16xf32, #tpu.memory_space<hbm>>) target(%dma_start3A_630 : memref<128x16xf32, #tpu.memory_space<vmem>>) offsets(%dma_start3A_635 : memref<128xi32, #tpu.memory_space<vmem>>) semaphore(%arg16 : memref<!tpu.dma_semaphore, #tpu.memory_space<semaphore_mem>>)
          %dma_start3A_639 = arith.constant 2 : i32
          %dma_start3A_640 = arith.constant 2 : i32
          %dma_start3A_641 = arith.constant 0 : i32
          %dma_start3A_642 = arith.constant 0 : i32
          %dma_start3A_643 = tpu.memref_slice %arg7[%dma_start3A_640, %dma_start3A_641, %dma_start3A_642] : memref<4x640x16xf32, #tpu.memory_space<vmem>> -> memref<1x640x16xf32, #tpu.memory_space<vmem>>
          %dma_start3A_644 = tpu.memref_squeeze %dma_start3A_643 : memref<1x640x16xf32, #tpu.memory_space<vmem>> -> memref<640x16xf32, #tpu.memory_space<vmem>>
          %dma_start3A_645 = arith.constant 384 : i32
          %dma_start3A_646 = arith.constant 0 : i32
          %dma_start3A_647 = tpu.memref_slice %dma_start3A_644[%dma_start3A_645, %dma_start3A_646] : memref<640x16xf32, #tpu.memory_space<vmem>> -> memref<128x16xf32, #tpu.memory_space<vmem>>
          %dma_start3A_648 = arith.constant 0 : i32
          %dma_start3A_649 = tpu.memref_slice %arg6[%dma_start3A_639, %dma_start3A_648] : memref<4x640xi32, #tpu.memory_space<vmem>> -> memref<1x640xi32, #tpu.memory_space<vmem>>
          %dma_start3A_650 = tpu.memref_squeeze %dma_start3A_649 : memref<1x640xi32, #tpu.memory_space<vmem>> -> memref<640xi32, #tpu.memory_space<vmem>>
          %dma_start3A_651 = arith.constant 384 : i32
          %dma_start3A_652 = tpu.memref_slice %dma_start3A_650[%dma_start3A_651] : memref<640xi32, #tpu.memory_space<vmem>> -> memref<128xi32, #tpu.memory_space<vmem>>
          %dma_start3A_653 = arith.constant 0 : i32
          %dma_start3A_654 = arith.constant 0 : i32
          %dma_start3A_655 = tpu.memref_slice %arg4[%dma_start3A_653, %dma_start3A_654] : memref<102400x16xf32, #tpu.memory_space<hbm>> -> memref<102400x16xf32, #tpu.memory_space<hbm>>
          tpu.enqueue_indirect_dma source(%dma_start3A_655 : memref<102400x16xf32, #tpu.memory_space<hbm>>) target(%dma_start3A_647 : memref<128x16xf32, #tpu.memory_space<vmem>>) offsets(%dma_start3A_652 : memref<128xi32, #tpu.memory_space<vmem>>) semaphore(%arg16 : memref<!tpu.dma_semaphore, #tpu.memory_space<semaphore_mem>>)
          %dma_start3A_656 = arith.constant 2 : i32
          %dma_start3A_657 = arith.constant 2 : i32
          %dma_start3A_658 = arith.constant 0 : i32
          %dma_start3A_659 = arith.constant 0 : i32
          %dma_start3A_660 = tpu.memref_slice %arg7[%dma_start3A_657, %dma_start3A_658, %dma_start3A_659] : memref<4x640x16xf32, #tpu.memory_space<vmem>> -> memref<1x640x16xf32, #tpu.memory_space<vmem>>
          %dma_start3A_661 = tpu.memref_squeeze %dma_start3A_660 : memref<1x640x16xf32, #tpu.memory_space<vmem>> -> memref<640x16xf32, #tpu.memory_space<vmem>>
          %dma_start3A_662 = arith.constant 512 : i32
          %dma_start3A_663 = arith.constant 0 : i32
          %dma_start3A_664 = tpu.memref_slice %dma_start3A_661[%dma_start3A_662, %dma_start3A_663] : memref<640x16xf32, #tpu.memory_space<vmem>> -> memref<128x16xf32, #tpu.memory_space<vmem>>
          %dma_start3A_665 = arith.constant 0 : i32
          %dma_start3A_666 = tpu.memref_slice %arg6[%dma_start3A_656, %dma_start3A_665] : memref<4x640xi32, #tpu.memory_space<vmem>> -> memref<1x640xi32, #tpu.memory_space<vmem>>
          %dma_start3A_667 = tpu.memref_squeeze %dma_start3A_666 : memref<1x640xi32, #tpu.memory_space<vmem>> -> memref<640xi32, #tpu.memory_space<vmem>>
          %dma_start3A_668 = arith.constant 512 : i32
          %dma_start3A_669 = tpu.memref_slice %dma_start3A_667[%dma_start3A_668] : memref<640xi32, #tpu.memory_space<vmem>> -> memref<128xi32, #tpu.memory_space<vmem>>
          %dma_start3A_670 = arith.constant 0 : i32
          %dma_start3A_671 = arith.constant 0 : i32
          %dma_start3A_672 = tpu.memref_slice %arg4[%dma_start3A_670, %dma_start3A_671] : memref<102400x16xf32, #tpu.memory_space<hbm>> -> memref<102400x16xf32, #tpu.memory_space<hbm>>
          tpu.enqueue_indirect_dma source(%dma_start3A_672 : memref<102400x16xf32, #tpu.memory_space<hbm>>) target(%dma_start3A_664 : memref<128x16xf32, #tpu.memory_space<vmem>>) offsets(%dma_start3A_669 : memref<128xi32, #tpu.memory_space<vmem>>) semaphore(%arg16 : memref<!tpu.dma_semaphore, #tpu.memory_space<semaphore_mem>>)
          %mul3A_673 = arith.constant 5 : i32
          %mul3A_674 = arith.muli %add3A_585, %mul3A_673 : i32
          %dma_start3A_675 = arith.constant 2 : i32
          %dma_start3A_676 = arith.constant 0 : i32
          %dma_start3A_677 = arith.constant 0 : i32
          %dma_start3A_678 = arith.constant 0 : i32
          %dma_start3A_679 = tpu.memref_slice %arg8[%dma_start3A_675, %dma_start3A_676, %dma_start3A_677, %dma_start3A_678] : memref<4x5x4x128xf32, #tpu.memory_space<vmem>> -> memref<1x5x4x128xf32, #tpu.memory_space<vmem>>
          %dma_start3A_680 = tpu.memref_squeeze %dma_start3A_679 : memref<1x5x4x128xf32, #tpu.memory_space<vmem>> -> memref<5x4x128xf32, #tpu.memory_space<vmem>>
          %dma_start3A_681 = arith.constant 0 : i32
          %dma_start3A_682 = arith.constant 0 : i32
          %dma_start3A_683 = tpu.memref_slice %arg3[%mul3A_674, %dma_start3A_681, %dma_start3A_682] : memref<15625x4x128xf32, #tpu.memory_space<hbm>> -> memref<5x4x128xf32, #tpu.memory_space<hbm>>
          %dma_start3A_684 = arith.constant 0 : i32
          %dma_start3A_685 = arith.constant 0 : i32
          %dma_start3A_686 = arith.constant 0 : i32
          %dma_start3A_687 = tpu.memref_slice %arg8[%dma_start3A_675, %dma_start3A_684, %dma_start3A_685, %dma_start3A_686] : memref<4x5x4x128xf32, #tpu.memory_space<vmem>> -> memref<1x5x4x128xf32, #tpu.memory_space<vmem>>
          %dma_start3A_688 = tpu.memref_squeeze %dma_start3A_687 : memref<1x5x4x128xf32, #tpu.memory_space<vmem>> -> memref<5x4x128xf32, #tpu.memory_space<vmem>>
          %dma_start3A_689 = arith.constant 0 : i32
          %dma_start3A_690 = arith.constant 0 : i32
          %dma_start3A_691 = tpu.memref_slice %arg3[%mul3A_674, %dma_start3A_689, %dma_start3A_690] : memref<15625x4x128xf32, #tpu.memory_space<hbm>> -> memref<5x4x128xf32, #tpu.memory_space<hbm>>
          tpu.enqueue_dma source(%dma_start3A_691 : memref<5x4x128xf32, #tpu.memory_space<hbm>>) target(%dma_start3A_688 : memref<5x4x128xf32, #tpu.memory_space<vmem>>) target_semaphore(%arg16 : memref<!tpu.dma_semaphore, #tpu.memory_space<semaphore_mem>>)
        } else {
        }
        %dma_wait3A_416 = arith.constant 0 : i32
        %dma_wait3A_417 = arith.constant 0 : i32
        %dma_wait3A_418 = arith.constant 0 : i32
        %dma_wait3A_419 = tpu.memref_slice %arg7[%dma_wait3A_416, %dma_wait3A_417, %dma_wait3A_418] : memref<4x640x16xf32, #tpu.memory_space<vmem>> -> memref<1x640x16xf32, #tpu.memory_space<vmem>>
        %dma_wait3A_420 = tpu.memref_squeeze %dma_wait3A_419 : memref<1x640x16xf32, #tpu.memory_space<vmem>> -> memref<640x16xf32, #tpu.memory_space<vmem>>
        %dma_wait3A_421 = arith.constant 0 : i32
        %dma_wait3A_422 = arith.constant 0 : i32
        %dma_wait3A_423 = tpu.memref_slice %dma_wait3A_420[%dma_wait3A_421, %dma_wait3A_422] : memref<640x16xf32, #tpu.memory_space<vmem>> -> memref<128x16xf32, #tpu.memory_space<vmem>>
        %dma_wait3A_424 = arith.constant 0 : i32
        %dma_wait3A_425 = arith.constant 0 : i32
        %dma_wait3A_426 = tpu.memref_slice %arg4[%dma_wait3A_424, %dma_wait3A_425] : memref<102400x16xf32, #tpu.memory_space<hbm>> -> memref<128x16xf32, #tpu.memory_space<hbm>>
        %dma_wait3A_427 = arith.constant 0 : i32
        %dma_wait3A_428 = arith.constant 0 : i32
        %dma_wait3A_429 = tpu.memref_slice %arg7[%dma_wait3A_416, %dma_wait3A_427, %dma_wait3A_428] : memref<4x640x16xf32, #tpu.memory_space<vmem>> -> memref<1x640x16xf32, #tpu.memory_space<vmem>>
        %dma_wait3A_430 = tpu.memref_squeeze %dma_wait3A_429 : memref<1x640x16xf32, #tpu.memory_space<vmem>> -> memref<640x16xf32, #tpu.memory_space<vmem>>
        %dma_wait3A_431 = arith.constant 0 : i32
        %dma_wait3A_432 = arith.constant 0 : i32
        %dma_wait3A_433 = tpu.memref_slice %dma_wait3A_430[%dma_wait3A_431, %dma_wait3A_432] : memref<640x16xf32, #tpu.memory_space<vmem>> -> memref<128x16xf32, #tpu.memory_space<vmem>>
        %dma_wait3A_434 = arith.constant 0 : i32
        %dma_wait3A_435 = arith.constant 0 : i32
        %dma_wait3A_436 = tpu.memref_slice %arg4[%dma_wait3A_434, %dma_wait3A_435] : memref<102400x16xf32, #tpu.memory_space<hbm>> -> memref<128x16xf32, #tpu.memory_space<hbm>>
        tpu.wait_dma2 semaphore(%arg14 : memref<!tpu.dma_semaphore, #tpu.memory_space<semaphore_mem>>) src(%dma_wait3A_436 : memref<128x16xf32, #tpu.memory_space<hbm>>) dst(%dma_wait3A_433 : memref<128x16xf32, #tpu.memory_space<vmem>>)
        %dma_wait3A_437 = arith.constant 0 : i32
        %dma_wait3A_438 = arith.constant 0 : i32
        %dma_wait3A_439 = arith.constant 0 : i32
        %dma_wait3A_440 = tpu.memref_slice %arg7[%dma_wait3A_437, %dma_wait3A_438, %dma_wait3A_439] : memref<4x640x16xf32, #tpu.memory_space<vmem>> -> memref<1x640x16xf32, #tpu.memory_space<vmem>>
        %dma_wait3A_441 = tpu.memref_squeeze %dma_wait3A_440 : memref<1x640x16xf32, #tpu.memory_space<vmem>> -> memref<640x16xf32, #tpu.memory_space<vmem>>
        %dma_wait3A_442 = arith.constant 128 : i32
        %dma_wait3A_443 = arith.constant 0 : i32
        %dma_wait3A_444 = tpu.memref_slice %dma_wait3A_441[%dma_wait3A_442, %dma_wait3A_443] : memref<640x16xf32, #tpu.memory_space<vmem>> -> memref<128x16xf32, #tpu.memory_space<vmem>>
        %dma_wait3A_445 = arith.constant 0 : i32
        %dma_wait3A_446 = arith.constant 0 : i32
        %dma_wait3A_447 = tpu.memref_slice %arg4[%dma_wait3A_445, %dma_wait3A_446] : memref<102400x16xf32, #tpu.memory_space<hbm>> -> memref<128x16xf32, #tpu.memory_space<hbm>>
        %dma_wait3A_448 = arith.constant 0 : i32
        %dma_wait3A_449 = arith.constant 0 : i32
        %dma_wait3A_450 = tpu.memref_slice %arg7[%dma_wait3A_437, %dma_wait3A_448, %dma_wait3A_449] : memref<4x640x16xf32, #tpu.memory_space<vmem>> -> memref<1x640x16xf32, #tpu.memory_space<vmem>>
        %dma_wait3A_451 = tpu.memref_squeeze %dma_wait3A_450 : memref<1x640x16xf32, #tpu.memory_space<vmem>> -> memref<640x16xf32, #tpu.memory_space<vmem>>
        %dma_wait3A_452 = arith.constant 128 : i32
        %dma_wait3A_453 = arith.constant 0 : i32
        %dma_wait3A_454 = tpu.memref_slice %dma_wait3A_451[%dma_wait3A_452, %dma_wait3A_453] : memref<640x16xf32, #tpu.memory_space<vmem>> -> memref<128x16xf32, #tpu.memory_space<vmem>>
        %dma_wait3A_455 = arith.constant 0 : i32
        %dma_wait3A_456 = arith.constant 0 : i32
        %dma_wait3A_457 = tpu.memref_slice %arg4[%dma_wait3A_455, %dma_wait3A_456] : memref<102400x16xf32, #tpu.memory_space<hbm>> -> memref<128x16xf32, #tpu.memory_space<hbm>>
        tpu.wait_dma2 semaphore(%arg14 : memref<!tpu.dma_semaphore, #tpu.memory_space<semaphore_mem>>) src(%dma_wait3A_457 : memref<128x16xf32, #tpu.memory_space<hbm>>) dst(%dma_wait3A_454 : memref<128x16xf32, #tpu.memory_space<vmem>>)
        %dma_wait3A_458 = arith.constant 0 : i32
        %dma_wait3A_459 = arith.constant 0 : i32
        %dma_wait3A_460 = arith.constant 0 : i32
        %dma_wait3A_461 = tpu.memref_slice %arg7[%dma_wait3A_458, %dma_wait3A_459, %dma_wait3A_460] : memref<4x640x16xf32, #tpu.memory_space<vmem>> -> memref<1x640x16xf32, #tpu.memory_space<vmem>>
        %dma_wait3A_462 = tpu.memref_squeeze %dma_wait3A_461 : memref<1x640x16xf32, #tpu.memory_space<vmem>> -> memref<640x16xf32, #tpu.memory_space<vmem>>
        %dma_wait3A_463 = arith.constant 256 : i32
        %dma_wait3A_464 = arith.constant 0 : i32
        %dma_wait3A_465 = tpu.memref_slice %dma_wait3A_462[%dma_wait3A_463, %dma_wait3A_464] : memref<640x16xf32, #tpu.memory_space<vmem>> -> memref<128x16xf32, #tpu.memory_space<vmem>>
        %dma_wait3A_466 = arith.constant 0 : i32
        %dma_wait3A_467 = arith.constant 0 : i32
        %dma_wait3A_468 = tpu.memref_slice %arg4[%dma_wait3A_466, %dma_wait3A_467] : memref<102400x16xf32, #tpu.memory_space<hbm>> -> memref<128x16xf32, #tpu.memory_space<hbm>>
        %dma_wait3A_469 = arith.constant 0 : i32
        %dma_wait3A_470 = arith.constant 0 : i32
        %dma_wait3A_471 = tpu.memref_slice %arg7[%dma_wait3A_458, %dma_wait3A_469, %dma_wait3A_470] : memref<4x640x16xf32, #tpu.memory_space<vmem>> -> memref<1x640x16xf32, #tpu.memory_space<vmem>>
        %dma_wait3A_472 = tpu.memref_squeeze %dma_wait3A_471 : memref<1x640x16xf32, #tpu.memory_space<vmem>> -> memref<640x16xf32, #tpu.memory_space<vmem>>
        %dma_wait3A_473 = arith.constant 256 : i32
        %dma_wait3A_474 = arith.constant 0 : i32
        %dma_wait3A_475 = tpu.memref_slice %dma_wait3A_472[%dma_wait3A_473, %dma_wait3A_474] : memref<640x16xf32, #tpu.memory_space<vmem>> -> memref<128x16xf32, #tpu.memory_space<vmem>>
        %dma_wait3A_476 = arith.constant 0 : i32
        %dma_wait3A_477 = arith.constant 0 : i32
        %dma_wait3A_478 = tpu.memref_slice %arg4[%dma_wait3A_476, %dma_wait3A_477] : memref<102400x16xf32, #tpu.memory_space<hbm>> -> memref<128x16xf32, #tpu.memory_space<hbm>>
        tpu.wait_dma2 semaphore(%arg14 : memref<!tpu.dma_semaphore, #tpu.memory_space<semaphore_mem>>) src(%dma_wait3A_478 : memref<128x16xf32, #tpu.memory_space<hbm>>) dst(%dma_wait3A_475 : memref<128x16xf32, #tpu.memory_space<vmem>>)
        %dma_wait3A_479 = arith.constant 0 : i32
        %dma_wait3A_480 = arith.constant 0 : i32
        %dma_wait3A_481 = arith.constant 0 : i32
        %dma_wait3A_482 = tpu.memref_slice %arg7[%dma_wait3A_479, %dma_wait3A_480, %dma_wait3A_481] : memref<4x640x16xf32, #tpu.memory_space<vmem>> -> memref<1x640x16xf32, #tpu.memory_space<vmem>>
        %dma_wait3A_483 = tpu.memref_squeeze %dma_wait3A_482 : memref<1x640x16xf32, #tpu.memory_space<vmem>> -> memref<640x16xf32, #tpu.memory_space<vmem>>
        %dma_wait3A_484 = arith.constant 384 : i32
        %dma_wait3A_485 = arith.constant 0 : i32
        %dma_wait3A_486 = tpu.memref_slice %dma_wait3A_483[%dma_wait3A_484, %dma_wait3A_485] : memref<640x16xf32, #tpu.memory_space<vmem>> -> memref<128x16xf32, #tpu.memory_space<vmem>>
        %dma_wait3A_487 = arith.constant 0 : i32
        %dma_wait3A_488 = arith.constant 0 : i32
        %dma_wait3A_489 = tpu.memref_slice %arg4[%dma_wait3A_487, %dma_wait3A_488] : memref<102400x16xf32, #tpu.memory_space<hbm>> -> memref<128x16xf32, #tpu.memory_space<hbm>>
        %dma_wait3A_490 = arith.constant 0 : i32
        %dma_wait3A_491 = arith.constant 0 : i32
        %dma_wait3A_492 = tpu.memref_slice %arg7[%dma_wait3A_479, %dma_wait3A_490, %dma_wait3A_491] : memref<4x640x16xf32, #tpu.memory_space<vmem>> -> memref<1x640x16xf32, #tpu.memory_space<vmem>>
        %dma_wait3A_493 = tpu.memref_squeeze %dma_wait3A_492 : memref<1x640x16xf32, #tpu.memory_space<vmem>> -> memref<640x16xf32, #tpu.memory_space<vmem>>
        %dma_wait3A_494 = arith.constant 384 : i32
        %dma_wait3A_495 = arith.constant 0 : i32
        %dma_wait3A_496 = tpu.memref_slice %dma_wait3A_493[%dma_wait3A_494, %dma_wait3A_495] : memref<640x16xf32, #tpu.memory_space<vmem>> -> memref<128x16xf32, #tpu.memory_space<vmem>>
        %dma_wait3A_497 = arith.constant 0 : i32
        %dma_wait3A_498 = arith.constant 0 : i32
        %dma_wait3A_499 = tpu.memref_slice %arg4[%dma_wait3A_497, %dma_wait3A_498] : memref<102400x16xf32, #tpu.memory_space<hbm>> -> memref<128x16xf32, #tpu.memory_space<hbm>>
        tpu.wait_dma2 semaphore(%arg14 : memref<!tpu.dma_semaphore, #tpu.memory_space<semaphore_mem>>) src(%dma_wait3A_499 : memref<128x16xf32, #tpu.memory_space<hbm>>) dst(%dma_wait3A_496 : memref<128x16xf32, #tpu.memory_space<vmem>>)
        %dma_wait3A_500 = arith.constant 0 : i32
        %dma_wait3A_501 = arith.constant 0 : i32
        %dma_wait3A_502 = arith.constant 0 : i32
        %dma_wait3A_503 = tpu.memref_slice %arg7[%dma_wait3A_500, %dma_wait3A_501, %dma_wait3A_502] : memref<4x640x16xf32, #tpu.memory_space<vmem>> -> memref<1x640x16xf32, #tpu.memory_space<vmem>>
        %dma_wait3A_504 = tpu.memref_squeeze %dma_wait3A_503 : memref<1x640x16xf32, #tpu.memory_space<vmem>> -> memref<640x16xf32, #tpu.memory_space<vmem>>
        %dma_wait3A_505 = arith.constant 512 : i32
        %dma_wait3A_506 = arith.constant 0 : i32
        %dma_wait3A_507 = tpu.memref_slice %dma_wait3A_504[%dma_wait3A_505, %dma_wait3A_506] : memref<640x16xf32, #tpu.memory_space<vmem>> -> memref<128x16xf32, #tpu.memory_space<vmem>>
        %dma_wait3A_508 = arith.constant 0 : i32
        %dma_wait3A_509 = arith.constant 0 : i32
        %dma_wait3A_510 = tpu.memref_slice %arg4[%dma_wait3A_508, %dma_wait3A_509] : memref<102400x16xf32, #tpu.memory_space<hbm>> -> memref<128x16xf32, #tpu.memory_space<hbm>>
        %dma_wait3A_511 = arith.constant 0 : i32
        %dma_wait3A_512 = arith.constant 0 : i32
        %dma_wait3A_513 = tpu.memref_slice %arg7[%dma_wait3A_500, %dma_wait3A_511, %dma_wait3A_512] : memref<4x640x16xf32, #tpu.memory_space<vmem>> -> memref<1x640x16xf32, #tpu.memory_space<vmem>>
        %dma_wait3A_514 = tpu.memref_squeeze %dma_wait3A_513 : memref<1x640x16xf32, #tpu.memory_space<vmem>> -> memref<640x16xf32, #tpu.memory_space<vmem>>
        %dma_wait3A_515 = arith.constant 512 : i32
        %dma_wait3A_516 = arith.constant 0 : i32
        %dma_wait3A_517 = tpu.memref_slice %dma_wait3A_514[%dma_wait3A_515, %dma_wait3A_516] : memref<640x16xf32, #tpu.memory_space<vmem>> -> memref<128x16xf32, #tpu.memory_space<vmem>>
        %dma_wait3A_518 = arith.constant 0 : i32
        %dma_wait3A_519 = arith.constant 0 : i32
        %dma_wait3A_520 = tpu.memref_slice %arg4[%dma_wait3A_518, %dma_wait3A_519] : memref<102400x16xf32, #tpu.memory_space<hbm>> -> memref<128x16xf32, #tpu.memory_space<hbm>>
        tpu.wait_dma2 semaphore(%arg14 : memref<!tpu.dma_semaphore, #tpu.memory_space<semaphore_mem>>) src(%dma_wait3A_520 : memref<128x16xf32, #tpu.memory_space<hbm>>) dst(%dma_wait3A_517 : memref<128x16xf32, #tpu.memory_space<vmem>>)
        %dma_wait3A_521 = arith.constant 0 : i32
        %dma_wait3A_522 = arith.constant 0 : i32
        %dma_wait3A_523 = arith.constant 0 : i32
        %dma_wait3A_524 = arith.constant 0 : i32
        %dma_wait3A_525 = tpu.memref_slice %arg8[%dma_wait3A_521, %dma_wait3A_522, %dma_wait3A_523, %dma_wait3A_524] : memref<4x5x4x128xf32, #tpu.memory_space<vmem>> -> memref<1x5x4x128xf32, #tpu.memory_space<vmem>>
        %dma_wait3A_526 = tpu.memref_squeeze %dma_wait3A_525 : memref<1x5x4x128xf32, #tpu.memory_space<vmem>> -> memref<5x4x128xf32, #tpu.memory_space<vmem>>
        %dma_wait3A_527 = arith.constant 0 : i32
        %dma_wait3A_528 = arith.constant 0 : i32
        %dma_wait3A_529 = arith.constant 0 : i32
        %dma_wait3A_530 = tpu.memref_slice %arg3[%dma_wait3A_527, %dma_wait3A_528, %dma_wait3A_529] : memref<15625x4x128xf32, #tpu.memory_space<hbm>> -> memref<5x4x128xf32, #tpu.memory_space<hbm>>
        %dma_wait3A_531 = arith.constant 0 : i32
        %dma_wait3A_532 = arith.constant 0 : i32
        %dma_wait3A_533 = arith.constant 0 : i32
        %dma_wait3A_534 = tpu.memref_slice %arg8[%dma_wait3A_521, %dma_wait3A_531, %dma_wait3A_532, %dma_wait3A_533] : memref<4x5x4x128xf32, #tpu.memory_space<vmem>> -> memref<1x5x4x128xf32, #tpu.memory_space<vmem>>
        %dma_wait3A_535 = tpu.memref_squeeze %dma_wait3A_534 : memref<1x5x4x128xf32, #tpu.memory_space<vmem>> -> memref<5x4x128xf32, #tpu.memory_space<vmem>>
        %dma_wait3A_536 = arith.constant 0 : i32
        %dma_wait3A_537 = arith.constant 0 : i32
        %dma_wait3A_538 = arith.constant 0 : i32
        %dma_wait3A_539 = tpu.memref_slice %arg3[%dma_wait3A_536, %dma_wait3A_537, %dma_wait3A_538] : memref<15625x4x128xf32, #tpu.memory_space<hbm>> -> memref<5x4x128xf32, #tpu.memory_space<hbm>>
        tpu.wait_dma2 semaphore(%arg14 : memref<!tpu.dma_semaphore, #tpu.memory_space<semaphore_mem>>) src(%dma_wait3A_539 : memref<5x4x128xf32, #tpu.memory_space<hbm>>) dst(%dma_wait3A_535 : memref<5x4x128xf32, #tpu.memory_space<vmem>>)
        %ge3A = arith.constant 128 : i32
        %ge3A_540 = arith.cmpi sge, %add3A_374, %ge3A : i32
        %convert_element_type3A_541 = arith.extui %ge3A_540 : i1 to i32
        %cond3A_542 = arith.constant 0 : i32
        %cond3A_543 = arith.cmpi ne, %convert_element_type3A_541, %cond3A_542 : i32
        scf.if %cond3A_543 {
          %dma_wait3A_573 = arith.constant 0 : i32
          %dma_wait3A_574 = arith.constant 0 : i32
          %dma_wait3A_575 = arith.constant 0 : i32
          %dma_wait3A_576 = arith.constant 0 : i32
          %dma_wait3A_577 = tpu.memref_slice %arg9[%dma_wait3A_573, %dma_wait3A_574, %dma_wait3A_575, %dma_wait3A_576] : memref<4x5x4x128xf32, #tpu.memory_space<vmem>> -> memref<1x5x4x128xf32, #tpu.memory_space<vmem>>
          %dma_wait3A_578 = tpu.memref_squeeze %dma_wait3A_577 : memref<1x5x4x128xf32, #tpu.memory_space<vmem>> -> memref<5x4x128xf32, #tpu.memory_space<vmem>>
          %dma_wait3A_579 = arith.constant 0 : i32
          %dma_wait3A_580 = arith.constant 0 : i32
          %dma_wait3A_581 = arith.constant 0 : i32
          %dma_wait3A_582 = tpu.memref_slice %arg5[%dma_wait3A_579, %dma_wait3A_580, %dma_wait3A_581] : memref<15625x4x128xf32, #tpu.memory_space<hbm>> -> memref<5x4x128xf32, #tpu.memory_space<hbm>>
          %dma_wait3A_583 = arith.constant 0 : i32
          %dma_wait3A_584 = arith.constant 0 : i32
          %dma_wait3A_585 = arith.constant 0 : i32
          %dma_wait3A_586 = tpu.memref_slice %arg5[%dma_wait3A_583, %dma_wait3A_584, %dma_wait3A_585] : memref<15625x4x128xf32, #tpu.memory_space<hbm>> -> memref<5x4x128xf32, #tpu.memory_space<hbm>>
          %dma_wait3A_587 = arith.constant 0 : i32
          %dma_wait3A_588 = arith.constant 0 : i32
          %dma_wait3A_589 = arith.constant 0 : i32
          %dma_wait3A_590 = tpu.memref_slice %arg9[%dma_wait3A_573, %dma_wait3A_587, %dma_wait3A_588, %dma_wait3A_589] : memref<4x5x4x128xf32, #tpu.memory_space<vmem>> -> memref<1x5x4x128xf32, #tpu.memory_space<vmem>>
          %dma_wait3A_591 = tpu.memref_squeeze %dma_wait3A_590 : memref<1x5x4x128xf32, #tpu.memory_space<vmem>> -> memref<5x4x128xf32, #tpu.memory_space<vmem>>
          tpu.wait_dma2 semaphore(%arg18 : memref<!tpu.dma_semaphore, #tpu.memory_space<semaphore_mem>>) src(%dma_wait3A_591 : memref<5x4x128xf32, #tpu.memory_space<vmem>>) dst(%dma_wait3A_586 : memref<5x4x128xf32, #tpu.memory_space<hbm>>)
        } else {
        }
        %scan3A_544 = arith.constant 0 : i32
        %scan3A_545 = arith.constant 0 : i32
        %scan3A_546 = arith.constant 0 : i32
        %scan3A_547 = arith.constant 0 : i32
        %scan3A_548 = arith.constant 0 : i32
        %scan3A_549 = arith.constant 40 : i32
        %scan3A_550 = arith.addi %scan3A_548, %scan3A_549 : i32
        %scan3A_551 = arith.constant 1 : i32
        %scan3A_552 = scf.for %scan3A_573 = %scan3A_548 to %scan3A_550 step %scan3A_551 iter_args(%scan3A_574 = %scan3A_547) -> (i32)  : i32 {
          %mul3A_575 = arith.constant 16 : i32
          %mul3A_576 = arith.muli %scan3A_573, %mul3A_575 : i32
          %add3A_577 = vector.broadcast %mul3A_576 : i32 to vector<16xi32>
          %add3A_578 = arith.addi %add3A_577, %iota3A : vector<16xi32>
          %shift_right_arithmetic3A = arith.constant 3 : i32
          %shift_right_arithmetic3A_579 = arith.shrsi %scan3A_573, %shift_right_arithmetic3A : i32
          %and3A = arith.constant 7 : i32
          %and3A_580 = arith.andi %scan3A_573, %and3A : i32
          %mul3A_581 = arith.constant 16 : i32
          %mul3A_582 = arith.muli %and3A_580, %mul3A_581 : i32
          %gather3A = arith.constant 0 : i32
          %gather3A_583 = arith.constant 0 : i32
          %gather3A_584 = tpu.memref_slice %arg7[%scan3A_544, %gather3A, %gather3A_583] : memref<4x640x16xf32, #tpu.memory_space<vmem>> -> memref<1x640x16xf32, #tpu.memory_space<vmem>>
          %gather3A_585 = tpu.memref_squeeze %gather3A_584 : memref<1x640x16xf32, #tpu.memory_space<vmem>> -> memref<640x16xf32, #tpu.memory_space<vmem>>
          %gather3A_586 = tpu.vector_load_idx %gather3A_585[%add3A_578, %broadcast_in_dim3A_1] : memref<640x16xf32, #tpu.memory_space<vmem>>[vector<16xi32>, vector<16xi32>], vector<16xf32>,
          %gather3A_587 = arith.constant 0 : i32
          %gather3A_588 = arith.constant 0 : i32
          %gather3A_589 = tpu.memref_slice %arg7[%scan3A_544, %gather3A_587, %gather3A_588] : memref<4x640x16xf32, #tpu.memory_space<vmem>> -> memref<1x640x16xf32, #tpu.memory_space<vmem>>
          %gather3A_590 = tpu.memref_squeeze %gather3A_589 : memref<1x640x16xf32, #tpu.memory_space<vmem>> -> memref<640x16xf32, #tpu.memory_space<vmem>>
          %gather3A_591 = tpu.vector_load_idx %gather3A_590[%add3A_578, %broadcast_in_dim3A_3] : memref<640x16xf32, #tpu.memory_space<vmem>>[vector<16xi32>, vector<16xi32>], vector<16xf32>,
          %gather3A_592 = arith.constant 0 : i32
          %gather3A_593 = arith.constant 0 : i32
          %gather3A_594 = tpu.memref_slice %arg7[%scan3A_544, %gather3A_592, %gather3A_593] : memref<4x640x16xf32, #tpu.memory_space<vmem>> -> memref<1x640x16xf32, #tpu.memory_space<vmem>>
          %gather3A_595 = tpu.memref_squeeze %gather3A_594 : memref<1x640x16xf32, #tpu.memory_space<vmem>> -> memref<640x16xf32, #tpu.memory_space<vmem>>
          %gather3A_596 = tpu.vector_load_idx %gather3A_595[%add3A_578, %broadcast_in_dim3A_5] : memref<640x16xf32, #tpu.memory_space<vmem>>[vector<16xi32>, vector<16xi32>], vector<16xf32>,
          %gather3A_597 = arith.constant 0 : i32
          %gather3A_598 = arith.constant 0 : i32
          %gather3A_599 = tpu.memref_slice %arg7[%scan3A_544, %gather3A_597, %gather3A_598] : memref<4x640x16xf32, #tpu.memory_space<vmem>> -> memref<1x640x16xf32, #tpu.memory_space<vmem>>
          %gather3A_600 = tpu.memref_squeeze %gather3A_599 : memref<1x640x16xf32, #tpu.memory_space<vmem>> -> memref<640x16xf32, #tpu.memory_space<vmem>>
          %gather3A_601 = tpu.vector_load_idx %gather3A_600[%add3A_578, %broadcast_in_dim3A_7] : memref<640x16xf32, #tpu.memory_space<vmem>>[vector<16xi32>, vector<16xi32>], vector<16xf32>,
          %gather3A_602 = arith.constant 0 : i32
          %gather3A_603 = arith.constant 0 : i32
          %gather3A_604 = tpu.memref_slice %arg7[%scan3A_544, %gather3A_602, %gather3A_603] : memref<4x640x16xf32, #tpu.memory_space<vmem>> -> memref<1x640x16xf32, #tpu.memory_space<vmem>>
          %gather3A_605 = tpu.memref_squeeze %gather3A_604 : memref<1x640x16xf32, #tpu.memory_space<vmem>> -> memref<640x16xf32, #tpu.memory_space<vmem>>
          %gather3A_606 = tpu.vector_load_idx %gather3A_605[%add3A_578, %broadcast_in_dim3A_9] : memref<640x16xf32, #tpu.memory_space<vmem>>[vector<16xi32>, vector<16xi32>], vector<16xf32>,
          %gather3A_607 = arith.constant 0 : i32
          %gather3A_608 = arith.constant 0 : i32
          %gather3A_609 = tpu.memref_slice %arg7[%scan3A_544, %gather3A_607, %gather3A_608] : memref<4x640x16xf32, #tpu.memory_space<vmem>> -> memref<1x640x16xf32, #tpu.memory_space<vmem>>
          %gather3A_610 = tpu.memref_squeeze %gather3A_609 : memref<1x640x16xf32, #tpu.memory_space<vmem>> -> memref<640x16xf32, #tpu.memory_space<vmem>>
          %gather3A_611 = tpu.vector_load_idx %gather3A_610[%add3A_578, %broadcast_in_dim3A_11] : memref<640x16xf32, #tpu.memory_space<vmem>>[vector<16xi32>, vector<16xi32>], vector<16xf32>,
          %gather3A_612 = arith.constant 0 : i32
          %gather3A_613 = arith.constant 0 : i32
          %gather3A_614 = tpu.memref_slice %arg7[%scan3A_544, %gather3A_612, %gather3A_613] : memref<4x640x16xf32, #tpu.memory_space<vmem>> -> memref<1x640x16xf32, #tpu.memory_space<vmem>>
          %gather3A_615 = tpu.memref_squeeze %gather3A_614 : memref<1x640x16xf32, #tpu.memory_space<vmem>> -> memref<640x16xf32, #tpu.memory_space<vmem>>
          %gather3A_616 = tpu.vector_load_idx %gather3A_615[%add3A_578, %broadcast_in_dim3A_13] : memref<640x16xf32, #tpu.memory_space<vmem>>[vector<16xi32>, vector<16xi32>], vector<16xf32>,
          %gather3A_617 = arith.constant 0 : i32
          %gather3A_618 = arith.constant 0 : i32
          %gather3A_619 = tpu.memref_slice %arg7[%scan3A_544, %gather3A_617, %gather3A_618] : memref<4x640x16xf32, #tpu.memory_space<vmem>> -> memref<1x640x16xf32, #tpu.memory_space<vmem>>
          %gather3A_620 = tpu.memref_squeeze %gather3A_619 : memref<1x640x16xf32, #tpu.memory_space<vmem>> -> memref<640x16xf32, #tpu.memory_space<vmem>>
          %gather3A_621 = tpu.vector_load_idx %gather3A_620[%add3A_578, %broadcast_in_dim3A_15] : memref<640x16xf32, #tpu.memory_space<vmem>>[vector<16xi32>, vector<16xi32>], vector<16xf32>,
          %gather3A_622 = arith.constant 0 : i32
          %gather3A_623 = arith.constant 0 : i32
          %gather3A_624 = tpu.memref_slice %arg7[%scan3A_544, %gather3A_622, %gather3A_623] : memref<4x640x16xf32, #tpu.memory_space<vmem>> -> memref<1x640x16xf32, #tpu.memory_space<vmem>>
          %gather3A_625 = tpu.memref_squeeze %gather3A_624 : memref<1x640x16xf32, #tpu.memory_space<vmem>> -> memref<640x16xf32, #tpu.memory_space<vmem>>
          %gather3A_626 = tpu.vector_load_idx %gather3A_625[%add3A_578, %broadcast_in_dim3A_17] : memref<640x16xf32, #tpu.memory_space<vmem>>[vector<16xi32>, vector<16xi32>], vector<16xf32>,
          %gather3A_627 = arith.constant 0 : i32
          %gather3A_628 = arith.constant 0 : i32
          %gather3A_629 = tpu.memref_slice %arg7[%scan3A_544, %gather3A_627, %gather3A_628] : memref<4x640x16xf32, #tpu.memory_space<vmem>> -> memref<1x640x16xf32, #tpu.memory_space<vmem>>
          %gather3A_630 = tpu.memref_squeeze %gather3A_629 : memref<1x640x16xf32, #tpu.memory_space<vmem>> -> memref<640x16xf32, #tpu.memory_space<vmem>>
          %gather3A_631 = tpu.vector_load_idx %gather3A_630[%add3A_578, %broadcast_in_dim3A_19] : memref<640x16xf32, #tpu.memory_space<vmem>>[vector<16xi32>, vector<16xi32>], vector<16xf32>,
          %gather3A_632 = arith.constant 0 : i32
          %gather3A_633 = arith.constant 0 : i32
          %gather3A_634 = tpu.memref_slice %arg7[%scan3A_544, %gather3A_632, %gather3A_633] : memref<4x640x16xf32, #tpu.memory_space<vmem>> -> memref<1x640x16xf32, #tpu.memory_space<vmem>>
          %gather3A_635 = tpu.memref_squeeze %gather3A_634 : memref<1x640x16xf32, #tpu.memory_space<vmem>> -> memref<640x16xf32, #tpu.memory_space<vmem>>
          %gather3A_636 = tpu.vector_load_idx %gather3A_635[%add3A_578, %broadcast_in_dim3A_21] : memref<640x16xf32, #tpu.memory_space<vmem>>[vector<16xi32>, vector<16xi32>], vector<16xf32>,
          %gather3A_637 = arith.constant 0 : i32
          %gather3A_638 = arith.constant 0 : i32
          %gather3A_639 = tpu.memref_slice %arg7[%scan3A_544, %gather3A_637, %gather3A_638] : memref<4x640x16xf32, #tpu.memory_space<vmem>> -> memref<1x640x16xf32, #tpu.memory_space<vmem>>
          %gather3A_640 = tpu.memref_squeeze %gather3A_639 : memref<1x640x16xf32, #tpu.memory_space<vmem>> -> memref<640x16xf32, #tpu.memory_space<vmem>>
          %gather3A_641 = tpu.vector_load_idx %gather3A_640[%add3A_578, %broadcast_in_dim3A_23] : memref<640x16xf32, #tpu.memory_space<vmem>>[vector<16xi32>, vector<16xi32>], vector<16xf32>,
          %get3A = arith.constant 0 : i32
          %get3A_642 = arith.constant 0 : i32
          %get3A_643 = arith.constant 0 : i32
          %get3A_644 = arith.constant 0 : i32
          %get3A_645 = tpu.memref_slice %arg8[%scan3A_545, %get3A_642, %get3A_643, %get3A_644] : memref<4x5x4x128xf32, #tpu.memory_space<vmem>> -> memref<1x5x4x128xf32, #tpu.memory_space<vmem>>
          %get3A_646 = tpu.memref_squeeze %get3A_645 : memref<1x5x4x128xf32, #tpu.memory_space<vmem>> -> memref<5x4x128xf32, #tpu.memory_space<vmem>>
          %get3A_647 = arith.index_cast %shift_right_arithmetic3A_579 : i32 to index
          %get3A_648 = arith.index_cast %get3A : i32 to index
          %get3A_649 = arith.index_cast %mul3A_582 : i32 to index
          %get3A_650 = tpu.vector_load %get3A_646[%get3A_647, %get3A_648, %get3A_649] {strides = array<i32>} : memref<5x4x128xf32, #tpu.memory_space<vmem>>, vector<16xf32>,
          %get3A_651 = arith.constant 1 : i32
          %get3A_652 = arith.constant 0 : i32
          %get3A_653 = arith.constant 0 : i32
          %get3A_654 = arith.constant 0 : i32
          %get3A_655 = tpu.memref_slice %arg8[%scan3A_545, %get3A_652, %get3A_653, %get3A_654] : memref<4x5x4x128xf32, #tpu.memory_space<vmem>> -> memref<1x5x4x128xf32, #tpu.memory_space<vmem>>
          %get3A_656 = tpu.memref_squeeze %get3A_655 : memref<1x5x4x128xf32, #tpu.memory_space<vmem>> -> memref<5x4x128xf32, #tpu.memory_space<vmem>>
          %get3A_657 = arith.index_cast %shift_right_arithmetic3A_579 : i32 to index
          %get3A_658 = arith.index_cast %get3A_651 : i32 to index
          %get3A_659 = arith.index_cast %mul3A_582 : i32 to index
          %get3A_660 = tpu.vector_load %get3A_656[%get3A_657, %get3A_658, %get3A_659] {strides = array<i32>} : memref<5x4x128xf32, #tpu.memory_space<vmem>>, vector<16xf32>,
          %get3A_661 = arith.constant 2 : i32
          %get3A_662 = arith.constant 0 : i32
          %get3A_663 = arith.constant 0 : i32
          %get3A_664 = arith.constant 0 : i32
          %get3A_665 = tpu.memref_slice %arg8[%scan3A_545, %get3A_662, %get3A_663, %get3A_664] : memref<4x5x4x128xf32, #tpu.memory_space<vmem>> -> memref<1x5x4x128xf32, #tpu.memory_space<vmem>>
          %get3A_666 = tpu.memref_squeeze %get3A_665 : memref<1x5x4x128xf32, #tpu.memory_space<vmem>> -> memref<5x4x128xf32, #tpu.memory_space<vmem>>
          %get3A_667 = arith.index_cast %shift_right_arithmetic3A_579 : i32 to index
          %get3A_668 = arith.index_cast %get3A_661 : i32 to index
          %get3A_669 = arith.index_cast %mul3A_582 : i32 to index
          %get3A_670 = tpu.vector_load %get3A_666[%get3A_667, %get3A_668, %get3A_669] {strides = array<i32>} : memref<5x4x128xf32, #tpu.memory_space<vmem>>, vector<16xf32>,
          %mul3A_671 = arith.mulf %gather3A_586, %get3A_650 : vector<16xf32>
          %mul3A_672 = arith.mulf %gather3A_591, %get3A_660 : vector<16xf32>
          %add3A_673 = arith.addf %mul3A_671, %mul3A_672 : vector<16xf32>
          %mul3A_674 = arith.mulf %gather3A_596, %get3A_670 : vector<16xf32>
          %add3A_675 = arith.addf %add3A_673, %mul3A_674 : vector<16xf32>
          %add3A_676 = arith.addf %add3A_675, %gather3A_631 : vector<16xf32>
          %swap3A = arith.constant 0 : i32
          %swap3A_677 = arith.constant 0 : i32
          %swap3A_678 = arith.constant 0 : i32
          %swap3A_679 = arith.constant 0 : i32
          %swap3A_680 = tpu.memref_slice %arg9[%scan3A_546, %swap3A_677, %swap3A_678, %swap3A_679] : memref<4x5x4x128xf32, #tpu.memory_space<vmem>> -> memref<1x5x4x128xf32, #tpu.memory_space<vmem>>
          %swap3A_681 = tpu.memref_squeeze %swap3A_680 : memref<1x5x4x128xf32, #tpu.memory_space<vmem>> -> memref<5x4x128xf32, #tpu.memory_space<vmem>>
          %swap3A_682 = arith.index_cast %shift_right_arithmetic3A_579 : i32 to index
          %swap3A_683 = arith.index_cast %swap3A : i32 to index
          %swap3A_684 = arith.index_cast %mul3A_582 : i32 to index
          %swap3A_685 = tpu.vector_load %swap3A_681[%swap3A_682, %swap3A_683, %swap3A_684] {strides = array<i32>} : memref<5x4x128xf32, #tpu.memory_space<vmem>>, vector<16xf32>,
          tpu.vector_store %swap3A_681[%swap3A_682, %swap3A_683, %swap3A_684], %add3A_676 {strides = array<i32>} : memref<5x4x128xf32, #tpu.memory_space<vmem>>, vector<16xf32>,
          %mul3A_686 = arith.mulf %gather3A_601, %get3A_650 : vector<16xf32>
          %mul3A_687 = arith.mulf %gather3A_606, %get3A_660 : vector<16xf32>
          %add3A_688 = arith.addf %mul3A_686, %mul3A_687 : vector<16xf32>
          %mul3A_689 = arith.mulf %gather3A_611, %get3A_670 : vector<16xf32>
          %add3A_690 = arith.addf %add3A_688, %mul3A_689 : vector<16xf32>
          %add3A_691 = arith.addf %add3A_690, %gather3A_636 : vector<16xf32>
          %swap3A_692 = arith.constant 1 : i32
          %swap3A_693 = arith.constant 0 : i32
          %swap3A_694 = arith.constant 0 : i32
          %swap3A_695 = arith.constant 0 : i32
          %swap3A_696 = tpu.memref_slice %arg9[%scan3A_546, %swap3A_693, %swap3A_694, %swap3A_695] : memref<4x5x4x128xf32, #tpu.memory_space<vmem>> -> memref<1x5x4x128xf32, #tpu.memory_space<vmem>>
          %swap3A_697 = tpu.memref_squeeze %swap3A_696 : memref<1x5x4x128xf32, #tpu.memory_space<vmem>> -> memref<5x4x128xf32, #tpu.memory_space<vmem>>
          %swap3A_698 = arith.index_cast %shift_right_arithmetic3A_579 : i32 to index
          %swap3A_699 = arith.index_cast %swap3A_692 : i32 to index
          %swap3A_700 = arith.index_cast %mul3A_582 : i32 to index
          %swap3A_701 = tpu.vector_load %swap3A_697[%swap3A_698, %swap3A_699, %swap3A_700] {strides = array<i32>} : memref<5x4x128xf32, #tpu.memory_space<vmem>>, vector<16xf32>,
          tpu.vector_store %swap3A_697[%swap3A_698, %swap3A_699, %swap3A_700], %add3A_691 {strides = array<i32>} : memref<5x4x128xf32, #tpu.memory_space<vmem>>, vector<16xf32>,
          %mul3A_702 = arith.mulf %gather3A_616, %get3A_650 : vector<16xf32>
          %mul3A_703 = arith.mulf %gather3A_621, %get3A_660 : vector<16xf32>
          %add3A_704 = arith.addf %mul3A_702, %mul3A_703 : vector<16xf32>
          %mul3A_705 = arith.mulf %gather3A_626, %get3A_670 : vector<16xf32>
          %add3A_706 = arith.addf %add3A_704, %mul3A_705 : vector<16xf32>
          %add3A_707 = arith.addf %add3A_706, %gather3A_641 : vector<16xf32>
          %swap3A_708 = arith.constant 2 : i32
          %swap3A_709 = arith.constant 0 : i32
          %swap3A_710 = arith.constant 0 : i32
          %swap3A_711 = arith.constant 0 : i32
          %swap3A_712 = tpu.memref_slice %arg9[%scan3A_546, %swap3A_709, %swap3A_710, %swap3A_711] : memref<4x5x4x128xf32, #tpu.memory_space<vmem>> -> memref<1x5x4x128xf32, #tpu.memory_space<vmem>>
          %swap3A_713 = tpu.memref_squeeze %swap3A_712 : memref<1x5x4x128xf32, #tpu.memory_space<vmem>> -> memref<5x4x128xf32, #tpu.memory_space<vmem>>
          %swap3A_714 = arith.index_cast %shift_right_arithmetic3A_579 : i32 to index
          %swap3A_715 = arith.index_cast %swap3A_708 : i32 to index
          %swap3A_716 = arith.index_cast %mul3A_582 : i32 to index
          %swap3A_717 = tpu.vector_load %swap3A_713[%swap3A_714, %swap3A_715, %swap3A_716] {strides = array<i32>} : memref<5x4x128xf32, #tpu.memory_space<vmem>>, vector<16xf32>,
          tpu.vector_store %swap3A_713[%swap3A_714, %swap3A_715, %swap3A_716], %add3A_707 {strides = array<i32>} : memref<5x4x128xf32, #tpu.memory_space<vmem>>, vector<16xf32>,
          %scan3A_718 = arith.constant 0 : i32
          scf.yield %scan3A_718 : i32
        }
        %scan3A_553 = arith.constant 40 : i32
        %mul3A_554 = arith.constant 5 : i32
        %mul3A_555 = arith.muli %add3A_374, %mul3A_554 : i32
        %dma_start3A_556 = arith.constant 0 : i32
        %dma_start3A_557 = arith.constant 0 : i32
        %dma_start3A_558 = arith.constant 0 : i32
        %dma_start3A_559 = arith.constant 0 : i32
        %dma_start3A_560 = tpu.memref_slice %arg9[%dma_start3A_556, %dma_start3A_557, %dma_start3A_558, %dma_start3A_559] : memref<4x5x4x128xf32, #tpu.memory_space<vmem>> -> memref<1x5x4x128xf32, #tpu.memory_space<vmem>>
        %dma_start3A_561 = tpu.memref_squeeze %dma_start3A_560 : memref<1x5x4x128xf32, #tpu.memory_space<vmem>> -> memref<5x4x128xf32, #tpu.memory_space<vmem>>
        %dma_start3A_562 = arith.constant 0 : i32
        %dma_start3A_563 = arith.constant 0 : i32
        %dma_start3A_564 = tpu.memref_slice %arg5[%mul3A_555, %dma_start3A_562, %dma_start3A_563] : memref<15625x4x128xf32, #tpu.memory_space<hbm>> -> memref<5x4x128xf32, #tpu.memory_space<hbm>>
        %dma_start3A_565 = arith.constant 0 : i32
        %dma_start3A_566 = arith.constant 0 : i32
        %dma_start3A_567 = tpu.memref_slice %arg5[%mul3A_555, %dma_start3A_565, %dma_start3A_566] : memref<15625x4x128xf32, #tpu.memory_space<hbm>> -> memref<5x4x128xf32, #tpu.memory_space<hbm>>
        %dma_start3A_568 = arith.constant 0 : i32
        %dma_start3A_569 = arith.constant 0 : i32
        %dma_start3A_570 = arith.constant 0 : i32
        %dma_start3A_571 = tpu.memref_slice %arg9[%dma_start3A_556, %dma_start3A_568, %dma_start3A_569, %dma_start3A_570] : memref<4x5x4x128xf32, #tpu.memory_space<vmem>> -> memref<1x5x4x128xf32, #tpu.memory_space<vmem>>
        %dma_start3A_572 = tpu.memref_squeeze %dma_start3A_571 : memref<1x5x4x128xf32, #tpu.memory_space<vmem>> -> memref<5x4x128xf32, #tpu.memory_space<vmem>>
        tpu.enqueue_dma source(%dma_start3A_572 : memref<5x4x128xf32, #tpu.memory_space<vmem>>) target(%dma_start3A_567 : memref<5x4x128xf32, #tpu.memory_space<hbm>>) target_semaphore(%arg18 : memref<!tpu.dma_semaphore, #tpu.memory_space<semaphore_mem>>)
      } else {
      }
      %add3A_380 = arith.constant 32 : i32
      %add3A_381 = arith.addi %add3A_374, %add3A_380 : i32
      %lt3A_382 = arith.constant 3125 : i32
      %lt3A_383 = arith.cmpi slt, %add3A_381, %lt3A_382 : i32
      %convert_element_type3A_384 = arith.extui %lt3A_383 : i1 to i32
      %cond3A_385 = arith.constant 0 : i32
      %cond3A_386 = arith.cmpi ne, %convert_element_type3A_384, %cond3A_385 : i32
      scf.if %cond3A_386 {
        %add3A_402 = arith.constant 96 : i32
        %add3A_403 = arith.addi %add3A_381, %add3A_402 : i32
        %lt3A_404 = arith.constant 3125 : i32
        %lt3A_405 = arith.cmpi slt, %add3A_403, %lt3A_404 : i32
        %convert_element_type3A_406 = arith.extui %lt3A_405 : i1 to i32
        %cond3A_407 = arith.constant 0 : i32
        %cond3A_408 = arith.cmpi ne, %convert_element_type3A_406, %cond3A_407 : i32
        scf.if %cond3A_408 {
          %add3A_573 = arith.constant 96 : i32
          %add3A_574 = arith.addi %add3A_381, %add3A_573 : i32
          %mul3A_575 = arith.constant 640 : i32
          %mul3A_576 = arith.muli %add3A_574, %mul3A_575 : i32
          %dma_start3A_577 = arith.constant 0 : i32
          %dma_start3A_578 = arith.constant 0 : i32
          %dma_start3A_579 = tpu.memref_slice %arg6[%dma_start3A_577, %dma_start3A_578] : memref<4x640xi32, #tpu.memory_space<vmem>> -> memref<1x640xi32, #tpu.memory_space<vmem>>
          %dma_start3A_580 = tpu.memref_squeeze %dma_start3A_579 : memref<1x640xi32, #tpu.memory_space<vmem>> -> memref<640xi32, #tpu.memory_space<vmem>>
          %dma_start3A_581 = tpu.memref_slice %arg2[%mul3A_576] : memref<2000000xi32, #tpu.memory_space<hbm>> -> memref<640xi32, #tpu.memory_space<hbm>>
          %dma_start3A_582 = arith.constant 0 : i32
          %dma_start3A_583 = tpu.memref_slice %arg6[%dma_start3A_577, %dma_start3A_582] : memref<4x640xi32, #tpu.memory_space<vmem>> -> memref<1x640xi32, #tpu.memory_space<vmem>>
          %dma_start3A_584 = tpu.memref_squeeze %dma_start3A_583 : memref<1x640xi32, #tpu.memory_space<vmem>> -> memref<640xi32, #tpu.memory_space<vmem>>
          %dma_start3A_585 = tpu.memref_slice %arg2[%mul3A_576] : memref<2000000xi32, #tpu.memory_space<hbm>> -> memref<640xi32, #tpu.memory_space<hbm>>
          tpu.enqueue_dma source(%dma_start3A_585 : memref<640xi32, #tpu.memory_space<hbm>>) target(%dma_start3A_584 : memref<640xi32, #tpu.memory_space<vmem>>) target_semaphore(%arg10 : memref<!tpu.dma_semaphore, #tpu.memory_space<semaphore_mem>>)
        } else {
        }
        %add3A_409 = arith.constant 64 : i32
        %add3A_410 = arith.addi %add3A_381, %add3A_409 : i32
        %lt3A_411 = arith.constant 3125 : i32
        %lt3A_412 = arith.cmpi slt, %add3A_410, %lt3A_411 : i32
        %convert_element_type3A_413 = arith.extui %lt3A_412 : i1 to i32
        %cond3A_414 = arith.constant 0 : i32
        %cond3A_415 = arith.cmpi ne, %convert_element_type3A_413, %cond3A_414 : i32
        scf.if %cond3A_415 {
          %dma_wait3A_573 = arith.constant 3 : i32
          %dma_wait3A_574 = arith.constant 0 : i32
          %dma_wait3A_575 = tpu.memref_slice %arg6[%dma_wait3A_573, %dma_wait3A_574] : memref<4x640xi32, #tpu.memory_space<vmem>> -> memref<1x640xi32, #tpu.memory_space<vmem>>
          %dma_wait3A_576 = tpu.memref_squeeze %dma_wait3A_575 : memref<1x640xi32, #tpu.memory_space<vmem>> -> memref<640xi32, #tpu.memory_space<vmem>>
          %dma_wait3A_577 = arith.constant 0 : i32
          %dma_wait3A_578 = tpu.memref_slice %arg2[%dma_wait3A_577] : memref<2000000xi32, #tpu.memory_space<hbm>> -> memref<640xi32, #tpu.memory_space<hbm>>
          %dma_wait3A_579 = arith.constant 0 : i32
          %dma_wait3A_580 = tpu.memref_slice %arg6[%dma_wait3A_573, %dma_wait3A_579] : memref<4x640xi32, #tpu.memory_space<vmem>> -> memref<1x640xi32, #tpu.memory_space<vmem>>
          %dma_wait3A_581 = tpu.memref_squeeze %dma_wait3A_580 : memref<1x640xi32, #tpu.memory_space<vmem>> -> memref<640xi32, #tpu.memory_space<vmem>>
          %dma_wait3A_582 = arith.constant 0 : i32
          %dma_wait3A_583 = tpu.memref_slice %arg2[%dma_wait3A_582] : memref<2000000xi32, #tpu.memory_space<hbm>> -> memref<640xi32, #tpu.memory_space<hbm>>
          tpu.wait_dma2 semaphore(%arg13 : memref<!tpu.dma_semaphore, #tpu.memory_space<semaphore_mem>>) src(%dma_wait3A_583 : memref<640xi32, #tpu.memory_space<hbm>>) dst(%dma_wait3A_581 : memref<640xi32, #tpu.memory_space<vmem>>)
          %add3A_584 = arith.constant 64 : i32
          %add3A_585 = arith.addi %add3A_381, %add3A_584 : i32
          %mul3A_586 = arith.constant 640 : i32
          %mul3A_587 = arith.muli %add3A_585, %mul3A_586 : i32
          %dma_start3A_588 = arith.constant 3 : i32
          %dma_start3A_589 = arith.constant 3 : i32
          %dma_start3A_590 = arith.constant 0 : i32
          %dma_start3A_591 = arith.constant 0 : i32
          %dma_start3A_592 = tpu.memref_slice %arg7[%dma_start3A_589, %dma_start3A_590, %dma_start3A_591] : memref<4x640x16xf32, #tpu.memory_space<vmem>> -> memref<1x640x16xf32, #tpu.memory_space<vmem>>
          %dma_start3A_593 = tpu.memref_squeeze %dma_start3A_592 : memref<1x640x16xf32, #tpu.memory_space<vmem>> -> memref<640x16xf32, #tpu.memory_space<vmem>>
          %dma_start3A_594 = arith.constant 0 : i32
          %dma_start3A_595 = arith.constant 0 : i32
          %dma_start3A_596 = tpu.memref_slice %dma_start3A_593[%dma_start3A_594, %dma_start3A_595] : memref<640x16xf32, #tpu.memory_space<vmem>> -> memref<128x16xf32, #tpu.memory_space<vmem>>
          %dma_start3A_597 = arith.constant 0 : i32
          %dma_start3A_598 = tpu.memref_slice %arg6[%dma_start3A_588, %dma_start3A_597] : memref<4x640xi32, #tpu.memory_space<vmem>> -> memref<1x640xi32, #tpu.memory_space<vmem>>
          %dma_start3A_599 = tpu.memref_squeeze %dma_start3A_598 : memref<1x640xi32, #tpu.memory_space<vmem>> -> memref<640xi32, #tpu.memory_space<vmem>>
          %dma_start3A_600 = arith.constant 0 : i32
          %dma_start3A_601 = tpu.memref_slice %dma_start3A_599[%dma_start3A_600] : memref<640xi32, #tpu.memory_space<vmem>> -> memref<128xi32, #tpu.memory_space<vmem>>
          %dma_start3A_602 = arith.constant 0 : i32
          %dma_start3A_603 = arith.constant 0 : i32
          %dma_start3A_604 = tpu.memref_slice %arg4[%dma_start3A_602, %dma_start3A_603] : memref<102400x16xf32, #tpu.memory_space<hbm>> -> memref<102400x16xf32, #tpu.memory_space<hbm>>
          tpu.enqueue_indirect_dma source(%dma_start3A_604 : memref<102400x16xf32, #tpu.memory_space<hbm>>) target(%dma_start3A_596 : memref<128x16xf32, #tpu.memory_space<vmem>>) offsets(%dma_start3A_601 : memref<128xi32, #tpu.memory_space<vmem>>) semaphore(%arg17 : memref<!tpu.dma_semaphore, #tpu.memory_space<semaphore_mem>>)
          %dma_start3A_605 = arith.constant 3 : i32
          %dma_start3A_606 = arith.constant 3 : i32
          %dma_start3A_607 = arith.constant 0 : i32
          %dma_start3A_608 = arith.constant 0 : i32
          %dma_start3A_609 = tpu.memref_slice %arg7[%dma_start3A_606, %dma_start3A_607, %dma_start3A_608] : memref<4x640x16xf32, #tpu.memory_space<vmem>> -> memref<1x640x16xf32, #tpu.memory_space<vmem>>
          %dma_start3A_610 = tpu.memref_squeeze %dma_start3A_609 : memref<1x640x16xf32, #tpu.memory_space<vmem>> -> memref<640x16xf32, #tpu.memory_space<vmem>>
          %dma_start3A_611 = arith.constant 128 : i32
          %dma_start3A_612 = arith.constant 0 : i32
          %dma_start3A_613 = tpu.memref_slice %dma_start3A_610[%dma_start3A_611, %dma_start3A_612] : memref<640x16xf32, #tpu.memory_space<vmem>> -> memref<128x16xf32, #tpu.memory_space<vmem>>
          %dma_start3A_614 = arith.constant 0 : i32
          %dma_start3A_615 = tpu.memref_slice %arg6[%dma_start3A_605, %dma_start3A_614] : memref<4x640xi32, #tpu.memory_space<vmem>> -> memref<1x640xi32, #tpu.memory_space<vmem>>
          %dma_start3A_616 = tpu.memref_squeeze %dma_start3A_615 : memref<1x640xi32, #tpu.memory_space<vmem>> -> memref<640xi32, #tpu.memory_space<vmem>>
          %dma_start3A_617 = arith.constant 128 : i32
          %dma_start3A_618 = tpu.memref_slice %dma_start3A_616[%dma_start3A_617] : memref<640xi32, #tpu.memory_space<vmem>> -> memref<128xi32, #tpu.memory_space<vmem>>
          %dma_start3A_619 = arith.constant 0 : i32
          %dma_start3A_620 = arith.constant 0 : i32
          %dma_start3A_621 = tpu.memref_slice %arg4[%dma_start3A_619, %dma_start3A_620] : memref<102400x16xf32, #tpu.memory_space<hbm>> -> memref<102400x16xf32, #tpu.memory_space<hbm>>
          tpu.enqueue_indirect_dma source(%dma_start3A_621 : memref<102400x16xf32, #tpu.memory_space<hbm>>) target(%dma_start3A_613 : memref<128x16xf32, #tpu.memory_space<vmem>>) offsets(%dma_start3A_618 : memref<128xi32, #tpu.memory_space<vmem>>) semaphore(%arg17 : memref<!tpu.dma_semaphore, #tpu.memory_space<semaphore_mem>>)
          %dma_start3A_622 = arith.constant 3 : i32
          %dma_start3A_623 = arith.constant 3 : i32
          %dma_start3A_624 = arith.constant 0 : i32
          %dma_start3A_625 = arith.constant 0 : i32
          %dma_start3A_626 = tpu.memref_slice %arg7[%dma_start3A_623, %dma_start3A_624, %dma_start3A_625] : memref<4x640x16xf32, #tpu.memory_space<vmem>> -> memref<1x640x16xf32, #tpu.memory_space<vmem>>
          %dma_start3A_627 = tpu.memref_squeeze %dma_start3A_626 : memref<1x640x16xf32, #tpu.memory_space<vmem>> -> memref<640x16xf32, #tpu.memory_space<vmem>>
          %dma_start3A_628 = arith.constant 256 : i32
          %dma_start3A_629 = arith.constant 0 : i32
          %dma_start3A_630 = tpu.memref_slice %dma_start3A_627[%dma_start3A_628, %dma_start3A_629] : memref<640x16xf32, #tpu.memory_space<vmem>> -> memref<128x16xf32, #tpu.memory_space<vmem>>
          %dma_start3A_631 = arith.constant 0 : i32
          %dma_start3A_632 = tpu.memref_slice %arg6[%dma_start3A_622, %dma_start3A_631] : memref<4x640xi32, #tpu.memory_space<vmem>> -> memref<1x640xi32, #tpu.memory_space<vmem>>
          %dma_start3A_633 = tpu.memref_squeeze %dma_start3A_632 : memref<1x640xi32, #tpu.memory_space<vmem>> -> memref<640xi32, #tpu.memory_space<vmem>>
          %dma_start3A_634 = arith.constant 256 : i32
          %dma_start3A_635 = tpu.memref_slice %dma_start3A_633[%dma_start3A_634] : memref<640xi32, #tpu.memory_space<vmem>> -> memref<128xi32, #tpu.memory_space<vmem>>
          %dma_start3A_636 = arith.constant 0 : i32
          %dma_start3A_637 = arith.constant 0 : i32
          %dma_start3A_638 = tpu.memref_slice %arg4[%dma_start3A_636, %dma_start3A_637] : memref<102400x16xf32, #tpu.memory_space<hbm>> -> memref<102400x16xf32, #tpu.memory_space<hbm>>
          tpu.enqueue_indirect_dma source(%dma_start3A_638 : memref<102400x16xf32, #tpu.memory_space<hbm>>) target(%dma_start3A_630 : memref<128x16xf32, #tpu.memory_space<vmem>>) offsets(%dma_start3A_635 : memref<128xi32, #tpu.memory_space<vmem>>) semaphore(%arg17 : memref<!tpu.dma_semaphore, #tpu.memory_space<semaphore_mem>>)
          %dma_start3A_639 = arith.constant 3 : i32
          %dma_start3A_640 = arith.constant 3 : i32
          %dma_start3A_641 = arith.constant 0 : i32
          %dma_start3A_642 = arith.constant 0 : i32
          %dma_start3A_643 = tpu.memref_slice %arg7[%dma_start3A_640, %dma_start3A_641, %dma_start3A_642] : memref<4x640x16xf32, #tpu.memory_space<vmem>> -> memref<1x640x16xf32, #tpu.memory_space<vmem>>
          %dma_start3A_644 = tpu.memref_squeeze %dma_start3A_643 : memref<1x640x16xf32, #tpu.memory_space<vmem>> -> memref<640x16xf32, #tpu.memory_space<vmem>>
          %dma_start3A_645 = arith.constant 384 : i32
          %dma_start3A_646 = arith.constant 0 : i32
          %dma_start3A_647 = tpu.memref_slice %dma_start3A_644[%dma_start3A_645, %dma_start3A_646] : memref<640x16xf32, #tpu.memory_space<vmem>> -> memref<128x16xf32, #tpu.memory_space<vmem>>
          %dma_start3A_648 = arith.constant 0 : i32
          %dma_start3A_649 = tpu.memref_slice %arg6[%dma_start3A_639, %dma_start3A_648] : memref<4x640xi32, #tpu.memory_space<vmem>> -> memref<1x640xi32, #tpu.memory_space<vmem>>
          %dma_start3A_650 = tpu.memref_squeeze %dma_start3A_649 : memref<1x640xi32, #tpu.memory_space<vmem>> -> memref<640xi32, #tpu.memory_space<vmem>>
          %dma_start3A_651 = arith.constant 384 : i32
          %dma_start3A_652 = tpu.memref_slice %dma_start3A_650[%dma_start3A_651] : memref<640xi32, #tpu.memory_space<vmem>> -> memref<128xi32, #tpu.memory_space<vmem>>
          %dma_start3A_653 = arith.constant 0 : i32
          %dma_start3A_654 = arith.constant 0 : i32
          %dma_start3A_655 = tpu.memref_slice %arg4[%dma_start3A_653, %dma_start3A_654] : memref<102400x16xf32, #tpu.memory_space<hbm>> -> memref<102400x16xf32, #tpu.memory_space<hbm>>
          tpu.enqueue_indirect_dma source(%dma_start3A_655 : memref<102400x16xf32, #tpu.memory_space<hbm>>) target(%dma_start3A_647 : memref<128x16xf32, #tpu.memory_space<vmem>>) offsets(%dma_start3A_652 : memref<128xi32, #tpu.memory_space<vmem>>) semaphore(%arg17 : memref<!tpu.dma_semaphore, #tpu.memory_space<semaphore_mem>>)
          %dma_start3A_656 = arith.constant 3 : i32
          %dma_start3A_657 = arith.constant 3 : i32
          %dma_start3A_658 = arith.constant 0 : i32
          %dma_start3A_659 = arith.constant 0 : i32
          %dma_start3A_660 = tpu.memref_slice %arg7[%dma_start3A_657, %dma_start3A_658, %dma_start3A_659] : memref<4x640x16xf32, #tpu.memory_space<vmem>> -> memref<1x640x16xf32, #tpu.memory_space<vmem>>
          %dma_start3A_661 = tpu.memref_squeeze %dma_start3A_660 : memref<1x640x16xf32, #tpu.memory_space<vmem>> -> memref<640x16xf32, #tpu.memory_space<vmem>>
          %dma_start3A_662 = arith.constant 512 : i32
          %dma_start3A_663 = arith.constant 0 : i32
          %dma_start3A_664 = tpu.memref_slice %dma_start3A_661[%dma_start3A_662, %dma_start3A_663] : memref<640x16xf32, #tpu.memory_space<vmem>> -> memref<128x16xf32, #tpu.memory_space<vmem>>
          %dma_start3A_665 = arith.constant 0 : i32
          %dma_start3A_666 = tpu.memref_slice %arg6[%dma_start3A_656, %dma_start3A_665] : memref<4x640xi32, #tpu.memory_space<vmem>> -> memref<1x640xi32, #tpu.memory_space<vmem>>
          %dma_start3A_667 = tpu.memref_squeeze %dma_start3A_666 : memref<1x640xi32, #tpu.memory_space<vmem>> -> memref<640xi32, #tpu.memory_space<vmem>>
          %dma_start3A_668 = arith.constant 512 : i32
          %dma_start3A_669 = tpu.memref_slice %dma_start3A_667[%dma_start3A_668] : memref<640xi32, #tpu.memory_space<vmem>> -> memref<128xi32, #tpu.memory_space<vmem>>
          %dma_start3A_670 = arith.constant 0 : i32
          %dma_start3A_671 = arith.constant 0 : i32
          %dma_start3A_672 = tpu.memref_slice %arg4[%dma_start3A_670, %dma_start3A_671] : memref<102400x16xf32, #tpu.memory_space<hbm>> -> memref<102400x16xf32, #tpu.memory_space<hbm>>
          tpu.enqueue_indirect_dma source(%dma_start3A_672 : memref<102400x16xf32, #tpu.memory_space<hbm>>) target(%dma_start3A_664 : memref<128x16xf32, #tpu.memory_space<vmem>>) offsets(%dma_start3A_669 : memref<128xi32, #tpu.memory_space<vmem>>) semaphore(%arg17 : memref<!tpu.dma_semaphore, #tpu.memory_space<semaphore_mem>>)
          %mul3A_673 = arith.constant 5 : i32
          %mul3A_674 = arith.muli %add3A_585, %mul3A_673 : i32
          %dma_start3A_675 = arith.constant 3 : i32
          %dma_start3A_676 = arith.constant 0 : i32
          %dma_start3A_677 = arith.constant 0 : i32
          %dma_start3A_678 = arith.constant 0 : i32
          %dma_start3A_679 = tpu.memref_slice %arg8[%dma_start3A_675, %dma_start3A_676, %dma_start3A_677, %dma_start3A_678] : memref<4x5x4x128xf32, #tpu.memory_space<vmem>> -> memref<1x5x4x128xf32, #tpu.memory_space<vmem>>
          %dma_start3A_680 = tpu.memref_squeeze %dma_start3A_679 : memref<1x5x4x128xf32, #tpu.memory_space<vmem>> -> memref<5x4x128xf32, #tpu.memory_space<vmem>>
          %dma_start3A_681 = arith.constant 0 : i32
          %dma_start3A_682 = arith.constant 0 : i32
          %dma_start3A_683 = tpu.memref_slice %arg3[%mul3A_674, %dma_start3A_681, %dma_start3A_682] : memref<15625x4x128xf32, #tpu.memory_space<hbm>> -> memref<5x4x128xf32, #tpu.memory_space<hbm>>
          %dma_start3A_684 = arith.constant 0 : i32
          %dma_start3A_685 = arith.constant 0 : i32
          %dma_start3A_686 = arith.constant 0 : i32
          %dma_start3A_687 = tpu.memref_slice %arg8[%dma_start3A_675, %dma_start3A_684, %dma_start3A_685, %dma_start3A_686] : memref<4x5x4x128xf32, #tpu.memory_space<vmem>> -> memref<1x5x4x128xf32, #tpu.memory_space<vmem>>
          %dma_start3A_688 = tpu.memref_squeeze %dma_start3A_687 : memref<1x5x4x128xf32, #tpu.memory_space<vmem>> -> memref<5x4x128xf32, #tpu.memory_space<vmem>>
          %dma_start3A_689 = arith.constant 0 : i32
          %dma_start3A_690 = arith.constant 0 : i32
          %dma_start3A_691 = tpu.memref_slice %arg3[%mul3A_674, %dma_start3A_689, %dma_start3A_690] : memref<15625x4x128xf32, #tpu.memory_space<hbm>> -> memref<5x4x128xf32, #tpu.memory_space<hbm>>
          tpu.enqueue_dma source(%dma_start3A_691 : memref<5x4x128xf32, #tpu.memory_space<hbm>>) target(%dma_start3A_688 : memref<5x4x128xf32, #tpu.memory_space<vmem>>) target_semaphore(%arg17 : memref<!tpu.dma_semaphore, #tpu.memory_space<semaphore_mem>>)
        } else {
        }
        %dma_wait3A_416 = arith.constant 1 : i32
        %dma_wait3A_417 = arith.constant 0 : i32
        %dma_wait3A_418 = arith.constant 0 : i32
        %dma_wait3A_419 = tpu.memref_slice %arg7[%dma_wait3A_416, %dma_wait3A_417, %dma_wait3A_418] : memref<4x640x16xf32, #tpu.memory_space<vmem>> -> memref<1x640x16xf32, #tpu.memory_space<vmem>>
        %dma_wait3A_420 = tpu.memref_squeeze %dma_wait3A_419 : memref<1x640x16xf32, #tpu.memory_space<vmem>> -> memref<640x16xf32, #tpu.memory_space<vmem>>
        %dma_wait3A_421 = arith.constant 0 : i32
        %dma_wait3A_422 = arith.constant 0 : i32
        %dma_wait3A_423 = tpu.memref_slice %dma_wait3A_420[%dma_wait3A_421, %dma_wait3A_422] : memref<640x16xf32, #tpu.memory_space<vmem>> -> memref<128x16xf32, #tpu.memory_space<vmem>>
        %dma_wait3A_424 = arith.constant 0 : i32
        %dma_wait3A_425 = arith.constant 0 : i32
        %dma_wait3A_426 = tpu.memref_slice %arg4[%dma_wait3A_424, %dma_wait3A_425] : memref<102400x16xf32, #tpu.memory_space<hbm>> -> memref<128x16xf32, #tpu.memory_space<hbm>>
        %dma_wait3A_427 = arith.constant 0 : i32
        %dma_wait3A_428 = arith.constant 0 : i32
        %dma_wait3A_429 = tpu.memref_slice %arg7[%dma_wait3A_416, %dma_wait3A_427, %dma_wait3A_428] : memref<4x640x16xf32, #tpu.memory_space<vmem>> -> memref<1x640x16xf32, #tpu.memory_space<vmem>>
        %dma_wait3A_430 = tpu.memref_squeeze %dma_wait3A_429 : memref<1x640x16xf32, #tpu.memory_space<vmem>> -> memref<640x16xf32, #tpu.memory_space<vmem>>
        %dma_wait3A_431 = arith.constant 0 : i32
        %dma_wait3A_432 = arith.constant 0 : i32
        %dma_wait3A_433 = tpu.memref_slice %dma_wait3A_430[%dma_wait3A_431, %dma_wait3A_432] : memref<640x16xf32, #tpu.memory_space<vmem>> -> memref<128x16xf32, #tpu.memory_space<vmem>>
        %dma_wait3A_434 = arith.constant 0 : i32
        %dma_wait3A_435 = arith.constant 0 : i32
        %dma_wait3A_436 = tpu.memref_slice %arg4[%dma_wait3A_434, %dma_wait3A_435] : memref<102400x16xf32, #tpu.memory_space<hbm>> -> memref<128x16xf32, #tpu.memory_space<hbm>>
        tpu.wait_dma2 semaphore(%arg15 : memref<!tpu.dma_semaphore, #tpu.memory_space<semaphore_mem>>) src(%dma_wait3A_436 : memref<128x16xf32, #tpu.memory_space<hbm>>) dst(%dma_wait3A_433 : memref<128x16xf32, #tpu.memory_space<vmem>>)
        %dma_wait3A_437 = arith.constant 1 : i32
        %dma_wait3A_438 = arith.constant 0 : i32
        %dma_wait3A_439 = arith.constant 0 : i32
        %dma_wait3A_440 = tpu.memref_slice %arg7[%dma_wait3A_437, %dma_wait3A_438, %dma_wait3A_439] : memref<4x640x16xf32, #tpu.memory_space<vmem>> -> memref<1x640x16xf32, #tpu.memory_space<vmem>>
        %dma_wait3A_441 = tpu.memref_squeeze %dma_wait3A_440 : memref<1x640x16xf32, #tpu.memory_space<vmem>> -> memref<640x16xf32, #tpu.memory_space<vmem>>
        %dma_wait3A_442 = arith.constant 128 : i32
        %dma_wait3A_443 = arith.constant 0 : i32
        %dma_wait3A_444 = tpu.memref_slice %dma_wait3A_441[%dma_wait3A_442, %dma_wait3A_443] : memref<640x16xf32, #tpu.memory_space<vmem>> -> memref<128x16xf32, #tpu.memory_space<vmem>>
        %dma_wait3A_445 = arith.constant 0 : i32
        %dma_wait3A_446 = arith.constant 0 : i32
        %dma_wait3A_447 = tpu.memref_slice %arg4[%dma_wait3A_445, %dma_wait3A_446] : memref<102400x16xf32, #tpu.memory_space<hbm>> -> memref<128x16xf32, #tpu.memory_space<hbm>>
        %dma_wait3A_448 = arith.constant 0 : i32
        %dma_wait3A_449 = arith.constant 0 : i32
        %dma_wait3A_450 = tpu.memref_slice %arg7[%dma_wait3A_437, %dma_wait3A_448, %dma_wait3A_449] : memref<4x640x16xf32, #tpu.memory_space<vmem>> -> memref<1x640x16xf32, #tpu.memory_space<vmem>>
        %dma_wait3A_451 = tpu.memref_squeeze %dma_wait3A_450 : memref<1x640x16xf32, #tpu.memory_space<vmem>> -> memref<640x16xf32, #tpu.memory_space<vmem>>
        %dma_wait3A_452 = arith.constant 128 : i32
        %dma_wait3A_453 = arith.constant 0 : i32
        %dma_wait3A_454 = tpu.memref_slice %dma_wait3A_451[%dma_wait3A_452, %dma_wait3A_453] : memref<640x16xf32, #tpu.memory_space<vmem>> -> memref<128x16xf32, #tpu.memory_space<vmem>>
        %dma_wait3A_455 = arith.constant 0 : i32
        %dma_wait3A_456 = arith.constant 0 : i32
        %dma_wait3A_457 = tpu.memref_slice %arg4[%dma_wait3A_455, %dma_wait3A_456] : memref<102400x16xf32, #tpu.memory_space<hbm>> -> memref<128x16xf32, #tpu.memory_space<hbm>>
        tpu.wait_dma2 semaphore(%arg15 : memref<!tpu.dma_semaphore, #tpu.memory_space<semaphore_mem>>) src(%dma_wait3A_457 : memref<128x16xf32, #tpu.memory_space<hbm>>) dst(%dma_wait3A_454 : memref<128x16xf32, #tpu.memory_space<vmem>>)
        %dma_wait3A_458 = arith.constant 1 : i32
        %dma_wait3A_459 = arith.constant 0 : i32
        %dma_wait3A_460 = arith.constant 0 : i32
        %dma_wait3A_461 = tpu.memref_slice %arg7[%dma_wait3A_458, %dma_wait3A_459, %dma_wait3A_460] : memref<4x640x16xf32, #tpu.memory_space<vmem>> -> memref<1x640x16xf32, #tpu.memory_space<vmem>>
        %dma_wait3A_462 = tpu.memref_squeeze %dma_wait3A_461 : memref<1x640x16xf32, #tpu.memory_space<vmem>> -> memref<640x16xf32, #tpu.memory_space<vmem>>
        %dma_wait3A_463 = arith.constant 256 : i32
        %dma_wait3A_464 = arith.constant 0 : i32
        %dma_wait3A_465 = tpu.memref_slice %dma_wait3A_462[%dma_wait3A_463, %dma_wait3A_464] : memref<640x16xf32, #tpu.memory_space<vmem>> -> memref<128x16xf32, #tpu.memory_space<vmem>>
        %dma_wait3A_466 = arith.constant 0 : i32
        %dma_wait3A_467 = arith.constant 0 : i32
        %dma_wait3A_468 = tpu.memref_slice %arg4[%dma_wait3A_466, %dma_wait3A_467] : memref<102400x16xf32, #tpu.memory_space<hbm>> -> memref<128x16xf32, #tpu.memory_space<hbm>>
        %dma_wait3A_469 = arith.constant 0 : i32
        %dma_wait3A_470 = arith.constant 0 : i32
        %dma_wait3A_471 = tpu.memref_slice %arg7[%dma_wait3A_458, %dma_wait3A_469, %dma_wait3A_470] : memref<4x640x16xf32, #tpu.memory_space<vmem>> -> memref<1x640x16xf32, #tpu.memory_space<vmem>>
        %dma_wait3A_472 = tpu.memref_squeeze %dma_wait3A_471 : memref<1x640x16xf32, #tpu.memory_space<vmem>> -> memref<640x16xf32, #tpu.memory_space<vmem>>
        %dma_wait3A_473 = arith.constant 256 : i32
        %dma_wait3A_474 = arith.constant 0 : i32
        %dma_wait3A_475 = tpu.memref_slice %dma_wait3A_472[%dma_wait3A_473, %dma_wait3A_474] : memref<640x16xf32, #tpu.memory_space<vmem>> -> memref<128x16xf32, #tpu.memory_space<vmem>>
        %dma_wait3A_476 = arith.constant 0 : i32
        %dma_wait3A_477 = arith.constant 0 : i32
        %dma_wait3A_478 = tpu.memref_slice %arg4[%dma_wait3A_476, %dma_wait3A_477] : memref<102400x16xf32, #tpu.memory_space<hbm>> -> memref<128x16xf32, #tpu.memory_space<hbm>>
        tpu.wait_dma2 semaphore(%arg15 : memref<!tpu.dma_semaphore, #tpu.memory_space<semaphore_mem>>) src(%dma_wait3A_478 : memref<128x16xf32, #tpu.memory_space<hbm>>) dst(%dma_wait3A_475 : memref<128x16xf32, #tpu.memory_space<vmem>>)
        %dma_wait3A_479 = arith.constant 1 : i32
        %dma_wait3A_480 = arith.constant 0 : i32
        %dma_wait3A_481 = arith.constant 0 : i32
        %dma_wait3A_482 = tpu.memref_slice %arg7[%dma_wait3A_479, %dma_wait3A_480, %dma_wait3A_481] : memref<4x640x16xf32, #tpu.memory_space<vmem>> -> memref<1x640x16xf32, #tpu.memory_space<vmem>>
        %dma_wait3A_483 = tpu.memref_squeeze %dma_wait3A_482 : memref<1x640x16xf32, #tpu.memory_space<vmem>> -> memref<640x16xf32, #tpu.memory_space<vmem>>
        %dma_wait3A_484 = arith.constant 384 : i32
        %dma_wait3A_485 = arith.constant 0 : i32
        %dma_wait3A_486 = tpu.memref_slice %dma_wait3A_483[%dma_wait3A_484, %dma_wait3A_485] : memref<640x16xf32, #tpu.memory_space<vmem>> -> memref<128x16xf32, #tpu.memory_space<vmem>>
        %dma_wait3A_487 = arith.constant 0 : i32
        %dma_wait3A_488 = arith.constant 0 : i32
        %dma_wait3A_489 = tpu.memref_slice %arg4[%dma_wait3A_487, %dma_wait3A_488] : memref<102400x16xf32, #tpu.memory_space<hbm>> -> memref<128x16xf32, #tpu.memory_space<hbm>>
        %dma_wait3A_490 = arith.constant 0 : i32
        %dma_wait3A_491 = arith.constant 0 : i32
        %dma_wait3A_492 = tpu.memref_slice %arg7[%dma_wait3A_479, %dma_wait3A_490, %dma_wait3A_491] : memref<4x640x16xf32, #tpu.memory_space<vmem>> -> memref<1x640x16xf32, #tpu.memory_space<vmem>>
        %dma_wait3A_493 = tpu.memref_squeeze %dma_wait3A_492 : memref<1x640x16xf32, #tpu.memory_space<vmem>> -> memref<640x16xf32, #tpu.memory_space<vmem>>
        %dma_wait3A_494 = arith.constant 384 : i32
        %dma_wait3A_495 = arith.constant 0 : i32
        %dma_wait3A_496 = tpu.memref_slice %dma_wait3A_493[%dma_wait3A_494, %dma_wait3A_495] : memref<640x16xf32, #tpu.memory_space<vmem>> -> memref<128x16xf32, #tpu.memory_space<vmem>>
        %dma_wait3A_497 = arith.constant 0 : i32
        %dma_wait3A_498 = arith.constant 0 : i32
        %dma_wait3A_499 = tpu.memref_slice %arg4[%dma_wait3A_497, %dma_wait3A_498] : memref<102400x16xf32, #tpu.memory_space<hbm>> -> memref<128x16xf32, #tpu.memory_space<hbm>>
        tpu.wait_dma2 semaphore(%arg15 : memref<!tpu.dma_semaphore, #tpu.memory_space<semaphore_mem>>) src(%dma_wait3A_499 : memref<128x16xf32, #tpu.memory_space<hbm>>) dst(%dma_wait3A_496 : memref<128x16xf32, #tpu.memory_space<vmem>>)
        %dma_wait3A_500 = arith.constant 1 : i32
        %dma_wait3A_501 = arith.constant 0 : i32
        %dma_wait3A_502 = arith.constant 0 : i32
        %dma_wait3A_503 = tpu.memref_slice %arg7[%dma_wait3A_500, %dma_wait3A_501, %dma_wait3A_502] : memref<4x640x16xf32, #tpu.memory_space<vmem>> -> memref<1x640x16xf32, #tpu.memory_space<vmem>>
        %dma_wait3A_504 = tpu.memref_squeeze %dma_wait3A_503 : memref<1x640x16xf32, #tpu.memory_space<vmem>> -> memref<640x16xf32, #tpu.memory_space<vmem>>
        %dma_wait3A_505 = arith.constant 512 : i32
        %dma_wait3A_506 = arith.constant 0 : i32
        %dma_wait3A_507 = tpu.memref_slice %dma_wait3A_504[%dma_wait3A_505, %dma_wait3A_506] : memref<640x16xf32, #tpu.memory_space<vmem>> -> memref<128x16xf32, #tpu.memory_space<vmem>>
        %dma_wait3A_508 = arith.constant 0 : i32
        %dma_wait3A_509 = arith.constant 0 : i32
        %dma_wait3A_510 = tpu.memref_slice %arg4[%dma_wait3A_508, %dma_wait3A_509] : memref<102400x16xf32, #tpu.memory_space<hbm>> -> memref<128x16xf32, #tpu.memory_space<hbm>>
        %dma_wait3A_511 = arith.constant 0 : i32
        %dma_wait3A_512 = arith.constant 0 : i32
        %dma_wait3A_513 = tpu.memref_slice %arg7[%dma_wait3A_500, %dma_wait3A_511, %dma_wait3A_512] : memref<4x640x16xf32, #tpu.memory_space<vmem>> -> memref<1x640x16xf32, #tpu.memory_space<vmem>>
        %dma_wait3A_514 = tpu.memref_squeeze %dma_wait3A_513 : memref<1x640x16xf32, #tpu.memory_space<vmem>> -> memref<640x16xf32, #tpu.memory_space<vmem>>
        %dma_wait3A_515 = arith.constant 512 : i32
        %dma_wait3A_516 = arith.constant 0 : i32
        %dma_wait3A_517 = tpu.memref_slice %dma_wait3A_514[%dma_wait3A_515, %dma_wait3A_516] : memref<640x16xf32, #tpu.memory_space<vmem>> -> memref<128x16xf32, #tpu.memory_space<vmem>>
        %dma_wait3A_518 = arith.constant 0 : i32
        %dma_wait3A_519 = arith.constant 0 : i32
        %dma_wait3A_520 = tpu.memref_slice %arg4[%dma_wait3A_518, %dma_wait3A_519] : memref<102400x16xf32, #tpu.memory_space<hbm>> -> memref<128x16xf32, #tpu.memory_space<hbm>>
        tpu.wait_dma2 semaphore(%arg15 : memref<!tpu.dma_semaphore, #tpu.memory_space<semaphore_mem>>) src(%dma_wait3A_520 : memref<128x16xf32, #tpu.memory_space<hbm>>) dst(%dma_wait3A_517 : memref<128x16xf32, #tpu.memory_space<vmem>>)
        %dma_wait3A_521 = arith.constant 1 : i32
        %dma_wait3A_522 = arith.constant 0 : i32
        %dma_wait3A_523 = arith.constant 0 : i32
        %dma_wait3A_524 = arith.constant 0 : i32
        %dma_wait3A_525 = tpu.memref_slice %arg8[%dma_wait3A_521, %dma_wait3A_522, %dma_wait3A_523, %dma_wait3A_524] : memref<4x5x4x128xf32, #tpu.memory_space<vmem>> -> memref<1x5x4x128xf32, #tpu.memory_space<vmem>>
        %dma_wait3A_526 = tpu.memref_squeeze %dma_wait3A_525 : memref<1x5x4x128xf32, #tpu.memory_space<vmem>> -> memref<5x4x128xf32, #tpu.memory_space<vmem>>
        %dma_wait3A_527 = arith.constant 0 : i32
        %dma_wait3A_528 = arith.constant 0 : i32
        %dma_wait3A_529 = arith.constant 0 : i32
        %dma_wait3A_530 = tpu.memref_slice %arg3[%dma_wait3A_527, %dma_wait3A_528, %dma_wait3A_529] : memref<15625x4x128xf32, #tpu.memory_space<hbm>> -> memref<5x4x128xf32, #tpu.memory_space<hbm>>
        %dma_wait3A_531 = arith.constant 0 : i32
        %dma_wait3A_532 = arith.constant 0 : i32
        %dma_wait3A_533 = arith.constant 0 : i32
        %dma_wait3A_534 = tpu.memref_slice %arg8[%dma_wait3A_521, %dma_wait3A_531, %dma_wait3A_532, %dma_wait3A_533] : memref<4x5x4x128xf32, #tpu.memory_space<vmem>> -> memref<1x5x4x128xf32, #tpu.memory_space<vmem>>
        %dma_wait3A_535 = tpu.memref_squeeze %dma_wait3A_534 : memref<1x5x4x128xf32, #tpu.memory_space<vmem>> -> memref<5x4x128xf32, #tpu.memory_space<vmem>>
        %dma_wait3A_536 = arith.constant 0 : i32
        %dma_wait3A_537 = arith.constant 0 : i32
        %dma_wait3A_538 = arith.constant 0 : i32
        %dma_wait3A_539 = tpu.memref_slice %arg3[%dma_wait3A_536, %dma_wait3A_537, %dma_wait3A_538] : memref<15625x4x128xf32, #tpu.memory_space<hbm>> -> memref<5x4x128xf32, #tpu.memory_space<hbm>>
        tpu.wait_dma2 semaphore(%arg15 : memref<!tpu.dma_semaphore, #tpu.memory_space<semaphore_mem>>) src(%dma_wait3A_539 : memref<5x4x128xf32, #tpu.memory_space<hbm>>) dst(%dma_wait3A_535 : memref<5x4x128xf32, #tpu.memory_space<vmem>>)
        %ge3A = arith.constant 128 : i32
        %ge3A_540 = arith.cmpi sge, %add3A_381, %ge3A : i32
        %convert_element_type3A_541 = arith.extui %ge3A_540 : i1 to i32
        %cond3A_542 = arith.constant 0 : i32
        %cond3A_543 = arith.cmpi ne, %convert_element_type3A_541, %cond3A_542 : i32
        scf.if %cond3A_543 {
          %dma_wait3A_573 = arith.constant 1 : i32
          %dma_wait3A_574 = arith.constant 0 : i32
          %dma_wait3A_575 = arith.constant 0 : i32
          %dma_wait3A_576 = arith.constant 0 : i32
          %dma_wait3A_577 = tpu.memref_slice %arg9[%dma_wait3A_573, %dma_wait3A_574, %dma_wait3A_575, %dma_wait3A_576] : memref<4x5x4x128xf32, #tpu.memory_space<vmem>> -> memref<1x5x4x128xf32, #tpu.memory_space<vmem>>
          %dma_wait3A_578 = tpu.memref_squeeze %dma_wait3A_577 : memref<1x5x4x128xf32, #tpu.memory_space<vmem>> -> memref<5x4x128xf32, #tpu.memory_space<vmem>>
          %dma_wait3A_579 = arith.constant 0 : i32
          %dma_wait3A_580 = arith.constant 0 : i32
          %dma_wait3A_581 = arith.constant 0 : i32
          %dma_wait3A_582 = tpu.memref_slice %arg5[%dma_wait3A_579, %dma_wait3A_580, %dma_wait3A_581] : memref<15625x4x128xf32, #tpu.memory_space<hbm>> -> memref<5x4x128xf32, #tpu.memory_space<hbm>>
          %dma_wait3A_583 = arith.constant 0 : i32
          %dma_wait3A_584 = arith.constant 0 : i32
          %dma_wait3A_585 = arith.constant 0 : i32
          %dma_wait3A_586 = tpu.memref_slice %arg5[%dma_wait3A_583, %dma_wait3A_584, %dma_wait3A_585] : memref<15625x4x128xf32, #tpu.memory_space<hbm>> -> memref<5x4x128xf32, #tpu.memory_space<hbm>>
          %dma_wait3A_587 = arith.constant 0 : i32
          %dma_wait3A_588 = arith.constant 0 : i32
          %dma_wait3A_589 = arith.constant 0 : i32
          %dma_wait3A_590 = tpu.memref_slice %arg9[%dma_wait3A_573, %dma_wait3A_587, %dma_wait3A_588, %dma_wait3A_589] : memref<4x5x4x128xf32, #tpu.memory_space<vmem>> -> memref<1x5x4x128xf32, #tpu.memory_space<vmem>>
          %dma_wait3A_591 = tpu.memref_squeeze %dma_wait3A_590 : memref<1x5x4x128xf32, #tpu.memory_space<vmem>> -> memref<5x4x128xf32, #tpu.memory_space<vmem>>
          tpu.wait_dma2 semaphore(%arg19 : memref<!tpu.dma_semaphore, #tpu.memory_space<semaphore_mem>>) src(%dma_wait3A_591 : memref<5x4x128xf32, #tpu.memory_space<vmem>>) dst(%dma_wait3A_586 : memref<5x4x128xf32, #tpu.memory_space<hbm>>)
        } else {
        }
        %scan3A_544 = arith.constant 1 : i32
        %scan3A_545 = arith.constant 1 : i32
        %scan3A_546 = arith.constant 1 : i32
        %scan3A_547 = arith.constant 0 : i32
        %scan3A_548 = arith.constant 0 : i32
        %scan3A_549 = arith.constant 40 : i32
        %scan3A_550 = arith.addi %scan3A_548, %scan3A_549 : i32
        %scan3A_551 = arith.constant 1 : i32
        %scan3A_552 = scf.for %scan3A_573 = %scan3A_548 to %scan3A_550 step %scan3A_551 iter_args(%scan3A_574 = %scan3A_547) -> (i32)  : i32 {
          %mul3A_575 = arith.constant 16 : i32
          %mul3A_576 = arith.muli %scan3A_573, %mul3A_575 : i32
          %add3A_577 = vector.broadcast %mul3A_576 : i32 to vector<16xi32>
          %add3A_578 = arith.addi %add3A_577, %iota3A : vector<16xi32>
          %shift_right_arithmetic3A = arith.constant 3 : i32
          %shift_right_arithmetic3A_579 = arith.shrsi %scan3A_573, %shift_right_arithmetic3A : i32
          %and3A = arith.constant 7 : i32
          %and3A_580 = arith.andi %scan3A_573, %and3A : i32
          %mul3A_581 = arith.constant 16 : i32
          %mul3A_582 = arith.muli %and3A_580, %mul3A_581 : i32
          %gather3A = arith.constant 0 : i32
          %gather3A_583 = arith.constant 0 : i32
          %gather3A_584 = tpu.memref_slice %arg7[%scan3A_544, %gather3A, %gather3A_583] : memref<4x640x16xf32, #tpu.memory_space<vmem>> -> memref<1x640x16xf32, #tpu.memory_space<vmem>>
          %gather3A_585 = tpu.memref_squeeze %gather3A_584 : memref<1x640x16xf32, #tpu.memory_space<vmem>> -> memref<640x16xf32, #tpu.memory_space<vmem>>
          %gather3A_586 = tpu.vector_load_idx %gather3A_585[%add3A_578, %broadcast_in_dim3A_1] : memref<640x16xf32, #tpu.memory_space<vmem>>[vector<16xi32>, vector<16xi32>], vector<16xf32>,
          %gather3A_587 = arith.constant 0 : i32
          %gather3A_588 = arith.constant 0 : i32
          %gather3A_589 = tpu.memref_slice %arg7[%scan3A_544, %gather3A_587, %gather3A_588] : memref<4x640x16xf32, #tpu.memory_space<vmem>> -> memref<1x640x16xf32, #tpu.memory_space<vmem>>
          %gather3A_590 = tpu.memref_squeeze %gather3A_589 : memref<1x640x16xf32, #tpu.memory_space<vmem>> -> memref<640x16xf32, #tpu.memory_space<vmem>>
          %gather3A_591 = tpu.vector_load_idx %gather3A_590[%add3A_578, %broadcast_in_dim3A_3] : memref<640x16xf32, #tpu.memory_space<vmem>>[vector<16xi32>, vector<16xi32>], vector<16xf32>,
          %gather3A_592 = arith.constant 0 : i32
          %gather3A_593 = arith.constant 0 : i32
          %gather3A_594 = tpu.memref_slice %arg7[%scan3A_544, %gather3A_592, %gather3A_593] : memref<4x640x16xf32, #tpu.memory_space<vmem>> -> memref<1x640x16xf32, #tpu.memory_space<vmem>>
          %gather3A_595 = tpu.memref_squeeze %gather3A_594 : memref<1x640x16xf32, #tpu.memory_space<vmem>> -> memref<640x16xf32, #tpu.memory_space<vmem>>
          %gather3A_596 = tpu.vector_load_idx %gather3A_595[%add3A_578, %broadcast_in_dim3A_5] : memref<640x16xf32, #tpu.memory_space<vmem>>[vector<16xi32>, vector<16xi32>], vector<16xf32>,
          %gather3A_597 = arith.constant 0 : i32
          %gather3A_598 = arith.constant 0 : i32
          %gather3A_599 = tpu.memref_slice %arg7[%scan3A_544, %gather3A_597, %gather3A_598] : memref<4x640x16xf32, #tpu.memory_space<vmem>> -> memref<1x640x16xf32, #tpu.memory_space<vmem>>
          %gather3A_600 = tpu.memref_squeeze %gather3A_599 : memref<1x640x16xf32, #tpu.memory_space<vmem>> -> memref<640x16xf32, #tpu.memory_space<vmem>>
          %gather3A_601 = tpu.vector_load_idx %gather3A_600[%add3A_578, %broadcast_in_dim3A_7] : memref<640x16xf32, #tpu.memory_space<vmem>>[vector<16xi32>, vector<16xi32>], vector<16xf32>,
          %gather3A_602 = arith.constant 0 : i32
          %gather3A_603 = arith.constant 0 : i32
          %gather3A_604 = tpu.memref_slice %arg7[%scan3A_544, %gather3A_602, %gather3A_603] : memref<4x640x16xf32, #tpu.memory_space<vmem>> -> memref<1x640x16xf32, #tpu.memory_space<vmem>>
          %gather3A_605 = tpu.memref_squeeze %gather3A_604 : memref<1x640x16xf32, #tpu.memory_space<vmem>> -> memref<640x16xf32, #tpu.memory_space<vmem>>
          %gather3A_606 = tpu.vector_load_idx %gather3A_605[%add3A_578, %broadcast_in_dim3A_9] : memref<640x16xf32, #tpu.memory_space<vmem>>[vector<16xi32>, vector<16xi32>], vector<16xf32>,
          %gather3A_607 = arith.constant 0 : i32
          %gather3A_608 = arith.constant 0 : i32
          %gather3A_609 = tpu.memref_slice %arg7[%scan3A_544, %gather3A_607, %gather3A_608] : memref<4x640x16xf32, #tpu.memory_space<vmem>> -> memref<1x640x16xf32, #tpu.memory_space<vmem>>
          %gather3A_610 = tpu.memref_squeeze %gather3A_609 : memref<1x640x16xf32, #tpu.memory_space<vmem>> -> memref<640x16xf32, #tpu.memory_space<vmem>>
          %gather3A_611 = tpu.vector_load_idx %gather3A_610[%add3A_578, %broadcast_in_dim3A_11] : memref<640x16xf32, #tpu.memory_space<vmem>>[vector<16xi32>, vector<16xi32>], vector<16xf32>,
          %gather3A_612 = arith.constant 0 : i32
          %gather3A_613 = arith.constant 0 : i32
          %gather3A_614 = tpu.memref_slice %arg7[%scan3A_544, %gather3A_612, %gather3A_613] : memref<4x640x16xf32, #tpu.memory_space<vmem>> -> memref<1x640x16xf32, #tpu.memory_space<vmem>>
          %gather3A_615 = tpu.memref_squeeze %gather3A_614 : memref<1x640x16xf32, #tpu.memory_space<vmem>> -> memref<640x16xf32, #tpu.memory_space<vmem>>
          %gather3A_616 = tpu.vector_load_idx %gather3A_615[%add3A_578, %broadcast_in_dim3A_13] : memref<640x16xf32, #tpu.memory_space<vmem>>[vector<16xi32>, vector<16xi32>], vector<16xf32>,
          %gather3A_617 = arith.constant 0 : i32
          %gather3A_618 = arith.constant 0 : i32
          %gather3A_619 = tpu.memref_slice %arg7[%scan3A_544, %gather3A_617, %gather3A_618] : memref<4x640x16xf32, #tpu.memory_space<vmem>> -> memref<1x640x16xf32, #tpu.memory_space<vmem>>
          %gather3A_620 = tpu.memref_squeeze %gather3A_619 : memref<1x640x16xf32, #tpu.memory_space<vmem>> -> memref<640x16xf32, #tpu.memory_space<vmem>>
          %gather3A_621 = tpu.vector_load_idx %gather3A_620[%add3A_578, %broadcast_in_dim3A_15] : memref<640x16xf32, #tpu.memory_space<vmem>>[vector<16xi32>, vector<16xi32>], vector<16xf32>,
          %gather3A_622 = arith.constant 0 : i32
          %gather3A_623 = arith.constant 0 : i32
          %gather3A_624 = tpu.memref_slice %arg7[%scan3A_544, %gather3A_622, %gather3A_623] : memref<4x640x16xf32, #tpu.memory_space<vmem>> -> memref<1x640x16xf32, #tpu.memory_space<vmem>>
          %gather3A_625 = tpu.memref_squeeze %gather3A_624 : memref<1x640x16xf32, #tpu.memory_space<vmem>> -> memref<640x16xf32, #tpu.memory_space<vmem>>
          %gather3A_626 = tpu.vector_load_idx %gather3A_625[%add3A_578, %broadcast_in_dim3A_17] : memref<640x16xf32, #tpu.memory_space<vmem>>[vector<16xi32>, vector<16xi32>], vector<16xf32>,
          %gather3A_627 = arith.constant 0 : i32
          %gather3A_628 = arith.constant 0 : i32
          %gather3A_629 = tpu.memref_slice %arg7[%scan3A_544, %gather3A_627, %gather3A_628] : memref<4x640x16xf32, #tpu.memory_space<vmem>> -> memref<1x640x16xf32, #tpu.memory_space<vmem>>
          %gather3A_630 = tpu.memref_squeeze %gather3A_629 : memref<1x640x16xf32, #tpu.memory_space<vmem>> -> memref<640x16xf32, #tpu.memory_space<vmem>>
          %gather3A_631 = tpu.vector_load_idx %gather3A_630[%add3A_578, %broadcast_in_dim3A_19] : memref<640x16xf32, #tpu.memory_space<vmem>>[vector<16xi32>, vector<16xi32>], vector<16xf32>,
          %gather3A_632 = arith.constant 0 : i32
          %gather3A_633 = arith.constant 0 : i32
          %gather3A_634 = tpu.memref_slice %arg7[%scan3A_544, %gather3A_632, %gather3A_633] : memref<4x640x16xf32, #tpu.memory_space<vmem>> -> memref<1x640x16xf32, #tpu.memory_space<vmem>>
          %gather3A_635 = tpu.memref_squeeze %gather3A_634 : memref<1x640x16xf32, #tpu.memory_space<vmem>> -> memref<640x16xf32, #tpu.memory_space<vmem>>
          %gather3A_636 = tpu.vector_load_idx %gather3A_635[%add3A_578, %broadcast_in_dim3A_21] : memref<640x16xf32, #tpu.memory_space<vmem>>[vector<16xi32>, vector<16xi32>], vector<16xf32>,
          %gather3A_637 = arith.constant 0 : i32
          %gather3A_638 = arith.constant 0 : i32
          %gather3A_639 = tpu.memref_slice %arg7[%scan3A_544, %gather3A_637, %gather3A_638] : memref<4x640x16xf32, #tpu.memory_space<vmem>> -> memref<1x640x16xf32, #tpu.memory_space<vmem>>
          %gather3A_640 = tpu.memref_squeeze %gather3A_639 : memref<1x640x16xf32, #tpu.memory_space<vmem>> -> memref<640x16xf32, #tpu.memory_space<vmem>>
          %gather3A_641 = tpu.vector_load_idx %gather3A_640[%add3A_578, %broadcast_in_dim3A_23] : memref<640x16xf32, #tpu.memory_space<vmem>>[vector<16xi32>, vector<16xi32>], vector<16xf32>,
          %get3A = arith.constant 0 : i32
          %get3A_642 = arith.constant 0 : i32
          %get3A_643 = arith.constant 0 : i32
          %get3A_644 = arith.constant 0 : i32
          %get3A_645 = tpu.memref_slice %arg8[%scan3A_545, %get3A_642, %get3A_643, %get3A_644] : memref<4x5x4x128xf32, #tpu.memory_space<vmem>> -> memref<1x5x4x128xf32, #tpu.memory_space<vmem>>
          %get3A_646 = tpu.memref_squeeze %get3A_645 : memref<1x5x4x128xf32, #tpu.memory_space<vmem>> -> memref<5x4x128xf32, #tpu.memory_space<vmem>>
          %get3A_647 = arith.index_cast %shift_right_arithmetic3A_579 : i32 to index
          %get3A_648 = arith.index_cast %get3A : i32 to index
          %get3A_649 = arith.index_cast %mul3A_582 : i32 to index
          %get3A_650 = tpu.vector_load %get3A_646[%get3A_647, %get3A_648, %get3A_649] {strides = array<i32>} : memref<5x4x128xf32, #tpu.memory_space<vmem>>, vector<16xf32>,
          %get3A_651 = arith.constant 1 : i32
          %get3A_652 = arith.constant 0 : i32
          %get3A_653 = arith.constant 0 : i32
          %get3A_654 = arith.constant 0 : i32
          %get3A_655 = tpu.memref_slice %arg8[%scan3A_545, %get3A_652, %get3A_653, %get3A_654] : memref<4x5x4x128xf32, #tpu.memory_space<vmem>> -> memref<1x5x4x128xf32, #tpu.memory_space<vmem>>
          %get3A_656 = tpu.memref_squeeze %get3A_655 : memref<1x5x4x128xf32, #tpu.memory_space<vmem>> -> memref<5x4x128xf32, #tpu.memory_space<vmem>>
          %get3A_657 = arith.index_cast %shift_right_arithmetic3A_579 : i32 to index
          %get3A_658 = arith.index_cast %get3A_651 : i32 to index
          %get3A_659 = arith.index_cast %mul3A_582 : i32 to index
          %get3A_660 = tpu.vector_load %get3A_656[%get3A_657, %get3A_658, %get3A_659] {strides = array<i32>} : memref<5x4x128xf32, #tpu.memory_space<vmem>>, vector<16xf32>,
          %get3A_661 = arith.constant 2 : i32
          %get3A_662 = arith.constant 0 : i32
          %get3A_663 = arith.constant 0 : i32
          %get3A_664 = arith.constant 0 : i32
          %get3A_665 = tpu.memref_slice %arg8[%scan3A_545, %get3A_662, %get3A_663, %get3A_664] : memref<4x5x4x128xf32, #tpu.memory_space<vmem>> -> memref<1x5x4x128xf32, #tpu.memory_space<vmem>>
          %get3A_666 = tpu.memref_squeeze %get3A_665 : memref<1x5x4x128xf32, #tpu.memory_space<vmem>> -> memref<5x4x128xf32, #tpu.memory_space<vmem>>
          %get3A_667 = arith.index_cast %shift_right_arithmetic3A_579 : i32 to index
          %get3A_668 = arith.index_cast %get3A_661 : i32 to index
          %get3A_669 = arith.index_cast %mul3A_582 : i32 to index
          %get3A_670 = tpu.vector_load %get3A_666[%get3A_667, %get3A_668, %get3A_669] {strides = array<i32>} : memref<5x4x128xf32, #tpu.memory_space<vmem>>, vector<16xf32>,
          %mul3A_671 = arith.mulf %gather3A_586, %get3A_650 : vector<16xf32>
          %mul3A_672 = arith.mulf %gather3A_591, %get3A_660 : vector<16xf32>
          %add3A_673 = arith.addf %mul3A_671, %mul3A_672 : vector<16xf32>
          %mul3A_674 = arith.mulf %gather3A_596, %get3A_670 : vector<16xf32>
          %add3A_675 = arith.addf %add3A_673, %mul3A_674 : vector<16xf32>
          %add3A_676 = arith.addf %add3A_675, %gather3A_631 : vector<16xf32>
          %swap3A = arith.constant 0 : i32
          %swap3A_677 = arith.constant 0 : i32
          %swap3A_678 = arith.constant 0 : i32
          %swap3A_679 = arith.constant 0 : i32
          %swap3A_680 = tpu.memref_slice %arg9[%scan3A_546, %swap3A_677, %swap3A_678, %swap3A_679] : memref<4x5x4x128xf32, #tpu.memory_space<vmem>> -> memref<1x5x4x128xf32, #tpu.memory_space<vmem>>
          %swap3A_681 = tpu.memref_squeeze %swap3A_680 : memref<1x5x4x128xf32, #tpu.memory_space<vmem>> -> memref<5x4x128xf32, #tpu.memory_space<vmem>>
          %swap3A_682 = arith.index_cast %shift_right_arithmetic3A_579 : i32 to index
          %swap3A_683 = arith.index_cast %swap3A : i32 to index
          %swap3A_684 = arith.index_cast %mul3A_582 : i32 to index
          %swap3A_685 = tpu.vector_load %swap3A_681[%swap3A_682, %swap3A_683, %swap3A_684] {strides = array<i32>} : memref<5x4x128xf32, #tpu.memory_space<vmem>>, vector<16xf32>,
          tpu.vector_store %swap3A_681[%swap3A_682, %swap3A_683, %swap3A_684], %add3A_676 {strides = array<i32>} : memref<5x4x128xf32, #tpu.memory_space<vmem>>, vector<16xf32>,
          %mul3A_686 = arith.mulf %gather3A_601, %get3A_650 : vector<16xf32>
          %mul3A_687 = arith.mulf %gather3A_606, %get3A_660 : vector<16xf32>
          %add3A_688 = arith.addf %mul3A_686, %mul3A_687 : vector<16xf32>
          %mul3A_689 = arith.mulf %gather3A_611, %get3A_670 : vector<16xf32>
          %add3A_690 = arith.addf %add3A_688, %mul3A_689 : vector<16xf32>
          %add3A_691 = arith.addf %add3A_690, %gather3A_636 : vector<16xf32>
          %swap3A_692 = arith.constant 1 : i32
          %swap3A_693 = arith.constant 0 : i32
          %swap3A_694 = arith.constant 0 : i32
          %swap3A_695 = arith.constant 0 : i32
          %swap3A_696 = tpu.memref_slice %arg9[%scan3A_546, %swap3A_693, %swap3A_694, %swap3A_695] : memref<4x5x4x128xf32, #tpu.memory_space<vmem>> -> memref<1x5x4x128xf32, #tpu.memory_space<vmem>>
          %swap3A_697 = tpu.memref_squeeze %swap3A_696 : memref<1x5x4x128xf32, #tpu.memory_space<vmem>> -> memref<5x4x128xf32, #tpu.memory_space<vmem>>
          %swap3A_698 = arith.index_cast %shift_right_arithmetic3A_579 : i32 to index
          %swap3A_699 = arith.index_cast %swap3A_692 : i32 to index
          %swap3A_700 = arith.index_cast %mul3A_582 : i32 to index
          %swap3A_701 = tpu.vector_load %swap3A_697[%swap3A_698, %swap3A_699, %swap3A_700] {strides = array<i32>} : memref<5x4x128xf32, #tpu.memory_space<vmem>>, vector<16xf32>,
          tpu.vector_store %swap3A_697[%swap3A_698, %swap3A_699, %swap3A_700], %add3A_691 {strides = array<i32>} : memref<5x4x128xf32, #tpu.memory_space<vmem>>, vector<16xf32>,
          %mul3A_702 = arith.mulf %gather3A_616, %get3A_650 : vector<16xf32>
          %mul3A_703 = arith.mulf %gather3A_621, %get3A_660 : vector<16xf32>
          %add3A_704 = arith.addf %mul3A_702, %mul3A_703 : vector<16xf32>
          %mul3A_705 = arith.mulf %gather3A_626, %get3A_670 : vector<16xf32>
          %add3A_706 = arith.addf %add3A_704, %mul3A_705 : vector<16xf32>
          %add3A_707 = arith.addf %add3A_706, %gather3A_641 : vector<16xf32>
          %swap3A_708 = arith.constant 2 : i32
          %swap3A_709 = arith.constant 0 : i32
          %swap3A_710 = arith.constant 0 : i32
          %swap3A_711 = arith.constant 0 : i32
          %swap3A_712 = tpu.memref_slice %arg9[%scan3A_546, %swap3A_709, %swap3A_710, %swap3A_711] : memref<4x5x4x128xf32, #tpu.memory_space<vmem>> -> memref<1x5x4x128xf32, #tpu.memory_space<vmem>>
          %swap3A_713 = tpu.memref_squeeze %swap3A_712 : memref<1x5x4x128xf32, #tpu.memory_space<vmem>> -> memref<5x4x128xf32, #tpu.memory_space<vmem>>
          %swap3A_714 = arith.index_cast %shift_right_arithmetic3A_579 : i32 to index
          %swap3A_715 = arith.index_cast %swap3A_708 : i32 to index
          %swap3A_716 = arith.index_cast %mul3A_582 : i32 to index
          %swap3A_717 = tpu.vector_load %swap3A_713[%swap3A_714, %swap3A_715, %swap3A_716] {strides = array<i32>} : memref<5x4x128xf32, #tpu.memory_space<vmem>>, vector<16xf32>,
          tpu.vector_store %swap3A_713[%swap3A_714, %swap3A_715, %swap3A_716], %add3A_707 {strides = array<i32>} : memref<5x4x128xf32, #tpu.memory_space<vmem>>, vector<16xf32>,
          %scan3A_718 = arith.constant 0 : i32
          scf.yield %scan3A_718 : i32
        }
        %scan3A_553 = arith.constant 40 : i32
        %mul3A_554 = arith.constant 5 : i32
        %mul3A_555 = arith.muli %add3A_381, %mul3A_554 : i32
        %dma_start3A_556 = arith.constant 1 : i32
        %dma_start3A_557 = arith.constant 0 : i32
        %dma_start3A_558 = arith.constant 0 : i32
        %dma_start3A_559 = arith.constant 0 : i32
        %dma_start3A_560 = tpu.memref_slice %arg9[%dma_start3A_556, %dma_start3A_557, %dma_start3A_558, %dma_start3A_559] : memref<4x5x4x128xf32, #tpu.memory_space<vmem>> -> memref<1x5x4x128xf32, #tpu.memory_space<vmem>>
        %dma_start3A_561 = tpu.memref_squeeze %dma_start3A_560 : memref<1x5x4x128xf32, #tpu.memory_space<vmem>> -> memref<5x4x128xf32, #tpu.memory_space<vmem>>
        %dma_start3A_562 = arith.constant 0 : i32
        %dma_start3A_563 = arith.constant 0 : i32
        %dma_start3A_564 = tpu.memref_slice %arg5[%mul3A_555, %dma_start3A_562, %dma_start3A_563] : memref<15625x4x128xf32, #tpu.memory_space<hbm>> -> memref<5x4x128xf32, #tpu.memory_space<hbm>>
        %dma_start3A_565 = arith.constant 0 : i32
        %dma_start3A_566 = arith.constant 0 : i32
        %dma_start3A_567 = tpu.memref_slice %arg5[%mul3A_555, %dma_start3A_565, %dma_start3A_566] : memref<15625x4x128xf32, #tpu.memory_space<hbm>> -> memref<5x4x128xf32, #tpu.memory_space<hbm>>
        %dma_start3A_568 = arith.constant 0 : i32
        %dma_start3A_569 = arith.constant 0 : i32
        %dma_start3A_570 = arith.constant 0 : i32
        %dma_start3A_571 = tpu.memref_slice %arg9[%dma_start3A_556, %dma_start3A_568, %dma_start3A_569, %dma_start3A_570] : memref<4x5x4x128xf32, #tpu.memory_space<vmem>> -> memref<1x5x4x128xf32, #tpu.memory_space<vmem>>
        %dma_start3A_572 = tpu.memref_squeeze %dma_start3A_571 : memref<1x5x4x128xf32, #tpu.memory_space<vmem>> -> memref<5x4x128xf32, #tpu.memory_space<vmem>>
        tpu.enqueue_dma source(%dma_start3A_572 : memref<5x4x128xf32, #tpu.memory_space<vmem>>) target(%dma_start3A_567 : memref<5x4x128xf32, #tpu.memory_space<hbm>>) target_semaphore(%arg19 : memref<!tpu.dma_semaphore, #tpu.memory_space<semaphore_mem>>)
      } else {
      }
      %add3A_387 = arith.constant 64 : i32
      %add3A_388 = arith.addi %add3A_374, %add3A_387 : i32
      %lt3A_389 = arith.constant 3125 : i32
      %lt3A_390 = arith.cmpi slt, %add3A_388, %lt3A_389 : i32
      %convert_element_type3A_391 = arith.extui %lt3A_390 : i1 to i32
      %cond3A_392 = arith.constant 0 : i32
      %cond3A_393 = arith.cmpi ne, %convert_element_type3A_391, %cond3A_392 : i32
      scf.if %cond3A_393 {
        %add3A_402 = arith.constant 96 : i32
        %add3A_403 = arith.addi %add3A_388, %add3A_402 : i32
        %lt3A_404 = arith.constant 3125 : i32
        %lt3A_405 = arith.cmpi slt, %add3A_403, %lt3A_404 : i32
        %convert_element_type3A_406 = arith.extui %lt3A_405 : i1 to i32
        %cond3A_407 = arith.constant 0 : i32
        %cond3A_408 = arith.cmpi ne, %convert_element_type3A_406, %cond3A_407 : i32
        scf.if %cond3A_408 {
          %add3A_573 = arith.constant 96 : i32
          %add3A_574 = arith.addi %add3A_388, %add3A_573 : i32
          %mul3A_575 = arith.constant 640 : i32
          %mul3A_576 = arith.muli %add3A_574, %mul3A_575 : i32
          %dma_start3A_577 = arith.constant 1 : i32
          %dma_start3A_578 = arith.constant 0 : i32
          %dma_start3A_579 = tpu.memref_slice %arg6[%dma_start3A_577, %dma_start3A_578] : memref<4x640xi32, #tpu.memory_space<vmem>> -> memref<1x640xi32, #tpu.memory_space<vmem>>
          %dma_start3A_580 = tpu.memref_squeeze %dma_start3A_579 : memref<1x640xi32, #tpu.memory_space<vmem>> -> memref<640xi32, #tpu.memory_space<vmem>>
          %dma_start3A_581 = tpu.memref_slice %arg2[%mul3A_576] : memref<2000000xi32, #tpu.memory_space<hbm>> -> memref<640xi32, #tpu.memory_space<hbm>>
          %dma_start3A_582 = arith.constant 0 : i32
          %dma_start3A_583 = tpu.memref_slice %arg6[%dma_start3A_577, %dma_start3A_582] : memref<4x640xi32, #tpu.memory_space<vmem>> -> memref<1x640xi32, #tpu.memory_space<vmem>>
          %dma_start3A_584 = tpu.memref_squeeze %dma_start3A_583 : memref<1x640xi32, #tpu.memory_space<vmem>> -> memref<640xi32, #tpu.memory_space<vmem>>
          %dma_start3A_585 = tpu.memref_slice %arg2[%mul3A_576] : memref<2000000xi32, #tpu.memory_space<hbm>> -> memref<640xi32, #tpu.memory_space<hbm>>
          tpu.enqueue_dma source(%dma_start3A_585 : memref<640xi32, #tpu.memory_space<hbm>>) target(%dma_start3A_584 : memref<640xi32, #tpu.memory_space<vmem>>) target_semaphore(%arg11 : memref<!tpu.dma_semaphore, #tpu.memory_space<semaphore_mem>>)
        } else {
        }
        %add3A_409 = arith.constant 64 : i32
        %add3A_410 = arith.addi %add3A_388, %add3A_409 : i32
        %lt3A_411 = arith.constant 3125 : i32
        %lt3A_412 = arith.cmpi slt, %add3A_410, %lt3A_411 : i32
        %convert_element_type3A_413 = arith.extui %lt3A_412 : i1 to i32
        %cond3A_414 = arith.constant 0 : i32
        %cond3A_415 = arith.cmpi ne, %convert_element_type3A_413, %cond3A_414 : i32
        scf.if %cond3A_415 {
          %dma_wait3A_573 = arith.constant 0 : i32
          %dma_wait3A_574 = arith.constant 0 : i32
          %dma_wait3A_575 = tpu.memref_slice %arg6[%dma_wait3A_573, %dma_wait3A_574] : memref<4x640xi32, #tpu.memory_space<vmem>> -> memref<1x640xi32, #tpu.memory_space<vmem>>
          %dma_wait3A_576 = tpu.memref_squeeze %dma_wait3A_575 : memref<1x640xi32, #tpu.memory_space<vmem>> -> memref<640xi32, #tpu.memory_space<vmem>>
          %dma_wait3A_577 = arith.constant 0 : i32
          %dma_wait3A_578 = tpu.memref_slice %arg2[%dma_wait3A_577] : memref<2000000xi32, #tpu.memory_space<hbm>> -> memref<640xi32, #tpu.memory_space<hbm>>
          %dma_wait3A_579 = arith.constant 0 : i32
          %dma_wait3A_580 = tpu.memref_slice %arg6[%dma_wait3A_573, %dma_wait3A_579] : memref<4x640xi32, #tpu.memory_space<vmem>> -> memref<1x640xi32, #tpu.memory_space<vmem>>
          %dma_wait3A_581 = tpu.memref_squeeze %dma_wait3A_580 : memref<1x640xi32, #tpu.memory_space<vmem>> -> memref<640xi32, #tpu.memory_space<vmem>>
          %dma_wait3A_582 = arith.constant 0 : i32
          %dma_wait3A_583 = tpu.memref_slice %arg2[%dma_wait3A_582] : memref<2000000xi32, #tpu.memory_space<hbm>> -> memref<640xi32, #tpu.memory_space<hbm>>
          tpu.wait_dma2 semaphore(%arg10 : memref<!tpu.dma_semaphore, #tpu.memory_space<semaphore_mem>>) src(%dma_wait3A_583 : memref<640xi32, #tpu.memory_space<hbm>>) dst(%dma_wait3A_581 : memref<640xi32, #tpu.memory_space<vmem>>)
          %add3A_584 = arith.constant 64 : i32
          %add3A_585 = arith.addi %add3A_388, %add3A_584 : i32
          %mul3A_586 = arith.constant 640 : i32
          %mul3A_587 = arith.muli %add3A_585, %mul3A_586 : i32
          %dma_start3A_588 = arith.constant 0 : i32
          %dma_start3A_589 = arith.constant 0 : i32
          %dma_start3A_590 = arith.constant 0 : i32
          %dma_start3A_591 = arith.constant 0 : i32
          %dma_start3A_592 = tpu.memref_slice %arg7[%dma_start3A_589, %dma_start3A_590, %dma_start3A_591] : memref<4x640x16xf32, #tpu.memory_space<vmem>> -> memref<1x640x16xf32, #tpu.memory_space<vmem>>
          %dma_start3A_593 = tpu.memref_squeeze %dma_start3A_592 : memref<1x640x16xf32, #tpu.memory_space<vmem>> -> memref<640x16xf32, #tpu.memory_space<vmem>>
          %dma_start3A_594 = arith.constant 0 : i32
          %dma_start3A_595 = arith.constant 0 : i32
          %dma_start3A_596 = tpu.memref_slice %dma_start3A_593[%dma_start3A_594, %dma_start3A_595] : memref<640x16xf32, #tpu.memory_space<vmem>> -> memref<128x16xf32, #tpu.memory_space<vmem>>
          %dma_start3A_597 = arith.constant 0 : i32
          %dma_start3A_598 = tpu.memref_slice %arg6[%dma_start3A_588, %dma_start3A_597] : memref<4x640xi32, #tpu.memory_space<vmem>> -> memref<1x640xi32, #tpu.memory_space<vmem>>
          %dma_start3A_599 = tpu.memref_squeeze %dma_start3A_598 : memref<1x640xi32, #tpu.memory_space<vmem>> -> memref<640xi32, #tpu.memory_space<vmem>>
          %dma_start3A_600 = arith.constant 0 : i32
          %dma_start3A_601 = tpu.memref_slice %dma_start3A_599[%dma_start3A_600] : memref<640xi32, #tpu.memory_space<vmem>> -> memref<128xi32, #tpu.memory_space<vmem>>
          %dma_start3A_602 = arith.constant 0 : i32
          %dma_start3A_603 = arith.constant 0 : i32
          %dma_start3A_604 = tpu.memref_slice %arg4[%dma_start3A_602, %dma_start3A_603] : memref<102400x16xf32, #tpu.memory_space<hbm>> -> memref<102400x16xf32, #tpu.memory_space<hbm>>
          tpu.enqueue_indirect_dma source(%dma_start3A_604 : memref<102400x16xf32, #tpu.memory_space<hbm>>) target(%dma_start3A_596 : memref<128x16xf32, #tpu.memory_space<vmem>>) offsets(%dma_start3A_601 : memref<128xi32, #tpu.memory_space<vmem>>) semaphore(%arg14 : memref<!tpu.dma_semaphore, #tpu.memory_space<semaphore_mem>>)
          %dma_start3A_605 = arith.constant 0 : i32
          %dma_start3A_606 = arith.constant 0 : i32
          %dma_start3A_607 = arith.constant 0 : i32
          %dma_start3A_608 = arith.constant 0 : i32
          %dma_start3A_609 = tpu.memref_slice %arg7[%dma_start3A_606, %dma_start3A_607, %dma_start3A_608] : memref<4x640x16xf32, #tpu.memory_space<vmem>> -> memref<1x640x16xf32, #tpu.memory_space<vmem>>
          %dma_start3A_610 = tpu.memref_squeeze %dma_start3A_609 : memref<1x640x16xf32, #tpu.memory_space<vmem>> -> memref<640x16xf32, #tpu.memory_space<vmem>>
          %dma_start3A_611 = arith.constant 128 : i32
          %dma_start3A_612 = arith.constant 0 : i32
          %dma_start3A_613 = tpu.memref_slice %dma_start3A_610[%dma_start3A_611, %dma_start3A_612] : memref<640x16xf32, #tpu.memory_space<vmem>> -> memref<128x16xf32, #tpu.memory_space<vmem>>
          %dma_start3A_614 = arith.constant 0 : i32
          %dma_start3A_615 = tpu.memref_slice %arg6[%dma_start3A_605, %dma_start3A_614] : memref<4x640xi32, #tpu.memory_space<vmem>> -> memref<1x640xi32, #tpu.memory_space<vmem>>
          %dma_start3A_616 = tpu.memref_squeeze %dma_start3A_615 : memref<1x640xi32, #tpu.memory_space<vmem>> -> memref<640xi32, #tpu.memory_space<vmem>>
          %dma_start3A_617 = arith.constant 128 : i32
          %dma_start3A_618 = tpu.memref_slice %dma_start3A_616[%dma_start3A_617] : memref<640xi32, #tpu.memory_space<vmem>> -> memref<128xi32, #tpu.memory_space<vmem>>
          %dma_start3A_619 = arith.constant 0 : i32
          %dma_start3A_620 = arith.constant 0 : i32
          %dma_start3A_621 = tpu.memref_slice %arg4[%dma_start3A_619, %dma_start3A_620] : memref<102400x16xf32, #tpu.memory_space<hbm>> -> memref<102400x16xf32, #tpu.memory_space<hbm>>
          tpu.enqueue_indirect_dma source(%dma_start3A_621 : memref<102400x16xf32, #tpu.memory_space<hbm>>) target(%dma_start3A_613 : memref<128x16xf32, #tpu.memory_space<vmem>>) offsets(%dma_start3A_618 : memref<128xi32, #tpu.memory_space<vmem>>) semaphore(%arg14 : memref<!tpu.dma_semaphore, #tpu.memory_space<semaphore_mem>>)
          %dma_start3A_622 = arith.constant 0 : i32
          %dma_start3A_623 = arith.constant 0 : i32
          %dma_start3A_624 = arith.constant 0 : i32
          %dma_start3A_625 = arith.constant 0 : i32
          %dma_start3A_626 = tpu.memref_slice %arg7[%dma_start3A_623, %dma_start3A_624, %dma_start3A_625] : memref<4x640x16xf32, #tpu.memory_space<vmem>> -> memref<1x640x16xf32, #tpu.memory_space<vmem>>
          %dma_start3A_627 = tpu.memref_squeeze %dma_start3A_626 : memref<1x640x16xf32, #tpu.memory_space<vmem>> -> memref<640x16xf32, #tpu.memory_space<vmem>>
          %dma_start3A_628 = arith.constant 256 : i32
          %dma_start3A_629 = arith.constant 0 : i32
          %dma_start3A_630 = tpu.memref_slice %dma_start3A_627[%dma_start3A_628, %dma_start3A_629] : memref<640x16xf32, #tpu.memory_space<vmem>> -> memref<128x16xf32, #tpu.memory_space<vmem>>
          %dma_start3A_631 = arith.constant 0 : i32
          %dma_start3A_632 = tpu.memref_slice %arg6[%dma_start3A_622, %dma_start3A_631] : memref<4x640xi32, #tpu.memory_space<vmem>> -> memref<1x640xi32, #tpu.memory_space<vmem>>
          %dma_start3A_633 = tpu.memref_squeeze %dma_start3A_632 : memref<1x640xi32, #tpu.memory_space<vmem>> -> memref<640xi32, #tpu.memory_space<vmem>>
          %dma_start3A_634 = arith.constant 256 : i32
          %dma_start3A_635 = tpu.memref_slice %dma_start3A_633[%dma_start3A_634] : memref<640xi32, #tpu.memory_space<vmem>> -> memref<128xi32, #tpu.memory_space<vmem>>
          %dma_start3A_636 = arith.constant 0 : i32
          %dma_start3A_637 = arith.constant 0 : i32
          %dma_start3A_638 = tpu.memref_slice %arg4[%dma_start3A_636, %dma_start3A_637] : memref<102400x16xf32, #tpu.memory_space<hbm>> -> memref<102400x16xf32, #tpu.memory_space<hbm>>
          tpu.enqueue_indirect_dma source(%dma_start3A_638 : memref<102400x16xf32, #tpu.memory_space<hbm>>) target(%dma_start3A_630 : memref<128x16xf32, #tpu.memory_space<vmem>>) offsets(%dma_start3A_635 : memref<128xi32, #tpu.memory_space<vmem>>) semaphore(%arg14 : memref<!tpu.dma_semaphore, #tpu.memory_space<semaphore_mem>>)
          %dma_start3A_639 = arith.constant 0 : i32
          %dma_start3A_640 = arith.constant 0 : i32
          %dma_start3A_641 = arith.constant 0 : i32
          %dma_start3A_642 = arith.constant 0 : i32
          %dma_start3A_643 = tpu.memref_slice %arg7[%dma_start3A_640, %dma_start3A_641, %dma_start3A_642] : memref<4x640x16xf32, #tpu.memory_space<vmem>> -> memref<1x640x16xf32, #tpu.memory_space<vmem>>
          %dma_start3A_644 = tpu.memref_squeeze %dma_start3A_643 : memref<1x640x16xf32, #tpu.memory_space<vmem>> -> memref<640x16xf32, #tpu.memory_space<vmem>>
          %dma_start3A_645 = arith.constant 384 : i32
          %dma_start3A_646 = arith.constant 0 : i32
          %dma_start3A_647 = tpu.memref_slice %dma_start3A_644[%dma_start3A_645, %dma_start3A_646] : memref<640x16xf32, #tpu.memory_space<vmem>> -> memref<128x16xf32, #tpu.memory_space<vmem>>
          %dma_start3A_648 = arith.constant 0 : i32
          %dma_start3A_649 = tpu.memref_slice %arg6[%dma_start3A_639, %dma_start3A_648] : memref<4x640xi32, #tpu.memory_space<vmem>> -> memref<1x640xi32, #tpu.memory_space<vmem>>
          %dma_start3A_650 = tpu.memref_squeeze %dma_start3A_649 : memref<1x640xi32, #tpu.memory_space<vmem>> -> memref<640xi32, #tpu.memory_space<vmem>>
          %dma_start3A_651 = arith.constant 384 : i32
          %dma_start3A_652 = tpu.memref_slice %dma_start3A_650[%dma_start3A_651] : memref<640xi32, #tpu.memory_space<vmem>> -> memref<128xi32, #tpu.memory_space<vmem>>
          %dma_start3A_653 = arith.constant 0 : i32
          %dma_start3A_654 = arith.constant 0 : i32
          %dma_start3A_655 = tpu.memref_slice %arg4[%dma_start3A_653, %dma_start3A_654] : memref<102400x16xf32, #tpu.memory_space<hbm>> -> memref<102400x16xf32, #tpu.memory_space<hbm>>
          tpu.enqueue_indirect_dma source(%dma_start3A_655 : memref<102400x16xf32, #tpu.memory_space<hbm>>) target(%dma_start3A_647 : memref<128x16xf32, #tpu.memory_space<vmem>>) offsets(%dma_start3A_652 : memref<128xi32, #tpu.memory_space<vmem>>) semaphore(%arg14 : memref<!tpu.dma_semaphore, #tpu.memory_space<semaphore_mem>>)
          %dma_start3A_656 = arith.constant 0 : i32
          %dma_start3A_657 = arith.constant 0 : i32
          %dma_start3A_658 = arith.constant 0 : i32
          %dma_start3A_659 = arith.constant 0 : i32
          %dma_start3A_660 = tpu.memref_slice %arg7[%dma_start3A_657, %dma_start3A_658, %dma_start3A_659] : memref<4x640x16xf32, #tpu.memory_space<vmem>> -> memref<1x640x16xf32, #tpu.memory_space<vmem>>
          %dma_start3A_661 = tpu.memref_squeeze %dma_start3A_660 : memref<1x640x16xf32, #tpu.memory_space<vmem>> -> memref<640x16xf32, #tpu.memory_space<vmem>>
          %dma_start3A_662 = arith.constant 512 : i32
          %dma_start3A_663 = arith.constant 0 : i32
          %dma_start3A_664 = tpu.memref_slice %dma_start3A_661[%dma_start3A_662, %dma_start3A_663] : memref<640x16xf32, #tpu.memory_space<vmem>> -> memref<128x16xf32, #tpu.memory_space<vmem>>
          %dma_start3A_665 = arith.constant 0 : i32
          %dma_start3A_666 = tpu.memref_slice %arg6[%dma_start3A_656, %dma_start3A_665] : memref<4x640xi32, #tpu.memory_space<vmem>> -> memref<1x640xi32, #tpu.memory_space<vmem>>
          %dma_start3A_667 = tpu.memref_squeeze %dma_start3A_666 : memref<1x640xi32, #tpu.memory_space<vmem>> -> memref<640xi32, #tpu.memory_space<vmem>>
          %dma_start3A_668 = arith.constant 512 : i32
          %dma_start3A_669 = tpu.memref_slice %dma_start3A_667[%dma_start3A_668] : memref<640xi32, #tpu.memory_space<vmem>> -> memref<128xi32, #tpu.memory_space<vmem>>
          %dma_start3A_670 = arith.constant 0 : i32
          %dma_start3A_671 = arith.constant 0 : i32
          %dma_start3A_672 = tpu.memref_slice %arg4[%dma_start3A_670, %dma_start3A_671] : memref<102400x16xf32, #tpu.memory_space<hbm>> -> memref<102400x16xf32, #tpu.memory_space<hbm>>
          tpu.enqueue_indirect_dma source(%dma_start3A_672 : memref<102400x16xf32, #tpu.memory_space<hbm>>) target(%dma_start3A_664 : memref<128x16xf32, #tpu.memory_space<vmem>>) offsets(%dma_start3A_669 : memref<128xi32, #tpu.memory_space<vmem>>) semaphore(%arg14 : memref<!tpu.dma_semaphore, #tpu.memory_space<semaphore_mem>>)
          %mul3A_673 = arith.constant 5 : i32
          %mul3A_674 = arith.muli %add3A_585, %mul3A_673 : i32
          %dma_start3A_675 = arith.constant 0 : i32
          %dma_start3A_676 = arith.constant 0 : i32
          %dma_start3A_677 = arith.constant 0 : i32
          %dma_start3A_678 = arith.constant 0 : i32
          %dma_start3A_679 = tpu.memref_slice %arg8[%dma_start3A_675, %dma_start3A_676, %dma_start3A_677, %dma_start3A_678] : memref<4x5x4x128xf32, #tpu.memory_space<vmem>> -> memref<1x5x4x128xf32, #tpu.memory_space<vmem>>
          %dma_start3A_680 = tpu.memref_squeeze %dma_start3A_679 : memref<1x5x4x128xf32, #tpu.memory_space<vmem>> -> memref<5x4x128xf32, #tpu.memory_space<vmem>>
          %dma_start3A_681 = arith.constant 0 : i32
          %dma_start3A_682 = arith.constant 0 : i32
          %dma_start3A_683 = tpu.memref_slice %arg3[%mul3A_674, %dma_start3A_681, %dma_start3A_682] : memref<15625x4x128xf32, #tpu.memory_space<hbm>> -> memref<5x4x128xf32, #tpu.memory_space<hbm>>
          %dma_start3A_684 = arith.constant 0 : i32
          %dma_start3A_685 = arith.constant 0 : i32
          %dma_start3A_686 = arith.constant 0 : i32
          %dma_start3A_687 = tpu.memref_slice %arg8[%dma_start3A_675, %dma_start3A_684, %dma_start3A_685, %dma_start3A_686] : memref<4x5x4x128xf32, #tpu.memory_space<vmem>> -> memref<1x5x4x128xf32, #tpu.memory_space<vmem>>
          %dma_start3A_688 = tpu.memref_squeeze %dma_start3A_687 : memref<1x5x4x128xf32, #tpu.memory_space<vmem>> -> memref<5x4x128xf32, #tpu.memory_space<vmem>>
          %dma_start3A_689 = arith.constant 0 : i32
          %dma_start3A_690 = arith.constant 0 : i32
          %dma_start3A_691 = tpu.memref_slice %arg3[%mul3A_674, %dma_start3A_689, %dma_start3A_690] : memref<15625x4x128xf32, #tpu.memory_space<hbm>> -> memref<5x4x128xf32, #tpu.memory_space<hbm>>
          tpu.enqueue_dma source(%dma_start3A_691 : memref<5x4x128xf32, #tpu.memory_space<hbm>>) target(%dma_start3A_688 : memref<5x4x128xf32, #tpu.memory_space<vmem>>) target_semaphore(%arg14 : memref<!tpu.dma_semaphore, #tpu.memory_space<semaphore_mem>>)
        } else {
        }
        %dma_wait3A_416 = arith.constant 2 : i32
        %dma_wait3A_417 = arith.constant 0 : i32
        %dma_wait3A_418 = arith.constant 0 : i32
        %dma_wait3A_419 = tpu.memref_slice %arg7[%dma_wait3A_416, %dma_wait3A_417, %dma_wait3A_418] : memref<4x640x16xf32, #tpu.memory_space<vmem>> -> memref<1x640x16xf32, #tpu.memory_space<vmem>>
        %dma_wait3A_420 = tpu.memref_squeeze %dma_wait3A_419 : memref<1x640x16xf32, #tpu.memory_space<vmem>> -> memref<640x16xf32, #tpu.memory_space<vmem>>
        %dma_wait3A_421 = arith.constant 0 : i32
        %dma_wait3A_422 = arith.constant 0 : i32
        %dma_wait3A_423 = tpu.memref_slice %dma_wait3A_420[%dma_wait3A_421, %dma_wait3A_422] : memref<640x16xf32, #tpu.memory_space<vmem>> -> memref<128x16xf32, #tpu.memory_space<vmem>>
        %dma_wait3A_424 = arith.constant 0 : i32
        %dma_wait3A_425 = arith.constant 0 : i32
        %dma_wait3A_426 = tpu.memref_slice %arg4[%dma_wait3A_424, %dma_wait3A_425] : memref<102400x16xf32, #tpu.memory_space<hbm>> -> memref<128x16xf32, #tpu.memory_space<hbm>>
        %dma_wait3A_427 = arith.constant 0 : i32
        %dma_wait3A_428 = arith.constant 0 : i32
        %dma_wait3A_429 = tpu.memref_slice %arg7[%dma_wait3A_416, %dma_wait3A_427, %dma_wait3A_428] : memref<4x640x16xf32, #tpu.memory_space<vmem>> -> memref<1x640x16xf32, #tpu.memory_space<vmem>>
        %dma_wait3A_430 = tpu.memref_squeeze %dma_wait3A_429 : memref<1x640x16xf32, #tpu.memory_space<vmem>> -> memref<640x16xf32, #tpu.memory_space<vmem>>
        %dma_wait3A_431 = arith.constant 0 : i32
        %dma_wait3A_432 = arith.constant 0 : i32
        %dma_wait3A_433 = tpu.memref_slice %dma_wait3A_430[%dma_wait3A_431, %dma_wait3A_432] : memref<640x16xf32, #tpu.memory_space<vmem>> -> memref<128x16xf32, #tpu.memory_space<vmem>>
        %dma_wait3A_434 = arith.constant 0 : i32
        %dma_wait3A_435 = arith.constant 0 : i32
        %dma_wait3A_436 = tpu.memref_slice %arg4[%dma_wait3A_434, %dma_wait3A_435] : memref<102400x16xf32, #tpu.memory_space<hbm>> -> memref<128x16xf32, #tpu.memory_space<hbm>>
        tpu.wait_dma2 semaphore(%arg16 : memref<!tpu.dma_semaphore, #tpu.memory_space<semaphore_mem>>) src(%dma_wait3A_436 : memref<128x16xf32, #tpu.memory_space<hbm>>) dst(%dma_wait3A_433 : memref<128x16xf32, #tpu.memory_space<vmem>>)
        %dma_wait3A_437 = arith.constant 2 : i32
        %dma_wait3A_438 = arith.constant 0 : i32
        %dma_wait3A_439 = arith.constant 0 : i32
        %dma_wait3A_440 = tpu.memref_slice %arg7[%dma_wait3A_437, %dma_wait3A_438, %dma_wait3A_439] : memref<4x640x16xf32, #tpu.memory_space<vmem>> -> memref<1x640x16xf32, #tpu.memory_space<vmem>>
        %dma_wait3A_441 = tpu.memref_squeeze %dma_wait3A_440 : memref<1x640x16xf32, #tpu.memory_space<vmem>> -> memref<640x16xf32, #tpu.memory_space<vmem>>
        %dma_wait3A_442 = arith.constant 128 : i32
        %dma_wait3A_443 = arith.constant 0 : i32
        %dma_wait3A_444 = tpu.memref_slice %dma_wait3A_441[%dma_wait3A_442, %dma_wait3A_443] : memref<640x16xf32, #tpu.memory_space<vmem>> -> memref<128x16xf32, #tpu.memory_space<vmem>>
        %dma_wait3A_445 = arith.constant 0 : i32
        %dma_wait3A_446 = arith.constant 0 : i32
        %dma_wait3A_447 = tpu.memref_slice %arg4[%dma_wait3A_445, %dma_wait3A_446] : memref<102400x16xf32, #tpu.memory_space<hbm>> -> memref<128x16xf32, #tpu.memory_space<hbm>>
        %dma_wait3A_448 = arith.constant 0 : i32
        %dma_wait3A_449 = arith.constant 0 : i32
        %dma_wait3A_450 = tpu.memref_slice %arg7[%dma_wait3A_437, %dma_wait3A_448, %dma_wait3A_449] : memref<4x640x16xf32, #tpu.memory_space<vmem>> -> memref<1x640x16xf32, #tpu.memory_space<vmem>>
        %dma_wait3A_451 = tpu.memref_squeeze %dma_wait3A_450 : memref<1x640x16xf32, #tpu.memory_space<vmem>> -> memref<640x16xf32, #tpu.memory_space<vmem>>
        %dma_wait3A_452 = arith.constant 128 : i32
        %dma_wait3A_453 = arith.constant 0 : i32
        %dma_wait3A_454 = tpu.memref_slice %dma_wait3A_451[%dma_wait3A_452, %dma_wait3A_453] : memref<640x16xf32, #tpu.memory_space<vmem>> -> memref<128x16xf32, #tpu.memory_space<vmem>>
        %dma_wait3A_455 = arith.constant 0 : i32
        %dma_wait3A_456 = arith.constant 0 : i32
        %dma_wait3A_457 = tpu.memref_slice %arg4[%dma_wait3A_455, %dma_wait3A_456] : memref<102400x16xf32, #tpu.memory_space<hbm>> -> memref<128x16xf32, #tpu.memory_space<hbm>>
        tpu.wait_dma2 semaphore(%arg16 : memref<!tpu.dma_semaphore, #tpu.memory_space<semaphore_mem>>) src(%dma_wait3A_457 : memref<128x16xf32, #tpu.memory_space<hbm>>) dst(%dma_wait3A_454 : memref<128x16xf32, #tpu.memory_space<vmem>>)
        %dma_wait3A_458 = arith.constant 2 : i32
        %dma_wait3A_459 = arith.constant 0 : i32
        %dma_wait3A_460 = arith.constant 0 : i32
        %dma_wait3A_461 = tpu.memref_slice %arg7[%dma_wait3A_458, %dma_wait3A_459, %dma_wait3A_460] : memref<4x640x16xf32, #tpu.memory_space<vmem>> -> memref<1x640x16xf32, #tpu.memory_space<vmem>>
        %dma_wait3A_462 = tpu.memref_squeeze %dma_wait3A_461 : memref<1x640x16xf32, #tpu.memory_space<vmem>> -> memref<640x16xf32, #tpu.memory_space<vmem>>
        %dma_wait3A_463 = arith.constant 256 : i32
        %dma_wait3A_464 = arith.constant 0 : i32
        %dma_wait3A_465 = tpu.memref_slice %dma_wait3A_462[%dma_wait3A_463, %dma_wait3A_464] : memref<640x16xf32, #tpu.memory_space<vmem>> -> memref<128x16xf32, #tpu.memory_space<vmem>>
        %dma_wait3A_466 = arith.constant 0 : i32
        %dma_wait3A_467 = arith.constant 0 : i32
        %dma_wait3A_468 = tpu.memref_slice %arg4[%dma_wait3A_466, %dma_wait3A_467] : memref<102400x16xf32, #tpu.memory_space<hbm>> -> memref<128x16xf32, #tpu.memory_space<hbm>>
        %dma_wait3A_469 = arith.constant 0 : i32
        %dma_wait3A_470 = arith.constant 0 : i32
        %dma_wait3A_471 = tpu.memref_slice %arg7[%dma_wait3A_458, %dma_wait3A_469, %dma_wait3A_470] : memref<4x640x16xf32, #tpu.memory_space<vmem>> -> memref<1x640x16xf32, #tpu.memory_space<vmem>>
        %dma_wait3A_472 = tpu.memref_squeeze %dma_wait3A_471 : memref<1x640x16xf32, #tpu.memory_space<vmem>> -> memref<640x16xf32, #tpu.memory_space<vmem>>
        %dma_wait3A_473 = arith.constant 256 : i32
        %dma_wait3A_474 = arith.constant 0 : i32
        %dma_wait3A_475 = tpu.memref_slice %dma_wait3A_472[%dma_wait3A_473, %dma_wait3A_474] : memref<640x16xf32, #tpu.memory_space<vmem>> -> memref<128x16xf32, #tpu.memory_space<vmem>>
        %dma_wait3A_476 = arith.constant 0 : i32
        %dma_wait3A_477 = arith.constant 0 : i32
        %dma_wait3A_478 = tpu.memref_slice %arg4[%dma_wait3A_476, %dma_wait3A_477] : memref<102400x16xf32, #tpu.memory_space<hbm>> -> memref<128x16xf32, #tpu.memory_space<hbm>>
        tpu.wait_dma2 semaphore(%arg16 : memref<!tpu.dma_semaphore, #tpu.memory_space<semaphore_mem>>) src(%dma_wait3A_478 : memref<128x16xf32, #tpu.memory_space<hbm>>) dst(%dma_wait3A_475 : memref<128x16xf32, #tpu.memory_space<vmem>>)
        %dma_wait3A_479 = arith.constant 2 : i32
        %dma_wait3A_480 = arith.constant 0 : i32
        %dma_wait3A_481 = arith.constant 0 : i32
        %dma_wait3A_482 = tpu.memref_slice %arg7[%dma_wait3A_479, %dma_wait3A_480, %dma_wait3A_481] : memref<4x640x16xf32, #tpu.memory_space<vmem>> -> memref<1x640x16xf32, #tpu.memory_space<vmem>>
        %dma_wait3A_483 = tpu.memref_squeeze %dma_wait3A_482 : memref<1x640x16xf32, #tpu.memory_space<vmem>> -> memref<640x16xf32, #tpu.memory_space<vmem>>
        %dma_wait3A_484 = arith.constant 384 : i32
        %dma_wait3A_485 = arith.constant 0 : i32
        %dma_wait3A_486 = tpu.memref_slice %dma_wait3A_483[%dma_wait3A_484, %dma_wait3A_485] : memref<640x16xf32, #tpu.memory_space<vmem>> -> memref<128x16xf32, #tpu.memory_space<vmem>>
        %dma_wait3A_487 = arith.constant 0 : i32
        %dma_wait3A_488 = arith.constant 0 : i32
        %dma_wait3A_489 = tpu.memref_slice %arg4[%dma_wait3A_487, %dma_wait3A_488] : memref<102400x16xf32, #tpu.memory_space<hbm>> -> memref<128x16xf32, #tpu.memory_space<hbm>>
        %dma_wait3A_490 = arith.constant 0 : i32
        %dma_wait3A_491 = arith.constant 0 : i32
        %dma_wait3A_492 = tpu.memref_slice %arg7[%dma_wait3A_479, %dma_wait3A_490, %dma_wait3A_491] : memref<4x640x16xf32, #tpu.memory_space<vmem>> -> memref<1x640x16xf32, #tpu.memory_space<vmem>>
        %dma_wait3A_493 = tpu.memref_squeeze %dma_wait3A_492 : memref<1x640x16xf32, #tpu.memory_space<vmem>> -> memref<640x16xf32, #tpu.memory_space<vmem>>
        %dma_wait3A_494 = arith.constant 384 : i32
        %dma_wait3A_495 = arith.constant 0 : i32
        %dma_wait3A_496 = tpu.memref_slice %dma_wait3A_493[%dma_wait3A_494, %dma_wait3A_495] : memref<640x16xf32, #tpu.memory_space<vmem>> -> memref<128x16xf32, #tpu.memory_space<vmem>>
        %dma_wait3A_497 = arith.constant 0 : i32
        %dma_wait3A_498 = arith.constant 0 : i32
        %dma_wait3A_499 = tpu.memref_slice %arg4[%dma_wait3A_497, %dma_wait3A_498] : memref<102400x16xf32, #tpu.memory_space<hbm>> -> memref<128x16xf32, #tpu.memory_space<hbm>>
        tpu.wait_dma2 semaphore(%arg16 : memref<!tpu.dma_semaphore, #tpu.memory_space<semaphore_mem>>) src(%dma_wait3A_499 : memref<128x16xf32, #tpu.memory_space<hbm>>) dst(%dma_wait3A_496 : memref<128x16xf32, #tpu.memory_space<vmem>>)
        %dma_wait3A_500 = arith.constant 2 : i32
        %dma_wait3A_501 = arith.constant 0 : i32
        %dma_wait3A_502 = arith.constant 0 : i32
        %dma_wait3A_503 = tpu.memref_slice %arg7[%dma_wait3A_500, %dma_wait3A_501, %dma_wait3A_502] : memref<4x640x16xf32, #tpu.memory_space<vmem>> -> memref<1x640x16xf32, #tpu.memory_space<vmem>>
        %dma_wait3A_504 = tpu.memref_squeeze %dma_wait3A_503 : memref<1x640x16xf32, #tpu.memory_space<vmem>> -> memref<640x16xf32, #tpu.memory_space<vmem>>
        %dma_wait3A_505 = arith.constant 512 : i32
        %dma_wait3A_506 = arith.constant 0 : i32
        %dma_wait3A_507 = tpu.memref_slice %dma_wait3A_504[%dma_wait3A_505, %dma_wait3A_506] : memref<640x16xf32, #tpu.memory_space<vmem>> -> memref<128x16xf32, #tpu.memory_space<vmem>>
        %dma_wait3A_508 = arith.constant 0 : i32
        %dma_wait3A_509 = arith.constant 0 : i32
        %dma_wait3A_510 = tpu.memref_slice %arg4[%dma_wait3A_508, %dma_wait3A_509] : memref<102400x16xf32, #tpu.memory_space<hbm>> -> memref<128x16xf32, #tpu.memory_space<hbm>>
        %dma_wait3A_511 = arith.constant 0 : i32
        %dma_wait3A_512 = arith.constant 0 : i32
        %dma_wait3A_513 = tpu.memref_slice %arg7[%dma_wait3A_500, %dma_wait3A_511, %dma_wait3A_512] : memref<4x640x16xf32, #tpu.memory_space<vmem>> -> memref<1x640x16xf32, #tpu.memory_space<vmem>>
        %dma_wait3A_514 = tpu.memref_squeeze %dma_wait3A_513 : memref<1x640x16xf32, #tpu.memory_space<vmem>> -> memref<640x16xf32, #tpu.memory_space<vmem>>
        %dma_wait3A_515 = arith.constant 512 : i32
        %dma_wait3A_516 = arith.constant 0 : i32
        %dma_wait3A_517 = tpu.memref_slice %dma_wait3A_514[%dma_wait3A_515, %dma_wait3A_516] : memref<640x16xf32, #tpu.memory_space<vmem>> -> memref<128x16xf32, #tpu.memory_space<vmem>>
        %dma_wait3A_518 = arith.constant 0 : i32
        %dma_wait3A_519 = arith.constant 0 : i32
        %dma_wait3A_520 = tpu.memref_slice %arg4[%dma_wait3A_518, %dma_wait3A_519] : memref<102400x16xf32, #tpu.memory_space<hbm>> -> memref<128x16xf32, #tpu.memory_space<hbm>>
        tpu.wait_dma2 semaphore(%arg16 : memref<!tpu.dma_semaphore, #tpu.memory_space<semaphore_mem>>) src(%dma_wait3A_520 : memref<128x16xf32, #tpu.memory_space<hbm>>) dst(%dma_wait3A_517 : memref<128x16xf32, #tpu.memory_space<vmem>>)
        %dma_wait3A_521 = arith.constant 2 : i32
        %dma_wait3A_522 = arith.constant 0 : i32
        %dma_wait3A_523 = arith.constant 0 : i32
        %dma_wait3A_524 = arith.constant 0 : i32
        %dma_wait3A_525 = tpu.memref_slice %arg8[%dma_wait3A_521, %dma_wait3A_522, %dma_wait3A_523, %dma_wait3A_524] : memref<4x5x4x128xf32, #tpu.memory_space<vmem>> -> memref<1x5x4x128xf32, #tpu.memory_space<vmem>>
        %dma_wait3A_526 = tpu.memref_squeeze %dma_wait3A_525 : memref<1x5x4x128xf32, #tpu.memory_space<vmem>> -> memref<5x4x128xf32, #tpu.memory_space<vmem>>
        %dma_wait3A_527 = arith.constant 0 : i32
        %dma_wait3A_528 = arith.constant 0 : i32
        %dma_wait3A_529 = arith.constant 0 : i32
        %dma_wait3A_530 = tpu.memref_slice %arg3[%dma_wait3A_527, %dma_wait3A_528, %dma_wait3A_529] : memref<15625x4x128xf32, #tpu.memory_space<hbm>> -> memref<5x4x128xf32, #tpu.memory_space<hbm>>
        %dma_wait3A_531 = arith.constant 0 : i32
        %dma_wait3A_532 = arith.constant 0 : i32
        %dma_wait3A_533 = arith.constant 0 : i32
        %dma_wait3A_534 = tpu.memref_slice %arg8[%dma_wait3A_521, %dma_wait3A_531, %dma_wait3A_532, %dma_wait3A_533] : memref<4x5x4x128xf32, #tpu.memory_space<vmem>> -> memref<1x5x4x128xf32, #tpu.memory_space<vmem>>
        %dma_wait3A_535 = tpu.memref_squeeze %dma_wait3A_534 : memref<1x5x4x128xf32, #tpu.memory_space<vmem>> -> memref<5x4x128xf32, #tpu.memory_space<vmem>>
        %dma_wait3A_536 = arith.constant 0 : i32
        %dma_wait3A_537 = arith.constant 0 : i32
        %dma_wait3A_538 = arith.constant 0 : i32
        %dma_wait3A_539 = tpu.memref_slice %arg3[%dma_wait3A_536, %dma_wait3A_537, %dma_wait3A_538] : memref<15625x4x128xf32, #tpu.memory_space<hbm>> -> memref<5x4x128xf32, #tpu.memory_space<hbm>>
        tpu.wait_dma2 semaphore(%arg16 : memref<!tpu.dma_semaphore, #tpu.memory_space<semaphore_mem>>) src(%dma_wait3A_539 : memref<5x4x128xf32, #tpu.memory_space<hbm>>) dst(%dma_wait3A_535 : memref<5x4x128xf32, #tpu.memory_space<vmem>>)
        %ge3A = arith.constant 128 : i32
        %ge3A_540 = arith.cmpi sge, %add3A_388, %ge3A : i32
        %convert_element_type3A_541 = arith.extui %ge3A_540 : i1 to i32
        %cond3A_542 = arith.constant 0 : i32
        %cond3A_543 = arith.cmpi ne, %convert_element_type3A_541, %cond3A_542 : i32
        scf.if %cond3A_543 {
          %dma_wait3A_573 = arith.constant 2 : i32
          %dma_wait3A_574 = arith.constant 0 : i32
          %dma_wait3A_575 = arith.constant 0 : i32
          %dma_wait3A_576 = arith.constant 0 : i32
          %dma_wait3A_577 = tpu.memref_slice %arg9[%dma_wait3A_573, %dma_wait3A_574, %dma_wait3A_575, %dma_wait3A_576] : memref<4x5x4x128xf32, #tpu.memory_space<vmem>> -> memref<1x5x4x128xf32, #tpu.memory_space<vmem>>
          %dma_wait3A_578 = tpu.memref_squeeze %dma_wait3A_577 : memref<1x5x4x128xf32, #tpu.memory_space<vmem>> -> memref<5x4x128xf32, #tpu.memory_space<vmem>>
          %dma_wait3A_579 = arith.constant 0 : i32
          %dma_wait3A_580 = arith.constant 0 : i32
          %dma_wait3A_581 = arith.constant 0 : i32
          %dma_wait3A_582 = tpu.memref_slice %arg5[%dma_wait3A_579, %dma_wait3A_580, %dma_wait3A_581] : memref<15625x4x128xf32, #tpu.memory_space<hbm>> -> memref<5x4x128xf32, #tpu.memory_space<hbm>>
          %dma_wait3A_583 = arith.constant 0 : i32
          %dma_wait3A_584 = arith.constant 0 : i32
          %dma_wait3A_585 = arith.constant 0 : i32
          %dma_wait3A_586 = tpu.memref_slice %arg5[%dma_wait3A_583, %dma_wait3A_584, %dma_wait3A_585] : memref<15625x4x128xf32, #tpu.memory_space<hbm>> -> memref<5x4x128xf32, #tpu.memory_space<hbm>>
          %dma_wait3A_587 = arith.constant 0 : i32
          %dma_wait3A_588 = arith.constant 0 : i32
          %dma_wait3A_589 = arith.constant 0 : i32
          %dma_wait3A_590 = tpu.memref_slice %arg9[%dma_wait3A_573, %dma_wait3A_587, %dma_wait3A_588, %dma_wait3A_589] : memref<4x5x4x128xf32, #tpu.memory_space<vmem>> -> memref<1x5x4x128xf32, #tpu.memory_space<vmem>>
          %dma_wait3A_591 = tpu.memref_squeeze %dma_wait3A_590 : memref<1x5x4x128xf32, #tpu.memory_space<vmem>> -> memref<5x4x128xf32, #tpu.memory_space<vmem>>
          tpu.wait_dma2 semaphore(%arg20 : memref<!tpu.dma_semaphore, #tpu.memory_space<semaphore_mem>>) src(%dma_wait3A_591 : memref<5x4x128xf32, #tpu.memory_space<vmem>>) dst(%dma_wait3A_586 : memref<5x4x128xf32, #tpu.memory_space<hbm>>)
        } else {
        }
        %scan3A_544 = arith.constant 2 : i32
        %scan3A_545 = arith.constant 2 : i32
        %scan3A_546 = arith.constant 2 : i32
        %scan3A_547 = arith.constant 0 : i32
        %scan3A_548 = arith.constant 0 : i32
        %scan3A_549 = arith.constant 40 : i32
        %scan3A_550 = arith.addi %scan3A_548, %scan3A_549 : i32
        %scan3A_551 = arith.constant 1 : i32
        %scan3A_552 = scf.for %scan3A_573 = %scan3A_548 to %scan3A_550 step %scan3A_551 iter_args(%scan3A_574 = %scan3A_547) -> (i32)  : i32 {
          %mul3A_575 = arith.constant 16 : i32
          %mul3A_576 = arith.muli %scan3A_573, %mul3A_575 : i32
          %add3A_577 = vector.broadcast %mul3A_576 : i32 to vector<16xi32>
          %add3A_578 = arith.addi %add3A_577, %iota3A : vector<16xi32>
          %shift_right_arithmetic3A = arith.constant 3 : i32
          %shift_right_arithmetic3A_579 = arith.shrsi %scan3A_573, %shift_right_arithmetic3A : i32
          %and3A = arith.constant 7 : i32
          %and3A_580 = arith.andi %scan3A_573, %and3A : i32
          %mul3A_581 = arith.constant 16 : i32
          %mul3A_582 = arith.muli %and3A_580, %mul3A_581 : i32
          %gather3A = arith.constant 0 : i32
          %gather3A_583 = arith.constant 0 : i32
          %gather3A_584 = tpu.memref_slice %arg7[%scan3A_544, %gather3A, %gather3A_583] : memref<4x640x16xf32, #tpu.memory_space<vmem>> -> memref<1x640x16xf32, #tpu.memory_space<vmem>>
          %gather3A_585 = tpu.memref_squeeze %gather3A_584 : memref<1x640x16xf32, #tpu.memory_space<vmem>> -> memref<640x16xf32, #tpu.memory_space<vmem>>
          %gather3A_586 = tpu.vector_load_idx %gather3A_585[%add3A_578, %broadcast_in_dim3A_1] : memref<640x16xf32, #tpu.memory_space<vmem>>[vector<16xi32>, vector<16xi32>], vector<16xf32>,
          %gather3A_587 = arith.constant 0 : i32
          %gather3A_588 = arith.constant 0 : i32
          %gather3A_589 = tpu.memref_slice %arg7[%scan3A_544, %gather3A_587, %gather3A_588] : memref<4x640x16xf32, #tpu.memory_space<vmem>> -> memref<1x640x16xf32, #tpu.memory_space<vmem>>
          %gather3A_590 = tpu.memref_squeeze %gather3A_589 : memref<1x640x16xf32, #tpu.memory_space<vmem>> -> memref<640x16xf32, #tpu.memory_space<vmem>>
          %gather3A_591 = tpu.vector_load_idx %gather3A_590[%add3A_578, %broadcast_in_dim3A_3] : memref<640x16xf32, #tpu.memory_space<vmem>>[vector<16xi32>, vector<16xi32>], vector<16xf32>,
          %gather3A_592 = arith.constant 0 : i32
          %gather3A_593 = arith.constant 0 : i32
          %gather3A_594 = tpu.memref_slice %arg7[%scan3A_544, %gather3A_592, %gather3A_593] : memref<4x640x16xf32, #tpu.memory_space<vmem>> -> memref<1x640x16xf32, #tpu.memory_space<vmem>>
          %gather3A_595 = tpu.memref_squeeze %gather3A_594 : memref<1x640x16xf32, #tpu.memory_space<vmem>> -> memref<640x16xf32, #tpu.memory_space<vmem>>
          %gather3A_596 = tpu.vector_load_idx %gather3A_595[%add3A_578, %broadcast_in_dim3A_5] : memref<640x16xf32, #tpu.memory_space<vmem>>[vector<16xi32>, vector<16xi32>], vector<16xf32>,
          %gather3A_597 = arith.constant 0 : i32
          %gather3A_598 = arith.constant 0 : i32
          %gather3A_599 = tpu.memref_slice %arg7[%scan3A_544, %gather3A_597, %gather3A_598] : memref<4x640x16xf32, #tpu.memory_space<vmem>> -> memref<1x640x16xf32, #tpu.memory_space<vmem>>
          %gather3A_600 = tpu.memref_squeeze %gather3A_599 : memref<1x640x16xf32, #tpu.memory_space<vmem>> -> memref<640x16xf32, #tpu.memory_space<vmem>>
          %gather3A_601 = tpu.vector_load_idx %gather3A_600[%add3A_578, %broadcast_in_dim3A_7] : memref<640x16xf32, #tpu.memory_space<vmem>>[vector<16xi32>, vector<16xi32>], vector<16xf32>,
          %gather3A_602 = arith.constant 0 : i32
          %gather3A_603 = arith.constant 0 : i32
          %gather3A_604 = tpu.memref_slice %arg7[%scan3A_544, %gather3A_602, %gather3A_603] : memref<4x640x16xf32, #tpu.memory_space<vmem>> -> memref<1x640x16xf32, #tpu.memory_space<vmem>>
          %gather3A_605 = tpu.memref_squeeze %gather3A_604 : memref<1x640x16xf32, #tpu.memory_space<vmem>> -> memref<640x16xf32, #tpu.memory_space<vmem>>
          %gather3A_606 = tpu.vector_load_idx %gather3A_605[%add3A_578, %broadcast_in_dim3A_9] : memref<640x16xf32, #tpu.memory_space<vmem>>[vector<16xi32>, vector<16xi32>], vector<16xf32>,
          %gather3A_607 = arith.constant 0 : i32
          %gather3A_608 = arith.constant 0 : i32
          %gather3A_609 = tpu.memref_slice %arg7[%scan3A_544, %gather3A_607, %gather3A_608] : memref<4x640x16xf32, #tpu.memory_space<vmem>> -> memref<1x640x16xf32, #tpu.memory_space<vmem>>
          %gather3A_610 = tpu.memref_squeeze %gather3A_609 : memref<1x640x16xf32, #tpu.memory_space<vmem>> -> memref<640x16xf32, #tpu.memory_space<vmem>>
          %gather3A_611 = tpu.vector_load_idx %gather3A_610[%add3A_578, %broadcast_in_dim3A_11] : memref<640x16xf32, #tpu.memory_space<vmem>>[vector<16xi32>, vector<16xi32>], vector<16xf32>,
          %gather3A_612 = arith.constant 0 : i32
          %gather3A_613 = arith.constant 0 : i32
          %gather3A_614 = tpu.memref_slice %arg7[%scan3A_544, %gather3A_612, %gather3A_613] : memref<4x640x16xf32, #tpu.memory_space<vmem>> -> memref<1x640x16xf32, #tpu.memory_space<vmem>>
          %gather3A_615 = tpu.memref_squeeze %gather3A_614 : memref<1x640x16xf32, #tpu.memory_space<vmem>> -> memref<640x16xf32, #tpu.memory_space<vmem>>
          %gather3A_616 = tpu.vector_load_idx %gather3A_615[%add3A_578, %broadcast_in_dim3A_13] : memref<640x16xf32, #tpu.memory_space<vmem>>[vector<16xi32>, vector<16xi32>], vector<16xf32>,
          %gather3A_617 = arith.constant 0 : i32
          %gather3A_618 = arith.constant 0 : i32
          %gather3A_619 = tpu.memref_slice %arg7[%scan3A_544, %gather3A_617, %gather3A_618] : memref<4x640x16xf32, #tpu.memory_space<vmem>> -> memref<1x640x16xf32, #tpu.memory_space<vmem>>
          %gather3A_620 = tpu.memref_squeeze %gather3A_619 : memref<1x640x16xf32, #tpu.memory_space<vmem>> -> memref<640x16xf32, #tpu.memory_space<vmem>>
          %gather3A_621 = tpu.vector_load_idx %gather3A_620[%add3A_578, %broadcast_in_dim3A_15] : memref<640x16xf32, #tpu.memory_space<vmem>>[vector<16xi32>, vector<16xi32>], vector<16xf32>,
          %gather3A_622 = arith.constant 0 : i32
          %gather3A_623 = arith.constant 0 : i32
          %gather3A_624 = tpu.memref_slice %arg7[%scan3A_544, %gather3A_622, %gather3A_623] : memref<4x640x16xf32, #tpu.memory_space<vmem>> -> memref<1x640x16xf32, #tpu.memory_space<vmem>>
          %gather3A_625 = tpu.memref_squeeze %gather3A_624 : memref<1x640x16xf32, #tpu.memory_space<vmem>> -> memref<640x16xf32, #tpu.memory_space<vmem>>
          %gather3A_626 = tpu.vector_load_idx %gather3A_625[%add3A_578, %broadcast_in_dim3A_17] : memref<640x16xf32, #tpu.memory_space<vmem>>[vector<16xi32>, vector<16xi32>], vector<16xf32>,
          %gather3A_627 = arith.constant 0 : i32
          %gather3A_628 = arith.constant 0 : i32
          %gather3A_629 = tpu.memref_slice %arg7[%scan3A_544, %gather3A_627, %gather3A_628] : memref<4x640x16xf32, #tpu.memory_space<vmem>> -> memref<1x640x16xf32, #tpu.memory_space<vmem>>
          %gather3A_630 = tpu.memref_squeeze %gather3A_629 : memref<1x640x16xf32, #tpu.memory_space<vmem>> -> memref<640x16xf32, #tpu.memory_space<vmem>>
          %gather3A_631 = tpu.vector_load_idx %gather3A_630[%add3A_578, %broadcast_in_dim3A_19] : memref<640x16xf32, #tpu.memory_space<vmem>>[vector<16xi32>, vector<16xi32>], vector<16xf32>,
          %gather3A_632 = arith.constant 0 : i32
          %gather3A_633 = arith.constant 0 : i32
          %gather3A_634 = tpu.memref_slice %arg7[%scan3A_544, %gather3A_632, %gather3A_633] : memref<4x640x16xf32, #tpu.memory_space<vmem>> -> memref<1x640x16xf32, #tpu.memory_space<vmem>>
          %gather3A_635 = tpu.memref_squeeze %gather3A_634 : memref<1x640x16xf32, #tpu.memory_space<vmem>> -> memref<640x16xf32, #tpu.memory_space<vmem>>
          %gather3A_636 = tpu.vector_load_idx %gather3A_635[%add3A_578, %broadcast_in_dim3A_21] : memref<640x16xf32, #tpu.memory_space<vmem>>[vector<16xi32>, vector<16xi32>], vector<16xf32>,
          %gather3A_637 = arith.constant 0 : i32
          %gather3A_638 = arith.constant 0 : i32
          %gather3A_639 = tpu.memref_slice %arg7[%scan3A_544, %gather3A_637, %gather3A_638] : memref<4x640x16xf32, #tpu.memory_space<vmem>> -> memref<1x640x16xf32, #tpu.memory_space<vmem>>
          %gather3A_640 = tpu.memref_squeeze %gather3A_639 : memref<1x640x16xf32, #tpu.memory_space<vmem>> -> memref<640x16xf32, #tpu.memory_space<vmem>>
          %gather3A_641 = tpu.vector_load_idx %gather3A_640[%add3A_578, %broadcast_in_dim3A_23] : memref<640x16xf32, #tpu.memory_space<vmem>>[vector<16xi32>, vector<16xi32>], vector<16xf32>,
          %get3A = arith.constant 0 : i32
          %get3A_642 = arith.constant 0 : i32
          %get3A_643 = arith.constant 0 : i32
          %get3A_644 = arith.constant 0 : i32
          %get3A_645 = tpu.memref_slice %arg8[%scan3A_545, %get3A_642, %get3A_643, %get3A_644] : memref<4x5x4x128xf32, #tpu.memory_space<vmem>> -> memref<1x5x4x128xf32, #tpu.memory_space<vmem>>
          %get3A_646 = tpu.memref_squeeze %get3A_645 : memref<1x5x4x128xf32, #tpu.memory_space<vmem>> -> memref<5x4x128xf32, #tpu.memory_space<vmem>>
          %get3A_647 = arith.index_cast %shift_right_arithmetic3A_579 : i32 to index
          %get3A_648 = arith.index_cast %get3A : i32 to index
          %get3A_649 = arith.index_cast %mul3A_582 : i32 to index
          %get3A_650 = tpu.vector_load %get3A_646[%get3A_647, %get3A_648, %get3A_649] {strides = array<i32>} : memref<5x4x128xf32, #tpu.memory_space<vmem>>, vector<16xf32>,
          %get3A_651 = arith.constant 1 : i32
          %get3A_652 = arith.constant 0 : i32
          %get3A_653 = arith.constant 0 : i32
          %get3A_654 = arith.constant 0 : i32
          %get3A_655 = tpu.memref_slice %arg8[%scan3A_545, %get3A_652, %get3A_653, %get3A_654] : memref<4x5x4x128xf32, #tpu.memory_space<vmem>> -> memref<1x5x4x128xf32, #tpu.memory_space<vmem>>
          %get3A_656 = tpu.memref_squeeze %get3A_655 : memref<1x5x4x128xf32, #tpu.memory_space<vmem>> -> memref<5x4x128xf32, #tpu.memory_space<vmem>>
          %get3A_657 = arith.index_cast %shift_right_arithmetic3A_579 : i32 to index
          %get3A_658 = arith.index_cast %get3A_651 : i32 to index
          %get3A_659 = arith.index_cast %mul3A_582 : i32 to index
          %get3A_660 = tpu.vector_load %get3A_656[%get3A_657, %get3A_658, %get3A_659] {strides = array<i32>} : memref<5x4x128xf32, #tpu.memory_space<vmem>>, vector<16xf32>,
          %get3A_661 = arith.constant 2 : i32
          %get3A_662 = arith.constant 0 : i32
          %get3A_663 = arith.constant 0 : i32
          %get3A_664 = arith.constant 0 : i32
          %get3A_665 = tpu.memref_slice %arg8[%scan3A_545, %get3A_662, %get3A_663, %get3A_664] : memref<4x5x4x128xf32, #tpu.memory_space<vmem>> -> memref<1x5x4x128xf32, #tpu.memory_space<vmem>>
          %get3A_666 = tpu.memref_squeeze %get3A_665 : memref<1x5x4x128xf32, #tpu.memory_space<vmem>> -> memref<5x4x128xf32, #tpu.memory_space<vmem>>
          %get3A_667 = arith.index_cast %shift_right_arithmetic3A_579 : i32 to index
          %get3A_668 = arith.index_cast %get3A_661 : i32 to index
          %get3A_669 = arith.index_cast %mul3A_582 : i32 to index
          %get3A_670 = tpu.vector_load %get3A_666[%get3A_667, %get3A_668, %get3A_669] {strides = array<i32>} : memref<5x4x128xf32, #tpu.memory_space<vmem>>, vector<16xf32>,
          %mul3A_671 = arith.mulf %gather3A_586, %get3A_650 : vector<16xf32>
          %mul3A_672 = arith.mulf %gather3A_591, %get3A_660 : vector<16xf32>
          %add3A_673 = arith.addf %mul3A_671, %mul3A_672 : vector<16xf32>
          %mul3A_674 = arith.mulf %gather3A_596, %get3A_670 : vector<16xf32>
          %add3A_675 = arith.addf %add3A_673, %mul3A_674 : vector<16xf32>
          %add3A_676 = arith.addf %add3A_675, %gather3A_631 : vector<16xf32>
          %swap3A = arith.constant 0 : i32
          %swap3A_677 = arith.constant 0 : i32
          %swap3A_678 = arith.constant 0 : i32
          %swap3A_679 = arith.constant 0 : i32
          %swap3A_680 = tpu.memref_slice %arg9[%scan3A_546, %swap3A_677, %swap3A_678, %swap3A_679] : memref<4x5x4x128xf32, #tpu.memory_space<vmem>> -> memref<1x5x4x128xf32, #tpu.memory_space<vmem>>
          %swap3A_681 = tpu.memref_squeeze %swap3A_680 : memref<1x5x4x128xf32, #tpu.memory_space<vmem>> -> memref<5x4x128xf32, #tpu.memory_space<vmem>>
          %swap3A_682 = arith.index_cast %shift_right_arithmetic3A_579 : i32 to index
          %swap3A_683 = arith.index_cast %swap3A : i32 to index
          %swap3A_684 = arith.index_cast %mul3A_582 : i32 to index
          %swap3A_685 = tpu.vector_load %swap3A_681[%swap3A_682, %swap3A_683, %swap3A_684] {strides = array<i32>} : memref<5x4x128xf32, #tpu.memory_space<vmem>>, vector<16xf32>,
          tpu.vector_store %swap3A_681[%swap3A_682, %swap3A_683, %swap3A_684], %add3A_676 {strides = array<i32>} : memref<5x4x128xf32, #tpu.memory_space<vmem>>, vector<16xf32>,
          %mul3A_686 = arith.mulf %gather3A_601, %get3A_650 : vector<16xf32>
          %mul3A_687 = arith.mulf %gather3A_606, %get3A_660 : vector<16xf32>
          %add3A_688 = arith.addf %mul3A_686, %mul3A_687 : vector<16xf32>
          %mul3A_689 = arith.mulf %gather3A_611, %get3A_670 : vector<16xf32>
          %add3A_690 = arith.addf %add3A_688, %mul3A_689 : vector<16xf32>
          %add3A_691 = arith.addf %add3A_690, %gather3A_636 : vector<16xf32>
          %swap3A_692 = arith.constant 1 : i32
          %swap3A_693 = arith.constant 0 : i32
          %swap3A_694 = arith.constant 0 : i32
          %swap3A_695 = arith.constant 0 : i32
          %swap3A_696 = tpu.memref_slice %arg9[%scan3A_546, %swap3A_693, %swap3A_694, %swap3A_695] : memref<4x5x4x128xf32, #tpu.memory_space<vmem>> -> memref<1x5x4x128xf32, #tpu.memory_space<vmem>>
          %swap3A_697 = tpu.memref_squeeze %swap3A_696 : memref<1x5x4x128xf32, #tpu.memory_space<vmem>> -> memref<5x4x128xf32, #tpu.memory_space<vmem>>
          %swap3A_698 = arith.index_cast %shift_right_arithmetic3A_579 : i32 to index
          %swap3A_699 = arith.index_cast %swap3A_692 : i32 to index
          %swap3A_700 = arith.index_cast %mul3A_582 : i32 to index
          %swap3A_701 = tpu.vector_load %swap3A_697[%swap3A_698, %swap3A_699, %swap3A_700] {strides = array<i32>} : memref<5x4x128xf32, #tpu.memory_space<vmem>>, vector<16xf32>,
          tpu.vector_store %swap3A_697[%swap3A_698, %swap3A_699, %swap3A_700], %add3A_691 {strides = array<i32>} : memref<5x4x128xf32, #tpu.memory_space<vmem>>, vector<16xf32>,
          %mul3A_702 = arith.mulf %gather3A_616, %get3A_650 : vector<16xf32>
          %mul3A_703 = arith.mulf %gather3A_621, %get3A_660 : vector<16xf32>
          %add3A_704 = arith.addf %mul3A_702, %mul3A_703 : vector<16xf32>
          %mul3A_705 = arith.mulf %gather3A_626, %get3A_670 : vector<16xf32>
          %add3A_706 = arith.addf %add3A_704, %mul3A_705 : vector<16xf32>
          %add3A_707 = arith.addf %add3A_706, %gather3A_641 : vector<16xf32>
          %swap3A_708 = arith.constant 2 : i32
          %swap3A_709 = arith.constant 0 : i32
          %swap3A_710 = arith.constant 0 : i32
          %swap3A_711 = arith.constant 0 : i32
          %swap3A_712 = tpu.memref_slice %arg9[%scan3A_546, %swap3A_709, %swap3A_710, %swap3A_711] : memref<4x5x4x128xf32, #tpu.memory_space<vmem>> -> memref<1x5x4x128xf32, #tpu.memory_space<vmem>>
          %swap3A_713 = tpu.memref_squeeze %swap3A_712 : memref<1x5x4x128xf32, #tpu.memory_space<vmem>> -> memref<5x4x128xf32, #tpu.memory_space<vmem>>
          %swap3A_714 = arith.index_cast %shift_right_arithmetic3A_579 : i32 to index
          %swap3A_715 = arith.index_cast %swap3A_708 : i32 to index
          %swap3A_716 = arith.index_cast %mul3A_582 : i32 to index
          %swap3A_717 = tpu.vector_load %swap3A_713[%swap3A_714, %swap3A_715, %swap3A_716] {strides = array<i32>} : memref<5x4x128xf32, #tpu.memory_space<vmem>>, vector<16xf32>,
          tpu.vector_store %swap3A_713[%swap3A_714, %swap3A_715, %swap3A_716], %add3A_707 {strides = array<i32>} : memref<5x4x128xf32, #tpu.memory_space<vmem>>, vector<16xf32>,
          %scan3A_718 = arith.constant 0 : i32
          scf.yield %scan3A_718 : i32
        }
        %scan3A_553 = arith.constant 40 : i32
        %mul3A_554 = arith.constant 5 : i32
        %mul3A_555 = arith.muli %add3A_388, %mul3A_554 : i32
        %dma_start3A_556 = arith.constant 2 : i32
        %dma_start3A_557 = arith.constant 0 : i32
        %dma_start3A_558 = arith.constant 0 : i32
        %dma_start3A_559 = arith.constant 0 : i32
        %dma_start3A_560 = tpu.memref_slice %arg9[%dma_start3A_556, %dma_start3A_557, %dma_start3A_558, %dma_start3A_559] : memref<4x5x4x128xf32, #tpu.memory_space<vmem>> -> memref<1x5x4x128xf32, #tpu.memory_space<vmem>>
        %dma_start3A_561 = tpu.memref_squeeze %dma_start3A_560 : memref<1x5x4x128xf32, #tpu.memory_space<vmem>> -> memref<5x4x128xf32, #tpu.memory_space<vmem>>
        %dma_start3A_562 = arith.constant 0 : i32
        %dma_start3A_563 = arith.constant 0 : i32
        %dma_start3A_564 = tpu.memref_slice %arg5[%mul3A_555, %dma_start3A_562, %dma_start3A_563] : memref<15625x4x128xf32, #tpu.memory_space<hbm>> -> memref<5x4x128xf32, #tpu.memory_space<hbm>>
        %dma_start3A_565 = arith.constant 0 : i32
        %dma_start3A_566 = arith.constant 0 : i32
        %dma_start3A_567 = tpu.memref_slice %arg5[%mul3A_555, %dma_start3A_565, %dma_start3A_566] : memref<15625x4x128xf32, #tpu.memory_space<hbm>> -> memref<5x4x128xf32, #tpu.memory_space<hbm>>
        %dma_start3A_568 = arith.constant 0 : i32
        %dma_start3A_569 = arith.constant 0 : i32
        %dma_start3A_570 = arith.constant 0 : i32
        %dma_start3A_571 = tpu.memref_slice %arg9[%dma_start3A_556, %dma_start3A_568, %dma_start3A_569, %dma_start3A_570] : memref<4x5x4x128xf32, #tpu.memory_space<vmem>> -> memref<1x5x4x128xf32, #tpu.memory_space<vmem>>
        %dma_start3A_572 = tpu.memref_squeeze %dma_start3A_571 : memref<1x5x4x128xf32, #tpu.memory_space<vmem>> -> memref<5x4x128xf32, #tpu.memory_space<vmem>>
        tpu.enqueue_dma source(%dma_start3A_572 : memref<5x4x128xf32, #tpu.memory_space<vmem>>) target(%dma_start3A_567 : memref<5x4x128xf32, #tpu.memory_space<hbm>>) target_semaphore(%arg20 : memref<!tpu.dma_semaphore, #tpu.memory_space<semaphore_mem>>)
      } else {
      }
      %add3A_394 = arith.constant 96 : i32
      %add3A_395 = arith.addi %add3A_374, %add3A_394 : i32
      %lt3A_396 = arith.constant 3125 : i32
      %lt3A_397 = arith.cmpi slt, %add3A_395, %lt3A_396 : i32
      %convert_element_type3A_398 = arith.extui %lt3A_397 : i1 to i32
      %cond3A_399 = arith.constant 0 : i32
      %cond3A_400 = arith.cmpi ne, %convert_element_type3A_398, %cond3A_399 : i32
      scf.if %cond3A_400 {
        %add3A_402 = arith.constant 96 : i32
        %add3A_403 = arith.addi %add3A_395, %add3A_402 : i32
        %lt3A_404 = arith.constant 3125 : i32
        %lt3A_405 = arith.cmpi slt, %add3A_403, %lt3A_404 : i32
        %convert_element_type3A_406 = arith.extui %lt3A_405 : i1 to i32
        %cond3A_407 = arith.constant 0 : i32
        %cond3A_408 = arith.cmpi ne, %convert_element_type3A_406, %cond3A_407 : i32
        scf.if %cond3A_408 {
          %add3A_573 = arith.constant 96 : i32
          %add3A_574 = arith.addi %add3A_395, %add3A_573 : i32
          %mul3A_575 = arith.constant 640 : i32
          %mul3A_576 = arith.muli %add3A_574, %mul3A_575 : i32
          %dma_start3A_577 = arith.constant 2 : i32
          %dma_start3A_578 = arith.constant 0 : i32
          %dma_start3A_579 = tpu.memref_slice %arg6[%dma_start3A_577, %dma_start3A_578] : memref<4x640xi32, #tpu.memory_space<vmem>> -> memref<1x640xi32, #tpu.memory_space<vmem>>
          %dma_start3A_580 = tpu.memref_squeeze %dma_start3A_579 : memref<1x640xi32, #tpu.memory_space<vmem>> -> memref<640xi32, #tpu.memory_space<vmem>>
          %dma_start3A_581 = tpu.memref_slice %arg2[%mul3A_576] : memref<2000000xi32, #tpu.memory_space<hbm>> -> memref<640xi32, #tpu.memory_space<hbm>>
          %dma_start3A_582 = arith.constant 0 : i32
          %dma_start3A_583 = tpu.memref_slice %arg6[%dma_start3A_577, %dma_start3A_582] : memref<4x640xi32, #tpu.memory_space<vmem>> -> memref<1x640xi32, #tpu.memory_space<vmem>>
          %dma_start3A_584 = tpu.memref_squeeze %dma_start3A_583 : memref<1x640xi32, #tpu.memory_space<vmem>> -> memref<640xi32, #tpu.memory_space<vmem>>
          %dma_start3A_585 = tpu.memref_slice %arg2[%mul3A_576] : memref<2000000xi32, #tpu.memory_space<hbm>> -> memref<640xi32, #tpu.memory_space<hbm>>
          tpu.enqueue_dma source(%dma_start3A_585 : memref<640xi32, #tpu.memory_space<hbm>>) target(%dma_start3A_584 : memref<640xi32, #tpu.memory_space<vmem>>) target_semaphore(%arg12 : memref<!tpu.dma_semaphore, #tpu.memory_space<semaphore_mem>>)
        } else {
        }
        %add3A_409 = arith.constant 64 : i32
        %add3A_410 = arith.addi %add3A_395, %add3A_409 : i32
        %lt3A_411 = arith.constant 3125 : i32
        %lt3A_412 = arith.cmpi slt, %add3A_410, %lt3A_411 : i32
        %convert_element_type3A_413 = arith.extui %lt3A_412 : i1 to i32
        %cond3A_414 = arith.constant 0 : i32
        %cond3A_415 = arith.cmpi ne, %convert_element_type3A_413, %cond3A_414 : i32
        scf.if %cond3A_415 {
          %dma_wait3A_573 = arith.constant 1 : i32
          %dma_wait3A_574 = arith.constant 0 : i32
          %dma_wait3A_575 = tpu.memref_slice %arg6[%dma_wait3A_573, %dma_wait3A_574] : memref<4x640xi32, #tpu.memory_space<vmem>> -> memref<1x640xi32, #tpu.memory_space<vmem>>
          %dma_wait3A_576 = tpu.memref_squeeze %dma_wait3A_575 : memref<1x640xi32, #tpu.memory_space<vmem>> -> memref<640xi32, #tpu.memory_space<vmem>>
          %dma_wait3A_577 = arith.constant 0 : i32
          %dma_wait3A_578 = tpu.memref_slice %arg2[%dma_wait3A_577] : memref<2000000xi32, #tpu.memory_space<hbm>> -> memref<640xi32, #tpu.memory_space<hbm>>
          %dma_wait3A_579 = arith.constant 0 : i32
          %dma_wait3A_580 = tpu.memref_slice %arg6[%dma_wait3A_573, %dma_wait3A_579] : memref<4x640xi32, #tpu.memory_space<vmem>> -> memref<1x640xi32, #tpu.memory_space<vmem>>
          %dma_wait3A_581 = tpu.memref_squeeze %dma_wait3A_580 : memref<1x640xi32, #tpu.memory_space<vmem>> -> memref<640xi32, #tpu.memory_space<vmem>>
          %dma_wait3A_582 = arith.constant 0 : i32
          %dma_wait3A_583 = tpu.memref_slice %arg2[%dma_wait3A_582] : memref<2000000xi32, #tpu.memory_space<hbm>> -> memref<640xi32, #tpu.memory_space<hbm>>
          tpu.wait_dma2 semaphore(%arg11 : memref<!tpu.dma_semaphore, #tpu.memory_space<semaphore_mem>>) src(%dma_wait3A_583 : memref<640xi32, #tpu.memory_space<hbm>>) dst(%dma_wait3A_581 : memref<640xi32, #tpu.memory_space<vmem>>)
          %add3A_584 = arith.constant 64 : i32
          %add3A_585 = arith.addi %add3A_395, %add3A_584 : i32
          %mul3A_586 = arith.constant 640 : i32
          %mul3A_587 = arith.muli %add3A_585, %mul3A_586 : i32
          %dma_start3A_588 = arith.constant 1 : i32
          %dma_start3A_589 = arith.constant 1 : i32
          %dma_start3A_590 = arith.constant 0 : i32
          %dma_start3A_591 = arith.constant 0 : i32
          %dma_start3A_592 = tpu.memref_slice %arg7[%dma_start3A_589, %dma_start3A_590, %dma_start3A_591] : memref<4x640x16xf32, #tpu.memory_space<vmem>> -> memref<1x640x16xf32, #tpu.memory_space<vmem>>
          %dma_start3A_593 = tpu.memref_squeeze %dma_start3A_592 : memref<1x640x16xf32, #tpu.memory_space<vmem>> -> memref<640x16xf32, #tpu.memory_space<vmem>>
          %dma_start3A_594 = arith.constant 0 : i32
          %dma_start3A_595 = arith.constant 0 : i32
          %dma_start3A_596 = tpu.memref_slice %dma_start3A_593[%dma_start3A_594, %dma_start3A_595] : memref<640x16xf32, #tpu.memory_space<vmem>> -> memref<128x16xf32, #tpu.memory_space<vmem>>
          %dma_start3A_597 = arith.constant 0 : i32
          %dma_start3A_598 = tpu.memref_slice %arg6[%dma_start3A_588, %dma_start3A_597] : memref<4x640xi32, #tpu.memory_space<vmem>> -> memref<1x640xi32, #tpu.memory_space<vmem>>
          %dma_start3A_599 = tpu.memref_squeeze %dma_start3A_598 : memref<1x640xi32, #tpu.memory_space<vmem>> -> memref<640xi32, #tpu.memory_space<vmem>>
          %dma_start3A_600 = arith.constant 0 : i32
          %dma_start3A_601 = tpu.memref_slice %dma_start3A_599[%dma_start3A_600] : memref<640xi32, #tpu.memory_space<vmem>> -> memref<128xi32, #tpu.memory_space<vmem>>
          %dma_start3A_602 = arith.constant 0 : i32
          %dma_start3A_603 = arith.constant 0 : i32
          %dma_start3A_604 = tpu.memref_slice %arg4[%dma_start3A_602, %dma_start3A_603] : memref<102400x16xf32, #tpu.memory_space<hbm>> -> memref<102400x16xf32, #tpu.memory_space<hbm>>
          tpu.enqueue_indirect_dma source(%dma_start3A_604 : memref<102400x16xf32, #tpu.memory_space<hbm>>) target(%dma_start3A_596 : memref<128x16xf32, #tpu.memory_space<vmem>>) offsets(%dma_start3A_601 : memref<128xi32, #tpu.memory_space<vmem>>) semaphore(%arg15 : memref<!tpu.dma_semaphore, #tpu.memory_space<semaphore_mem>>)
          %dma_start3A_605 = arith.constant 1 : i32
          %dma_start3A_606 = arith.constant 1 : i32
          %dma_start3A_607 = arith.constant 0 : i32
          %dma_start3A_608 = arith.constant 0 : i32
          %dma_start3A_609 = tpu.memref_slice %arg7[%dma_start3A_606, %dma_start3A_607, %dma_start3A_608] : memref<4x640x16xf32, #tpu.memory_space<vmem>> -> memref<1x640x16xf32, #tpu.memory_space<vmem>>
          %dma_start3A_610 = tpu.memref_squeeze %dma_start3A_609 : memref<1x640x16xf32, #tpu.memory_space<vmem>> -> memref<640x16xf32, #tpu.memory_space<vmem>>
          %dma_start3A_611 = arith.constant 128 : i32
          %dma_start3A_612 = arith.constant 0 : i32
          %dma_start3A_613 = tpu.memref_slice %dma_start3A_610[%dma_start3A_611, %dma_start3A_612] : memref<640x16xf32, #tpu.memory_space<vmem>> -> memref<128x16xf32, #tpu.memory_space<vmem>>
          %dma_start3A_614 = arith.constant 0 : i32
          %dma_start3A_615 = tpu.memref_slice %arg6[%dma_start3A_605, %dma_start3A_614] : memref<4x640xi32, #tpu.memory_space<vmem>> -> memref<1x640xi32, #tpu.memory_space<vmem>>
          %dma_start3A_616 = tpu.memref_squeeze %dma_start3A_615 : memref<1x640xi32, #tpu.memory_space<vmem>> -> memref<640xi32, #tpu.memory_space<vmem>>
          %dma_start3A_617 = arith.constant 128 : i32
          %dma_start3A_618 = tpu.memref_slice %dma_start3A_616[%dma_start3A_617] : memref<640xi32, #tpu.memory_space<vmem>> -> memref<128xi32, #tpu.memory_space<vmem>>
          %dma_start3A_619 = arith.constant 0 : i32
          %dma_start3A_620 = arith.constant 0 : i32
          %dma_start3A_621 = tpu.memref_slice %arg4[%dma_start3A_619, %dma_start3A_620] : memref<102400x16xf32, #tpu.memory_space<hbm>> -> memref<102400x16xf32, #tpu.memory_space<hbm>>
          tpu.enqueue_indirect_dma source(%dma_start3A_621 : memref<102400x16xf32, #tpu.memory_space<hbm>>) target(%dma_start3A_613 : memref<128x16xf32, #tpu.memory_space<vmem>>) offsets(%dma_start3A_618 : memref<128xi32, #tpu.memory_space<vmem>>) semaphore(%arg15 : memref<!tpu.dma_semaphore, #tpu.memory_space<semaphore_mem>>)
          %dma_start3A_622 = arith.constant 1 : i32
          %dma_start3A_623 = arith.constant 1 : i32
          %dma_start3A_624 = arith.constant 0 : i32
          %dma_start3A_625 = arith.constant 0 : i32
          %dma_start3A_626 = tpu.memref_slice %arg7[%dma_start3A_623, %dma_start3A_624, %dma_start3A_625] : memref<4x640x16xf32, #tpu.memory_space<vmem>> -> memref<1x640x16xf32, #tpu.memory_space<vmem>>
          %dma_start3A_627 = tpu.memref_squeeze %dma_start3A_626 : memref<1x640x16xf32, #tpu.memory_space<vmem>> -> memref<640x16xf32, #tpu.memory_space<vmem>>
          %dma_start3A_628 = arith.constant 256 : i32
          %dma_start3A_629 = arith.constant 0 : i32
          %dma_start3A_630 = tpu.memref_slice %dma_start3A_627[%dma_start3A_628, %dma_start3A_629] : memref<640x16xf32, #tpu.memory_space<vmem>> -> memref<128x16xf32, #tpu.memory_space<vmem>>
          %dma_start3A_631 = arith.constant 0 : i32
          %dma_start3A_632 = tpu.memref_slice %arg6[%dma_start3A_622, %dma_start3A_631] : memref<4x640xi32, #tpu.memory_space<vmem>> -> memref<1x640xi32, #tpu.memory_space<vmem>>
          %dma_start3A_633 = tpu.memref_squeeze %dma_start3A_632 : memref<1x640xi32, #tpu.memory_space<vmem>> -> memref<640xi32, #tpu.memory_space<vmem>>
          %dma_start3A_634 = arith.constant 256 : i32
          %dma_start3A_635 = tpu.memref_slice %dma_start3A_633[%dma_start3A_634] : memref<640xi32, #tpu.memory_space<vmem>> -> memref<128xi32, #tpu.memory_space<vmem>>
          %dma_start3A_636 = arith.constant 0 : i32
          %dma_start3A_637 = arith.constant 0 : i32
          %dma_start3A_638 = tpu.memref_slice %arg4[%dma_start3A_636, %dma_start3A_637] : memref<102400x16xf32, #tpu.memory_space<hbm>> -> memref<102400x16xf32, #tpu.memory_space<hbm>>
          tpu.enqueue_indirect_dma source(%dma_start3A_638 : memref<102400x16xf32, #tpu.memory_space<hbm>>) target(%dma_start3A_630 : memref<128x16xf32, #tpu.memory_space<vmem>>) offsets(%dma_start3A_635 : memref<128xi32, #tpu.memory_space<vmem>>) semaphore(%arg15 : memref<!tpu.dma_semaphore, #tpu.memory_space<semaphore_mem>>)
          %dma_start3A_639 = arith.constant 1 : i32
          %dma_start3A_640 = arith.constant 1 : i32
          %dma_start3A_641 = arith.constant 0 : i32
          %dma_start3A_642 = arith.constant 0 : i32
          %dma_start3A_643 = tpu.memref_slice %arg7[%dma_start3A_640, %dma_start3A_641, %dma_start3A_642] : memref<4x640x16xf32, #tpu.memory_space<vmem>> -> memref<1x640x16xf32, #tpu.memory_space<vmem>>
          %dma_start3A_644 = tpu.memref_squeeze %dma_start3A_643 : memref<1x640x16xf32, #tpu.memory_space<vmem>> -> memref<640x16xf32, #tpu.memory_space<vmem>>
          %dma_start3A_645 = arith.constant 384 : i32
          %dma_start3A_646 = arith.constant 0 : i32
          %dma_start3A_647 = tpu.memref_slice %dma_start3A_644[%dma_start3A_645, %dma_start3A_646] : memref<640x16xf32, #tpu.memory_space<vmem>> -> memref<128x16xf32, #tpu.memory_space<vmem>>
          %dma_start3A_648 = arith.constant 0 : i32
          %dma_start3A_649 = tpu.memref_slice %arg6[%dma_start3A_639, %dma_start3A_648] : memref<4x640xi32, #tpu.memory_space<vmem>> -> memref<1x640xi32, #tpu.memory_space<vmem>>
          %dma_start3A_650 = tpu.memref_squeeze %dma_start3A_649 : memref<1x640xi32, #tpu.memory_space<vmem>> -> memref<640xi32, #tpu.memory_space<vmem>>
          %dma_start3A_651 = arith.constant 384 : i32
          %dma_start3A_652 = tpu.memref_slice %dma_start3A_650[%dma_start3A_651] : memref<640xi32, #tpu.memory_space<vmem>> -> memref<128xi32, #tpu.memory_space<vmem>>
          %dma_start3A_653 = arith.constant 0 : i32
          %dma_start3A_654 = arith.constant 0 : i32
          %dma_start3A_655 = tpu.memref_slice %arg4[%dma_start3A_653, %dma_start3A_654] : memref<102400x16xf32, #tpu.memory_space<hbm>> -> memref<102400x16xf32, #tpu.memory_space<hbm>>
          tpu.enqueue_indirect_dma source(%dma_start3A_655 : memref<102400x16xf32, #tpu.memory_space<hbm>>) target(%dma_start3A_647 : memref<128x16xf32, #tpu.memory_space<vmem>>) offsets(%dma_start3A_652 : memref<128xi32, #tpu.memory_space<vmem>>) semaphore(%arg15 : memref<!tpu.dma_semaphore, #tpu.memory_space<semaphore_mem>>)
          %dma_start3A_656 = arith.constant 1 : i32
          %dma_start3A_657 = arith.constant 1 : i32
          %dma_start3A_658 = arith.constant 0 : i32
          %dma_start3A_659 = arith.constant 0 : i32
          %dma_start3A_660 = tpu.memref_slice %arg7[%dma_start3A_657, %dma_start3A_658, %dma_start3A_659] : memref<4x640x16xf32, #tpu.memory_space<vmem>> -> memref<1x640x16xf32, #tpu.memory_space<vmem>>
          %dma_start3A_661 = tpu.memref_squeeze %dma_start3A_660 : memref<1x640x16xf32, #tpu.memory_space<vmem>> -> memref<640x16xf32, #tpu.memory_space<vmem>>
          %dma_start3A_662 = arith.constant 512 : i32
          %dma_start3A_663 = arith.constant 0 : i32
          %dma_start3A_664 = tpu.memref_slice %dma_start3A_661[%dma_start3A_662, %dma_start3A_663] : memref<640x16xf32, #tpu.memory_space<vmem>> -> memref<128x16xf32, #tpu.memory_space<vmem>>
          %dma_start3A_665 = arith.constant 0 : i32
          %dma_start3A_666 = tpu.memref_slice %arg6[%dma_start3A_656, %dma_start3A_665] : memref<4x640xi32, #tpu.memory_space<vmem>> -> memref<1x640xi32, #tpu.memory_space<vmem>>
          %dma_start3A_667 = tpu.memref_squeeze %dma_start3A_666 : memref<1x640xi32, #tpu.memory_space<vmem>> -> memref<640xi32, #tpu.memory_space<vmem>>
          %dma_start3A_668 = arith.constant 512 : i32
          %dma_start3A_669 = tpu.memref_slice %dma_start3A_667[%dma_start3A_668] : memref<640xi32, #tpu.memory_space<vmem>> -> memref<128xi32, #tpu.memory_space<vmem>>
          %dma_start3A_670 = arith.constant 0 : i32
          %dma_start3A_671 = arith.constant 0 : i32
          %dma_start3A_672 = tpu.memref_slice %arg4[%dma_start3A_670, %dma_start3A_671] : memref<102400x16xf32, #tpu.memory_space<hbm>> -> memref<102400x16xf32, #tpu.memory_space<hbm>>
          tpu.enqueue_indirect_dma source(%dma_start3A_672 : memref<102400x16xf32, #tpu.memory_space<hbm>>) target(%dma_start3A_664 : memref<128x16xf32, #tpu.memory_space<vmem>>) offsets(%dma_start3A_669 : memref<128xi32, #tpu.memory_space<vmem>>) semaphore(%arg15 : memref<!tpu.dma_semaphore, #tpu.memory_space<semaphore_mem>>)
          %mul3A_673 = arith.constant 5 : i32
          %mul3A_674 = arith.muli %add3A_585, %mul3A_673 : i32
          %dma_start3A_675 = arith.constant 1 : i32
          %dma_start3A_676 = arith.constant 0 : i32
          %dma_start3A_677 = arith.constant 0 : i32
          %dma_start3A_678 = arith.constant 0 : i32
          %dma_start3A_679 = tpu.memref_slice %arg8[%dma_start3A_675, %dma_start3A_676, %dma_start3A_677, %dma_start3A_678] : memref<4x5x4x128xf32, #tpu.memory_space<vmem>> -> memref<1x5x4x128xf32, #tpu.memory_space<vmem>>
          %dma_start3A_680 = tpu.memref_squeeze %dma_start3A_679 : memref<1x5x4x128xf32, #tpu.memory_space<vmem>> -> memref<5x4x128xf32, #tpu.memory_space<vmem>>
          %dma_start3A_681 = arith.constant 0 : i32
          %dma_start3A_682 = arith.constant 0 : i32
          %dma_start3A_683 = tpu.memref_slice %arg3[%mul3A_674, %dma_start3A_681, %dma_start3A_682] : memref<15625x4x128xf32, #tpu.memory_space<hbm>> -> memref<5x4x128xf32, #tpu.memory_space<hbm>>
          %dma_start3A_684 = arith.constant 0 : i32
          %dma_start3A_685 = arith.constant 0 : i32
          %dma_start3A_686 = arith.constant 0 : i32
          %dma_start3A_687 = tpu.memref_slice %arg8[%dma_start3A_675, %dma_start3A_684, %dma_start3A_685, %dma_start3A_686] : memref<4x5x4x128xf32, #tpu.memory_space<vmem>> -> memref<1x5x4x128xf32, #tpu.memory_space<vmem>>
          %dma_start3A_688 = tpu.memref_squeeze %dma_start3A_687 : memref<1x5x4x128xf32, #tpu.memory_space<vmem>> -> memref<5x4x128xf32, #tpu.memory_space<vmem>>
          %dma_start3A_689 = arith.constant 0 : i32
          %dma_start3A_690 = arith.constant 0 : i32
          %dma_start3A_691 = tpu.memref_slice %arg3[%mul3A_674, %dma_start3A_689, %dma_start3A_690] : memref<15625x4x128xf32, #tpu.memory_space<hbm>> -> memref<5x4x128xf32, #tpu.memory_space<hbm>>
          tpu.enqueue_dma source(%dma_start3A_691 : memref<5x4x128xf32, #tpu.memory_space<hbm>>) target(%dma_start3A_688 : memref<5x4x128xf32, #tpu.memory_space<vmem>>) target_semaphore(%arg15 : memref<!tpu.dma_semaphore, #tpu.memory_space<semaphore_mem>>)
        } else {
        }
        %dma_wait3A_416 = arith.constant 3 : i32
        %dma_wait3A_417 = arith.constant 0 : i32
        %dma_wait3A_418 = arith.constant 0 : i32
        %dma_wait3A_419 = tpu.memref_slice %arg7[%dma_wait3A_416, %dma_wait3A_417, %dma_wait3A_418] : memref<4x640x16xf32, #tpu.memory_space<vmem>> -> memref<1x640x16xf32, #tpu.memory_space<vmem>>
        %dma_wait3A_420 = tpu.memref_squeeze %dma_wait3A_419 : memref<1x640x16xf32, #tpu.memory_space<vmem>> -> memref<640x16xf32, #tpu.memory_space<vmem>>
        %dma_wait3A_421 = arith.constant 0 : i32
        %dma_wait3A_422 = arith.constant 0 : i32
        %dma_wait3A_423 = tpu.memref_slice %dma_wait3A_420[%dma_wait3A_421, %dma_wait3A_422] : memref<640x16xf32, #tpu.memory_space<vmem>> -> memref<128x16xf32, #tpu.memory_space<vmem>>
        %dma_wait3A_424 = arith.constant 0 : i32
        %dma_wait3A_425 = arith.constant 0 : i32
        %dma_wait3A_426 = tpu.memref_slice %arg4[%dma_wait3A_424, %dma_wait3A_425] : memref<102400x16xf32, #tpu.memory_space<hbm>> -> memref<128x16xf32, #tpu.memory_space<hbm>>
        %dma_wait3A_427 = arith.constant 0 : i32
        %dma_wait3A_428 = arith.constant 0 : i32
        %dma_wait3A_429 = tpu.memref_slice %arg7[%dma_wait3A_416, %dma_wait3A_427, %dma_wait3A_428] : memref<4x640x16xf32, #tpu.memory_space<vmem>> -> memref<1x640x16xf32, #tpu.memory_space<vmem>>
        %dma_wait3A_430 = tpu.memref_squeeze %dma_wait3A_429 : memref<1x640x16xf32, #tpu.memory_space<vmem>> -> memref<640x16xf32, #tpu.memory_space<vmem>>
        %dma_wait3A_431 = arith.constant 0 : i32
        %dma_wait3A_432 = arith.constant 0 : i32
        %dma_wait3A_433 = tpu.memref_slice %dma_wait3A_430[%dma_wait3A_431, %dma_wait3A_432] : memref<640x16xf32, #tpu.memory_space<vmem>> -> memref<128x16xf32, #tpu.memory_space<vmem>>
        %dma_wait3A_434 = arith.constant 0 : i32
        %dma_wait3A_435 = arith.constant 0 : i32
        %dma_wait3A_436 = tpu.memref_slice %arg4[%dma_wait3A_434, %dma_wait3A_435] : memref<102400x16xf32, #tpu.memory_space<hbm>> -> memref<128x16xf32, #tpu.memory_space<hbm>>
        tpu.wait_dma2 semaphore(%arg17 : memref<!tpu.dma_semaphore, #tpu.memory_space<semaphore_mem>>) src(%dma_wait3A_436 : memref<128x16xf32, #tpu.memory_space<hbm>>) dst(%dma_wait3A_433 : memref<128x16xf32, #tpu.memory_space<vmem>>)
        %dma_wait3A_437 = arith.constant 3 : i32
        %dma_wait3A_438 = arith.constant 0 : i32
        %dma_wait3A_439 = arith.constant 0 : i32
        %dma_wait3A_440 = tpu.memref_slice %arg7[%dma_wait3A_437, %dma_wait3A_438, %dma_wait3A_439] : memref<4x640x16xf32, #tpu.memory_space<vmem>> -> memref<1x640x16xf32, #tpu.memory_space<vmem>>
        %dma_wait3A_441 = tpu.memref_squeeze %dma_wait3A_440 : memref<1x640x16xf32, #tpu.memory_space<vmem>> -> memref<640x16xf32, #tpu.memory_space<vmem>>
        %dma_wait3A_442 = arith.constant 128 : i32
        %dma_wait3A_443 = arith.constant 0 : i32
        %dma_wait3A_444 = tpu.memref_slice %dma_wait3A_441[%dma_wait3A_442, %dma_wait3A_443] : memref<640x16xf32, #tpu.memory_space<vmem>> -> memref<128x16xf32, #tpu.memory_space<vmem>>
        %dma_wait3A_445 = arith.constant 0 : i32
        %dma_wait3A_446 = arith.constant 0 : i32
        %dma_wait3A_447 = tpu.memref_slice %arg4[%dma_wait3A_445, %dma_wait3A_446] : memref<102400x16xf32, #tpu.memory_space<hbm>> -> memref<128x16xf32, #tpu.memory_space<hbm>>
        %dma_wait3A_448 = arith.constant 0 : i32
        %dma_wait3A_449 = arith.constant 0 : i32
        %dma_wait3A_450 = tpu.memref_slice %arg7[%dma_wait3A_437, %dma_wait3A_448, %dma_wait3A_449] : memref<4x640x16xf32, #tpu.memory_space<vmem>> -> memref<1x640x16xf32, #tpu.memory_space<vmem>>
        %dma_wait3A_451 = tpu.memref_squeeze %dma_wait3A_450 : memref<1x640x16xf32, #tpu.memory_space<vmem>> -> memref<640x16xf32, #tpu.memory_space<vmem>>
        %dma_wait3A_452 = arith.constant 128 : i32
        %dma_wait3A_453 = arith.constant 0 : i32
        %dma_wait3A_454 = tpu.memref_slice %dma_wait3A_451[%dma_wait3A_452, %dma_wait3A_453] : memref<640x16xf32, #tpu.memory_space<vmem>> -> memref<128x16xf32, #tpu.memory_space<vmem>>
        %dma_wait3A_455 = arith.constant 0 : i32
        %dma_wait3A_456 = arith.constant 0 : i32
        %dma_wait3A_457 = tpu.memref_slice %arg4[%dma_wait3A_455, %dma_wait3A_456] : memref<102400x16xf32, #tpu.memory_space<hbm>> -> memref<128x16xf32, #tpu.memory_space<hbm>>
        tpu.wait_dma2 semaphore(%arg17 : memref<!tpu.dma_semaphore, #tpu.memory_space<semaphore_mem>>) src(%dma_wait3A_457 : memref<128x16xf32, #tpu.memory_space<hbm>>) dst(%dma_wait3A_454 : memref<128x16xf32, #tpu.memory_space<vmem>>)
        %dma_wait3A_458 = arith.constant 3 : i32
        %dma_wait3A_459 = arith.constant 0 : i32
        %dma_wait3A_460 = arith.constant 0 : i32
        %dma_wait3A_461 = tpu.memref_slice %arg7[%dma_wait3A_458, %dma_wait3A_459, %dma_wait3A_460] : memref<4x640x16xf32, #tpu.memory_space<vmem>> -> memref<1x640x16xf32, #tpu.memory_space<vmem>>
        %dma_wait3A_462 = tpu.memref_squeeze %dma_wait3A_461 : memref<1x640x16xf32, #tpu.memory_space<vmem>> -> memref<640x16xf32, #tpu.memory_space<vmem>>
        %dma_wait3A_463 = arith.constant 256 : i32
        %dma_wait3A_464 = arith.constant 0 : i32
        %dma_wait3A_465 = tpu.memref_slice %dma_wait3A_462[%dma_wait3A_463, %dma_wait3A_464] : memref<640x16xf32, #tpu.memory_space<vmem>> -> memref<128x16xf32, #tpu.memory_space<vmem>>
        %dma_wait3A_466 = arith.constant 0 : i32
        %dma_wait3A_467 = arith.constant 0 : i32
        %dma_wait3A_468 = tpu.memref_slice %arg4[%dma_wait3A_466, %dma_wait3A_467] : memref<102400x16xf32, #tpu.memory_space<hbm>> -> memref<128x16xf32, #tpu.memory_space<hbm>>
        %dma_wait3A_469 = arith.constant 0 : i32
        %dma_wait3A_470 = arith.constant 0 : i32
        %dma_wait3A_471 = tpu.memref_slice %arg7[%dma_wait3A_458, %dma_wait3A_469, %dma_wait3A_470] : memref<4x640x16xf32, #tpu.memory_space<vmem>> -> memref<1x640x16xf32, #tpu.memory_space<vmem>>
        %dma_wait3A_472 = tpu.memref_squeeze %dma_wait3A_471 : memref<1x640x16xf32, #tpu.memory_space<vmem>> -> memref<640x16xf32, #tpu.memory_space<vmem>>
        %dma_wait3A_473 = arith.constant 256 : i32
        %dma_wait3A_474 = arith.constant 0 : i32
        %dma_wait3A_475 = tpu.memref_slice %dma_wait3A_472[%dma_wait3A_473, %dma_wait3A_474] : memref<640x16xf32, #tpu.memory_space<vmem>> -> memref<128x16xf32, #tpu.memory_space<vmem>>
        %dma_wait3A_476 = arith.constant 0 : i32
        %dma_wait3A_477 = arith.constant 0 : i32
        %dma_wait3A_478 = tpu.memref_slice %arg4[%dma_wait3A_476, %dma_wait3A_477] : memref<102400x16xf32, #tpu.memory_space<hbm>> -> memref<128x16xf32, #tpu.memory_space<hbm>>
        tpu.wait_dma2 semaphore(%arg17 : memref<!tpu.dma_semaphore, #tpu.memory_space<semaphore_mem>>) src(%dma_wait3A_478 : memref<128x16xf32, #tpu.memory_space<hbm>>) dst(%dma_wait3A_475 : memref<128x16xf32, #tpu.memory_space<vmem>>)
        %dma_wait3A_479 = arith.constant 3 : i32
        %dma_wait3A_480 = arith.constant 0 : i32
        %dma_wait3A_481 = arith.constant 0 : i32
        %dma_wait3A_482 = tpu.memref_slice %arg7[%dma_wait3A_479, %dma_wait3A_480, %dma_wait3A_481] : memref<4x640x16xf32, #tpu.memory_space<vmem>> -> memref<1x640x16xf32, #tpu.memory_space<vmem>>
        %dma_wait3A_483 = tpu.memref_squeeze %dma_wait3A_482 : memref<1x640x16xf32, #tpu.memory_space<vmem>> -> memref<640x16xf32, #tpu.memory_space<vmem>>
        %dma_wait3A_484 = arith.constant 384 : i32
        %dma_wait3A_485 = arith.constant 0 : i32
        %dma_wait3A_486 = tpu.memref_slice %dma_wait3A_483[%dma_wait3A_484, %dma_wait3A_485] : memref<640x16xf32, #tpu.memory_space<vmem>> -> memref<128x16xf32, #tpu.memory_space<vmem>>
        %dma_wait3A_487 = arith.constant 0 : i32
        %dma_wait3A_488 = arith.constant 0 : i32
        %dma_wait3A_489 = tpu.memref_slice %arg4[%dma_wait3A_487, %dma_wait3A_488] : memref<102400x16xf32, #tpu.memory_space<hbm>> -> memref<128x16xf32, #tpu.memory_space<hbm>>
        %dma_wait3A_490 = arith.constant 0 : i32
        %dma_wait3A_491 = arith.constant 0 : i32
        %dma_wait3A_492 = tpu.memref_slice %arg7[%dma_wait3A_479, %dma_wait3A_490, %dma_wait3A_491] : memref<4x640x16xf32, #tpu.memory_space<vmem>> -> memref<1x640x16xf32, #tpu.memory_space<vmem>>
        %dma_wait3A_493 = tpu.memref_squeeze %dma_wait3A_492 : memref<1x640x16xf32, #tpu.memory_space<vmem>> -> memref<640x16xf32, #tpu.memory_space<vmem>>
        %dma_wait3A_494 = arith.constant 384 : i32
        %dma_wait3A_495 = arith.constant 0 : i32
        %dma_wait3A_496 = tpu.memref_slice %dma_wait3A_493[%dma_wait3A_494, %dma_wait3A_495] : memref<640x16xf32, #tpu.memory_space<vmem>> -> memref<128x16xf32, #tpu.memory_space<vmem>>
        %dma_wait3A_497 = arith.constant 0 : i32
        %dma_wait3A_498 = arith.constant 0 : i32
        %dma_wait3A_499 = tpu.memref_slice %arg4[%dma_wait3A_497, %dma_wait3A_498] : memref<102400x16xf32, #tpu.memory_space<hbm>> -> memref<128x16xf32, #tpu.memory_space<hbm>>
        tpu.wait_dma2 semaphore(%arg17 : memref<!tpu.dma_semaphore, #tpu.memory_space<semaphore_mem>>) src(%dma_wait3A_499 : memref<128x16xf32, #tpu.memory_space<hbm>>) dst(%dma_wait3A_496 : memref<128x16xf32, #tpu.memory_space<vmem>>)
        %dma_wait3A_500 = arith.constant 3 : i32
        %dma_wait3A_501 = arith.constant 0 : i32
        %dma_wait3A_502 = arith.constant 0 : i32
        %dma_wait3A_503 = tpu.memref_slice %arg7[%dma_wait3A_500, %dma_wait3A_501, %dma_wait3A_502] : memref<4x640x16xf32, #tpu.memory_space<vmem>> -> memref<1x640x16xf32, #tpu.memory_space<vmem>>
        %dma_wait3A_504 = tpu.memref_squeeze %dma_wait3A_503 : memref<1x640x16xf32, #tpu.memory_space<vmem>> -> memref<640x16xf32, #tpu.memory_space<vmem>>
        %dma_wait3A_505 = arith.constant 512 : i32
        %dma_wait3A_506 = arith.constant 0 : i32
        %dma_wait3A_507 = tpu.memref_slice %dma_wait3A_504[%dma_wait3A_505, %dma_wait3A_506] : memref<640x16xf32, #tpu.memory_space<vmem>> -> memref<128x16xf32, #tpu.memory_space<vmem>>
        %dma_wait3A_508 = arith.constant 0 : i32
        %dma_wait3A_509 = arith.constant 0 : i32
        %dma_wait3A_510 = tpu.memref_slice %arg4[%dma_wait3A_508, %dma_wait3A_509] : memref<102400x16xf32, #tpu.memory_space<hbm>> -> memref<128x16xf32, #tpu.memory_space<hbm>>
        %dma_wait3A_511 = arith.constant 0 : i32
        %dma_wait3A_512 = arith.constant 0 : i32
        %dma_wait3A_513 = tpu.memref_slice %arg7[%dma_wait3A_500, %dma_wait3A_511, %dma_wait3A_512] : memref<4x640x16xf32, #tpu.memory_space<vmem>> -> memref<1x640x16xf32, #tpu.memory_space<vmem>>
        %dma_wait3A_514 = tpu.memref_squeeze %dma_wait3A_513 : memref<1x640x16xf32, #tpu.memory_space<vmem>> -> memref<640x16xf32, #tpu.memory_space<vmem>>
        %dma_wait3A_515 = arith.constant 512 : i32
        %dma_wait3A_516 = arith.constant 0 : i32
        %dma_wait3A_517 = tpu.memref_slice %dma_wait3A_514[%dma_wait3A_515, %dma_wait3A_516] : memref<640x16xf32, #tpu.memory_space<vmem>> -> memref<128x16xf32, #tpu.memory_space<vmem>>
        %dma_wait3A_518 = arith.constant 0 : i32
        %dma_wait3A_519 = arith.constant 0 : i32
        %dma_wait3A_520 = tpu.memref_slice %arg4[%dma_wait3A_518, %dma_wait3A_519] : memref<102400x16xf32, #tpu.memory_space<hbm>> -> memref<128x16xf32, #tpu.memory_space<hbm>>
        tpu.wait_dma2 semaphore(%arg17 : memref<!tpu.dma_semaphore, #tpu.memory_space<semaphore_mem>>) src(%dma_wait3A_520 : memref<128x16xf32, #tpu.memory_space<hbm>>) dst(%dma_wait3A_517 : memref<128x16xf32, #tpu.memory_space<vmem>>)
        %dma_wait3A_521 = arith.constant 3 : i32
        %dma_wait3A_522 = arith.constant 0 : i32
        %dma_wait3A_523 = arith.constant 0 : i32
        %dma_wait3A_524 = arith.constant 0 : i32
        %dma_wait3A_525 = tpu.memref_slice %arg8[%dma_wait3A_521, %dma_wait3A_522, %dma_wait3A_523, %dma_wait3A_524] : memref<4x5x4x128xf32, #tpu.memory_space<vmem>> -> memref<1x5x4x128xf32, #tpu.memory_space<vmem>>
        %dma_wait3A_526 = tpu.memref_squeeze %dma_wait3A_525 : memref<1x5x4x128xf32, #tpu.memory_space<vmem>> -> memref<5x4x128xf32, #tpu.memory_space<vmem>>
        %dma_wait3A_527 = arith.constant 0 : i32
        %dma_wait3A_528 = arith.constant 0 : i32
        %dma_wait3A_529 = arith.constant 0 : i32
        %dma_wait3A_530 = tpu.memref_slice %arg3[%dma_wait3A_527, %dma_wait3A_528, %dma_wait3A_529] : memref<15625x4x128xf32, #tpu.memory_space<hbm>> -> memref<5x4x128xf32, #tpu.memory_space<hbm>>
        %dma_wait3A_531 = arith.constant 0 : i32
        %dma_wait3A_532 = arith.constant 0 : i32
        %dma_wait3A_533 = arith.constant 0 : i32
        %dma_wait3A_534 = tpu.memref_slice %arg8[%dma_wait3A_521, %dma_wait3A_531, %dma_wait3A_532, %dma_wait3A_533] : memref<4x5x4x128xf32, #tpu.memory_space<vmem>> -> memref<1x5x4x128xf32, #tpu.memory_space<vmem>>
        %dma_wait3A_535 = tpu.memref_squeeze %dma_wait3A_534 : memref<1x5x4x128xf32, #tpu.memory_space<vmem>> -> memref<5x4x128xf32, #tpu.memory_space<vmem>>
        %dma_wait3A_536 = arith.constant 0 : i32
        %dma_wait3A_537 = arith.constant 0 : i32
        %dma_wait3A_538 = arith.constant 0 : i32
        %dma_wait3A_539 = tpu.memref_slice %arg3[%dma_wait3A_536, %dma_wait3A_537, %dma_wait3A_538] : memref<15625x4x128xf32, #tpu.memory_space<hbm>> -> memref<5x4x128xf32, #tpu.memory_space<hbm>>
        tpu.wait_dma2 semaphore(%arg17 : memref<!tpu.dma_semaphore, #tpu.memory_space<semaphore_mem>>) src(%dma_wait3A_539 : memref<5x4x128xf32, #tpu.memory_space<hbm>>) dst(%dma_wait3A_535 : memref<5x4x128xf32, #tpu.memory_space<vmem>>)
        %ge3A = arith.constant 128 : i32
        %ge3A_540 = arith.cmpi sge, %add3A_395, %ge3A : i32
        %convert_element_type3A_541 = arith.extui %ge3A_540 : i1 to i32
        %cond3A_542 = arith.constant 0 : i32
        %cond3A_543 = arith.cmpi ne, %convert_element_type3A_541, %cond3A_542 : i32
        scf.if %cond3A_543 {
          %dma_wait3A_573 = arith.constant 3 : i32
          %dma_wait3A_574 = arith.constant 0 : i32
          %dma_wait3A_575 = arith.constant 0 : i32
          %dma_wait3A_576 = arith.constant 0 : i32
          %dma_wait3A_577 = tpu.memref_slice %arg9[%dma_wait3A_573, %dma_wait3A_574, %dma_wait3A_575, %dma_wait3A_576] : memref<4x5x4x128xf32, #tpu.memory_space<vmem>> -> memref<1x5x4x128xf32, #tpu.memory_space<vmem>>
          %dma_wait3A_578 = tpu.memref_squeeze %dma_wait3A_577 : memref<1x5x4x128xf32, #tpu.memory_space<vmem>> -> memref<5x4x128xf32, #tpu.memory_space<vmem>>
          %dma_wait3A_579 = arith.constant 0 : i32
          %dma_wait3A_580 = arith.constant 0 : i32
          %dma_wait3A_581 = arith.constant 0 : i32
          %dma_wait3A_582 = tpu.memref_slice %arg5[%dma_wait3A_579, %dma_wait3A_580, %dma_wait3A_581] : memref<15625x4x128xf32, #tpu.memory_space<hbm>> -> memref<5x4x128xf32, #tpu.memory_space<hbm>>
          %dma_wait3A_583 = arith.constant 0 : i32
          %dma_wait3A_584 = arith.constant 0 : i32
          %dma_wait3A_585 = arith.constant 0 : i32
          %dma_wait3A_586 = tpu.memref_slice %arg5[%dma_wait3A_583, %dma_wait3A_584, %dma_wait3A_585] : memref<15625x4x128xf32, #tpu.memory_space<hbm>> -> memref<5x4x128xf32, #tpu.memory_space<hbm>>
          %dma_wait3A_587 = arith.constant 0 : i32
          %dma_wait3A_588 = arith.constant 0 : i32
          %dma_wait3A_589 = arith.constant 0 : i32
          %dma_wait3A_590 = tpu.memref_slice %arg9[%dma_wait3A_573, %dma_wait3A_587, %dma_wait3A_588, %dma_wait3A_589] : memref<4x5x4x128xf32, #tpu.memory_space<vmem>> -> memref<1x5x4x128xf32, #tpu.memory_space<vmem>>
          %dma_wait3A_591 = tpu.memref_squeeze %dma_wait3A_590 : memref<1x5x4x128xf32, #tpu.memory_space<vmem>> -> memref<5x4x128xf32, #tpu.memory_space<vmem>>
          tpu.wait_dma2 semaphore(%arg21 : memref<!tpu.dma_semaphore, #tpu.memory_space<semaphore_mem>>) src(%dma_wait3A_591 : memref<5x4x128xf32, #tpu.memory_space<vmem>>) dst(%dma_wait3A_586 : memref<5x4x128xf32, #tpu.memory_space<hbm>>)
        } else {
        }
        %scan3A_544 = arith.constant 3 : i32
        %scan3A_545 = arith.constant 3 : i32
        %scan3A_546 = arith.constant 3 : i32
        %scan3A_547 = arith.constant 0 : i32
        %scan3A_548 = arith.constant 0 : i32
        %scan3A_549 = arith.constant 40 : i32
        %scan3A_550 = arith.addi %scan3A_548, %scan3A_549 : i32
        %scan3A_551 = arith.constant 1 : i32
        %scan3A_552 = scf.for %scan3A_573 = %scan3A_548 to %scan3A_550 step %scan3A_551 iter_args(%scan3A_574 = %scan3A_547) -> (i32)  : i32 {
          %mul3A_575 = arith.constant 16 : i32
          %mul3A_576 = arith.muli %scan3A_573, %mul3A_575 : i32
          %add3A_577 = vector.broadcast %mul3A_576 : i32 to vector<16xi32>
          %add3A_578 = arith.addi %add3A_577, %iota3A : vector<16xi32>
          %shift_right_arithmetic3A = arith.constant 3 : i32
          %shift_right_arithmetic3A_579 = arith.shrsi %scan3A_573, %shift_right_arithmetic3A : i32
          %and3A = arith.constant 7 : i32
          %and3A_580 = arith.andi %scan3A_573, %and3A : i32
          %mul3A_581 = arith.constant 16 : i32
          %mul3A_582 = arith.muli %and3A_580, %mul3A_581 : i32
          %gather3A = arith.constant 0 : i32
          %gather3A_583 = arith.constant 0 : i32
          %gather3A_584 = tpu.memref_slice %arg7[%scan3A_544, %gather3A, %gather3A_583] : memref<4x640x16xf32, #tpu.memory_space<vmem>> -> memref<1x640x16xf32, #tpu.memory_space<vmem>>
          %gather3A_585 = tpu.memref_squeeze %gather3A_584 : memref<1x640x16xf32, #tpu.memory_space<vmem>> -> memref<640x16xf32, #tpu.memory_space<vmem>>
          %gather3A_586 = tpu.vector_load_idx %gather3A_585[%add3A_578, %broadcast_in_dim3A_1] : memref<640x16xf32, #tpu.memory_space<vmem>>[vector<16xi32>, vector<16xi32>], vector<16xf32>,
          %gather3A_587 = arith.constant 0 : i32
          %gather3A_588 = arith.constant 0 : i32
          %gather3A_589 = tpu.memref_slice %arg7[%scan3A_544, %gather3A_587, %gather3A_588] : memref<4x640x16xf32, #tpu.memory_space<vmem>> -> memref<1x640x16xf32, #tpu.memory_space<vmem>>
          %gather3A_590 = tpu.memref_squeeze %gather3A_589 : memref<1x640x16xf32, #tpu.memory_space<vmem>> -> memref<640x16xf32, #tpu.memory_space<vmem>>
          %gather3A_591 = tpu.vector_load_idx %gather3A_590[%add3A_578, %broadcast_in_dim3A_3] : memref<640x16xf32, #tpu.memory_space<vmem>>[vector<16xi32>, vector<16xi32>], vector<16xf32>,
          %gather3A_592 = arith.constant 0 : i32
          %gather3A_593 = arith.constant 0 : i32
          %gather3A_594 = tpu.memref_slice %arg7[%scan3A_544, %gather3A_592, %gather3A_593] : memref<4x640x16xf32, #tpu.memory_space<vmem>> -> memref<1x640x16xf32, #tpu.memory_space<vmem>>
          %gather3A_595 = tpu.memref_squeeze %gather3A_594 : memref<1x640x16xf32, #tpu.memory_space<vmem>> -> memref<640x16xf32, #tpu.memory_space<vmem>>
          %gather3A_596 = tpu.vector_load_idx %gather3A_595[%add3A_578, %broadcast_in_dim3A_5] : memref<640x16xf32, #tpu.memory_space<vmem>>[vector<16xi32>, vector<16xi32>], vector<16xf32>,
          %gather3A_597 = arith.constant 0 : i32
          %gather3A_598 = arith.constant 0 : i32
          %gather3A_599 = tpu.memref_slice %arg7[%scan3A_544, %gather3A_597, %gather3A_598] : memref<4x640x16xf32, #tpu.memory_space<vmem>> -> memref<1x640x16xf32, #tpu.memory_space<vmem>>
          %gather3A_600 = tpu.memref_squeeze %gather3A_599 : memref<1x640x16xf32, #tpu.memory_space<vmem>> -> memref<640x16xf32, #tpu.memory_space<vmem>>
          %gather3A_601 = tpu.vector_load_idx %gather3A_600[%add3A_578, %broadcast_in_dim3A_7] : memref<640x16xf32, #tpu.memory_space<vmem>>[vector<16xi32>, vector<16xi32>], vector<16xf32>,
          %gather3A_602 = arith.constant 0 : i32
          %gather3A_603 = arith.constant 0 : i32
          %gather3A_604 = tpu.memref_slice %arg7[%scan3A_544, %gather3A_602, %gather3A_603] : memref<4x640x16xf32, #tpu.memory_space<vmem>> -> memref<1x640x16xf32, #tpu.memory_space<vmem>>
          %gather3A_605 = tpu.memref_squeeze %gather3A_604 : memref<1x640x16xf32, #tpu.memory_space<vmem>> -> memref<640x16xf32, #tpu.memory_space<vmem>>
          %gather3A_606 = tpu.vector_load_idx %gather3A_605[%add3A_578, %broadcast_in_dim3A_9] : memref<640x16xf32, #tpu.memory_space<vmem>>[vector<16xi32>, vector<16xi32>], vector<16xf32>,
          %gather3A_607 = arith.constant 0 : i32
          %gather3A_608 = arith.constant 0 : i32
          %gather3A_609 = tpu.memref_slice %arg7[%scan3A_544, %gather3A_607, %gather3A_608] : memref<4x640x16xf32, #tpu.memory_space<vmem>> -> memref<1x640x16xf32, #tpu.memory_space<vmem>>
          %gather3A_610 = tpu.memref_squeeze %gather3A_609 : memref<1x640x16xf32, #tpu.memory_space<vmem>> -> memref<640x16xf32, #tpu.memory_space<vmem>>
          %gather3A_611 = tpu.vector_load_idx %gather3A_610[%add3A_578, %broadcast_in_dim3A_11] : memref<640x16xf32, #tpu.memory_space<vmem>>[vector<16xi32>, vector<16xi32>], vector<16xf32>,
          %gather3A_612 = arith.constant 0 : i32
          %gather3A_613 = arith.constant 0 : i32
          %gather3A_614 = tpu.memref_slice %arg7[%scan3A_544, %gather3A_612, %gather3A_613] : memref<4x640x16xf32, #tpu.memory_space<vmem>> -> memref<1x640x16xf32, #tpu.memory_space<vmem>>
          %gather3A_615 = tpu.memref_squeeze %gather3A_614 : memref<1x640x16xf32, #tpu.memory_space<vmem>> -> memref<640x16xf32, #tpu.memory_space<vmem>>
          %gather3A_616 = tpu.vector_load_idx %gather3A_615[%add3A_578, %broadcast_in_dim3A_13] : memref<640x16xf32, #tpu.memory_space<vmem>>[vector<16xi32>, vector<16xi32>], vector<16xf32>,
          %gather3A_617 = arith.constant 0 : i32
          %gather3A_618 = arith.constant 0 : i32
          %gather3A_619 = tpu.memref_slice %arg7[%scan3A_544, %gather3A_617, %gather3A_618] : memref<4x640x16xf32, #tpu.memory_space<vmem>> -> memref<1x640x16xf32, #tpu.memory_space<vmem>>
          %gather3A_620 = tpu.memref_squeeze %gather3A_619 : memref<1x640x16xf32, #tpu.memory_space<vmem>> -> memref<640x16xf32, #tpu.memory_space<vmem>>
          %gather3A_621 = tpu.vector_load_idx %gather3A_620[%add3A_578, %broadcast_in_dim3A_15] : memref<640x16xf32, #tpu.memory_space<vmem>>[vector<16xi32>, vector<16xi32>], vector<16xf32>,
          %gather3A_622 = arith.constant 0 : i32
          %gather3A_623 = arith.constant 0 : i32
          %gather3A_624 = tpu.memref_slice %arg7[%scan3A_544, %gather3A_622, %gather3A_623] : memref<4x640x16xf32, #tpu.memory_space<vmem>> -> memref<1x640x16xf32, #tpu.memory_space<vmem>>
          %gather3A_625 = tpu.memref_squeeze %gather3A_624 : memref<1x640x16xf32, #tpu.memory_space<vmem>> -> memref<640x16xf32, #tpu.memory_space<vmem>>
          %gather3A_626 = tpu.vector_load_idx %gather3A_625[%add3A_578, %broadcast_in_dim3A_17] : memref<640x16xf32, #tpu.memory_space<vmem>>[vector<16xi32>, vector<16xi32>], vector<16xf32>,
          %gather3A_627 = arith.constant 0 : i32
          %gather3A_628 = arith.constant 0 : i32
          %gather3A_629 = tpu.memref_slice %arg7[%scan3A_544, %gather3A_627, %gather3A_628] : memref<4x640x16xf32, #tpu.memory_space<vmem>> -> memref<1x640x16xf32, #tpu.memory_space<vmem>>
          %gather3A_630 = tpu.memref_squeeze %gather3A_629 : memref<1x640x16xf32, #tpu.memory_space<vmem>> -> memref<640x16xf32, #tpu.memory_space<vmem>>
          %gather3A_631 = tpu.vector_load_idx %gather3A_630[%add3A_578, %broadcast_in_dim3A_19] : memref<640x16xf32, #tpu.memory_space<vmem>>[vector<16xi32>, vector<16xi32>], vector<16xf32>,
          %gather3A_632 = arith.constant 0 : i32
          %gather3A_633 = arith.constant 0 : i32
          %gather3A_634 = tpu.memref_slice %arg7[%scan3A_544, %gather3A_632, %gather3A_633] : memref<4x640x16xf32, #tpu.memory_space<vmem>> -> memref<1x640x16xf32, #tpu.memory_space<vmem>>
          %gather3A_635 = tpu.memref_squeeze %gather3A_634 : memref<1x640x16xf32, #tpu.memory_space<vmem>> -> memref<640x16xf32, #tpu.memory_space<vmem>>
          %gather3A_636 = tpu.vector_load_idx %gather3A_635[%add3A_578, %broadcast_in_dim3A_21] : memref<640x16xf32, #tpu.memory_space<vmem>>[vector<16xi32>, vector<16xi32>], vector<16xf32>,
          %gather3A_637 = arith.constant 0 : i32
          %gather3A_638 = arith.constant 0 : i32
          %gather3A_639 = tpu.memref_slice %arg7[%scan3A_544, %gather3A_637, %gather3A_638] : memref<4x640x16xf32, #tpu.memory_space<vmem>> -> memref<1x640x16xf32, #tpu.memory_space<vmem>>
          %gather3A_640 = tpu.memref_squeeze %gather3A_639 : memref<1x640x16xf32, #tpu.memory_space<vmem>> -> memref<640x16xf32, #tpu.memory_space<vmem>>
          %gather3A_641 = tpu.vector_load_idx %gather3A_640[%add3A_578, %broadcast_in_dim3A_23] : memref<640x16xf32, #tpu.memory_space<vmem>>[vector<16xi32>, vector<16xi32>], vector<16xf32>,
          %get3A = arith.constant 0 : i32
          %get3A_642 = arith.constant 0 : i32
          %get3A_643 = arith.constant 0 : i32
          %get3A_644 = arith.constant 0 : i32
          %get3A_645 = tpu.memref_slice %arg8[%scan3A_545, %get3A_642, %get3A_643, %get3A_644] : memref<4x5x4x128xf32, #tpu.memory_space<vmem>> -> memref<1x5x4x128xf32, #tpu.memory_space<vmem>>
          %get3A_646 = tpu.memref_squeeze %get3A_645 : memref<1x5x4x128xf32, #tpu.memory_space<vmem>> -> memref<5x4x128xf32, #tpu.memory_space<vmem>>
          %get3A_647 = arith.index_cast %shift_right_arithmetic3A_579 : i32 to index
          %get3A_648 = arith.index_cast %get3A : i32 to index
          %get3A_649 = arith.index_cast %mul3A_582 : i32 to index
          %get3A_650 = tpu.vector_load %get3A_646[%get3A_647, %get3A_648, %get3A_649] {strides = array<i32>} : memref<5x4x128xf32, #tpu.memory_space<vmem>>, vector<16xf32>,
          %get3A_651 = arith.constant 1 : i32
          %get3A_652 = arith.constant 0 : i32
          %get3A_653 = arith.constant 0 : i32
          %get3A_654 = arith.constant 0 : i32
          %get3A_655 = tpu.memref_slice %arg8[%scan3A_545, %get3A_652, %get3A_653, %get3A_654] : memref<4x5x4x128xf32, #tpu.memory_space<vmem>> -> memref<1x5x4x128xf32, #tpu.memory_space<vmem>>
          %get3A_656 = tpu.memref_squeeze %get3A_655 : memref<1x5x4x128xf32, #tpu.memory_space<vmem>> -> memref<5x4x128xf32, #tpu.memory_space<vmem>>
          %get3A_657 = arith.index_cast %shift_right_arithmetic3A_579 : i32 to index
          %get3A_658 = arith.index_cast %get3A_651 : i32 to index
          %get3A_659 = arith.index_cast %mul3A_582 : i32 to index
          %get3A_660 = tpu.vector_load %get3A_656[%get3A_657, %get3A_658, %get3A_659] {strides = array<i32>} : memref<5x4x128xf32, #tpu.memory_space<vmem>>, vector<16xf32>,
          %get3A_661 = arith.constant 2 : i32
          %get3A_662 = arith.constant 0 : i32
          %get3A_663 = arith.constant 0 : i32
          %get3A_664 = arith.constant 0 : i32
          %get3A_665 = tpu.memref_slice %arg8[%scan3A_545, %get3A_662, %get3A_663, %get3A_664] : memref<4x5x4x128xf32, #tpu.memory_space<vmem>> -> memref<1x5x4x128xf32, #tpu.memory_space<vmem>>
          %get3A_666 = tpu.memref_squeeze %get3A_665 : memref<1x5x4x128xf32, #tpu.memory_space<vmem>> -> memref<5x4x128xf32, #tpu.memory_space<vmem>>
          %get3A_667 = arith.index_cast %shift_right_arithmetic3A_579 : i32 to index
          %get3A_668 = arith.index_cast %get3A_661 : i32 to index
          %get3A_669 = arith.index_cast %mul3A_582 : i32 to index
          %get3A_670 = tpu.vector_load %get3A_666[%get3A_667, %get3A_668, %get3A_669] {strides = array<i32>} : memref<5x4x128xf32, #tpu.memory_space<vmem>>, vector<16xf32>,
          %mul3A_671 = arith.mulf %gather3A_586, %get3A_650 : vector<16xf32>
          %mul3A_672 = arith.mulf %gather3A_591, %get3A_660 : vector<16xf32>
          %add3A_673 = arith.addf %mul3A_671, %mul3A_672 : vector<16xf32>
          %mul3A_674 = arith.mulf %gather3A_596, %get3A_670 : vector<16xf32>
          %add3A_675 = arith.addf %add3A_673, %mul3A_674 : vector<16xf32>
          %add3A_676 = arith.addf %add3A_675, %gather3A_631 : vector<16xf32>
          %swap3A = arith.constant 0 : i32
          %swap3A_677 = arith.constant 0 : i32
          %swap3A_678 = arith.constant 0 : i32
          %swap3A_679 = arith.constant 0 : i32
          %swap3A_680 = tpu.memref_slice %arg9[%scan3A_546, %swap3A_677, %swap3A_678, %swap3A_679] : memref<4x5x4x128xf32, #tpu.memory_space<vmem>> -> memref<1x5x4x128xf32, #tpu.memory_space<vmem>>
          %swap3A_681 = tpu.memref_squeeze %swap3A_680 : memref<1x5x4x128xf32, #tpu.memory_space<vmem>> -> memref<5x4x128xf32, #tpu.memory_space<vmem>>
          %swap3A_682 = arith.index_cast %shift_right_arithmetic3A_579 : i32 to index
          %swap3A_683 = arith.index_cast %swap3A : i32 to index
          %swap3A_684 = arith.index_cast %mul3A_582 : i32 to index
          %swap3A_685 = tpu.vector_load %swap3A_681[%swap3A_682, %swap3A_683, %swap3A_684] {strides = array<i32>} : memref<5x4x128xf32, #tpu.memory_space<vmem>>, vector<16xf32>,
          tpu.vector_store %swap3A_681[%swap3A_682, %swap3A_683, %swap3A_684], %add3A_676 {strides = array<i32>} : memref<5x4x128xf32, #tpu.memory_space<vmem>>, vector<16xf32>,
          %mul3A_686 = arith.mulf %gather3A_601, %get3A_650 : vector<16xf32>
          %mul3A_687 = arith.mulf %gather3A_606, %get3A_660 : vector<16xf32>
          %add3A_688 = arith.addf %mul3A_686, %mul3A_687 : vector<16xf32>
          %mul3A_689 = arith.mulf %gather3A_611, %get3A_670 : vector<16xf32>
          %add3A_690 = arith.addf %add3A_688, %mul3A_689 : vector<16xf32>
          %add3A_691 = arith.addf %add3A_690, %gather3A_636 : vector<16xf32>
          %swap3A_692 = arith.constant 1 : i32
          %swap3A_693 = arith.constant 0 : i32
          %swap3A_694 = arith.constant 0 : i32
          %swap3A_695 = arith.constant 0 : i32
          %swap3A_696 = tpu.memref_slice %arg9[%scan3A_546, %swap3A_693, %swap3A_694, %swap3A_695] : memref<4x5x4x128xf32, #tpu.memory_space<vmem>> -> memref<1x5x4x128xf32, #tpu.memory_space<vmem>>
          %swap3A_697 = tpu.memref_squeeze %swap3A_696 : memref<1x5x4x128xf32, #tpu.memory_space<vmem>> -> memref<5x4x128xf32, #tpu.memory_space<vmem>>
          %swap3A_698 = arith.index_cast %shift_right_arithmetic3A_579 : i32 to index
          %swap3A_699 = arith.index_cast %swap3A_692 : i32 to index
          %swap3A_700 = arith.index_cast %mul3A_582 : i32 to index
          %swap3A_701 = tpu.vector_load %swap3A_697[%swap3A_698, %swap3A_699, %swap3A_700] {strides = array<i32>} : memref<5x4x128xf32, #tpu.memory_space<vmem>>, vector<16xf32>,
          tpu.vector_store %swap3A_697[%swap3A_698, %swap3A_699, %swap3A_700], %add3A_691 {strides = array<i32>} : memref<5x4x128xf32, #tpu.memory_space<vmem>>, vector<16xf32>,
          %mul3A_702 = arith.mulf %gather3A_616, %get3A_650 : vector<16xf32>
          %mul3A_703 = arith.mulf %gather3A_621, %get3A_660 : vector<16xf32>
          %add3A_704 = arith.addf %mul3A_702, %mul3A_703 : vector<16xf32>
          %mul3A_705 = arith.mulf %gather3A_626, %get3A_670 : vector<16xf32>
          %add3A_706 = arith.addf %add3A_704, %mul3A_705 : vector<16xf32>
          %add3A_707 = arith.addf %add3A_706, %gather3A_641 : vector<16xf32>
          %swap3A_708 = arith.constant 2 : i32
          %swap3A_709 = arith.constant 0 : i32
          %swap3A_710 = arith.constant 0 : i32
          %swap3A_711 = arith.constant 0 : i32
          %swap3A_712 = tpu.memref_slice %arg9[%scan3A_546, %swap3A_709, %swap3A_710, %swap3A_711] : memref<4x5x4x128xf32, #tpu.memory_space<vmem>> -> memref<1x5x4x128xf32, #tpu.memory_space<vmem>>
          %swap3A_713 = tpu.memref_squeeze %swap3A_712 : memref<1x5x4x128xf32, #tpu.memory_space<vmem>> -> memref<5x4x128xf32, #tpu.memory_space<vmem>>
          %swap3A_714 = arith.index_cast %shift_right_arithmetic3A_579 : i32 to index
          %swap3A_715 = arith.index_cast %swap3A_708 : i32 to index
          %swap3A_716 = arith.index_cast %mul3A_582 : i32 to index
          %swap3A_717 = tpu.vector_load %swap3A_713[%swap3A_714, %swap3A_715, %swap3A_716] {strides = array<i32>} : memref<5x4x128xf32, #tpu.memory_space<vmem>>, vector<16xf32>,
          tpu.vector_store %swap3A_713[%swap3A_714, %swap3A_715, %swap3A_716], %add3A_707 {strides = array<i32>} : memref<5x4x128xf32, #tpu.memory_space<vmem>>, vector<16xf32>,
          %scan3A_718 = arith.constant 0 : i32
          scf.yield %scan3A_718 : i32
        }
        %scan3A_553 = arith.constant 40 : i32
        %mul3A_554 = arith.constant 5 : i32
        %mul3A_555 = arith.muli %add3A_395, %mul3A_554 : i32
        %dma_start3A_556 = arith.constant 3 : i32
        %dma_start3A_557 = arith.constant 0 : i32
        %dma_start3A_558 = arith.constant 0 : i32
        %dma_start3A_559 = arith.constant 0 : i32
        %dma_start3A_560 = tpu.memref_slice %arg9[%dma_start3A_556, %dma_start3A_557, %dma_start3A_558, %dma_start3A_559] : memref<4x5x4x128xf32, #tpu.memory_space<vmem>> -> memref<1x5x4x128xf32, #tpu.memory_space<vmem>>
        %dma_start3A_561 = tpu.memref_squeeze %dma_start3A_560 : memref<1x5x4x128xf32, #tpu.memory_space<vmem>> -> memref<5x4x128xf32, #tpu.memory_space<vmem>>
        %dma_start3A_562 = arith.constant 0 : i32
        %dma_start3A_563 = arith.constant 0 : i32
        %dma_start3A_564 = tpu.memref_slice %arg5[%mul3A_555, %dma_start3A_562, %dma_start3A_563] : memref<15625x4x128xf32, #tpu.memory_space<hbm>> -> memref<5x4x128xf32, #tpu.memory_space<hbm>>
        %dma_start3A_565 = arith.constant 0 : i32
        %dma_start3A_566 = arith.constant 0 : i32
        %dma_start3A_567 = tpu.memref_slice %arg5[%mul3A_555, %dma_start3A_565, %dma_start3A_566] : memref<15625x4x128xf32, #tpu.memory_space<hbm>> -> memref<5x4x128xf32, #tpu.memory_space<hbm>>
        %dma_start3A_568 = arith.constant 0 : i32
        %dma_start3A_569 = arith.constant 0 : i32
        %dma_start3A_570 = arith.constant 0 : i32
        %dma_start3A_571 = tpu.memref_slice %arg9[%dma_start3A_556, %dma_start3A_568, %dma_start3A_569, %dma_start3A_570] : memref<4x5x4x128xf32, #tpu.memory_space<vmem>> -> memref<1x5x4x128xf32, #tpu.memory_space<vmem>>
        %dma_start3A_572 = tpu.memref_squeeze %dma_start3A_571 : memref<1x5x4x128xf32, #tpu.memory_space<vmem>> -> memref<5x4x128xf32, #tpu.memory_space<vmem>>
        tpu.enqueue_dma source(%dma_start3A_572 : memref<5x4x128xf32, #tpu.memory_space<vmem>>) target(%dma_start3A_567 : memref<5x4x128xf32, #tpu.memory_space<hbm>>) target_semaphore(%arg21 : memref<!tpu.dma_semaphore, #tpu.memory_space<semaphore_mem>>)
      } else {
      }
      %scan3A_401 = arith.constant 0 : i32
      scf.yield %scan3A_401 : i32
    }
    %scan3A_291 = arith.constant 25 : i32
    %dma_wait3A_292 = arith.constant 0 : i32
    %dma_wait3A_293 = arith.constant 0 : i32
    %dma_wait3A_294 = arith.constant 0 : i32
    %dma_wait3A_295 = arith.constant 0 : i32
    %dma_wait3A_296 = tpu.memref_slice %arg9[%dma_wait3A_292, %dma_wait3A_293, %dma_wait3A_294, %dma_wait3A_295] : memref<4x5x4x128xf32, #tpu.memory_space<vmem>> -> memref<1x5x4x128xf32, #tpu.memory_space<vmem>>
    %dma_wait3A_297 = tpu.memref_squeeze %dma_wait3A_296 : memref<1x5x4x128xf32, #tpu.memory_space<vmem>> -> memref<5x4x128xf32, #tpu.memory_space<vmem>>
    %dma_wait3A_298 = arith.constant 0 : i32
    %dma_wait3A_299 = arith.constant 0 : i32
    %dma_wait3A_300 = arith.constant 0 : i32
    %dma_wait3A_301 = tpu.memref_slice %arg5[%dma_wait3A_298, %dma_wait3A_299, %dma_wait3A_300] : memref<15625x4x128xf32, #tpu.memory_space<hbm>> -> memref<5x4x128xf32, #tpu.memory_space<hbm>>
    %dma_wait3A_302 = arith.constant 0 : i32
    %dma_wait3A_303 = arith.constant 0 : i32
    %dma_wait3A_304 = arith.constant 0 : i32
    %dma_wait3A_305 = tpu.memref_slice %arg5[%dma_wait3A_302, %dma_wait3A_303, %dma_wait3A_304] : memref<15625x4x128xf32, #tpu.memory_space<hbm>> -> memref<5x4x128xf32, #tpu.memory_space<hbm>>
    %dma_wait3A_306 = arith.constant 0 : i32
    %dma_wait3A_307 = arith.constant 0 : i32
    %dma_wait3A_308 = arith.constant 0 : i32
    %dma_wait3A_309 = tpu.memref_slice %arg9[%dma_wait3A_292, %dma_wait3A_306, %dma_wait3A_307, %dma_wait3A_308] : memref<4x5x4x128xf32, #tpu.memory_space<vmem>> -> memref<1x5x4x128xf32, #tpu.memory_space<vmem>>
    %dma_wait3A_310 = tpu.memref_squeeze %dma_wait3A_309 : memref<1x5x4x128xf32, #tpu.memory_space<vmem>> -> memref<5x4x128xf32, #tpu.memory_space<vmem>>
    tpu.wait_dma2 semaphore(%arg18 : memref<!tpu.dma_semaphore, #tpu.memory_space<semaphore_mem>>) src(%dma_wait3A_310 : memref<5x4x128xf32, #tpu.memory_space<vmem>>) dst(%dma_wait3A_305 : memref<5x4x128xf32, #tpu.memory_space<hbm>>)
    %dma_wait3A_311 = arith.constant 1 : i32
    %dma_wait3A_312 = arith.constant 0 : i32
    %dma_wait3A_313 = arith.constant 0 : i32
    %dma_wait3A_314 = arith.constant 0 : i32
    %dma_wait3A_315 = tpu.memref_slice %arg9[%dma_wait3A_311, %dma_wait3A_312, %dma_wait3A_313, %dma_wait3A_314] : memref<4x5x4x128xf32, #tpu.memory_space<vmem>> -> memref<1x5x4x128xf32, #tpu.memory_space<vmem>>
    %dma_wait3A_316 = tpu.memref_squeeze %dma_wait3A_315 : memref<1x5x4x128xf32, #tpu.memory_space<vmem>> -> memref<5x4x128xf32, #tpu.memory_space<vmem>>
    %dma_wait3A_317 = arith.constant 0 : i32
    %dma_wait3A_318 = arith.constant 0 : i32
    %dma_wait3A_319 = arith.constant 0 : i32
    %dma_wait3A_320 = tpu.memref_slice %arg5[%dma_wait3A_317, %dma_wait3A_318, %dma_wait3A_319] : memref<15625x4x128xf32, #tpu.memory_space<hbm>> -> memref<5x4x128xf32, #tpu.memory_space<hbm>>
    %dma_wait3A_321 = arith.constant 0 : i32
    %dma_wait3A_322 = arith.constant 0 : i32
    %dma_wait3A_323 = arith.constant 0 : i32
    %dma_wait3A_324 = tpu.memref_slice %arg5[%dma_wait3A_321, %dma_wait3A_322, %dma_wait3A_323] : memref<15625x4x128xf32, #tpu.memory_space<hbm>> -> memref<5x4x128xf32, #tpu.memory_space<hbm>>
    %dma_wait3A_325 = arith.constant 0 : i32
    %dma_wait3A_326 = arith.constant 0 : i32
    %dma_wait3A_327 = arith.constant 0 : i32
    %dma_wait3A_328 = tpu.memref_slice %arg9[%dma_wait3A_311, %dma_wait3A_325, %dma_wait3A_326, %dma_wait3A_327] : memref<4x5x4x128xf32, #tpu.memory_space<vmem>> -> memref<1x5x4x128xf32, #tpu.memory_space<vmem>>
    %dma_wait3A_329 = tpu.memref_squeeze %dma_wait3A_328 : memref<1x5x4x128xf32, #tpu.memory_space<vmem>> -> memref<5x4x128xf32, #tpu.memory_space<vmem>>
    tpu.wait_dma2 semaphore(%arg19 : memref<!tpu.dma_semaphore, #tpu.memory_space<semaphore_mem>>) src(%dma_wait3A_329 : memref<5x4x128xf32, #tpu.memory_space<vmem>>) dst(%dma_wait3A_324 : memref<5x4x128xf32, #tpu.memory_space<hbm>>)
    %dma_wait3A_330 = arith.constant 2 : i32
    %dma_wait3A_331 = arith.constant 0 : i32
    %dma_wait3A_332 = arith.constant 0 : i32
    %dma_wait3A_333 = arith.constant 0 : i32
    %dma_wait3A_334 = tpu.memref_slice %arg9[%dma_wait3A_330, %dma_wait3A_331, %dma_wait3A_332, %dma_wait3A_333] : memref<4x5x4x128xf32, #tpu.memory_space<vmem>> -> memref<1x5x4x128xf32, #tpu.memory_space<vmem>>
    %dma_wait3A_335 = tpu.memref_squeeze %dma_wait3A_334 : memref<1x5x4x128xf32, #tpu.memory_space<vmem>> -> memref<5x4x128xf32, #tpu.memory_space<vmem>>
    %dma_wait3A_336 = arith.constant 0 : i32
    %dma_wait3A_337 = arith.constant 0 : i32
    %dma_wait3A_338 = arith.constant 0 : i32
    %dma_wait3A_339 = tpu.memref_slice %arg5[%dma_wait3A_336, %dma_wait3A_337, %dma_wait3A_338] : memref<15625x4x128xf32, #tpu.memory_space<hbm>> -> memref<5x4x128xf32, #tpu.memory_space<hbm>>
    %dma_wait3A_340 = arith.constant 0 : i32
    %dma_wait3A_341 = arith.constant 0 : i32
    %dma_wait3A_342 = arith.constant 0 : i32
    %dma_wait3A_343 = tpu.memref_slice %arg5[%dma_wait3A_340, %dma_wait3A_341, %dma_wait3A_342] : memref<15625x4x128xf32, #tpu.memory_space<hbm>> -> memref<5x4x128xf32, #tpu.memory_space<hbm>>
    %dma_wait3A_344 = arith.constant 0 : i32
    %dma_wait3A_345 = arith.constant 0 : i32
    %dma_wait3A_346 = arith.constant 0 : i32
    %dma_wait3A_347 = tpu.memref_slice %arg9[%dma_wait3A_330, %dma_wait3A_344, %dma_wait3A_345, %dma_wait3A_346] : memref<4x5x4x128xf32, #tpu.memory_space<vmem>> -> memref<1x5x4x128xf32, #tpu.memory_space<vmem>>
    %dma_wait3A_348 = tpu.memref_squeeze %dma_wait3A_347 : memref<1x5x4x128xf32, #tpu.memory_space<vmem>> -> memref<5x4x128xf32, #tpu.memory_space<vmem>>
    tpu.wait_dma2 semaphore(%arg20 : memref<!tpu.dma_semaphore, #tpu.memory_space<semaphore_mem>>) src(%dma_wait3A_348 : memref<5x4x128xf32, #tpu.memory_space<vmem>>) dst(%dma_wait3A_343 : memref<5x4x128xf32, #tpu.memory_space<hbm>>)
    %dma_wait3A_349 = arith.constant 3 : i32
    %dma_wait3A_350 = arith.constant 0 : i32
    %dma_wait3A_351 = arith.constant 0 : i32
    %dma_wait3A_352 = arith.constant 0 : i32
    %dma_wait3A_353 = tpu.memref_slice %arg9[%dma_wait3A_349, %dma_wait3A_350, %dma_wait3A_351, %dma_wait3A_352] : memref<4x5x4x128xf32, #tpu.memory_space<vmem>> -> memref<1x5x4x128xf32, #tpu.memory_space<vmem>>
    %dma_wait3A_354 = tpu.memref_squeeze %dma_wait3A_353 : memref<1x5x4x128xf32, #tpu.memory_space<vmem>> -> memref<5x4x128xf32, #tpu.memory_space<vmem>>
    %dma_wait3A_355 = arith.constant 0 : i32
    %dma_wait3A_356 = arith.constant 0 : i32
    %dma_wait3A_357 = arith.constant 0 : i32
    %dma_wait3A_358 = tpu.memref_slice %arg5[%dma_wait3A_355, %dma_wait3A_356, %dma_wait3A_357] : memref<15625x4x128xf32, #tpu.memory_space<hbm>> -> memref<5x4x128xf32, #tpu.memory_space<hbm>>
    %dma_wait3A_359 = arith.constant 0 : i32
    %dma_wait3A_360 = arith.constant 0 : i32
    %dma_wait3A_361 = arith.constant 0 : i32
    %dma_wait3A_362 = tpu.memref_slice %arg5[%dma_wait3A_359, %dma_wait3A_360, %dma_wait3A_361] : memref<15625x4x128xf32, #tpu.memory_space<hbm>> -> memref<5x4x128xf32, #tpu.memory_space<hbm>>
    %dma_wait3A_363 = arith.constant 0 : i32
    %dma_wait3A_364 = arith.constant 0 : i32
    %dma_wait3A_365 = arith.constant 0 : i32
    %dma_wait3A_366 = tpu.memref_slice %arg9[%dma_wait3A_349, %dma_wait3A_363, %dma_wait3A_364, %dma_wait3A_365] : memref<4x5x4x128xf32, #tpu.memory_space<vmem>> -> memref<1x5x4x128xf32, #tpu.memory_space<vmem>>
    %dma_wait3A_367 = tpu.memref_squeeze %dma_wait3A_366 : memref<1x5x4x128xf32, #tpu.memory_space<vmem>> -> memref<5x4x128xf32, #tpu.memory_space<vmem>>
    tpu.wait_dma2 semaphore(%arg21 : memref<!tpu.dma_semaphore, #tpu.memory_space<semaphore_mem>>) src(%dma_wait3A_367 : memref<5x4x128xf32, #tpu.memory_space<vmem>>) dst(%dma_wait3A_362 : memref<5x4x128xf32, #tpu.memory_space<hbm>>)
    return
  }
}

module attributes {stable_mosaic.version = 14 : i64} {
  func.func @_pose_table_body(%arg0: i32, %arg1: memref<3x4096xf32, #tpu.memory_space<vmem>>, %arg2: memref<3x4096xf32, #tpu.memory_space<vmem>>, %arg3: memref<4096x16xf32, #tpu.memory_space<vmem>>) attributes {dimension_semantics = [#tpu.dimension_semantics<arbitrary>], iteration_bounds = array<i64: 25>, scalar_prefetch = 0 : i64, scratch_operands = 0 : i64, tpu.core_type = #tpu.core_type<tc>, window_params = [{transform_indices = @transform_0, window_bounds = array<i64: 3, 4096>}, {transform_indices = @transform_1, window_bounds = array<i64: 3, 4096>}, {transform_indices = @transform_2, window_bounds = array<i64: 4096, 16>}]} {
    %get3A = arith.constant 0 : index
    %get3A_0 = arith.constant 0 : index
    %get3A_1 = vector.load %arg1[%get3A, %get3A_0] : memref<3x4096xf32, #tpu.memory_space<vmem>>, vector<1x4096xf32>
    %get3A_2 = vector.shape_cast %get3A_1 : vector<1x4096xf32> to vector<4096xf32>
    %get3A_3 = arith.constant 1 : index
    %get3A_4 = arith.constant 0 : index
    %get3A_5 = vector.load %arg1[%get3A_3, %get3A_4] : memref<3x4096xf32, #tpu.memory_space<vmem>>, vector<1x4096xf32>
    %get3A_6 = vector.shape_cast %get3A_5 : vector<1x4096xf32> to vector<4096xf32>
    %get3A_7 = arith.constant 2 : index
    %get3A_8 = arith.constant 0 : index
    %get3A_9 = vector.load %arg1[%get3A_7, %get3A_8] : memref<3x4096xf32, #tpu.memory_space<vmem>>, vector<1x4096xf32>
    %get3A_10 = vector.shape_cast %get3A_9 : vector<1x4096xf32> to vector<4096xf32>
    %mul3A = arith.mulf %get3A_2, %get3A_2 : vector<4096xf32>
    %mul3A_11 = arith.mulf %get3A_6, %get3A_6 : vector<4096xf32>
    %add3A = arith.addf %mul3A, %mul3A_11 : vector<4096xf32>
    %mul3A_12 = arith.mulf %get3A_10, %get3A_10 : vector<4096xf32>
    %add3A_13 = arith.addf %add3A, %mul3A_12 : vector<4096xf32>
    %sqrt3A = math.sqrt %add3A_13 : vector<4096xf32>
    %lt3A = arith.constant 9.99999993E-9 : f32
    %lt3A_14 = vector.broadcast %lt3A : f32 to vector<4096xf32>
    %lt3A_15 = arith.cmpf olt, %sqrt3A, %lt3A_14 : vector<4096xf32>
    %jit3A = arith.constant 1.000000e+00 : f32
    %broadcast_in_dim3A = vector.broadcast %jit3A : f32 to vector<4096xf32>
    %select_n3A = arith.select %lt3A_15, %broadcast_in_dim3A, %sqrt3A : vector<4096xi1>, vector<4096xf32>
    %div3A = arith.constant 1.000000e+00 : f32
    %div3A_16 = vector.broadcast %div3A : f32 to vector<4096xf32>
    %div3A_17 = arith.divf %div3A_16, %select_n3A : vector<4096xf32>
    %mul3A_18 = arith.mulf %get3A_2, %div3A_17 : vector<4096xf32>
    %mul3A_19 = arith.mulf %get3A_6, %div3A_17 : vector<4096xf32>
    %mul3A_20 = arith.mulf %get3A_10, %div3A_17 : vector<4096xf32>
    %sin3A = math.sin %select_n3A : vector<4096xf32>
    %cos3A = math.cos %select_n3A : vector<4096xf32>
    %sub3A = arith.constant 1.000000e+00 : f32
    %sub3A_21 = vector.broadcast %sub3A : f32 to vector<4096xf32>
    %sub3A_22 = arith.subf %sub3A_21, %cos3A : vector<4096xf32>
    %mul3A_23 = arith.mulf %mul3A_18, %mul3A_18 : vector<4096xf32>
    %mul3A_24 = arith.mulf %mul3A_19, %mul3A_19 : vector<4096xf32>
    %add3A_25 = arith.addf %mul3A_23, %mul3A_24 : vector<4096xf32>
    %mul3A_26 = arith.mulf %mul3A_20, %mul3A_20 : vector<4096xf32>
    %add3A_27 = arith.addf %add3A_25, %mul3A_26 : vector<4096xf32>
    %mul3A_28 = arith.mulf %mul3A_18, %mul3A_18 : vector<4096xf32>
    %sub3A_29 = arith.subf %mul3A_28, %add3A_27 : vector<4096xf32>
    %mul3A_30 = arith.mulf %sub3A_22, %sub3A_29 : vector<4096xf32>
    %add3A_31 = arith.constant 1.000000e+00 : f32
    %add3A_32 = vector.broadcast %add3A_31 : f32 to vector<4096xf32>
    %add3A_33 = arith.addf %add3A_32, %mul3A_30 : vector<4096xf32>
    %mul3A_34 = arith.mulf %mul3A_19, %mul3A_19 : vector<4096xf32>
    %sub3A_35 = arith.subf %mul3A_34, %add3A_27 : vector<4096xf32>
    %mul3A_36 = arith.mulf %sub3A_22, %sub3A_35 : vector<4096xf32>
    %add3A_37 = arith.constant 1.000000e+00 : f32
    %add3A_38 = vector.broadcast %add3A_37 : f32 to vector<4096xf32>
    %add3A_39 = arith.addf %add3A_38, %mul3A_36 : vector<4096xf32>
    %mul3A_40 = arith.mulf %mul3A_20, %mul3A_20 : vector<4096xf32>
    %sub3A_41 = arith.subf %mul3A_40, %add3A_27 : vector<4096xf32>
    %mul3A_42 = arith.mulf %sub3A_22, %sub3A_41 : vector<4096xf32>
    %add3A_43 = arith.constant 1.000000e+00 : f32
    %add3A_44 = vector.broadcast %add3A_43 : f32 to vector<4096xf32>
    %add3A_45 = arith.addf %add3A_44, %mul3A_42 : vector<4096xf32>
    %mul3A_46 = arith.mulf %sub3A_22, %mul3A_18 : vector<4096xf32>
    %mul3A_47 = arith.mulf %mul3A_46, %mul3A_19 : vector<4096xf32>
    %mul3A_48 = arith.mulf %sub3A_22, %mul3A_18 : vector<4096xf32>
    %mul3A_49 = arith.mulf %mul3A_48, %mul3A_20 : vector<4096xf32>
    %mul3A_50 = arith.mulf %sub3A_22, %mul3A_19 : vector<4096xf32>
    %mul3A_51 = arith.mulf %mul3A_50, %mul3A_20 : vector<4096xf32>
    %mul3A_52 = arith.mulf %sin3A, %mul3A_18 : vector<4096xf32>
    %mul3A_53 = arith.mulf %sin3A, %mul3A_19 : vector<4096xf32>
    %mul3A_54 = arith.mulf %sin3A, %mul3A_20 : vector<4096xf32>
    %sub3A_55 = arith.subf %mul3A_47, %mul3A_54 : vector<4096xf32>
    %add3A_56 = arith.addf %mul3A_47, %mul3A_54 : vector<4096xf32>
    %add3A_57 = arith.addf %mul3A_49, %mul3A_53 : vector<4096xf32>
    %sub3A_58 = arith.subf %mul3A_49, %mul3A_53 : vector<4096xf32>
    %sub3A_59 = arith.subf %mul3A_51, %mul3A_52 : vector<4096xf32>
    %add3A_60 = arith.addf %mul3A_51, %mul3A_52 : vector<4096xf32>
    %get3A_61 = arith.constant 0 : index
    %get3A_62 = arith.constant 0 : index
    %get3A_63 = vector.load %arg2[%get3A_61, %get3A_62] : memref<3x4096xf32, #tpu.memory_space<vmem>>, vector<1x4096xf32>
    %get3A_64 = vector.shape_cast %get3A_63 : vector<1x4096xf32> to vector<4096xf32>
    %get3A_65 = arith.constant 1 : index
    %get3A_66 = arith.constant 0 : index
    %get3A_67 = vector.load %arg2[%get3A_65, %get3A_66] : memref<3x4096xf32, #tpu.memory_space<vmem>>, vector<1x4096xf32>
    %get3A_68 = vector.shape_cast %get3A_67 : vector<1x4096xf32> to vector<4096xf32>
    %get3A_69 = arith.constant 2 : index
    %get3A_70 = arith.constant 0 : index
    %get3A_71 = vector.load %arg2[%get3A_69, %get3A_70] : memref<3x4096xf32, #tpu.memory_space<vmem>>, vector<1x4096xf32>
    %get3A_72 = vector.shape_cast %get3A_71 : vector<1x4096xf32> to vector<4096xf32>
    %broadcast_in_dim3A_73 = arith.constant 0.000000e+00 : f32
    %broadcast_in_dim3A_74 = vector.broadcast %broadcast_in_dim3A_73 : f32 to vector<4096xf32>
    %stack3A = vector.shape_cast %add3A_33 : vector<4096xf32> to vector<1x4096xf32>
    %stack3A_75 = vector.shape_cast %sub3A_55 : vector<4096xf32> to vector<1x4096xf32>
    %stack3A_76 = vector.shape_cast %add3A_57 : vector<4096xf32> to vector<1x4096xf32>
    %stack3A_77 = vector.shape_cast %add3A_56 : vector<4096xf32> to vector<1x4096xf32>
    %stack3A_78 = vector.shape_cast %add3A_39 : vector<4096xf32> to vector<1x4096xf32>
    %stack3A_79 = vector.shape_cast %sub3A_59 : vector<4096xf32> to vector<1x4096xf32>
    %stack3A_80 = vector.shape_cast %sub3A_58 : vector<4096xf32> to vector<1x4096xf32>
    %stack3A_81 = vector.shape_cast %add3A_60 : vector<4096xf32> to vector<1x4096xf32>
    %stack3A_82 = vector.shape_cast %add3A_45 : vector<4096xf32> to vector<1x4096xf32>
    %stack3A_83 = vector.shape_cast %get3A_64 : vector<4096xf32> to vector<1x4096xf32>
    %stack3A_84 = vector.shape_cast %get3A_68 : vector<4096xf32> to vector<1x4096xf32>
    %stack3A_85 = vector.shape_cast %get3A_72 : vector<4096xf32> to vector<1x4096xf32>
    %stack3A_86 = vector.shape_cast %broadcast_in_dim3A_74 : vector<4096xf32> to vector<1x4096xf32>
    %stack3A_87 = vector.shape_cast %broadcast_in_dim3A_74 : vector<4096xf32> to vector<1x4096xf32>
    %stack3A_88 = vector.shape_cast %broadcast_in_dim3A_74 : vector<4096xf32> to vector<1x4096xf32>
    %stack3A_89 = vector.shape_cast %broadcast_in_dim3A_74 : vector<4096xf32> to vector<1x4096xf32>
    %stack3A_90 = tpu.concatenate %stack3A, %stack3A_75, %stack3A_76, %stack3A_77, %stack3A_78, %stack3A_79, %stack3A_80, %stack3A_81, %stack3A_82, %stack3A_83, %stack3A_84, %stack3A_85, %stack3A_86, %stack3A_87, %stack3A_88, %stack3A_89 in 0 : vector<1x4096xf32>, vector<1x4096xf32>, vector<1x4096xf32>, vector<1x4096xf32>, vector<1x4096xf32>, vector<1x4096xf32>, vector<1x4096xf32>, vector<1x4096xf32>, vector<1x4096xf32>, vector<1x4096xf32>, vector<1x4096xf32>, vector<1x4096xf32>, vector<1x4096xf32>, vector<1x4096xf32>, vector<1x4096xf32>, vector<1x4096xf32> -> vector<16x4096xf32>
    %transpose3A = tpu.transpose %stack3A_90, [1, 0] : vector<16x4096xf32> -> vector<4096x16xf32>
    %swap3A = arith.constant 0 : index
    %swap3A_91 = arith.constant 0 : index
    %swap3A_92 = vector.load %arg3[%swap3A, %swap3A_91] : memref<4096x16xf32, #tpu.memory_space<vmem>>, vector<4096x16xf32>
    tpu.vector_store %arg3[%swap3A, %swap3A_91], %transpose3A {strides = array<i32>} : memref<4096x16xf32, #tpu.memory_space<vmem>>, vector<4096x16xf32>,
    return
  }
  func.func @transform_0(%arg0: i32) -> (i32, i32) {
    %c0_i32 = arith.constant 0 : i32
    %c0_i32_0 = arith.constant 0 : i32
    return %c0_i32, %arg0 : i32, i32
  }
  func.func @transform_1(%arg0: i32) -> (i32, i32) {
    %c0_i32 = arith.constant 0 : i32
    %c0_i32_0 = arith.constant 0 : i32
    return %c0_i32, %arg0 : i32, i32
  }
  func.func @transform_2(%arg0: i32) -> (i32, i32) {
    %c0_i32 = arith.constant 0 : i32
    %c0_i32_0 = arith.constant 0 : i32
    return %arg0, %c0_i32 : i32, i32
  }
}

</mosaic_0001>

<sc_bundles>
// kernel: kernel.4.cloned.1.call-start
scs
__scs_entry_jumppad:
0x0: {  	(pc) =	sbr.rel $0x88, $3  }
0x1: {  	(tag) =	ssettag $0x0;
	lr =	simm.s32 $0x1  }
0x2: {  	[smem:$0x3F9D] =	sst lr;
	_ =	strace $0xD0000000  }
0x3: {  	_ = 	snop  }
0x4: {  	_ = 	snop  }
0x5: {  	_ = 	snop  }
0x6: {  	_ = 	snop  }
0x7: {  	_ = 	snop  }
__scs_overlays_trampoline_lowered:
0x8: {  	[smem:$0x3FAC] =	sst s0  }
0x9: {  	[smem:$0x3FAD] =	sst s1  }
0xa: {  	[smem:$0x3FAE] =	sst s2  }
0xb: {  	[smem:$0x3FAF] =	sst s3  }
0xc: {  	[smem:$0x3FB0] =	sst s4  }
0xd: {  	[smem:$0x3FB1] =	sst s5  }
0xe: {  	[smem:$0x3FB2] =	sst s6  }
0xf: {  	[smem:$0x3FB3] =	sst s7  }
0x10: {  	[smem:$0x3FB4] =	sst s8  }
0x11: {  	[smem:$0x3FB5] =	sst s9;
	s0 =	simm.s32 @!p0 $0x0  }
0x12: {  	s1 =	sld [smem:$0x3F9B];
	s0 =	simm.s32 @p0 $0x1  }
0x13: {  	[smem:$0x3FB6] =	sst s0;
	s0 =	simm.s32 @!p1 $0x0  }
0x14: {  	s2 =	sld [smem:$0x3F9A];
	s0 =	simm.s32 @p1 $0x1  }
0x15: {  	[smem:$0x3FB7] =	sst s0;
	s0 =	simm.s32 @!p2 $0x0  }
0x16: {  	s3 =	sld [smem:$0x3FDB];
	s0 =	simm.s32 @p2 $0x1  }
0x17: {  	s4 =	simm.s32 $0x1BF5;
	[smem:$0x3FB9] =	sst s0  }
0x18: {  	s0 =	sld [smem:$0x3F9C];
	_ =	swait.ge [sflag:s4], $0x0  }
0x19: {  	s7 =	sld [smem:$0x3F9D]  }
0x1a: {  	s8 =	sadd.s32 $0xFFFFE003, lr  }
0x1b: {  	s9 =	sadd.s32 $0xFFFFFEF7, lr;
	s5 =	simm.s32 $0xFFFFFFFF;
	p2 =	slt.u32 s8, $0xFFFFF086  }
0x1c: {  	p1 =	slt.u32 s9, $0xF7A;
	s5 =	simm.s32 @!p2 $0x0  }
0x1d: {  	s5 =	simm.s32 @p1 $0x1;
	p0 =	seq.s32 s7, s2  }
0x1e: {  	s7 =	smul.u32 @!p0 $0xF7A, s2;
	p2 =	seq.s32 @!p0 s5, $0x0  }
0x1f: {  	s9 =	smul.u32 $0xF7A, s1;
	s8 =	simm.s32 @!p0 $0x1BF5;
	p2 =	por !p2, p0  }
0x20: {  	[sflag:s8] =	ssyncset.s32 @!p0 $0xFFFFF086;
	s6 =	sadd.s32 @!p0 s3, s7;
	s7 =	simm.s32 @!p0 $0x108  }
0x21: {  	s3 =	sadd.s32 s3, s9;
	s6 =	sadd.s32 @!p0 $0x88, s6;
	s7 =	simm.s32 @p2 $0x1082  }
0x22: {  	[simem:s7], [sflag:s8] =	dma.local @!p0 [hbm:s6], $0xF7A  }
0x23: {  	s9 =	sor.u32 $0xD0000000, s2;
	s6 =	simm.s32 $0x108;
	_ =	swait.ge @!p0 [sflag:s8], $0x0  }
0x24: {  	s3 =	sadd.s32 $0x88, s3;
	s6 =	simm.s32 @!p1 $0x1082;
	[sflag:s4] =	ssyncset.s32 $0xFFFFF086  }
0x25: {  	[simem:s6], [sflag:s4] =	dma.local [hbm:s3], $0xF7A  }
0x26: {  	[smem:$0x3F9D] =	sst s1;
	(tag) =	ssettag s2;
	_ =	strace s9  }
0x27: {  	s1 =	sld [smem:$0x3FAD]  }
0x28: {  	s2 =	sld [smem:$0x3FAE]  }
0x29: {  	s4 =	sld [smem:$0x3FB0]  }
0x2a: {  	p0 =	seq.s32 s5, $0x0;
	s5 =	sld [smem:$0x3FB1]  }
0x2b: {  	s6 =	sld [smem:$0x3FB2]  }
0x2c: {  	s7 =	sld [smem:$0x3FB3]  }
0x2d: {  	s3 =	simm.s32 $0x108;
	s8 =	sld [smem:$0x3FB4]  }
0x2e: {  	s3 =	simm.s32 @!p0 $0x1082;
	s9 =	sld [smem:$0x3FB5]  }
0x2f: {  	lr =	sadd.s32 s0, s3;
	s0 =	sld [smem:$0x3FAC]  }
0x30: {  	s3 =	sld [smem:$0x3FAF]  }
0x31: {  	[smem:$0x3FB8] =	sst s10  }
0x32: {  	s10 =	sld [smem:$0x3FB6];
	_ =	sdelay $0x3  }
0x33: {  	p0 =	seq.s32 s10, $0x1;
	s10 =	sld [smem:$0x3FB8];
	_ =	sdelay $0x3  }
0x34: {  	[smem:$0x3FB8] =	sst s10  }
0x35: {  	s10 =	sld [smem:$0x3FB7];
	_ =	sdelay $0x3  }
0x36: {  	p1 =	seq.s32 s10, $0x1;
	s10 =	sld [smem:$0x3FB8];
	_ =	sdelay $0x3  }
0x37: {  	[smem:$0x3FB8] =	sst s10  }
0x38: {  	s10 =	sld [smem:$0x3FB9]  }
0x39: {  	_ = 	snop;
	(pc) =	sbr.ind lr, $3  }
0x3a: {  	_ = 	snop  }
0x3b: {  	_ = 	snop  }
0x3c: {  	p2 =	seq.s32 s10, $0x1;
	s10 =	sld [smem:$0x3FB8]  }
0x3d: {  	_ =	shalt  }
0x3e: {  	_ =	shalt  }
0x3f: {  	_ =	shalt  }
0x40: {  	_ =	shalt  }
0x41: {  	_ =	shalt  }
0x42: {  	_ =	shalt  }
0x43: {  	_ =	shalt  }
0x44: {  	_ =	shalt  }
0x45: {  	_ =	shalt  }
0x46: {  	_ =	shalt  }
0x47: {  	_ =	shalt  }
0x48: {  	_ =	shalt  }
0x49: {  	_ =	shalt  }
0x4a: {  	_ =	shalt  }
0x4b: {  	_ =	shalt  }
0x4c: {  	_ =	shalt  }
0x4d: {  	_ =	shalt  }
0x4e: {  	_ =	shalt  }
0x4f: {  	_ =	shalt  }
0x50: {  	_ =	shalt  }
0x51: {  	_ =	shalt  }
0x52: {  	_ =	shalt  }
0x53: {  	_ =	shalt  }
0x54: {  	_ =	shalt  }
0x55: {  	_ =	shalt  }
0x56: {  	_ =	shalt  }
0x57: {  	_ =	shalt  }
0x58: {  	_ =	shalt  }
0x59: {  	_ =	shalt  }
0x5a: {  	_ =	shalt  }
0x5b: {  	_ =	shalt  }
0x5c: {  	_ =	shalt  }
0x5d: {  	_ =	shalt  }
0x5e: {  	_ =	shalt  }
0x5f: {  	_ =	shalt  }
0x60: {  	_ =	shalt  }
0x61: {  	_ =	shalt  }
0x62: {  	_ =	shalt  }
0x63: {  	_ =	shalt  }
0x64: {  	_ =	shalt  }
0x65: {  	_ =	shalt  }
0x66: {  	_ =	shalt  }
0x67: {  	_ =	shalt  }
0x68: {  	_ =	shalt  }
0x69: {  	_ =	shalt  }
0x6a: {  	_ =	shalt  }
0x6b: {  	_ =	shalt  }
0x6c: {  	_ =	shalt  }
0x6d: {  	_ =	shalt  }
0x6e: {  	_ =	shalt  }
0x6f: {  	_ =	shalt  }
0x70: {  	_ =	shalt  }
0x71: {  	_ =	shalt  }
0x72: {  	_ =	shalt  }
0x73: {  	_ =	shalt  }
0x74: {  	_ =	shalt  }
0x75: {  	_ =	shalt  }
0x76: {  	_ =	shalt  }
0x77: {  	_ =	shalt  }
0x78: {  	_ =	shalt  }
0x79: {  	_ =	shalt  }
0x7a: {  	_ =	shalt  }
0x7b: {  	_ =	shalt  }
0x7c: {  	_ =	shalt  }
0x7d: {  	_ =	shalt  }
0x7e: {  	_ =	shalt  }
0x7f: {  	_ =	shalt  }
0x80: {  	_ =	shalt  }
0x81: {  	_ =	shalt  }
0x82: {  	_ =	shalt  }
0x83: {  	_ =	shalt  }
0x84: {  	_ =	shalt  }
0x85: {  	_ =	shalt  }
0x86: {  	_ =	shalt  }
0x87: {  	_ =	shalt  }
.Lfunc_end0:
.L_simem_size_0:
called_computation_lowered:
.L_overlay_start_0:
0x88: {  	s2 =	sld [smem:$0x3FD9]  }
0x89: {  	s3 =	sld [smem:$0x3FFE];
	_ =	sdelay $0x1  }
0x8a: {  	s1 =	srdreg.scid  }
0x8b: {  	s0 =	sand.u32 $0x1, s1  }
0x8c: {  	s17 =	sshll.u32 s0, $0xA;
	s2 =	sadd.s32 s3, s2  }
0x8d: {  	s2 =	sadd.s32 s2, s17  }
0x8e: {  	[smem:$0x3FC4] =	sst s2  }
0x8f: {  	_ = 	snop  }
0x90: {  	s2 =	sld [smem:$0x3FC9]  }
0x91: {  	s18 =	sld [smem:$0x3FD0];
	(tm) =	ssettm $0x1  }
0x92: {  	s4 =	sld [smem:$0x3FFB];
	_ =	sdelay $0x3  }
0x93: {  	_ =	strace s4  }
0x94: {  	s4 =	sld [smem:$0x3FFC];
	_ =	sdelay $0x3  }
0x95: {  	_ =	strace s4  }
0x96: {  	s4 =	sld [smem:$0x3FFD];
	_ =	sdelay $0x3  }
0x97: {  	_ =	strace s4  }
0x98: {  	_ =	strace $0x8FFFFFFF  }
0x99: {  	s19 =	sld [smem:$0x3FDB];
	_ =	sdelay $0x1  }
0x9a: {  	s5 =	simm.s32 $_scs_section_size  }
0x9b: {  	s6 =	simm.s32 $_size__tile_overlayer_lowered;
	s7 =	simm.s32 $_tile_overlayer_lowered  }
0x9c: {  	s22 =	simm.s32 $0x1BFF;
	s21 =	sshll.u32 s7, $0x1;
	s4 =	sadd.s32 s5, s19  }
0x9d: {  	s8 =	simm.s32 $0x0;
	s20 =	sshll.u32 s6, $0x1;
	s6 =	sadd.s32 s21, s4  }
0x9e: {  	[timem:s8], [sflag:s22] =	dma.local [hbm:s6], s20  }
0x9f: {  	_ =	swait.ge [sflag:s22], s20  }
0xa0: {  	s5 =	ssub.s32 $0x0, s20;
	[sflag:s22] =	ssyncset.done $0x0  }
0xa1: {  	[sflag:s22] =	ssyncadd.s32 s5;
	_ =	sdelay $0x1  }
0xa2: {  	s23 =	simm.s32 $0x1B8B  }
0xa3: {  	_ =	swait.ge [sflag:s23], $0x1  }
0xa4: {  	[sflag:s23] =	ssyncset.done $0x0  }
0xa5: {  	s25 =	simm.s32 $0x1B8E;
	s24 =	sld [smem:$0x3FFE];
	[sflag:s23] =	ssyncadd.s32 $0xFFFFFFFF  }
0xa6: {  	s26 =	simm.s32 $execute0_lowered;
	[smem:$0x3FD2] =	sst s25  }
0xa7: {  	s6 =	sshll.u32 s26, $0x1;
	_ =	strace $0x80000046;
	[dreg:$0x1] =	wrdreg $0xFFFFFFFF  }
0xa8: {  	s28 =	simm.s32 $_size_execute0_lowered;
	s4 =	sadd.s32 s4, s6;
	[dreg:$0x0] =	wrdreg $0x0  }
0xa9: {  	s6 =	sshll.u32 s28, $0x1;
	[dreg:$0x2] =	wrdreg s4  }
0xaa: {  	[dreg:$0x3] =	wrdreg s6  }
0xab: {  	[dreg:$0x4] =	wrdreg $0xC0  }
0xac: {  	_ =	task [dreg:s8], $0x5FFFF  }
0xad: {  	[dreg:$0x1] =	wrdreg $0xFFFFFFFF  }
0xae: {  	[dreg:$0x0] =	wrdreg $0x60  }
0xaf: {  	[dreg:$0x2] =	wrdreg s2  }
0xb0: {  	[dreg:$0x3] =	wrdreg s24  }
0xb1: {  	[dreg:$0x4] =	wrdreg s18  }
0xb2: {  	[dreg:$0x5] =	wrdreg $0x9  }
0xb3: {  	_ =	task.clear_ibuf [dreg:s8], $0x6FFFF;
	_ =	strace $0x90000046  }
0xb4: {  	s29 =	simm.s32 $0x9;
	_ =	strace $0x80000048  }
0xb5: {  	_ =	swait.ge [sflag:s29], $0x1  }
0xb6: {  	[sflag:s29] =	ssyncadd.s32 $0xFFFFFFFF  }
0xb7: {  	_ =	strace $0x90000048  }
0xb8: {  	_ =	sfence  }
0xb9: {  	s30 =	sld [smem:$0x0];
	_ =	sdelay $0x2  }
0xba: {  	s31 =	sshll.u32 s1, $0xD;
	s1 =	sshrl.u32 s1, $0x2  }
0xbb: {  	s3 =	sand.u32 $0x4000, s31;
	s1 =	sadd.s32 s1, s30  }
0xbc: {  	s0 =	sor.u32 s3, s0;
	s1 =	sshll.u32 s1, $0x11  }
0xbd: {  	s0 =	sor.u32 s1, s0  }
0xbe: {  	s0 =	sadd.s32 $0x8F2B, s0  }
0xbf: {  	[sflag:s0] =	ssyncadd.remote.s32 $0x1  }
0xc0: {  	_ =	sfence.sel $0xFFFF  }
0xc1: {  	[dreg:$0x0] =	wrdreg $0xFFFFFFFF;
	(pc) =	sbr.abs _section_cstart, $3  }
0xc2: {  	[dreg:$0x1] =	wrdreg $0xFFFFFFFF  }
0xc3: {  	_ =	task.clear_ibuf [dreg:s8], $0x2FFFF;
	_ =	strace $0x9FFFFFFF  }
0xc4: {  	(tm) =	ssettm $0x7FFFFFFF  }
0xc5: {  	_ =	shalt  }
tec
execute0_lowered:
.L_overlay_start_1:
0x0: {  	(tag) =	ssettag $0x1  }
0x1: {  	s1 =	rddreg [dreg:$0x0]  }
0x2: {  	s0 =	rddreg [dreg:$0x1];
	s2 =	srdreg.scid  }
0x3: {  	s4 =	stileid.u32;
	s3 =	rddreg [dreg:$0x2];
	s14 =	simm.s32 $0x280  }
0x4: {  	s15 =	simm.s32 $0x1;
	s16 =	simm.s32 $0x80;
	s17 =	simm.s32 $0xA00  }
0x5: {  	s28 =	simm.s32 $0x3200;
	s13 =	simm.s32 $0x5;
	s18 =	simm.s32 $0x6  }
0x6: {  	s20 =	simm.s32 $0x7;
	s21 =	simm.s32 $0x5A00;
	s23 =	simm.s32 $0x8  }
0x7: {  	s24 =	simm.s32 $0x8200;
	s2 =	sand.u32 $0x1, s2;
	s5 =	sshll.u32 s4, $0x1  }
0x8: {  	s4 =	simm.s32 $0x0;
	s6 =	sadd.s32 $0x600, s0;
	s5 =	sor.u32 s2, s5  }
0x9: {  	s7 =	sadd.s32 $0xF4A00, s0;
	[smem:$0x7FF] =	sst s4;
	s8 =	smul.u32 $0x50, s5  }
0xa: {  	s2 =	ssub.s32 $0x2, s2;
	s9 =	sor.u32 $0x20, s5;
	s12 =	smul.u32 $0x280, s5  }
0xb: {  	_ =	strace $0x80000047;
	s11 =	sshrl.u32 s2, $0x1;
	s26 =	smul.u32 $0x140, s5  }
0xc: {  	s10 =	smul.u32 $0x50, s9;
	s25 =	ssub.s32 s2, s11;
	s8 =	sadd.s32 s1, s8  }
0xd: {  	s29 =	smul.u32 $0x140, s9;
	s2 =	sadd.s32 s6, s26;
	[dreg:$0x4] =	wrdreg s8  }
.Ltmp0:
0xe: {  	s0 =	smax.u32 s25, $0x1;
	[dreg:$0x6] =	wrdreg s2;
	(pc) =	sbr.rel .LBB2_1-.Ltmp0, $4  }
0xf: {  	s30 =	sshrl.u32 s12, $0x3;
	s10 =	sadd.s32 s1, s10;
	[dreg:$0x9] =	wrdreg s0  }
0x10: {  	s31 =	sadd.s32 s1, s30;
	s8 =	sadd.s32 s6, s29;
	[dreg:$0x5] =	wrdreg s10  }
0x11: {  	v0 =	vlaneseq.u32;
	s26 =	simm.s32 $0x2;
	[dreg:$0x7] =	wrdreg s8;
	s2 =	sadd.s32 $0x1400, s31  }
0x12: {  	v0 =	vmul.u32 $0x10, v0;
	s12 =	simm.s32 $0xD200;
	s8 =	simm.s32 $0x0;
	[dreg:$0x8] =	wrdreg s2  }
.LBB2_25:
0x13: {  	s0 =	simm.s32 $0x9  }
0x14: {  	_ =	swait.ge [sflag:s0], $0xA00  }
0x15: {  	[sflag:s0] =	ssyncset.done $0x0  }
0x16: {  	s29 =	simm.s32 $0xA;
	[sflag:s0] =	ssyncadd.s32 $0xFFFFF600  }
0x17: {  	_ =	swait.ge [sflag:s29], $0xA00  }
0x18: {  	[sflag:s29] =	ssyncset.done $0x0  }
0x19: {  	s30 =	simm.s32 $0xB;
	[sflag:s29] =	ssyncadd.s32 $0xFFFFF600  }
0x1a: {  	_ =	swait.ge [sflag:s30], $0xA00  }
0x1b: {  	[sflag:s30] =	ssyncset.done $0x0  }
0x1c: {  	s2 =	simm.s32 $0xC;
	[sflag:s30] =	ssyncadd.s32 $0xFFFFF600  }
0x1d: {  	_ =	swait.ge [sflag:s2], $0xA00  }
0x1e: {  	s8 =	rddreg [dreg:$0xa]  }
0x1f: {  	s31 =	rddreg [dreg:$0x9];
	s8 =	sadd.s32 $0x1, s8  }
0x20: {  	p0 =	sne.s32 s8, s31  }
.Ltmp1:
0x21: {  	_ = 	snop;
	(pc) =	sbr.rel @!p0 .LBB2_26-.Ltmp1, $3  }
0x22: {  	_ =	sdelay $0x1  }
0x23: {  	[sflag:s2] =	ssyncset.done $0x0  }
0x24: {  	[sflag:s2] =	ssyncadd.s32 $0xFFFFF600  }
.LBB2_1:
0x25: {  	[dreg:$0xa] =	wrdreg s8  }
0x26: {  	s0 =	rddreg [dreg:$0x4]  }
0x27: {  	[tilespmem:s4], [sflag:$0x1] =	stream.linear.gather [hbm4b:s0+s4], $0x280, $0x38;
	[tilespmem:$0xFA00] =	vst v63  }
0x28: {  	s31 =	rddreg [dreg:$0x5]  }
0x29: {  	[tilespmem:s14], [sflag:$0x2] =	stream.linear.gather [hbm4b:s31+s4], $0x280, $0x38;
	[tilespmem:$0xFA00] =	vst v63  }
0x2a: {  	_ =	swait.ge [sflag:s15], $0x280  }
0x2b: {  	[sflag:s15] =	ssyncset.done $0x0  }
0x2c: {  	[sflag:s15] =	ssyncadd.s32 $0xFFFFFD80  }
0x2d: {  	[tilespmem:s17], [sflag:$0x5] =	stream.indirect.gather [hbm4b:s3+s16], $0x10, s4, s16, $0xb8;
	[tilespmem:$0xFA00] =	vst v63  }
0x2e: {  	s2 =	simm.s32 $0x1200  }
0x2f: {  	[tilespmem:s2], [sflag:$0x5] =	stream.indirect.gather [hbm4b:s3+s16], $0x10, s16, s16, $0xb8;
	[tilespmem:$0xFA00] =	vst v63  }
0x30: {  	s8 =	simm.s32 $0x100;
	s2 =	simm.s32 $0x1A00  }
0x31: {  	[tilespmem:s2], [sflag:$0x5] =	stream.indirect.gather [hbm4b:s3+s16], $0x10, s8, s16, $0xb8;
	[tilespmem:$0xFA00] =	vst v63  }
0x32: {  	s9 =	simm.s32 $0x180;
	s10 =	simm.s32 $0x2200  }
0x33: {  	[tilespmem:s10], [sflag:$0x5] =	stream.indirect.gather [hbm4b:s3+s16], $0x10, s9, s16, $0xb8;
	[tilespmem:$0xFA00] =	vst v63  }
0x34: {  	s11 =	simm.s32 $0x200;
	s19 =	simm.s32 $0x2A00  }
0x35: {  	[tilespmem:s19], [sflag:$0x5] =	stream.indirect.gather [hbm4b:s3+s16], $0x10, s11, s16, $0xb8;
	[tilespmem:$0xFA00] =	vst v63  }
0x36: {  	s25 =	simm.s32 $0xAA00;
	s22 =	rddreg [dreg:$0x6]  }
0x37: {  	[tilespmem:s25], [sflag:$0x5] =	stream.linear.gather [hbm4b:s22+s4], $0xA00, $0x38;
	[tilespmem:$0xFA00] =	vst v63  }
0x38: {  	_ =	swait.ge [sflag:s26], $0x280  }
0x39: {  	[sflag:s26] =	ssyncset.done $0x0  }
0x3a: {  	[sflag:s26] =	ssyncadd.s32 $0xFFFFFD80  }
0x3b: {  	[tilespmem:s28], [sflag:$0x6] =	stream.indirect.gather [hbm4b:s3+s16], $0x10, s14, s16, $0xb8;
	[tilespmem:$0xFA00] =	vst v63  }
0x3c: {  	s29 =	simm.s32 $0x300;
	s31 =	simm.s32 $0x3A00  }
0x3d: {  	[tilespmem:s31], [sflag:$0x6] =	stream.indirect.gather [hbm4b:s3+s16], $0x10, s29, s16, $0xb8;
	[tilespmem:$0xFA00] =	vst v63  }
0x3e: {  	s2 =	simm.s32 $0x380;
	s8 =	simm.s32 $0x4200  }
0x3f: {  	[tilespmem:s8], [sflag:$0x6] =	stream.indirect.gather [hbm4b:s3+s16], $0x10, s2, s16, $0xb8;
	[tilespmem:$0xFA00] =	vst v63  }
0x40: {  	s9 =	simm.s32 $0x400;
	s10 =	simm.s32 $0x4A00  }
0x41: {  	[tilespmem:s10], [sflag:$0x6] =	stream.indirect.gather [hbm4b:s3+s16], $0x10, s9, s16, $0xb8;
	[tilespmem:$0xFA00] =	vst v63  }
0x42: {  	s11 =	simm.s32 $0x480;
	s19 =	simm.s32 $0x5200  }
0x43: {  	[tilespmem:s19], [sflag:$0x6] =	stream.indirect.gather [hbm4b:s3+s16], $0x10, s11, s16, $0xb8;
	[tilespmem:$0xFA00] =	vst v63  }
.Ltmp2:
0x44: {  	_ = 	snop;
	(pc) =	sbr.rel .LBB2_2-.Ltmp2, $4  }
0x45: {  	s25 =	simm.s32 $0xB400;
	s22 =	rddreg [dreg:$0x7]  }
0x46: {  	[tilespmem:s25], [sflag:$0x6] =	stream.linear.gather [hbm4b:s22+s4], $0xA00, $0x38;
	[tilespmem:$0xFA00] =	vst v63  }
0x47: {  	s30 =	simm.s32 $0x0;
	s29 =	rddreg [dreg:$0x8];
	s31 =	simm.s32 $0x500  }
0x48: {  	[tilespmem:s31], [sflag:$0x3] =	stream.linear.gather [hbm4b:s29+s4], $0x280, $0x38;
	[tilespmem:$0xFA00] =	vst v63  }
.LBB2_24:
0x49: {  	s30 =	sadd.s32 $0x1, s30  }
0x4a: {  	p0 =	sne.s32 s30, $0x19  }
.Ltmp3:
0x4b: {  	_ = 	snop;
	(pc) =	sbr.rel @!p0 .LBB2_25-.Ltmp3, $1  }
0x4c: {  	_ =	sdelay $0x3  }
.LBB2_2:
0x4d: {  	s0 =	sshll.u32 s30, $0x7  }
0x4e: {  	s2 =	sor.u32 s5, s0  }
0x4f: {  	s31 =	sor.u32 $0x60, s2  }
0x50: {  	p1 =	sgt.u32 s31, $0xC34  }
0x51: {  	s0 =	smul.u32 @!p1 $0x50, s31;
	_ =	sdelay $0x1  }
0x52: {  	s8 =	simm.s32 @!p1 $0x0;
	s9 =	simm.s32 @!p1 $0x780;
	s0 =	sadd.s32 @!p1 s1, s0  }
0x53: {  	[tilespmem:s9], [sflag:$0x4] =	stream.linear.gather @!p1 [hbm4b:s0+s8], $0x280, $0x38;
	[tilespmem:$0xFA00] =	vst v63  }
0x54: {  	s0 =	sor.u32 $0x40, s2  }
0x55: {  	p2 =	sgt.u32 s0, $0xC34  }
0x56: {  	s8 =	simm.s32 @!p2 $0x3  }
0x57: {  	_ =	swait.ge @!p2 [sflag:s8], $0x280  }
0x58: {  	s9 =	simm.s32 @!p2 $0x500;
	[sflag:s8] =	ssyncset.done @!p2 $0x0  }
0x59: {  	s10 =	simm.s32 @!p2 $0x5A00;
	[sflag:s8] =	ssyncadd.s32 @!p2 $0xFFFFFD80;
	s8 =	simm.s32 @!p2 $0x80  }
0x5a: {  	[tilespmem:s10], [sflag:$0x7] =	stream.indirect.gather @!p2 [hbm4b:s3+s8], $0x10, s9, s8, $0xb8;
	[tilespmem:$0xFA00] =	vst v63  }
0x5b: {  	s9 =	simm.s32 @!p2 $0x580;
	s10 =	simm.s32 @!p2 $0x6200  }
0x5c: {  	[tilespmem:s10], [sflag:$0x7] =	stream.indirect.gather @!p2 [hbm4b:s3+s8], $0x10, s9, s8, $0xb8;
	[tilespmem:$0xFA00] =	vst v63  }
0x5d: {  	s9 =	simm.s32 @!p2 $0x600;
	s10 =	simm.s32 @!p2 $0x6A00  }
0x5e: {  	[tilespmem:s10], [sflag:$0x7] =	stream.indirect.gather @!p2 [hbm4b:s3+s8], $0x10, s9, s8, $0xb8;
	[tilespmem:$0xFA00] =	vst v63  }
0x5f: {  	s9 =	simm.s32 @!p2 $0x680;
	s10 =	simm.s32 @!p2 $0x7200  }
0x60: {  	[tilespmem:s10], [sflag:$0x7] =	stream.indirect.gather @!p2 [hbm4b:s3+s8], $0x10, s9, s8, $0xb8;
	[tilespmem:$0xFA00] =	vst v63  }
0x61: {  	s11 =	smul.u32 @!p2 $0x140, s0;
	s9 =	simm.s32 @!p2 $0x700;
	s10 =	simm.s32 @!p2 $0x7A00  }
0x62: {  	[tilespmem:s10], [sflag:$0x7] =	stream.indirect.gather @!p2 [hbm4b:s3+s8], $0x10, s9, s8, $0xb8;
	[tilespmem:$0xFA00] =	vst v63  }
0x63: {  	s8 =	sadd.s32 @!p2 s6, s11;
	s9 =	simm.s32 @!p2 $0x0;
	s10 =	simm.s32 @!p2 $0xBE00  }
0x64: {  	[tilespmem:s10], [sflag:$0x7] =	stream.linear.gather @!p2 [hbm4b:s8+s9], $0xA00, $0x38;
	[tilespmem:$0xFA00] =	vst v63  }
0x65: {  	_ =	swait.ge [sflag:s13], $0x800  }
0x66: {  	[sflag:s13] =	ssyncset.done $0x0  }
0x67: {  	[sflag:s13] =	ssyncadd.s32 $0xFFFFF800  }
0x68: {  	_ =	swait.ge [sflag:s13], $0x800  }
0x69: {  	[sflag:s13] =	ssyncset.done $0x0  }
0x6a: {  	[sflag:s13] =	ssyncadd.s32 $0xFFFFF800  }
0x6b: {  	_ =	swait.ge [sflag:s13], $0x800  }
0x6c: {  	[sflag:s13] =	ssyncset.done $0x0  }
0x6d: {  	[sflag:s13] =	ssyncadd.s32 $0xFFFFF800  }
0x6e: {  	_ =	swait.ge [sflag:s13], $0x800  }
0x6f: {  	[sflag:s13] =	ssyncset.done $0x0  }
0x70: {  	[sflag:s13] =	ssyncadd.s32 $0xFFFFF800  }
0x71: {  	_ =	swait.ge [sflag:s13], $0x800  }
0x72: {  	[sflag:s13] =	ssyncset.done $0x0  }
0x73: {  	[sflag:s13] =	ssyncadd.s32 $0xFFFFF800  }
0x74: {  	s19 =	simm.s32 $0x0;
	_ =	swait.ge [sflag:s13], $0xA00  }
0x75: {  	p0 =	seq.s32 s30, $0x0;
	v1 =	vmov s19;
	[sflag:s13] =	ssyncset.done $0x0  }
0x76: {  	v1 =	vshll.u32 v1, $0x4;
	s9 =	simm.s32 @!p0 $0x9;
	[sflag:s13] =	ssyncadd.s32 $0xFFFFF600  }
0x77: {  	v1 =	vor.u32 v0, v1;
	_ =	swait.ge @!p0 [sflag:s9], $0xA00  }
0x78: {  	s22 =	sand.u32 $0x70, s19;
	v2 =	vor.u32 $0x5, v1;
	s8 =	sand.u32 $0xE00, s19;
	[sflag:s9] =	ssyncset.done @!p0 $0x0  }
0x79: {  	v3 =	vor.u32 $0x3, v1;
	[sflag:s9] =	ssyncadd.s32 @!p0 $0xFFFFF600;
	s9 =	sor.u32 s22, s8  }
0x7a: {  	v11 =	vld [tilespmem:s9+$0xAA80]  }
0x7b: {  	v4 =	vor.u32 $0x4, v1;
	v8 =	vld [tilespmem:s9+$0xAB00]  }
0x7c: {  	v5 =	vor.u32 $0x7, v1;
	v15 =	vld [tilespmem:s9+$0xAA00]  }
0x7d: {  	s25 =	simm.s32 $0x10;
	v7 =	vor.u32 $0x6, v1;
	v19 =	vld.idx.msk [tilespmem:v2+s17+$0x0], $0xffff  }
0x7e: {  	v17 =	vor.u32 $0x1, v1;
	v12 =	vor.u32 $0x2, v1;
	v2 =	vmov s25;
	v20 =	vld.idx.msk [tilespmem:v3+s17+$0x0], $0xffff  }
0x7f: {  	v28 =	vor.u32 $0x8, v1;
	v10 =	vor.u32 $0xB, v1;
	v22 =	vld.idx.msk [tilespmem:v1+s17+$0x0], $0xffff;
	v2 =	vshll.u32 v2, $0x4  }
0x80: {  	v9 =	vor.u32 $0x9, v1;
	v14 =	vor.u32 $0xA, v1;
	s11 =	simm.s32 $0x20;
	v24 =	vld.idx.msk [tilespmem:v4+s17+$0x0], $0xffff;
	v2 =	vor.u32 v0, v2  }
0x81: {  	v23 =	vmov s11;
	v25 =	vld.idx.msk [tilespmem:v5+s17+$0x0], $0xffff;
	v1 =	vor.u32 $0x1, v2;
	v4 =	vor.u32 $0x3, v2  }
0x82: {  	s10 =	simm.s32 $0x40;
	v26 =	vld.idx.msk [tilespmem:v7+s17+$0x0], $0xffff;
	v3 =	vor.u32 $0x4, v2;
	v5 =	vor.u32 $0x6, v2;
	v6 =	vor.u32 $0x7, v2  }
0x83: {  	s19 =	sand.u32 $0xE00, s10;
	s8 =	sand.u32 $0x70, s25;
	v27 =	vld.idx.msk [tilespmem:v17+s17+$0x0], $0xffff;
	v16 =	vor.u32 $0x2, v2;
	v7 =	vor.u32 $0x8, v2;
	v13 =	vor.u32 $0x5, v2  }
0x84: {  	s29 =	simm.s32 $0x30;
	s8 =	sor.u32 s8, s19;
	v28 =	vld.idx.msk [tilespmem:v28+s17+$0x0], $0xffff;
	v18 =	vor.u32 $0xB, v2;
	v17 =	vor.u32 $0x9, v2;
	v21 =	vor.u32 $0xA, v2  }
.LBB2_3:
0x85: {  	p3 =	sne.s32 s29, $0x270  }
0x86: {  	v23 =	vshll.u32 v23, $0x4;
	s10 =	sadd.s32 $0x40, s10;
	v29 =	vld.idx.msk [tilespmem:v12+s17+$0x0], $0xffff;
	v22 =	vmul.f32 v15, v22;
	v19 =	vmul.f32 v8, v19;
	v12 =	vmovc v16;
	s19 =	smov.u32 s29;
	s29 =	sadd.s32 $0x10, s29  }
0x87: {  	v16 =	vmul.f32 v15, v20;
	v20 =	vmul.f32 v11, v24;
	v23 =	vor.u32 v0, v23  }
0x88: {  	v25 =	vmul.f32 v11, v25;
	v30 =	vor.u32 $0x1, v23;
	v24 =	vor.u32 $0x3, v23;
	v31 =	vld.idx.msk [tilespmem:v14+s17+$0x0], $0xffff;
	v14 =	vmovc v21  }
0x89: {  	v21 =	vor.u32 $0x4, v23;
	v32 =	vor.u32 $0x6, v23;
	v15 =	vmul.f32 v15, v26;
	v33 =	vld.idx.msk [tilespmem:v10+s17+$0x0], $0xffff;
	v10 =	vmovc v18  }
0x8a: {  	v26 =	vor.u32 $0x7, v23;
	v16 =	vadd.f32 v20, v16;
	v11 =	vmul.f32 v11, v27;
	v18 =	vld.idx.msk [tilespmem:v9+s17+$0x0], $0xffff;
	v9 =	vmovc v17  }
0x8b: {  	v15 =	vadd.f32 v25, v15;
	v17 =	vmul.f32 v8, v28  }
0x8c: {  	v16 =	vadd.f32 v19, v16;
	v11 =	vadd.f32 v11, v22;
	v8 =	vmul.f32 v8, v29  }
0x8d: {  	v15 =	vadd.f32 v17, v15  }
0x8e: {  	v8 =	vadd.f32 v8, v11;
	v17 =	vadd.f32 v16, v31  }
0x8f: {  	v16 =	vor.u32 $0x2, v23;
	v15 =	vadd.f32 v15, v33  }
0x90: {  	v29 =	vor.u32 $0x8, v23;
	v18 =	vadd.f32 v8, v18;
	v11 =	vld [tilespmem:s8+$0xAA80];
	[tilespmem:s9+$0xD280] =	vst v17  }
0x91: {  	v8 =	vld [tilespmem:s8+$0xAB00];
	[tilespmem:s9+$0xD300] =	vst v15  }
0x92: {  	v15 =	vld [tilespmem:s8+$0xAA00];
	[tilespmem:s9+$0xD200] =	vst v18;
	s9 =	smov.u32 s8  }
0x93: {  	s22 =	sand.u32 $0xE00, s10;
	s8 =	sand.u32 $0x70, s11;
	s11 =	smov.u32 s19;
	v19 =	vld.idx.msk [tilespmem:v13+s17+$0x0], $0xffff  }
0x94: {  	s8 =	sor.u32 s8, s22;
	v20 =	vld.idx.msk [tilespmem:v4+s17+$0x0], $0xffff;
	v4 =	vmov v24  }
0x95: {  	v13 =	vor.u32 $0x5, v23;
	v22 =	vld.idx.msk [tilespmem:v2+s17+$0x0], $0xffff;
	v2 =	vmov v23  }
.Ltmp4:
0x96: {  	v24 =	vld.idx.msk [tilespmem:v3+s17+$0x0], $0xffff;
	v3 =	vmov v21;
	(pc) =	sbr.rel @p3 .LBB2_3-.Ltmp4, $4  }
0x97: {  	v18 =	vor.u32 $0xB, v2;
	v25 =	vld.idx.msk [tilespmem:v6+s17+$0x0], $0xffff;
	v6 =	vmov v26  }
0x98: {  	v26 =	vld.idx.msk [tilespmem:v5+s17+$0x0], $0xffff;
	v5 =	vmov v32  }
0x99: {  	v17 =	vor.u32 $0x9, v2;
	v21 =	vor.u32 $0xA, v2;
	v27 =	vld.idx.msk [tilespmem:v1+s17+$0x0], $0xffff;
	v1 =	vmov v30  }
0x9a: {  	v23 =	vmov s11;
	v28 =	vld.idx.msk [tilespmem:v7+s17+$0x0], $0xffff;
	v7 =	vmov v29  }
0x9b: {  	_ =	sdelay $0x3  }
0x9c: {  	v12 =	vld.idx.msk [tilespmem:v12+s17+$0x0], $0xffff;
	v20 =	vmul.f32 v15, v20  }
0x9d: {  	v24 =	vmul.f32 v11, v24;
	v19 =	vmul.f32 v8, v19  }
0x9e: {  	v14 =	vld.idx.msk [tilespmem:v14+s17+$0x0], $0xffff;
	v25 =	vmul.f32 v11, v25;
	v26 =	vmul.f32 v15, v26  }
0x9f: {  	v35 =	vmul.f32 v15, v22;
	v10 =	vld.idx.msk [tilespmem:v10+s17+$0x0], $0xffff;
	v20 =	vadd.f32 v24, v20;
	v36 =	vmul.f32 v11, v27  }
0xa0: {  	v9 =	vld.idx.msk [tilespmem:v9+s17+$0x0], $0xffff;
	v37 =	vadd.f32 v25, v26;
	v38 =	vmul.f32 v8, v28  }
0xa1: {  	v19 =	vadd.f32 v19, v20;
	v11 =	vadd.f32 v36, v35;
	v39 =	vmul.f32 v8, v12  }
0xa2: {  	v40 =	vadd.f32 v38, v37  }
0xa3: {  	v14 =	vadd.f32 v19, v14;
	v8 =	vadd.f32 v39, v11  }
0xa4: {  	v10 =	vadd.f32 v40, v10  }
0xa5: {  	v41 =	vld [tilespmem:s8+$0xAA80];
	[tilespmem:s9+$0xD280] =	vst v14;
	v8 =	vadd.f32 v8, v9  }
0xa6: {  	v42 =	vld [tilespmem:s8+$0xAB00];
	[tilespmem:s9+$0xD300] =	vst v10  }
0xa7: {  	v43 =	vld [tilespmem:s8+$0xAA00];
	[tilespmem:s9+$0xD200] =	vst v8  }
0xa8: {  	v8 =	vld.idx.msk [tilespmem:v13+s17+$0x0], $0xffff  }
0xa9: {  	v4 =	vld.idx.msk [tilespmem:v4+s17+$0x0], $0xffff  }
0xaa: {  	v2 =	vld.idx.msk [tilespmem:v2+s17+$0x0], $0xffff  }
0xab: {  	v3 =	vld.idx.msk [tilespmem:v3+s17+$0x0], $0xffff  }
0xac: {  	v6 =	vld.idx.msk [tilespmem:v6+s17+$0x0], $0xffff  }
0xad: {  	v5 =	vld.idx.msk [tilespmem:v5+s17+$0x0], $0xffff  }
0xae: {  	v1 =	vld.idx.msk [tilespmem:v1+s17+$0x0], $0xffff  }
0xaf: {  	v7 =	vld.idx.msk [tilespmem:v7+s17+$0x0], $0xffff  }
0xb0: {  	v10 =	vld.idx.msk [tilespmem:v16+s17+$0x0], $0xffff;
	v4 =	vmul.f32 v43, v4  }
0xb1: {  	v3 =	vmul.f32 v41, v3;
	v8 =	vmul.f32 v42, v8  }
0xb2: {  	v44 =	vld.idx.msk [tilespmem:v21+s17+$0x0], $0xffff;
	v6 =	vmul.f32 v41, v6;
	v5 =	vmul.f32 v43, v5  }
0xb3: {  	v45 =	vld.idx.msk [tilespmem:v18+s17+$0x0], $0xffff;
	v2 =	vmul.f32 v43, v2;
	v1 =	vmul.f32 v41, v1;
	v3 =	vadd.f32 v3, v4  }
0xb4: {  	v47 =	vshll.u32 v23, $0x4;
	v48 =	vld.idx.msk [tilespmem:v17+s17+$0x0], $0xffff;
	v46 =	vmul.f32 v42, v7;
	v5 =	vadd.f32 v6, v5  }
0xb5: {  	v1 =	vadd.f32 v1, v2;
	v2 =	vmul.f32 v42, v10;
	v3 =	vadd.f32 v8, v3  }
0xb6: {  	s22 =	sadd.s32 $0x40, s10;
	v49 =	vor.u32 v0, v47;
	v5 =	vadd.f32 v46, v5  }
0xb7: {  	s25 =	sand.u32 $0x70, s11;
	v51 =	vor.u32 $0x5, v49;
	s9 =	sand.u32 $0xE00, s22;
	v1 =	vadd.f32 v2, v1;
	v3 =	vadd.f32 v3, v44  }
0xb8: {  	s9 =	sor.u32 s25, s9;
	v2 =	vadd.f32 v5, v45  }
0xb9: {  	v54 =	vor.u32 $0x7, v49;
	v50 =	vld [tilespmem:s9+$0xAA80];
	v1 =	vadd.f32 v1, v48;
	[tilespmem:s8+$0xD280] =	vst v3  }
0xba: {  	v3 =	vor.u32 $0x3, v49;
	v52 =	vld [tilespmem:s9+$0xAB00];
	[tilespmem:s8+$0xD300] =	vst v2  }
0xbb: {  	v2 =	vor.u32 $0x4, v49;
	v53 =	vld [tilespmem:s9+$0xAA00];
	[tilespmem:s8+$0xD200] =	vst v1  }
0xbc: {  	v1 =	vor.u32 $0x6, v49;
	v9 =	vld.idx.msk [tilespmem:v51+s17+$0x0], $0xffff  }
0xbd: {  	v55 =	vor.u32 $0x1, v49;
	v57 =	vld.idx.msk [tilespmem:v49+s17+$0x0], $0xffff  }
0xbe: {  	v56 =	vor.u32 $0x8, v49;
	v8 =	vld.idx.msk [tilespmem:v54+s17+$0x0], $0xffff  }
0xbf: {  	v58 =	vor.u32 $0x2, v49;
	v3 =	vld.idx.msk [tilespmem:v3+s17+$0x0], $0xffff  }
0xc0: {  	v2 =	vld.idx.msk [tilespmem:v2+s17+$0x0], $0xffff  }
0xc1: {  	v59 =	vor.u32 $0xA, v49;
	v1 =	vld.idx.msk [tilespmem:v1+s17+$0x0], $0xffff  }
0xc2: {  	v60 =	vor.u32 $0xB, v49;
	v10 =	vld.idx.msk [tilespmem:v55+s17+$0x0], $0xffff  }
0xc3: {  	v6 =	vor.u32 $0x9, v49;
	v11 =	vld.idx.msk [tilespmem:v56+s17+$0x0], $0xffff  }
0xc4: {  	v13 =	vld.idx.msk [tilespmem:v58+s17+$0x0], $0xffff;
	v12 =	vmul.f32 v53, v57  }
0xc5: {  	v3 =	vmul.f32 v53, v3;
	v2 =	vmul.f32 v50, v2  }
0xc6: {  	v14 =	vld.idx.msk [tilespmem:v59+s17+$0x0], $0xffff;
	v8 =	vmul.f32 v50, v8;
	v1 =	vmul.f32 v53, v1  }
0xc7: {  	v62 =	vld.idx.msk [tilespmem:v60+s17+$0x0], $0xffff;
	v61 =	vmul.f32 v52, v9;
	v7 =	vmul.f32 v50, v10;
	v2 =	vadd.f32 v2, v3  }
0xc8: {  	v63 =	vmul.f32 v52, v11;
	v3 =	vld.idx.msk [tilespmem:v6+s17+$0x0], $0xffff;
	v1 =	vadd.f32 v8, v1  }
0xc9: {  	v4 =	vmul.f32 v52, v13;
	v7 =	vadd.f32 v7, v12;
	v2 =	vadd.f32 v61, v2  }
0xca: {  	v1 =	vadd.f32 v63, v1  }
0xcb: {  	v4 =	vadd.f32 v4, v7;
	v2 =	vadd.f32 v2, v14  }
0xcc: {  	v1 =	vadd.f32 v1, v62  }
0xcd: {  	s29 =	smul.u32 $0x140, s2;
	v3 =	vadd.f32 v4, v3;
	[tilespmem:s9+$0xD280] =	vst v2  }
0xce: {  	[tilespmem:s9+$0xD300] =	vst v1  }
0xcf: {  	s8 =	sadd.s32 s7, s29;
	[tilespmem:s9+$0xD200] =	vst v3  }
0xd0: {  	[hbm4b:s8+s4] =	stream.linear.scatter [tilespmem:s12], [sflag:$0x9], $0xA00, $0x38;
	[tilespmem:$0xFA00] =	vst v63  }
0xd1: {  	s8 =	sor.u32 $0x20, s2  }
0xd2: {  	p3 =	sgt.u32 s8, $0xC34  }
.Ltmp5:
0xd3: {  	_ = 	snop;
	(pc) =	sbr.rel @p3 .LBB2_8-.Ltmp5, $1  }
0xd4: {  	_ =	sdelay $0x3  }
0xd5: {  	p3 =	sgt.u32 s2, $0xBB4  }
0xd6: {  	s9 =	smul.u32 @!p3 $0x280, s2;
	_ =	sdelay $0x1  }
0xd7: {  	s9 =	sshrl.u32 @!p3 s9, $0x3  }
0xd8: {  	s9 =	sadd.s32 @!p3 s1, s9  }
0xd9: {  	s10 =	simm.s32 @!p3 $0x0;
	s9 =	sadd.s32 @!p3 $0x2800, s9  }
0xda: {  	[tilespmem:s10], [sflag:$0x1] =	stream.linear.gather @!p3 [hbm4b:s9+s10], $0x280, $0x38;
	[tilespmem:$0xFA00] =	vst v63  }
0xdb: {  	s9 =	simm.s32 @!p1 $0x4  }
0xdc: {  	_ =	swait.ge @!p1 [sflag:s9], $0x280  }
0xdd: {  	s11 =	simm.s32 @!p1 $0x8200;
	[sflag:s9] =	ssyncset.done @!p1 $0x0  }
0xde: {  	s10 =	simm.s32 @!p1 $0x780;
	[sflag:s9] =	ssyncadd.s32 @!p1 $0xFFFFFD80;
	s9 =	simm.s32 @!p1 $0x80  }
0xdf: {  	[tilespmem:s11], [sflag:$0x8] =	stream.indirect.gather @!p1 [hbm4b:s3+s9], $0x10, s10, s9, $0xb8;
	[tilespmem:$0xFA00] =	vst v63  }
0xe0: {  	s10 =	simm.s32 @!p1 $0x800;
	s11 =	simm.s32 @!p1 $0x8A00  }
0xe1: {  	[tilespmem:s11], [sflag:$0x8] =	stream.indirect.gather @!p1 [hbm4b:s3+s9], $0x10, s10, s9, $0xb8;
	[tilespmem:$0xFA00] =	vst v63  }
0xe2: {  	s10 =	simm.s32 @!p1 $0x880;
	s11 =	simm.s32 @!p1 $0x9200  }
0xe3: {  	[tilespmem:s11], [sflag:$0x8] =	stream.indirect.gather @!p1 [hbm4b:s3+s9], $0x10, s10, s9, $0xb8;
	[tilespmem:$0xFA00] =	vst v63  }
0xe4: {  	s10 =	simm.s32 @!p1 $0x900;
	s11 =	simm.s32 @!p1 $0x9A00  }
0xe5: {  	[tilespmem:s11], [sflag:$0x8] =	stream.indirect.gather @!p1 [hbm4b:s3+s9], $0x10, s10, s9, $0xb8;
	[tilespmem:$0xFA00] =	vst v63  }
0xe6: {  	s19 =	smul.u32 @!p1 $0x140, s31;
	s10 =	simm.s32 @!p1 $0x980;
	s11 =	simm.s32 @!p1 $0xA200  }
0xe7: {  	[tilespmem:s11], [sflag:$0x8] =	stream.indirect.gather @!p1 [hbm4b:s3+s9], $0x10, s10, s9, $0xb8;
	[tilespmem:$0xFA00] =	vst v63  }
0xe8: {  	s9 =	sadd.s32 @!p1 s6, s19;
	s10 =	simm.s32 @!p1 $0x0;
	s11 =	simm.s32 @!p1 $0xC800  }
0xe9: {  	[tilespmem:s11], [sflag:$0x8] =	stream.linear.gather @!p1 [hbm4b:s9+s10], $0xA00, $0x38;
	[tilespmem:$0xFA00] =	vst v63  }
0xea: {  	_ =	swait.ge [sflag:s18], $0x800  }
0xeb: {  	[sflag:s18] =	ssyncset.done $0x0  }
0xec: {  	[sflag:s18] =	ssyncadd.s32 $0xFFFFF800  }
0xed: {  	_ =	swait.ge [sflag:s18], $0x800  }
0xee: {  	[sflag:s18] =	ssyncset.done $0x0  }
0xef: {  	[sflag:s18] =	ssyncadd.s32 $0xFFFFF800  }
0xf0: {  	_ =	swait.ge [sflag:s18], $0x800  }
0xf1: {  	[sflag:s18] =	ssyncset.done $0x0  }
0xf2: {  	[sflag:s18] =	ssyncadd.s32 $0xFFFFF800  }
0xf3: {  	_ =	swait.ge [sflag:s18], $0x800  }
0xf4: {  	[sflag:s18] =	ssyncset.done $0x0  }
0xf5: {  	[sflag:s18] =	ssyncadd.s32 $0xFFFFF800  }
0xf6: {  	_ =	swait.ge [sflag:s18], $0x800  }
0xf7: {  	[sflag:s18] =	ssyncset.done $0x0  }
0xf8: {  	[sflag:s18] =	ssyncadd.s32 $0xFFFFF800  }
0xf9: {  	s19 =	simm.s32 $0x0;
	_ =	swait.ge [sflag:s18], $0xA00  }
0xfa: {  	v1 =	vmov s19;
	[sflag:s18] =	ssyncset.done $0x0  }
0xfb: {  	s10 =	simm.s32 @!p0 $0xA;
	v1 =	vshll.u32 v1, $0x4;
	[sflag:s18] =	ssyncadd.s32 $0xFFFFF600  }
0xfc: {  	v1 =	vor.u32 v0, v1;
	_ =	swait.ge @!p0 [sflag:s10], $0xA00  }
0xfd: {  	s22 =	sand.u32 $0x70, s19;
	s9 =	sand.u32 $0xE00, s19;
	v2 =	vor.u32 $0x5, v1;
	[sflag:s10] =	ssyncset.done @!p0 $0x0  }
0xfe: {  	v3 =	vor.u32 $0x3, v1;
	[sflag:s10] =	ssyncadd.s32 @!p0 $0xFFFFF600;
	s10 =	sor.u32 s22, s9  }
0xff: {  	v11 =	vld [tilespmem:s10+$0xB480]  }
0x100: {  	v4 =	vor.u32 $0x4, v1;
	v8 =	vld [tilespmem:s10+$0xB500]  }
0x101: {  	v5 =	vor.u32 $0x7, v1;
	v15 =	vld [tilespmem:s10+$0xB400]  }
0x102: {  	s25 =	simm.s32 $0x10;
	s29 =	simm.s32 $0x20;
	v7 =	vor.u32 $0x6, v1;
	v19 =	vld.idx.msk [tilespmem:v2+s28+$0x0], $0xffff  }
0x103: {  	v23 =	vmov s29;
	v17 =	vor.u32 $0x1, v1;
	v2 =	vmov s25;
	v20 =	vld.idx.msk [tilespmem:v3+s28+$0x0], $0xffff  }
0x104: {  	v12 =	vor.u32 $0x2, v1;
	v28 =	vor.u32 $0x8, v1;
	v22 =	vld.idx.msk [tilespmem:v1+s28+$0x0], $0xffff;
	v2 =	vshll.u32 v2, $0x4  }
0x105: {  	v10 =	vor.u32 $0xB, v1;
	v9 =	vor.u32 $0x9, v1;
	v24 =	vld.idx.msk [tilespmem:v4+s28+$0x0], $0xffff;
	v2 =	vor.u32 v0, v2  }
0x106: {  	v14 =	vor.u32 $0xA, v1;
	v25 =	vld.idx.msk [tilespmem:v5+s28+$0x0], $0xffff;
	v1 =	vor.u32 $0x1, v2;
	v4 =	vor.u32 $0x3, v2  }
0x107: {  	s11 =	simm.s32 $0x40;
	v26 =	vld.idx.msk [tilespmem:v7+s28+$0x0], $0xffff;
	v3 =	vor.u32 $0x4, v2;
	v5 =	vor.u32 $0x6, v2;
	v6 =	vor.u32 $0x7, v2  }
0x108: {  	s9 =	sand.u32 $0x70, s25;
	s22 =	sand.u32 $0xE00, s11;
	v27 =	vld.idx.msk [tilespmem:v17+s28+$0x0], $0xffff;
	v16 =	vor.u32 $0x2, v2;
	v7 =	vor.u32 $0x8, v2;
	v13 =	vor.u32 $0x5, v2  }
0x109: {  	s19 =	simm.s32 $0x30;
	s9 =	sor.u32 s9, s22;
	v28 =	vld.idx.msk [tilespmem:v28+s28+$0x0], $0xffff;
	v18 =	vor.u32 $0xB, v2;
	v17 =	vor.u32 $0x9, v2;
	v21 =	vor.u32 $0xA, v2  }
.LBB2_6:
0x10a: {  	p3 =	sne.s32 s19, $0x270  }
0x10b: {  	v23 =	vshll.u32 v23, $0x4;
	s11 =	sadd.s32 $0x40, s11;
	v29 =	vld.idx.msk [tilespmem:v12+s28+$0x0], $0xffff;
	v22 =	vmul.f32 v15, v22;
	v19 =	vmul.f32 v8, v19;
	v12 =	vmovc v16;
	s22 =	smov.u32 s19;
	s19 =	sadd.s32 $0x10, s19  }
0x10c: {  	v16 =	vmul.f32 v15, v20;
	v20 =	vmul.f32 v11, v24;
	v23 =	vor.u32 v0, v23  }
0x10d: {  	v25 =	vmul.f32 v11, v25;
	v30 =	vor.u32 $0x1, v23;
	v24 =	vor.u32 $0x3, v23;
	v31 =	vld.idx.msk [tilespmem:v14+s28+$0x0], $0xffff;
	v14 =	vmovc v21  }
0x10e: {  	v21 =	vor.u32 $0x4, v23;
	v32 =	vor.u32 $0x6, v23;
	v15 =	vmul.f32 v15, v26;
	v33 =	vld.idx.msk [tilespmem:v10+s28+$0x0], $0xffff;
	v10 =	vmovc v18  }
0x10f: {  	v26 =	vor.u32 $0x7, v23;
	v16 =	vadd.f32 v20, v16;
	v11 =	vmul.f32 v11, v27;
	v18 =	vld.idx.msk [tilespmem:v9+s28+$0x0], $0xffff;
	v9 =	vmovc v17  }
0x110: {  	v15 =	vadd.f32 v25, v15;
	v17 =	vmul.f32 v8, v28  }
0x111: {  	v16 =	vadd.f32 v19, v16;
	v11 =	vadd.f32 v11, v22;
	v8 =	vmul.f32 v8, v29  }
0x112: {  	v15 =	vadd.f32 v17, v15  }
0x113: {  	v8 =	vadd.f32 v8, v11;
	v17 =	vadd.f32 v16, v31  }
0x114: {  	v16 =	vor.u32 $0x2, v23;
	v15 =	vadd.f32 v15, v33  }
0x115: {  	v29 =	vor.u32 $0x8, v23;
	v18 =	vadd.f32 v8, v18;
	v11 =	vld [tilespmem:s9+$0xB480];
	[tilespmem:s10+$0xDC80] =	vst v17  }
0x116: {  	v8 =	vld [tilespmem:s9+$0xB500];
	[tilespmem:s10+$0xDD00] =	vst v15  }
0x117: {  	v15 =	vld [tilespmem:s9+$0xB400];
	[tilespmem:s10+$0xDC00] =	vst v18;
	s10 =	smov.u32 s9  }
0x118: {  	s25 =	sand.u32 $0xE00, s11;
	s9 =	sand.u32 $0x70, s29;
	s29 =	smov.u32 s22;
	v19 =	vld.idx.msk [tilespmem:v13+s28+$0x0], $0xffff  }
0x119: {  	s9 =	sor.u32 s9, s25;
	v20 =	vld.idx.msk [tilespmem:v4+s28+$0x0], $0xffff;
	v4 =	vmov v24  }
0x11a: {  	v13 =	vor.u32 $0x5, v23;
	v22 =	vld.idx.msk [tilespmem:v2+s28+$0x0], $0xffff;
	v2 =	vmov v23  }
.Ltmp6:
0x11b: {  	v24 =	vld.idx.msk [tilespmem:v3+s28+$0x0], $0xffff;
	v3 =	vmov v21;
	(pc) =	sbr.rel @p3 .LBB2_6-.Ltmp6, $4  }
0x11c: {  	v18 =	vor.u32 $0xB, v2;
	v25 =	vld.idx.msk [tilespmem:v6+s28+$0x0], $0xffff;
	v6 =	vmov v26  }
0x11d: {  	v26 =	vld.idx.msk [tilespmem:v5+s28+$0x0], $0xffff;
	v5 =	vmov v32  }
0x11e: {  	v17 =	vor.u32 $0x9, v2;
	v21 =	vor.u32 $0xA, v2;
	v27 =	vld.idx.msk [tilespmem:v1+s28+$0x0], $0xffff;
	v1 =	vmov v30  }
0x11f: {  	v23 =	vmov s29;
	v28 =	vld.idx.msk [tilespmem:v7+s28+$0x0], $0xffff;
	v7 =	vmov v29  }
0x120: {  	_ =	sdelay $0x3  }
0x121: {  	v12 =	vld.idx.msk [tilespmem:v12+s28+$0x0], $0xffff;
	v20 =	vmul.f32 v15, v20  }
0x122: {  	v24 =	vmul.f32 v11, v24;
	v19 =	vmul.f32 v8, v19  }
0x123: {  	v14 =	vld.idx.msk [tilespmem:v14+s28+$0x0], $0xffff;
	v25 =	vmul.f32 v11, v25;
	v26 =	vmul.f32 v15, v26  }
0x124: {  	v35 =	vmul.f32 v15, v22;
	v10 =	vld.idx.msk [tilespmem:v10+s28+$0x0], $0xffff;
	v20 =	vadd.f32 v24, v20;
	v36 =	vmul.f32 v11, v27  }
0x125: {  	v9 =	vld.idx.msk [tilespmem:v9+s28+$0x0], $0xffff;
	v37 =	vadd.f32 v25, v26;
	v38 =	vmul.f32 v8, v28  }
0x126: {  	v19 =	vadd.f32 v19, v20;
	v11 =	vadd.f32 v36, v35;
	v39 =	vmul.f32 v8, v12  }
0x127: {  	v40 =	vadd.f32 v38, v37  }
0x128: {  	v14 =	vadd.f32 v19, v14;
	v8 =	vadd.f32 v39, v11  }
0x129: {  	v10 =	vadd.f32 v40, v10  }
0x12a: {  	v41 =	vld [tilespmem:s9+$0xB480];
	[tilespmem:s10+$0xDC80] =	vst v14;
	v8 =	vadd.f32 v8, v9  }
0x12b: {  	v42 =	vld [tilespmem:s9+$0xB500];
	[tilespmem:s10+$0xDD00] =	vst v10  }
0x12c: {  	v43 =	vld [tilespmem:s9+$0xB400];
	[tilespmem:s10+$0xDC00] =	vst v8  }
0x12d: {  	v8 =	vld.idx.msk [tilespmem:v13+s28+$0x0], $0xffff  }
0x12e: {  	v4 =	vld.idx.msk [tilespmem:v4+s28+$0x0], $0xffff  }
0x12f: {  	v2 =	vld.idx.msk [tilespmem:v2+s28+$0x0], $0xffff  }
0x130: {  	v3 =	vld.idx.msk [tilespmem:v3+s28+$0x0], $0xffff  }
0x131: {  	v6 =	vld.idx.msk [tilespmem:v6+s28+$0x0], $0xffff  }
0x132: {  	v5 =	vld.idx.msk [tilespmem:v5+s28+$0x0], $0xffff  }
0x133: {  	v1 =	vld.idx.msk [tilespmem:v1+s28+$0x0], $0xffff  }
0x134: {  	v7 =	vld.idx.msk [tilespmem:v7+s28+$0x0], $0xffff  }
0x135: {  	v10 =	vld.idx.msk [tilespmem:v16+s28+$0x0], $0xffff;
	v4 =	vmul.f32 v43, v4  }
0x136: {  	v3 =	vmul.f32 v41, v3;
	v8 =	vmul.f32 v42, v8  }
0x137: {  	v44 =	vld.idx.msk [tilespmem:v21+s28+$0x0], $0xffff;
	v6 =	vmul.f32 v41, v6;
	v5 =	vmul.f32 v43, v5  }
0x138: {  	v45 =	vld.idx.msk [tilespmem:v18+s28+$0x0], $0xffff;
	v2 =	vmul.f32 v43, v2;
	v1 =	vmul.f32 v41, v1;
	v3 =	vadd.f32 v3, v4  }
0x139: {  	v47 =	vshll.u32 v23, $0x4;
	v48 =	vld.idx.msk [tilespmem:v17+s28+$0x0], $0xffff;
	v46 =	vmul.f32 v42, v7;
	v5 =	vadd.f32 v6, v5  }
0x13a: {  	v1 =	vadd.f32 v1, v2;
	v2 =	vmul.f32 v42, v10;
	v3 =	vadd.f32 v8, v3  }
0x13b: {  	s22 =	sadd.s32 $0x40, s11;
	v49 =	vor.u32 v0, v47;
	v5 =	vadd.f32 v46, v5  }
0x13c: {  	s25 =	sand.u32 $0x70, s29;
	v51 =	vor.u32 $0x5, v49;
	s10 =	sand.u32 $0xE00, s22;
	v1 =	vadd.f32 v2, v1;
	v3 =	vadd.f32 v3, v44  }
0x13d: {  	s10 =	sor.u32 s25, s10;
	v2 =	vadd.f32 v5, v45  }
0x13e: {  	v54 =	vor.u32 $0x7, v49;
	v50 =	vld [tilespmem:s10+$0xB480];
	v1 =	vadd.f32 v1, v48;
	[tilespmem:s9+$0xDC80] =	vst v3  }
0x13f: {  	v3 =	vor.u32 $0x3, v49;
	v52 =	vld [tilespmem:s10+$0xB500];
	[tilespmem:s9+$0xDD00] =	vst v2  }
0x140: {  	v2 =	vor.u32 $0x4, v49;
	v53 =	vld [tilespmem:s10+$0xB400];
	[tilespmem:s9+$0xDC00] =	vst v1  }
0x141: {  	v1 =	vor.u32 $0x6, v49;
	v9 =	vld.idx.msk [tilespmem:v51+s28+$0x0], $0xffff  }
0x142: {  	v55 =	vor.u32 $0x1, v49;
	v57 =	vld.idx.msk [tilespmem:v49+s28+$0x0], $0xffff  }
0x143: {  	v56 =	vor.u32 $0x8, v49;
	v8 =	vld.idx.msk [tilespmem:v54+s28+$0x0], $0xffff  }
0x144: {  	v58 =	vor.u32 $0x2, v49;
	v3 =	vld.idx.msk [tilespmem:v3+s28+$0x0], $0xffff  }
0x145: {  	v2 =	vld.idx.msk [tilespmem:v2+s28+$0x0], $0xffff  }
0x146: {  	v59 =	vor.u32 $0xA, v49;
	v1 =	vld.idx.msk [tilespmem:v1+s28+$0x0], $0xffff  }
0x147: {  	v60 =	vor.u32 $0xB, v49;
	v10 =	vld.idx.msk [tilespmem:v55+s28+$0x0], $0xffff  }
0x148: {  	v6 =	vor.u32 $0x9, v49;
	v11 =	vld.idx.msk [tilespmem:v56+s28+$0x0], $0xffff  }
0x149: {  	v13 =	vld.idx.msk [tilespmem:v58+s28+$0x0], $0xffff;
	v12 =	vmul.f32 v53, v57  }
0x14a: {  	v3 =	vmul.f32 v53, v3;
	v2 =	vmul.f32 v50, v2  }
0x14b: {  	v14 =	vld.idx.msk [tilespmem:v59+s28+$0x0], $0xffff;
	v8 =	vmul.f32 v50, v8;
	v1 =	vmul.f32 v53, v1  }
0x14c: {  	v62 =	vld.idx.msk [tilespmem:v60+s28+$0x0], $0xffff;
	v61 =	vmul.f32 v52, v9;
	v7 =	vmul.f32 v50, v10;
	v2 =	vadd.f32 v2, v3  }
0x14d: {  	v63 =	vmul.f32 v52, v11;
	v3 =	vld.idx.msk [tilespmem:v6+s28+$0x0], $0xffff;
	v1 =	vadd.f32 v8, v1  }
0x14e: {  	v4 =	vmul.f32 v52, v13;
	v7 =	vadd.f32 v7, v12;
	v2 =	vadd.f32 v61, v2  }
0x14f: {  	v1 =	vadd.f32 v63, v1  }
0x150: {  	v4 =	vadd.f32 v4, v7;
	v2 =	vadd.f32 v2, v14  }
0x151: {  	v1 =	vadd.f32 v1, v62  }
0x152: {  	s8 =	smul.u32 $0x140, s8;
	v3 =	vadd.f32 v4, v3;
	[tilespmem:s10+$0xDC80] =	vst v2  }
0x153: {  	[tilespmem:s10+$0xDD00] =	vst v1  }
0x154: {  	s29 =	simm.s32 $0xDC00;
	s8 =	sadd.s32 s7, s8;
	[tilespmem:s10+$0xDC00] =	vst v3  }
0x155: {  	[hbm4b:s8+s4] =	stream.linear.scatter [tilespmem:s29], [sflag:$0xA], $0xA00, $0x38;
	[tilespmem:$0xFA00] =	vst v63  }
.LBB2_8:
.Ltmp7:
0x156: {  	(pc) =	sbr.rel @p2 .LBB2_16-.Ltmp7, $1  }
0x157: {  	_ =	sdelay $0x3  }
0x158: {  	p2 =	sgt.u32 s2, $0xB94  }
.Ltmp8:
0x159: {  	_ = 	snop;
	(pc) =	sbr.rel @p2 .LBB2_11-.Ltmp8, $1  }
0x15a: {  	_ =	sdelay $0x3  }
0x15b: {  	s8 =	smul.u32 $0x280, s2  }
.Ltmp9:
0x15c: {  	_ = 	snop;
	(pc) =	sbr.rel .LBB2_12-.Ltmp9, $4  }
0x15d: {  	s8 =	sshrl.u32 s8, $0x3  }
0x15e: {  	s8 =	sadd.s32 s1, s8  }
0x15f: {  	s8 =	sadd.s32 $0x3200, s8  }
0x160: {  	[tilespmem:s14], [sflag:$0x2] =	stream.linear.gather [hbm4b:s8+s4], $0x280, $0x38;
	[tilespmem:$0xFA00] =	vst v63  }
.LBB2_11:
0x161: {  	p2 =	sgt.u32 s2, $0xBB4  }
.Ltmp10:
0x162: {  	_ = 	snop;
	(pc) =	sbr.rel @p2 .LBB2_13-.Ltmp10, $1  }
0x163: {  	_ =	sdelay $0x3  }
.LBB2_12:
0x164: {  	_ =	swait.ge [sflag:s15], $0x280  }
0x165: {  	[sflag:s15] =	ssyncset.done $0x0  }
0x166: {  	[sflag:s15] =	ssyncadd.s32 $0xFFFFFD80  }
0x167: {  	[tilespmem:s17], [sflag:$0x5] =	stream.indirect.gather [hbm4b:s3+s16], $0x10, s4, s16, $0xb8;
	[tilespmem:$0xFA00] =	vst v63  }
0x168: {  	s8 =	simm.s32 $0x1200  }
0x169: {  	[tilespmem:s8], [sflag:$0x5] =	stream.indirect.gather [hbm4b:s3+s16], $0x10, s16, s16, $0xb8;
	[tilespmem:$0xFA00] =	vst v63  }
0x16a: {  	s10 =	simm.s32 $0x100;
	s9 =	simm.s32 $0x1A00;
	s22 =	smul.u32 $0xA00, s2  }
0x16b: {  	[tilespmem:s9], [sflag:$0x5] =	stream.indirect.gather [hbm4b:s3+s16], $0x10, s10, s16, $0xb8;
	[tilespmem:$0xFA00] =	vst v63  }
0x16c: {  	s11 =	simm.s32 $0x180;
	s19 =	simm.s32 $0x2200;
	s8 =	sshrl.u32 s22, $0x3  }
0x16d: {  	[tilespmem:s19], [sflag:$0x5] =	stream.indirect.gather [hbm4b:s3+s16], $0x10, s11, s16, $0xb8;
	[tilespmem:$0xFA00] =	vst v63  }
0x16e: {  	s25 =	simm.s32 $0x200;
	s8 =	sadd.s32 s6, s8;
	s10 =	simm.s32 $0x2A00  }
0x16f: {  	[tilespmem:s10], [sflag:$0x5] =	stream.indirect.gather [hbm4b:s3+s16], $0x10, s25, s16, $0xb8;
	[tilespmem:$0xFA00] =	vst v63  }
0x170: {  	s29 =	simm.s32 $0xAA00;
	s8 =	sadd.s32 $0xA000, s8  }
0x171: {  	[tilespmem:s29], [sflag:$0x5] =	stream.linear.gather [hbm4b:s8+s4], $0xA00, $0x38;
	[tilespmem:$0xFA00] =	vst v63  }
.LBB2_13:
0x172: {  	_ =	swait.ge [sflag:s20], $0x800  }
0x173: {  	[sflag:s20] =	ssyncset.done $0x0  }
0x174: {  	[sflag:s20] =	ssyncadd.s32 $0xFFFFF800  }
0x175: {  	_ =	swait.ge [sflag:s20], $0x800  }
0x176: {  	[sflag:s20] =	ssyncset.done $0x0  }
0x177: {  	[sflag:s20] =	ssyncadd.s32 $0xFFFFF800  }
0x178: {  	_ =	swait.ge [sflag:s20], $0x800  }
0x179: {  	[sflag:s20] =	ssyncset.done $0x0  }
0x17a: {  	[sflag:s20] =	ssyncadd.s32 $0xFFFFF800  }
0x17b: {  	_ =	swait.ge [sflag:s20], $0x800  }
0x17c: {  	[sflag:s20] =	ssyncset.done $0x0  }
0x17d: {  	[sflag:s20] =	ssyncadd.s32 $0xFFFFF800  }
0x17e: {  	_ =	swait.ge [sflag:s20], $0x800  }
0x17f: {  	[sflag:s20] =	ssyncset.done $0x0  }
0x180: {  	[sflag:s20] =	ssyncadd.s32 $0xFFFFF800  }
0x181: {  	s8 =	simm.s32 $0x0;
	_ =	swait.ge [sflag:s20], $0xA00  }
0x182: {  	v1 =	vmov s8;
	[sflag:s20] =	ssyncset.done $0x0  }
0x183: {  	s9 =	simm.s32 @!p0 $0xB;
	v1 =	vshll.u32 v1, $0x4;
	[sflag:s20] =	ssyncadd.s32 $0xFFFFF600  }
0x184: {  	v1 =	vor.u32 v0, v1;
	_ =	swait.ge @!p0 [sflag:s9], $0xA00  }
0x185: {  	s10 =	sand.u32 $0x70, s8;
	s8 =	sand.u32 $0xE00, s8;
	v2 =	vor.u32 $0x5, v1;
	[sflag:s9] =	ssyncset.done @!p0 $0x0  }
0x186: {  	v3 =	vor.u32 $0x3, v1;
	[sflag:s9] =	ssyncadd.s32 @!p0 $0xFFFFF600;
	s9 =	sor.u32 s10, s8  }
0x187: {  	v11 =	vld [tilespmem:s9+$0xBE80]  }
0x188: {  	v4 =	vor.u32 $0x4, v1;
	v8 =	vld [tilespmem:s9+$0xBF00]  }
0x189: {  	v5 =	vor.u32 $0x7, v1;
	v15 =	vld [tilespmem:s9+$0xBE00]  }
0x18a: {  	s29 =	simm.s32 $0x10;
	s11 =	simm.s32 $0x20;
	v7 =	vor.u32 $0x6, v1;
	v19 =	vld.idx.msk [tilespmem:v2+s21+$0x0], $0xffff  }
0x18b: {  	v23 =	vmov s11;
	v17 =	vor.u32 $0x1, v1;
	v2 =	vmov s29;
	v20 =	vld.idx.msk [tilespmem:v3+s21+$0x0], $0xffff  }
0x18c: {  	v12 =	vor.u32 $0x2, v1;
	v28 =	vor.u32 $0x8, v1;
	v22 =	vld.idx.msk [tilespmem:v1+s21+$0x0], $0xffff;
	v2 =	vshll.u32 v2, $0x4  }
0x18d: {  	v10 =	vor.u32 $0xB, v1;
	v9 =	vor.u32 $0x9, v1;
	v24 =	vld.idx.msk [tilespmem:v4+s21+$0x0], $0xffff;
	v2 =	vor.u32 v0, v2  }
0x18e: {  	v14 =	vor.u32 $0xA, v1;
	v25 =	vld.idx.msk [tilespmem:v5+s21+$0x0], $0xffff;
	v1 =	vor.u32 $0x1, v2;
	v4 =	vor.u32 $0x3, v2  }
0x18f: {  	s10 =	simm.s32 $0x40;
	v26 =	vld.idx.msk [tilespmem:v7+s21+$0x0], $0xffff;
	v3 =	vor.u32 $0x4, v2;
	v5 =	vor.u32 $0x6, v2;
	v6 =	vor.u32 $0x7, v2  }
0x190: {  	s8 =	sand.u32 $0x70, s29;
	s22 =	sand.u32 $0xE00, s10;
	v27 =	vld.idx.msk [tilespmem:v17+s21+$0x0], $0xffff;
	v16 =	vor.u32 $0x2, v2;
	v7 =	vor.u32 $0x8, v2;
	v13 =	vor.u32 $0x5, v2  }
0x191: {  	s19 =	simm.s32 $0x30;
	v28 =	vld.idx.msk [tilespmem:v28+s21+$0x0], $0xffff;
	s8 =	sor.u32 s8, s22;
	v18 =	vor.u32 $0xB, v2;
	v17 =	vor.u32 $0x9, v2;
	v21 =	vor.u32 $0xA, v2  }
.LBB2_14:
0x192: {  	p2 =	sne.s32 s19, $0x270  }
0x193: {  	v23 =	vshll.u32 v23, $0x4;
	s10 =	sadd.s32 $0x40, s10;
	v29 =	vld.idx.msk [tilespmem:v12+s21+$0x0], $0xffff;
	v22 =	vmul.f32 v15, v22;
	v19 =	vmul.f32 v8, v19;
	v12 =	vmovc v16;
	s22 =	smov.u32 s19;
	s19 =	sadd.s32 $0x10, s19  }
0x194: {  	v16 =	vmul.f32 v15, v20;
	v20 =	vmul.f32 v11, v24;
	v23 =	vor.u32 v0, v23  }
0x195: {  	v25 =	vmul.f32 v11, v25;
	v30 =	vor.u32 $0x1, v23;
	v24 =	vor.u32 $0x3, v23;
	v31 =	vld.idx.msk [tilespmem:v14+s21+$0x0], $0xffff;
	v14 =	vmovc v21  }
0x196: {  	v21 =	vor.u32 $0x4, v23;
	v32 =	vor.u32 $0x6, v23;
	v15 =	vmul.f32 v15, v26;
	v33 =	vld.idx.msk [tilespmem:v10+s21+$0x0], $0xffff;
	v10 =	vmovc v18  }
0x197: {  	v26 =	vor.u32 $0x7, v23;
	v16 =	vadd.f32 v20, v16;
	v11 =	vmul.f32 v11, v27;
	v18 =	vld.idx.msk [tilespmem:v9+s21+$0x0], $0xffff;
	v9 =	vmovc v17  }
0x198: {  	v15 =	vadd.f32 v25, v15;
	v17 =	vmul.f32 v8, v28  }
0x199: {  	v16 =	vadd.f32 v19, v16;
	v11 =	vadd.f32 v11, v22;
	v8 =	vmul.f32 v8, v29  }
0x19a: {  	v15 =	vadd.f32 v17, v15  }
0x19b: {  	v8 =	vadd.f32 v8, v11;
	v17 =	vadd.f32 v16, v31  }
0x19c: {  	v16 =	vor.u32 $0x2, v23;
	v15 =	vadd.f32 v15, v33  }
0x19d: {  	v29 =	vor.u32 $0x8, v23;
	v18 =	vadd.f32 v8, v18;
	v11 =	vld [tilespmem:s8+$0xBE80];
	[tilespmem:s9+$0xE680] =	vst v17  }
0x19e: {  	v8 =	vld [tilespmem:s8+$0xBF00];
	[tilespmem:s9+$0xE700] =	vst v15  }
0x19f: {  	v15 =	vld [tilespmem:s8+$0xBE00];
	[tilespmem:s9+$0xE600] =	vst v18;
	s9 =	smov.u32 s8  }
0x1a0: {  	s25 =	sand.u32 $0xE00, s10;
	s8 =	sand.u32 $0x70, s11;
	s11 =	smov.u32 s22;
	v19 =	vld.idx.msk [tilespmem:v13+s21+$0x0], $0xffff  }
0x1a1: {  	s8 =	sor.u32 s8, s25;
	v20 =	vld.idx.msk [tilespmem:v4+s21+$0x0], $0xffff;
	v4 =	vmov v24  }
0x1a2: {  	v13 =	vor.u32 $0x5, v23;
	v22 =	vld.idx.msk [tilespmem:v2+s21+$0x0], $0xffff;
	v2 =	vmov v23  }
.Ltmp11:
0x1a3: {  	v24 =	vld.idx.msk [tilespmem:v3+s21+$0x0], $0xffff;
	v3 =	vmov v21;
	(pc) =	sbr.rel @p2 .LBB2_14-.Ltmp11, $4  }
0x1a4: {  	v18 =	vor.u32 $0xB, v2;
	v25 =	vld.idx.msk [tilespmem:v6+s21+$0x0], $0xffff;
	v6 =	vmov v26  }
0x1a5: {  	v26 =	vld.idx.msk [tilespmem:v5+s21+$0x0], $0xffff;
	v5 =	vmov v32  }
0x1a6: {  	v17 =	vor.u32 $0x9, v2;
	v21 =	vor.u32 $0xA, v2;
	v27 =	vld.idx.msk [tilespmem:v1+s21+$0x0], $0xffff;
	v1 =	vmov v30  }
0x1a7: {  	v23 =	vmov s11;
	v28 =	vld.idx.msk [tilespmem:v7+s21+$0x0], $0xffff;
	v7 =	vmov v29  }
0x1a8: {  	_ =	sdelay $0x3  }
0x1a9: {  	v12 =	vld.idx.msk [tilespmem:v12+s21+$0x0], $0xffff;
	v20 =	vmul.f32 v15, v20  }
0x1aa: {  	v24 =	vmul.f32 v11, v24;
	v19 =	vmul.f32 v8, v19  }
0x1ab: {  	v14 =	vld.idx.msk [tilespmem:v14+s21+$0x0], $0xffff;
	v25 =	vmul.f32 v11, v25;
	v26 =	vmul.f32 v15, v26  }
0x1ac: {  	v35 =	vmul.f32 v15, v22;
	v10 =	vld.idx.msk [tilespmem:v10+s21+$0x0], $0xffff;
	v20 =	vadd.f32 v24, v20;
	v36 =	vmul.f32 v11, v27  }
0x1ad: {  	v9 =	vld.idx.msk [tilespmem:v9+s21+$0x0], $0xffff;
	v37 =	vadd.f32 v25, v26;
	v38 =	vmul.f32 v8, v28  }
0x1ae: {  	v19 =	vadd.f32 v19, v20;
	v11 =	vadd.f32 v36, v35;
	v39 =	vmul.f32 v8, v12  }
0x1af: {  	v40 =	vadd.f32 v38, v37  }
0x1b0: {  	v14 =	vadd.f32 v19, v14;
	v8 =	vadd.f32 v39, v11  }
0x1b1: {  	v10 =	vadd.f32 v40, v10  }
0x1b2: {  	v41 =	vld [tilespmem:s8+$0xBE80];
	[tilespmem:s9+$0xE680] =	vst v14;
	v8 =	vadd.f32 v8, v9  }
0x1b3: {  	v42 =	vld [tilespmem:s8+$0xBF00];
	[tilespmem:s9+$0xE700] =	vst v10  }
0x1b4: {  	v43 =	vld [tilespmem:s8+$0xBE00];
	[tilespmem:s9+$0xE600] =	vst v8  }
0x1b5: {  	v8 =	vld.idx.msk [tilespmem:v13+s21+$0x0], $0xffff  }
0x1b6: {  	v4 =	vld.idx.msk [tilespmem:v4+s21+$0x0], $0xffff  }
0x1b7: {  	v2 =	vld.idx.msk [tilespmem:v2+s21+$0x0], $0xffff  }
0x1b8: {  	v3 =	vld.idx.msk [tilespmem:v3+s21+$0x0], $0xffff  }
0x1b9: {  	v6 =	vld.idx.msk [tilespmem:v6+s21+$0x0], $0xffff  }
0x1ba: {  	v5 =	vld.idx.msk [tilespmem:v5+s21+$0x0], $0xffff  }
0x1bb: {  	v1 =	vld.idx.msk [tilespmem:v1+s21+$0x0], $0xffff  }
0x1bc: {  	v7 =	vld.idx.msk [tilespmem:v7+s21+$0x0], $0xffff  }
0x1bd: {  	v10 =	vld.idx.msk [tilespmem:v16+s21+$0x0], $0xffff;
	v4 =	vmul.f32 v43, v4  }
0x1be: {  	v3 =	vmul.f32 v41, v3;
	v8 =	vmul.f32 v42, v8  }
0x1bf: {  	v44 =	vld.idx.msk [tilespmem:v21+s21+$0x0], $0xffff;
	v6 =	vmul.f32 v41, v6;
	v5 =	vmul.f32 v43, v5  }
0x1c0: {  	v45 =	vld.idx.msk [tilespmem:v18+s21+$0x0], $0xffff;
	v2 =	vmul.f32 v43, v2;
	v1 =	vmul.f32 v41, v1;
	v3 =	vadd.f32 v3, v4  }
0x1c1: {  	v47 =	vshll.u32 v23, $0x4;
	v48 =	vld.idx.msk [tilespmem:v17+s21+$0x0], $0xffff;
	v46 =	vmul.f32 v42, v7;
	v5 =	vadd.f32 v6, v5  }
0x1c2: {  	v1 =	vadd.f32 v1, v2;
	v2 =	vmul.f32 v42, v10;
	v3 =	vadd.f32 v8, v3  }
0x1c3: {  	s22 =	sadd.s32 $0x40, s10;
	v49 =	vor.u32 v0, v47;
	v5 =	vadd.f32 v46, v5  }
0x1c4: {  	s25 =	sand.u32 $0x70, s11;
	v51 =	vor.u32 $0x5, v49;
	s9 =	sand.u32 $0xE00, s22;
	v1 =	vadd.f32 v2, v1;
	v3 =	vadd.f32 v3, v44  }
0x1c5: {  	s9 =	sor.u32 s25, s9;
	v2 =	vadd.f32 v5, v45  }
0x1c6: {  	v54 =	vor.u32 $0x7, v49;
	v50 =	vld [tilespmem:s9+$0xBE80];
	v1 =	vadd.f32 v1, v48;
	[tilespmem:s8+$0xE680] =	vst v3  }
0x1c7: {  	v3 =	vor.u32 $0x3, v49;
	v52 =	vld [tilespmem:s9+$0xBF00];
	[tilespmem:s8+$0xE700] =	vst v2  }
0x1c8: {  	v2 =	vor.u32 $0x4, v49;
	v53 =	vld [tilespmem:s9+$0xBE00];
	[tilespmem:s8+$0xE600] =	vst v1  }
0x1c9: {  	v1 =	vor.u32 $0x6, v49;
	v9 =	vld.idx.msk [tilespmem:v51+s21+$0x0], $0xffff  }
0x1ca: {  	v55 =	vor.u32 $0x1, v49;
	v57 =	vld.idx.msk [tilespmem:v49+s21+$0x0], $0xffff  }
0x1cb: {  	v56 =	vor.u32 $0x8, v49;
	v8 =	vld.idx.msk [tilespmem:v54+s21+$0x0], $0xffff  }
0x1cc: {  	v58 =	vor.u32 $0x2, v49;
	v3 =	vld.idx.msk [tilespmem:v3+s21+$0x0], $0xffff  }
0x1cd: {  	v2 =	vld.idx.msk [tilespmem:v2+s21+$0x0], $0xffff  }
0x1ce: {  	v59 =	vor.u32 $0xA, v49;
	v1 =	vld.idx.msk [tilespmem:v1+s21+$0x0], $0xffff  }
0x1cf: {  	v60 =	vor.u32 $0xB, v49;
	v10 =	vld.idx.msk [tilespmem:v55+s21+$0x0], $0xffff  }
0x1d0: {  	v6 =	vor.u32 $0x9, v49;
	v11 =	vld.idx.msk [tilespmem:v56+s21+$0x0], $0xffff  }
0x1d1: {  	v13 =	vld.idx.msk [tilespmem:v58+s21+$0x0], $0xffff;
	v12 =	vmul.f32 v53, v57  }
0x1d2: {  	v3 =	vmul.f32 v53, v3;
	v2 =	vmul.f32 v50, v2  }
0x1d3: {  	v14 =	vld.idx.msk [tilespmem:v59+s21+$0x0], $0xffff;
	v8 =	vmul.f32 v50, v8;
	v1 =	vmul.f32 v53, v1  }
0x1d4: {  	v62 =	vld.idx.msk [tilespmem:v60+s21+$0x0], $0xffff;
	v61 =	vmul.f32 v52, v9;
	v7 =	vmul.f32 v50, v10;
	v2 =	vadd.f32 v2, v3  }
0x1d5: {  	v63 =	vmul.f32 v52, v11;
	v3 =	vld.idx.msk [tilespmem:v6+s21+$0x0], $0xffff;
	v1 =	vadd.f32 v8, v1  }
0x1d6: {  	v4 =	vmul.f32 v52, v13;
	v7 =	vadd.f32 v7, v12;
	v2 =	vadd.f32 v61, v2  }
0x1d7: {  	v1 =	vadd.f32 v63, v1  }
0x1d8: {  	v4 =	vadd.f32 v4, v7;
	v2 =	vadd.f32 v2, v14  }
0x1d9: {  	v1 =	vadd.f32 v1, v62  }
0x1da: {  	s0 =	smul.u32 $0x140, s0;
	v3 =	vadd.f32 v4, v3;
	[tilespmem:s9+$0xE680] =	vst v2  }
0x1db: {  	[tilespmem:s9+$0xE700] =	vst v1  }
0x1dc: {  	s29 =	simm.s32 $0xE600;
	s0 =	sadd.s32 s7, s0;
	[tilespmem:s9+$0xE600] =	vst v3  }
0x1dd: {  	[hbm4b:s0+s4] =	stream.linear.scatter [tilespmem:s29], [sflag:$0xB], $0xA00, $0x38;
	[tilespmem:$0xFA00] =	vst v63  }
.LBB2_16:
.Ltmp12:
0x1de: {  	(pc) =	sbr.rel @p1 .LBB2_24-.Ltmp12, $1  }
0x1df: {  	_ =	sdelay $0x3  }
0x1e0: {  	p1 =	sgt.u32 s2, $0xB74  }
.Ltmp13:
0x1e1: {  	_ = 	snop;
	(pc) =	sbr.rel @p1 .LBB2_19-.Ltmp13, $1  }
0x1e2: {  	_ =	sdelay $0x3  }
0x1e3: {  	s0 =	smul.u32 $0x280, s2  }
.Ltmp14:
0x1e4: {  	_ = 	snop;
	(pc) =	sbr.rel .LBB2_20-.Ltmp14, $4  }
0x1e5: {  	s0 =	sshrl.u32 s0, $0x3  }
0x1e6: {  	s0 =	sadd.s32 s1, s0  }
0x1e7: {  	s8 =	simm.s32 $0x500;
	s0 =	sadd.s32 $0x3C00, s0  }
0x1e8: {  	[tilespmem:s8], [sflag:$0x3] =	stream.linear.gather [hbm4b:s0+s4], $0x280, $0x38;
	[tilespmem:$0xFA00] =	vst v63  }
.LBB2_19:
0x1e9: {  	p1 =	sgt.u32 s2, $0xB94  }
.Ltmp15:
0x1ea: {  	_ = 	snop;
	(pc) =	sbr.rel @p1 .LBB2_21-.Ltmp15, $1  }
0x1eb: {  	_ =	sdelay $0x3  }
.LBB2_20:
0x1ec: {  	_ =	swait.ge [sflag:s26], $0x280  }
0x1ed: {  	[sflag:s26] =	ssyncset.done $0x0  }
0x1ee: {  	[sflag:s26] =	ssyncadd.s32 $0xFFFFFD80  }
0x1ef: {  	[tilespmem:s28], [sflag:$0x6] =	stream.indirect.gather [hbm4b:s3+s16], $0x10, s14, s16, $0xb8;
	[tilespmem:$0xFA00] =	vst v63  }
0x1f0: {  	s0 =	simm.s32 $0x300;
	s8 =	simm.s32 $0x3A00  }
0x1f1: {  	[tilespmem:s8], [sflag:$0x6] =	stream.indirect.gather [hbm4b:s3+s16], $0x10, s0, s16, $0xb8;
	[tilespmem:$0xFA00] =	vst v63  }
0x1f2: {  	s9 =	simm.s32 $0x4200;
	s19 =	smul.u32 $0xA00, s2;
	s8 =	simm.s32 $0x380  }
0x1f3: {  	[tilespmem:s9], [sflag:$0x6] =	stream.indirect.gather [hbm4b:s3+s16], $0x10, s8, s16, $0xb8;
	[tilespmem:$0xFA00] =	vst v63  }
0x1f4: {  	s10 =	simm.s32 $0x400;
	s11 =	simm.s32 $0x4A00;
	s0 =	sshrl.u32 s19, $0x3  }
0x1f5: {  	[tilespmem:s11], [sflag:$0x6] =	stream.indirect.gather [hbm4b:s3+s16], $0x10, s10, s16, $0xb8;
	[tilespmem:$0xFA00] =	vst v63  }
0x1f6: {  	s22 =	simm.s32 $0x480;
	s25 =	simm.s32 $0x5200;
	s0 =	sadd.s32 s6, s0  }
0x1f7: {  	[tilespmem:s25], [sflag:$0x6] =	stream.indirect.gather [hbm4b:s3+s16], $0x10, s22, s16, $0xb8;
	[tilespmem:$0xFA00] =	vst v63  }
0x1f8: {  	s29 =	simm.s32 $0xB400;
	s0 =	sadd.s32 $0xC800, s0  }
0x1f9: {  	[tilespmem:s29], [sflag:$0x6] =	stream.linear.gather [hbm4b:s0+s4], $0xA00, $0x38;
	[tilespmem:$0xFA00] =	vst v63  }
.LBB2_21:
0x1fa: {  	_ =	swait.ge [sflag:s23], $0x800  }
0x1fb: {  	[sflag:s23] =	ssyncset.done $0x0  }
0x1fc: {  	[sflag:s23] =	ssyncadd.s32 $0xFFFFF800  }
0x1fd: {  	_ =	swait.ge [sflag:s23], $0x800  }
0x1fe: {  	[sflag:s23] =	ssyncset.done $0x0  }
0x1ff: {  	[sflag:s23] =	ssyncadd.s32 $0xFFFFF800  }
0x200: {  	_ =	swait.ge [sflag:s23], $0x800  }
0x201: {  	[sflag:s23] =	ssyncset.done $0x0  }
0x202: {  	[sflag:s23] =	ssyncadd.s32 $0xFFFFF800  }
0x203: {  	_ =	swait.ge [sflag:s23], $0x800  }
0x204: {  	[sflag:s23] =	ssyncset.done $0x0  }
0x205: {  	[sflag:s23] =	ssyncadd.s32 $0xFFFFF800  }
0x206: {  	_ =	swait.ge [sflag:s23], $0x800  }
0x207: {  	[sflag:s23] =	ssyncset.done $0x0  }
0x208: {  	[sflag:s23] =	ssyncadd.s32 $0xFFFFF800  }
0x209: {  	s0 =	simm.s32 $0x0;
	_ =	swait.ge [sflag:s23], $0xA00  }
0x20a: {  	v1 =	vmov s0;
	[sflag:s23] =	ssyncset.done $0x0  }
0x20b: {  	s2 =	simm.s32 @!p0 $0xC;
	v1 =	vshll.u32 v1, $0x4;
	[sflag:s23] =	ssyncadd.s32 $0xFFFFF600  }
0x20c: {  	v1 =	vor.u32 v0, v1;
	_ =	swait.ge @!p0 [sflag:s2], $0xA00  }
0x20d: {  	s8 =	sand.u32 $0x70, s0;
	s0 =	sand.u32 $0xE00, s0;
	v2 =	vor.u32 $0x5, v1;
	[sflag:s2] =	ssyncset.done @!p0 $0x0  }
0x20e: {  	v3 =	vor.u32 $0x3, v1;
	[sflag:s2] =	ssyncadd.s32 @!p0 $0xFFFFF600;
	s2 =	sor.u32 s8, s0  }
0x20f: {  	v11 =	vld [tilespmem:s2+$0xC880]  }
0x210: {  	v4 =	vor.u32 $0x4, v1;
	v8 =	vld [tilespmem:s2+$0xC900]  }
0x211: {  	v5 =	vor.u32 $0x7, v1;
	v15 =	vld [tilespmem:s2+$0xC800]  }
0x212: {  	s29 =	simm.s32 $0x10;
	s9 =	simm.s32 $0x20;
	v7 =	vor.u32 $0x6, v1;
	v19 =	vld.idx.msk [tilespmem:v2+s24+$0x0], $0xffff  }
0x213: {  	v23 =	vmov s9;
	v17 =	vor.u32 $0x1, v1;
	v2 =	vmov s29;
	v20 =	vld.idx.msk [tilespmem:v3+s24+$0x0], $0xffff  }
0x214: {  	v12 =	vor.u32 $0x2, v1;
	v28 =	vor.u32 $0x8, v1;
	v22 =	vld.idx.msk [tilespmem:v1+s24+$0x0], $0xffff;
	v2 =	vshll.u32 v2, $0x4  }
0x215: {  	v10 =	vor.u32 $0xB, v1;
	v9 =	vor.u32 $0x9, v1;
	v24 =	vld.idx.msk [tilespmem:v4+s24+$0x0], $0xffff;
	v2 =	vor.u32 v0, v2  }
0x216: {  	v14 =	vor.u32 $0xA, v1;
	v25 =	vld.idx.msk [tilespmem:v5+s24+$0x0], $0xffff;
	v1 =	vor.u32 $0x1, v2;
	v4 =	vor.u32 $0x3, v2  }
0x217: {  	s8 =	simm.s32 $0x40;
	v26 =	vld.idx.msk [tilespmem:v7+s24+$0x0], $0xffff;
	v3 =	vor.u32 $0x4, v2;
	v5 =	vor.u32 $0x6, v2;
	v6 =	vor.u32 $0x7, v2  }
0x218: {  	s0 =	sand.u32 $0x70, s29;
	s11 =	sand.u32 $0xE00, s8;
	v27 =	vld.idx.msk [tilespmem:v17+s24+$0x0], $0xffff;
	v16 =	vor.u32 $0x2, v2;
	v7 =	vor.u32 $0x8, v2;
	v13 =	vor.u32 $0x5, v2  }
0x219: {  	s10 =	simm.s32 $0x30;
	v28 =	vld.idx.msk [tilespmem:v28+s24+$0x0], $0xffff;
	s0 =	sor.u32 s0, s11;
	v18 =	vor.u32 $0xB, v2;
	v17 =	vor.u32 $0x9, v2;
	v21 =	vor.u32 $0xA, v2  }
.LBB2_22:
0x21a: {  	p0 =	sne.s32 s10, $0x270  }
0x21b: {  	v23 =	vshll.u32 v23, $0x4;
	s8 =	sadd.s32 $0x40, s8;
	v29 =	vld.idx.msk [tilespmem:v12+s24+$0x0], $0xffff;
	v22 =	vmul.f32 v15, v22;
	v19 =	vmul.f32 v8, v19;
	v12 =	vmovc v16;
	s11 =	smov.u32 s10;
	s10 =	sadd.s32 $0x10, s10  }
0x21c: {  	v16 =	vmul.f32 v15, v20;
	v20 =	vmul.f32 v11, v24;
	v23 =	vor.u32 v0, v23  }
0x21d: {  	v25 =	vmul.f32 v11, v25;
	v30 =	vor.u32 $0x1, v23;
	v24 =	vor.u32 $0x3, v23;
	v31 =	vld.idx.msk [tilespmem:v14+s24+$0x0], $0xffff;
	v14 =	vmovc v21  }
0x21e: {  	v21 =	vor.u32 $0x4, v23;
	v32 =	vor.u32 $0x6, v23;
	v15 =	vmul.f32 v15, v26;
	v33 =	vld.idx.msk [tilespmem:v10+s24+$0x0], $0xffff;
	v10 =	vmovc v18  }
0x21f: {  	v26 =	vor.u32 $0x7, v23;
	v16 =	vadd.f32 v20, v16;
	v11 =	vmul.f32 v11, v27;
	v18 =	vld.idx.msk [tilespmem:v9+s24+$0x0], $0xffff;
	v9 =	vmovc v17  }
0x220: {  	v15 =	vadd.f32 v25, v15;
	v17 =	vmul.f32 v8, v28  }
0x221: {  	v16 =	vadd.f32 v19, v16;
	v11 =	vadd.f32 v11, v22;
	v8 =	vmul.f32 v8, v29  }
0x222: {  	v15 =	vadd.f32 v17, v15  }
0x223: {  	v8 =	vadd.f32 v8, v11;
	v17 =	vadd.f32 v16, v31  }
0x224: {  	v16 =	vor.u32 $0x2, v23;
	v15 =	vadd.f32 v15, v33  }
0x225: {  	v29 =	vor.u32 $0x8, v23;
	v18 =	vadd.f32 v8, v18;
	v11 =	vld [tilespmem:s0+$0xC880];
	[tilespmem:s2+$0xF080] =	vst v17  }
0x226: {  	v8 =	vld [tilespmem:s0+$0xC900];
	[tilespmem:s2+$0xF100] =	vst v15  }
0x227: {  	v15 =	vld [tilespmem:s0+$0xC800];
	[tilespmem:s2+$0xF000] =	vst v18;
	s2 =	smov.u32 s0  }
0x228: {  	s19 =	sand.u32 $0xE00, s8;
	s0 =	sand.u32 $0x70, s9;
	s9 =	smov.u32 s11;
	v19 =	vld.idx.msk [tilespmem:v13+s24+$0x0], $0xffff  }
0x229: {  	s0 =	sor.u32 s0, s19;
	v20 =	vld.idx.msk [tilespmem:v4+s24+$0x0], $0xffff;
	v4 =	vmov v24  }
0x22a: {  	v13 =	vor.u32 $0x5, v23;
	v22 =	vld.idx.msk [tilespmem:v2+s24+$0x0], $0xffff;
	v2 =	vmov v23  }
.Ltmp16:
0x22b: {  	v24 =	vld.idx.msk [tilespmem:v3+s24+$0x0], $0xffff;
	v3 =	vmov v21;
	(pc) =	sbr.rel @p0 .LBB2_22-.Ltmp16, $4  }
0x22c: {  	v18 =	vor.u32 $0xB, v2;
	v25 =	vld.idx.msk [tilespmem:v6+s24+$0x0], $0xffff;
	v6 =	vmov v26  }
0x22d: {  	v26 =	vld.idx.msk [tilespmem:v5+s24+$0x0], $0xffff;
	v5 =	vmov v32  }
0x22e: {  	v17 =	vor.u32 $0x9, v2;
	v21 =	vor.u32 $0xA, v2;
	v27 =	vld.idx.msk [tilespmem:v1+s24+$0x0], $0xffff;
	v1 =	vmov v30  }
0x22f: {  	v23 =	vmov s9;
	v28 =	vld.idx.msk [tilespmem:v7+s24+$0x0], $0xffff;
	v7 =	vmov v29  }
0x230: {  	_ =	sdelay $0x3  }
0x231: {  	v12 =	vld.idx.msk [tilespmem:v12+s24+$0x0], $0xffff;
	v20 =	vmul.f32 v15, v20  }
0x232: {  	v24 =	vmul.f32 v11, v24;
	v19 =	vmul.f32 v8, v19  }
0x233: {  	v14 =	vld.idx.msk [tilespmem:v14+s24+$0x0], $0xffff;
	v25 =	vmul.f32 v11, v25;
	v26 =	vmul.f32 v15, v26  }
0x234: {  	v35 =	vmul.f32 v15, v22;
	v10 =	vld.idx.msk [tilespmem:v10+s24+$0x0], $0xffff;
	v20 =	vadd.f32 v24, v20;
	v36 =	vmul.f32 v11, v27  }
0x235: {  	v9 =	vld.idx.msk [tilespmem:v9+s24+$0x0], $0xffff;
	v37 =	vadd.f32 v25, v26;
	v38 =	vmul.f32 v8, v28  }
0x236: {  	v19 =	vadd.f32 v19, v20;
	v11 =	vadd.f32 v36, v35;
	v39 =	vmul.f32 v8, v12  }
0x237: {  	v40 =	vadd.f32 v38, v37  }
0x238: {  	v14 =	vadd.f32 v19, v14;
	v8 =	vadd.f32 v39, v11  }
0x239: {  	v10 =	vadd.f32 v40, v10  }
0x23a: {  	v41 =	vld [tilespmem:s0+$0xC880];
	[tilespmem:s2+$0xF080] =	vst v14;
	v8 =	vadd.f32 v8, v9  }
0x23b: {  	v42 =	vld [tilespmem:s0+$0xC900];
	[tilespmem:s2+$0xF100] =	vst v10  }
0x23c: {  	v43 =	vld [tilespmem:s0+$0xC800];
	[tilespmem:s2+$0xF000] =	vst v8  }
0x23d: {  	v8 =	vld.idx.msk [tilespmem:v13+s24+$0x0], $0xffff  }
0x23e: {  	v4 =	vld.idx.msk [tilespmem:v4+s24+$0x0], $0xffff  }
0x23f: {  	v2 =	vld.idx.msk [tilespmem:v2+s24+$0x0], $0xffff  }
0x240: {  	v3 =	vld.idx.msk [tilespmem:v3+s24+$0x0], $0xffff  }
0x241: {  	v6 =	vld.idx.msk [tilespmem:v6+s24+$0x0], $0xffff  }
0x242: {  	v5 =	vld.idx.msk [tilespmem:v5+s24+$0x0], $0xffff  }
0x243: {  	v1 =	vld.idx.msk [tilespmem:v1+s24+$0x0], $0xffff  }
0x244: {  	v7 =	vld.idx.msk [tilespmem:v7+s24+$0x0], $0xffff  }
0x245: {  	v10 =	vld.idx.msk [tilespmem:v16+s24+$0x0], $0xffff;
	v4 =	vmul.f32 v43, v4  }
0x246: {  	v3 =	vmul.f32 v41, v3;
	v8 =	vmul.f32 v42, v8  }
0x247: {  	v44 =	vld.idx.msk [tilespmem:v21+s24+$0x0], $0xffff;
	v6 =	vmul.f32 v41, v6;
	v5 =	vmul.f32 v43, v5  }
0x248: {  	v45 =	vld.idx.msk [tilespmem:v18+s24+$0x0], $0xffff;
	v2 =	vmul.f32 v43, v2;
	v1 =	vmul.f32 v41, v1;
	v3 =	vadd.f32 v3, v4  }
0x249: {  	v47 =	vshll.u32 v23, $0x4;
	v48 =	vld.idx.msk [tilespmem:v17+s24+$0x0], $0xffff;
	v46 =	vmul.f32 v42, v7;
	v5 =	vadd.f32 v6, v5  }
0x24a: {  	v1 =	vadd.f32 v1, v2;
	v2 =	vmul.f32 v42, v10;
	v3 =	vadd.f32 v8, v3  }
0x24b: {  	s22 =	sadd.s32 $0x40, s8;
	v49 =	vor.u32 v0, v47;
	v5 =	vadd.f32 v46, v5  }
0x24c: {  	s25 =	sand.u32 $0x70, s9;
	v51 =	vor.u32 $0x5, v49;
	s2 =	sand.u32 $0xE00, s22;
	v1 =	vadd.f32 v2, v1;
	v3 =	vadd.f32 v3, v44  }
0x24d: {  	s2 =	sor.u32 s25, s2;
	v2 =	vadd.f32 v5, v45  }
0x24e: {  	v54 =	vor.u32 $0x7, v49;
	v50 =	vld [tilespmem:s2+$0xC880];
	v1 =	vadd.f32 v1, v48;
	[tilespmem:s0+$0xF080] =	vst v3  }
0x24f: {  	v3 =	vor.u32 $0x3, v49;
	v52 =	vld [tilespmem:s2+$0xC900];
	[tilespmem:s0+$0xF100] =	vst v2  }
0x250: {  	v2 =	vor.u32 $0x4, v49;
	v53 =	vld [tilespmem:s2+$0xC800];
	[tilespmem:s0+$0xF000] =	vst v1  }
0x251: {  	v1 =	vor.u32 $0x6, v49;
	v9 =	vld.idx.msk [tilespmem:v51+s24+$0x0], $0xffff  }
0x252: {  	v55 =	vor.u32 $0x1, v49;
	v57 =	vld.idx.msk [tilespmem:v49+s24+$0x0], $0xffff  }
0x253: {  	v56 =	vor.u32 $0x8, v49;
	v8 =	vld.idx.msk [tilespmem:v54+s24+$0x0], $0xffff  }
0x254: {  	v58 =	vor.u32 $0x2, v49;
	v3 =	vld.idx.msk [tilespmem:v3+s24+$0x0], $0xffff  }
0x255: {  	v2 =	vld.idx.msk [tilespmem:v2+s24+$0x0], $0xffff  }
0x256: {  	v59 =	vor.u32 $0xA, v49;
	v1 =	vld.idx.msk [tilespmem:v1+s24+$0x0], $0xffff  }
0x257: {  	v60 =	vor.u32 $0xB, v49;
	v10 =	vld.idx.msk [tilespmem:v55+s24+$0x0], $0xffff  }
0x258: {  	v6 =	vor.u32 $0x9, v49;
	v11 =	vld.idx.msk [tilespmem:v56+s24+$0x0], $0xffff  }
0x259: {  	v13 =	vld.idx.msk [tilespmem:v58+s24+$0x0], $0xffff;
	v12 =	vmul.f32 v53, v57  }
0x25a: {  	v3 =	vmul.f32 v53, v3;
	v2 =	vmul.f32 v50, v2  }
0x25b: {  	v14 =	vld.idx.msk [tilespmem:v59+s24+$0x0], $0xffff;
	v8 =	vmul.f32 v50, v8;
	v1 =	vmul.f32 v53, v1  }
0x25c: {  	v62 =	vld.idx.msk [tilespmem:v60+s24+$0x0], $0xffff;
	v61 =	vmul.f32 v52, v9;
	v7 =	vmul.f32 v50, v10;
	v2 =	vadd.f32 v2, v3  }
0x25d: {  	v63 =	vmul.f32 v52, v11;
	v3 =	vld.idx.msk [tilespmem:v6+s24+$0x0], $0xffff;
	v1 =	vadd.f32 v8, v1  }
0x25e: {  	v4 =	vmul.f32 v52, v13;
	v7 =	vadd.f32 v7, v12;
	v2 =	vadd.f32 v61, v2  }
0x25f: {  	v1 =	vadd.f32 v63, v1  }
0x260: {  	v4 =	vadd.f32 v4, v7;
	v2 =	vadd.f32 v2, v14  }
.Ltmp17:
0x261: {  	v1 =	vadd.f32 v1, v62;
	(pc) =	sbr.rel .LBB2_24-.Ltmp17, $4  }
0x262: {  	s29 =	smul.u32 $0x140, s31;
	v3 =	vadd.f32 v4, v3;
	[tilespmem:s2+$0xF080] =	vst v2  }
0x263: {  	[tilespmem:s2+$0xF100] =	vst v1  }
0x264: {  	s31 =	simm.s32 $0xF000;
	s0 =	sadd.s32 s7, s29;
	[tilespmem:s2+$0xF000] =	vst v3  }
0x265: {  	[hbm4b:s0+s4] =	stream.linear.scatter [tilespmem:s31], [sflag:$0xC], $0xA00, $0x38;
	[tilespmem:$0xFA00] =	vst v63  }
.LBB2_26:
0x266: {  	_ =	sfence.sel $0x180000  }
0x267: {  	[bflag:$0x0] =	sbarrier.arrive $0xFFFF  }
0x268: {  	_ =	strace $0x90000047  }
0x269: {  	s0 =	stileid.u32;
	[bflag:$0x2] =	sbarrier.arrive $0xFFFF  }
0x26a: {  	p0 =	sne.s32 s0, $0x0;
	s0 =	rddreg [dreg:$0x3]  }
0x26b: {  	s0 =	sadd.s32 @!p0 $0x100000, s0  }
0x26c: {  	[sflag:s0] =	ssyncadd.tile.s32 @!p0 $0x1;
	_ =	shalt  }
.Lfunc_end2:
_tile_overlayer_lowered:
.L_overlay_start_2:
0x26d: {  	(tag) =	ssettag $0x2  }
0x26e: {  	s0 =	rddreg [dreg:$0x0];
	s2 =	stileid.u32  }
0x26f: {  	s1 =	rddreg [dreg:$0x1];
	p0 =	sne.s32 s2, $0x0  }
0x270: {  	s3 =	rddreg [dreg:$0x2];
	[bflag:$0x3] =	sbarrier.arrive $0xFFFF;
	s2 =	simm.s32 @!p0 $0x1C0D  }
0x271: {  	[timem:s3], [sflag:s2] =	dma.local @!p0 [hbm:s0], s1  }
0x272: {  	s0 =	simm.s32 @!p0 $0xD  }
0x273: {  	_ =	swait.ge @!p0 [sflag:s0], s1  }
0x274: {  	s1 =	ssub.s32 @!p0 $0x0, s1;
	[sflag:s0] =	ssyncset.done @!p0 $0x0  }
0x275: {  	[sflag:s0] =	ssyncadd.s32 @!p0 s1  }
0x276: {  	[bflag:$0x3] =	sbarrier.arrive $0xFFFF  }
0x277: {  	_ =	shalt  }

</sc_bundles>
